<compile_context>
chip_gen: v7x
topology: tpu7x:2x2x1
jax: 0.10.2.dev20260603
libtpu: 0.0.44.dev20260713+nightly
codegen_flags: <defaults>
</compile_context>

<pallas_src>
import functools

import jax
import jax.numpy as jnp
from jax import lax
from jax.experimental import pallas as pl
from jax.experimental.pallas import tpu as pltpu
from jax.experimental.pallas import tpu_sc as plsc

N_NODES = 10000
N_EDGES = 320000
D_NODE = 128
D_EDGE = 16
D_HID = 128

NC = 2
NS = 16
NW = NC * NS
E_PER_W = N_EDGES // NW
K = 80
CHUNKS = E_PER_W // K
E_BLK = 12800
N_PAD = 10240
ROWS_PER_TILE = N_PAD // NS


def _leaky(x):
    return jnp.maximum(x, 0.01 * x)




def _rne_pack(h):
    u = jax.lax.bitcast_convert_type(h, jnp.int32)
    r = jax.lax.shift_right_logical(u + 0x8000, 16)
    lo = r[:, : D_HID // 2]
    hi = r[:, D_HID // 2:] << 16
    return lo | hi


def _edge_proj_body(et_ref, w1_ref, b1_ref, w2_ref, b2_ref, o_ref):
    h = jax.lax.dot_general(et_ref[...], w1_ref[...],
                            dimension_numbers=(((0,), (0,)), ((), ())),
                            preferred_element_type=jnp.float32)
    h = _leaky(h + b1_ref[...])
    h = jnp.dot(h, w2_ref[...], preferred_element_type=jnp.float32)
    h = _leaky(h + b2_ref[...])
    half = h.shape[0] // 2
    o_ref[:, : D_HID // 2] = _rne_pack(h[:half])
    o_ref[:, D_HID // 2:] = _rne_pack(h[half:])


def _edge_proj(edges_t, w1, b1, w2, b2):
    BLK = E_BLK
    return pl.pallas_call(
        _edge_proj_body,
        grid=(N_EDGES // BLK,),
        in_specs=[
            pl.BlockSpec((D_EDGE, BLK), lambda i: (0, i)),
            pl.BlockSpec((D_EDGE, D_HID), lambda i: (0, 0)),
            pl.BlockSpec((1, D_HID), lambda i: (0, 0)),
            pl.BlockSpec((D_HID, D_HID), lambda i: (0, 0)),
            pl.BlockSpec((1, D_HID), lambda i: (0, 0)),
        ],
        out_specs=pl.BlockSpec((BLK // 2, D_HID), lambda i: (i, 0)),
        out_shape=jax.ShapeDtypeStruct((N_EDGES // 2, D_HID), jnp.int32),
    )(edges_t, w1, b1.reshape(1, D_HID), w2, b2.reshape(1, D_HID))


def _node_proj_body(n_ref, w_ref, o_ref):
    o_ref[...] = jnp.dot(n_ref[...], w_ref[...],
                         preferred_element_type=jnp.float32)


def _node_proj(nodes, w):
    BLK = 2000
    return pl.pallas_call(
        _node_proj_body,
        grid=(N_NODES // BLK,),
        in_specs=[
            pl.BlockSpec((BLK, D_NODE), lambda i: (i, 0)),
            pl.BlockSpec((D_NODE, D_HID), lambda i: (0, 0)),
        ],
        out_specs=pl.BlockSpec((BLK, D_HID), lambda i: (i, 0)),
        out_shape=jax.ShapeDtypeStruct((N_NODES, D_HID), jnp.float32),
    )(nodes, w)


def _combine_body(a_ref, b_ref, o_ref):
    o_ref[...] = a_ref[...] + b_ref[...]


def _combine(a, b):
    BLK = 2000
    return pl.pallas_call(
        _combine_body,
        grid=(N_NODES // BLK,),
        in_specs=[
            pl.BlockSpec((BLK, D_NODE), lambda i: (i, 0)),
            pl.BlockSpec((BLK, D_NODE), lambda i: (i, 0)),
        ],
        out_specs=pl.BlockSpec((BLK, D_NODE), lambda i: (i, 0)),
        out_shape=jax.ShapeDtypeStruct((N_NODES, D_NODE), jnp.float32),
    )(a, b)




@functools.partial(
    pl.kernel,
    out_type=(
        jax.ShapeDtypeStruct((N_PAD, D_NODE), jnp.float32),
        jax.ShapeDtypeStruct((N_PAD, D_NODE), jnp.float32),
    ),
    mesh=plsc.VectorSubcoreMesh(core_axis_name="c", subcore_axis_name="s"),
    scratch_types=[
        pltpu.VMEM((K,), jnp.int32),
        pltpu.VMEM((K,), jnp.int32),
        pltpu.VMEM((K,), jnp.int32),
        pltpu.VMEM((K,), jnp.int32),
        pltpu.VMEM((K,), jnp.int32),
        pltpu.VMEM((K,), jnp.int32),
        pltpu.VMEM((K,), jnp.int32),
        pltpu.VMEM((K,), jnp.int32),
        pltpu.VMEM((2, K, D_NODE), jnp.float32),
        pltpu.VMEM((2, K // 2, D_NODE), jnp.int32),
        pltpu.VMEM_SHARED((N_PAD, D_NODE), jnp.float32),
        pltpu.SemaphoreType.DMA,
        pltpu.SemaphoreType.DMA,
        pltpu.SemaphoreType.DMA,
        pltpu.SemaphoreType.DMA,
        pltpu.SemaphoreType.DMA,
        pltpu.SemaphoreType.DMA,
        pltpu.SemaphoreType.DMA,
        pltpu.SemaphoreType.DMA,
    ],
)
def _sc_gather_scatter(m_hbm, e_hbm, idx_hbm, seg_hbm, z_hbm,
                       out0_hbm, out1_hbm,
                       idx_r0, idx_r1, idx_r2, idx_r3,
                       seg_r0, seg_r1, seg_r2, seg_r3,
                       rows_v, e_v, acc,
                       gsem0, gsem1, esem0, esem1,
                       isem0, isem1, isem2, isem3):
    c = lax.axis_index("c")
    s = lax.axis_index("s")
    wid = s * NC + c
    gsems = (gsem0, gsem1)
    esems = (esem0, esem1)
    isems = (isem0, isem1, isem2, isem3)
    idx_r = (idx_r0, idx_r1, idx_r2, idx_r3)
    seg_r = (seg_r0, seg_r1, seg_r2, seg_r3)

    pltpu.sync_copy(z_hbm, acc.at[pl.ds(s * ROWS_PER_TILE, ROWS_PER_TILE)])

    KH = K // 2

    def _bases(ci):
        g0 = pl.multiple_of(wid * (E_PER_W // 2) + ci * KH, 8)
        k = g0 // (E_BLK // 2)
        r = g0 - k * (E_BLK // 2)
        lo = pl.multiple_of(k * E_BLK + r, 8)
        hi = pl.multiple_of(lo + E_BLK // 2, 8)
        return g0, lo, hi

    def _idx_src(ci):
        _, lo, hi = _bases(ci)
        return (idx_hbm.at[pl.ds(lo, KH)], idx_hbm.at[pl.ds(hi, KH)],
                seg_hbm.at[pl.ds(lo, KH)], seg_hbm.at[pl.ds(hi, KH)])

    def _e_src(ci):
        g0, _, _ = _bases(ci)
        return e_hbm.at[pl.ds(g0, KH)]

    def _issue_idx(ci, slot):
        il, ih, sl_, sh = _idx_src(ci)
        pltpu.async_copy(il, idx_r[slot].at[pl.ds(0, KH)], isems[slot])
        pltpu.async_copy(ih, idx_r[slot].at[pl.ds(KH, KH)], isems[slot])
        pltpu.async_copy(sl_, seg_r[slot].at[pl.ds(0, KH)], isems[slot])
        pltpu.async_copy(sh, seg_r[slot].at[pl.ds(KH, KH)], isems[slot])

    def _wait_idx(ci, slot):
        il, ih, sl_, sh = _idx_src(ci)
        pltpu.make_async_copy(il, idx_r[slot].at[pl.ds(0, KH)],
                              isems[slot]).wait()
        pltpu.make_async_copy(ih, idx_r[slot].at[pl.ds(KH, KH)],
                              isems[slot]).wait()
        pltpu.make_async_copy(sl_, seg_r[slot].at[pl.ds(0, KH)],
                              isems[slot]).wait()
        pltpu.make_async_copy(sh, seg_r[slot].at[pl.ds(KH, KH)],
                              isems[slot]).wait()

    def _issue_data(ci, slot, b):
        pltpu.async_copy(m_hbm.at[idx_r[slot]], rows_v.at[b], gsems[b])
        pltpu.async_copy(_e_src(ci), e_v.at[b], esems[b])

    def _wait_data(ci, slot, b):
        pltpu.make_async_copy(m_hbm.at[idx_r[slot]], rows_v.at[b],
                              gsems[b]).wait()
        pltpu.make_async_copy(_e_src(ci), e_v.at[b], esems[b]).wait()

    def _process(ci, slot, b):
        _wait_data(ci, slot, b)

        def row_body(r, carry2):
            for half in range(2):
                ro = half * (K // 2)
                co = half * (D_NODE // 2)
                for j in range(D_NODE // 32):
                    ew = e_v[b, r, pl.ds(co + j * 16, 16)]
                    e0 = jax.lax.bitcast_convert_type(ew << 16, jnp.float32)
                    e1 = jax.lax.bitcast_convert_type(
                        ew & jnp.int32(-65536), jnp.float32)
                    sl0 = pl.ds(j * 32, 16)
                    sl1 = pl.ds(j * 32 + 16, 16)
                    rows_v[b, ro + r, sl0] = rows_v[b, ro + r, sl0] * e0
                    rows_v[b, ro + r, sl1] = rows_v[b, ro + r, sl1] * e1
            return carry2

        lax.fori_loop(0, K // 2, row_body, 0)
        pltpu.sync_copy(rows_v.at[b], acc.at[seg_r[slot]], add=True)

    for ci in range(4):
        _issue_idx(ci, ci)
    for ci in range(2):
        _wait_idx(ci, ci)
        _issue_data(ci, ci, ci)
    plsc.subcore_barrier()

    @pl.loop(0, CHUNKS - 1, step=4)
    def _main(i):
        for b in range(4):
            ci = i + b
            _process(ci, b, b % 2)

            @pl.when(ci + 2 < CHUNKS)
            def _():
                _wait_idx(ci + 2, (b + 2) % 4)
                _issue_data(ci + 2, (b + 2) % 4, b % 2)

            @pl.when(ci + 4 < CHUNKS)
            def _():
                _issue_idx(ci + 4, b)

    _process(CHUNKS - 1, 0, 0)
    plsc.subcore_barrier()

    row0 = s * ROWS_PER_TILE
    acc_slice = acc.at[pl.ds(row0, ROWS_PER_TILE)]

    @pl.when(c == 0)
    def _():
        pltpu.sync_copy(acc_slice, out0_hbm.at[pl.ds(row0, ROWS_PER_TILE)])

    @pl.when(c == 1)
    def _():
        pltpu.sync_copy(acc_slice, out1_hbm.at[pl.ds(row0, ROWS_PER_TILE)])




def kernel(nodes, edges, segmentation_index, index, W_node, W_e1, b_e1, W_e2,
           b_e2):
    idx = index.astype(jnp.int32)
    seg = segmentation_index.astype(jnp.int32)
    p = jnp.arange(D_HID)
    q = p % 64
    half = p // 64
    perm = 32 * (q // 16) + 16 * half + (q % 16)
    e = _edge_proj(edges.T, W_e1, b_e1, W_e2[:, perm], b_e2[perm])
    m = _node_proj(nodes, W_node)
    z = jnp.zeros((ROWS_PER_TILE, D_NODE), jnp.float32)
    p0, p1 = _sc_gather_scatter(m, e, idx, seg, z)
    return _combine(p0, p1)

# --- scband reference (transcript-rebuilt; emitter-appended) ---
"""Pipeline reference for scband-message-passing-9740985827683 (READ-ONLY COPY).

The authoritative reference and input builder live on the scoring server;
editing this copy changes nothing except your own understanding.
"""

import jax, jax.numpy as jnp
import numpy as np

N_NODES = 10000
N_EDGES = 320000
D_NODE = 128
D_EDGE = 16
D_HID = 128


def _leaky(x):
    return jax.nn.leaky_relu(x, negative_slope=0.01)


def setup_inputs(seed: int = 0) -> dict:
    key = jax.random.key(seed)
    k1, k2, k3, k4, k5, k6, k7, k8, k9 = jax.random.split(key, 9)
    nodes = jax.random.normal(k1, (N_NODES, D_NODE), dtype=jnp.float32)
    edges = jax.random.normal(k2, (N_EDGES, D_EDGE), dtype=jnp.float32)
    segmentation_index = jnp.sort(jax.random.randint(k3, (N_EDGES,), 0, N_NODES, dtype=jnp.int64))
    index = jax.random.randint(k4, (N_EDGES,), 0, N_NODES, dtype=jnp.int64)
    # Learned parameters (Kaiming-uniform-ish init)
    W_node = jax.random.uniform(k5, (D_NODE, D_HID), dtype=jnp.float32, minval=-1.0, maxval=1.0) / np.sqrt(D_NODE)
    W_e1 = jax.random.uniform(k6, (D_EDGE, D_HID), dtype=jnp.float32, minval=-1.0, maxval=1.0) / np.sqrt(D_EDGE)
    b_e1 = jax.random.uniform(k7, (D_HID,), dtype=jnp.float32, minval=-1.0, maxval=1.0) / np.sqrt(D_EDGE)
    W_e2 = jax.random.uniform(k8, (D_HID, D_HID), dtype=jnp.float32, minval=-1.0, maxval=1.0) / np.sqrt(D_HID)
    b_e2 = jax.random.uniform(k9, (D_HID,), dtype=jnp.float32, minval=-1.0, maxval=1.0) / np.sqrt(D_HID)
    return {
        'nodes': nodes,
        'edges': edges,
        'segmentation_index': segmentation_index,
        'index': index,
        'W_node': W_node,
        'W_e1': W_e1,
        'b_e1': b_e1,
        'W_e2': W_e2,
        'b_e2': b_e2,
    }


def reference(nodes, edges, segmentation_index, index, W_node, W_e1, b_e1, W_e2, b_e2):
    # edge_projection: Linear -> LeakyReLU -> (Dropout p=0.0) -> Linear -> LeakyReLU -> (Dropout p=0.0)
    e = _leaky(edges @ W_e1 + b_e1)
    e = _leaky(e @ W_e2 + b_e2)
    # node_projection: Linear(bias=False) -> (Dropout p=0.0)
    messages = nodes @ W_node
    # message_composing: gather by dst index, elementwise multiply with edge features
    messages = jnp.take(messages, index, axis=0) * e
    # message_aggregation: scatter-add into zeros_like(nodes) at segmentation_index
    out = jnp.zeros_like(nodes).at[segmentation_index].add(messages)
    return out

if __name__ == "__main__":
    import jax
    _d = setup_inputs()
    print(jax.jit(kernel)(*tuple(_d.values())))

</pallas_src>

<mosaic_0001>
#map = affine_map<(d0, d1) -> (0, 0)>
#map1 = affine_map<(d0, d1) -> (0)>
module attributes {stable_mosaic.version = 14 : i64} {
  func.func @_sc_gather_scatter(%arg0: i32, %arg1: i32, %arg2: memref<10000x128xf32, #tpu.memory_space<hbm>>, %arg3: memref<160000x128xi32, #tpu.memory_space<hbm>>, %arg4: memref<320000xi32, #tpu.memory_space<hbm>>, %arg5: memref<320000xi32, #tpu.memory_space<hbm>>, %arg6: memref<640x128xf32, #tpu.memory_space<hbm>>, %arg7: memref<10240x128xf32, #tpu.memory_space<hbm>>, %arg8: memref<10240x128xf32, #tpu.memory_space<hbm>>, %arg9: memref<80xi32, #tpu.memory_space<vmem>>, %arg10: memref<80xi32, #tpu.memory_space<vmem>>, %arg11: memref<80xi32, #tpu.memory_space<vmem>>, %arg12: memref<80xi32, #tpu.memory_space<vmem>>, %arg13: memref<80xi32, #tpu.memory_space<vmem>>, %arg14: memref<80xi32, #tpu.memory_space<vmem>>, %arg15: memref<80xi32, #tpu.memory_space<vmem>>, %arg16: memref<80xi32, #tpu.memory_space<vmem>>, %arg17: memref<2x80x128xf32, #tpu.memory_space<vmem>>, %arg18: memref<2x40x128xi32, #tpu.memory_space<vmem>>, %arg19: memref<10240x128xf32, #tpu.memory_space<vmem_shared>>, %arg20: memref<!tpu.dma_semaphore, #tpu.memory_space<semaphore_mem>>, %arg21: memref<!tpu.dma_semaphore, #tpu.memory_space<semaphore_mem>>, %arg22: memref<!tpu.dma_semaphore, #tpu.memory_space<semaphore_mem>>, %arg23: memref<!tpu.dma_semaphore, #tpu.memory_space<semaphore_mem>>, %arg24: memref<!tpu.dma_semaphore, #tpu.memory_space<semaphore_mem>>, %arg25: memref<!tpu.dma_semaphore, #tpu.memory_space<semaphore_mem>>, %arg26: memref<!tpu.dma_semaphore, #tpu.memory_space<semaphore_mem>>, %arg27: memref<!tpu.dma_semaphore, #tpu.memory_space<semaphore_mem>>) attributes {dimension_semantics = [#tpu.dimension_semantics<core_parallel>, #tpu.dimension_semantics<subcore_parallel>], iteration_bounds = array<i64: 2, 16>, scalar_prefetch = 0 : i64, scratch_operands = 19 : i64, tpu.core_type = #tpu.core_type<sc_vector_subcore>, window_params = [{transform_indices = #map}, {transform_indices = #map}, {transform_indices = #map1}, {transform_indices = #map1}, {transform_indices = #map}, {transform_indices = #map}, {transform_indices = #map}]} {
    %mul3A = arith.constant 2 : i32
    %mul3A_0 = arith.muli %arg1, %mul3A : i32
    %add3A = arith.addi %mul3A_0, %arg0 : i32
    %mul3A_1 = arith.constant 640 : i32
    %mul3A_2 = arith.muli %arg1, %mul3A_1 : i32
    "tpu.region"() ({
      %run_scoped3A_570 = tpu.sem_alloc : memref<!tpu.dma_semaphore, #tpu.memory_space<semaphore_mem>>
      %dma_start3A_571 = arith.constant 0 : i32
      %dma_start3A_572 = tpu.memref_slice %arg19[%mul3A_2, %dma_start3A_571] : memref<10240x128xf32, #tpu.memory_space<vmem_shared>> -> memref<640x128xf32, #tpu.memory_space<vmem_shared>>
      tpu.enqueue_dma source(%arg6 : memref<640x128xf32, #tpu.memory_space<hbm>>) target(%dma_start3A_572 : memref<640x128xf32, #tpu.memory_space<vmem_shared>>) target_semaphore(%run_scoped3A_570 : memref<!tpu.dma_semaphore, #tpu.memory_space<semaphore_mem>>)
      %dma_wait3A_573 = arith.constant 0 : i32
      %dma_wait3A_574 = tpu.memref_slice %arg19[%mul3A_2, %dma_wait3A_573] : memref<10240x128xf32, #tpu.memory_space<vmem_shared>> -> memref<640x128xf32, #tpu.memory_space<vmem_shared>>
      tpu.wait_dma2 semaphore(%run_scoped3A_570 : memref<!tpu.dma_semaphore, #tpu.memory_space<semaphore_mem>>) src(%arg6 : memref<640x128xf32, #tpu.memory_space<hbm>>) dst(%dma_wait3A_574 : memref<640x128xf32, #tpu.memory_space<vmem_shared>>)
      tpu.yield
    }) : () -> ()
    %mul3A_3 = arith.constant 5000 : i32
    %mul3A_4 = arith.muli %add3A, %mul3A_3 : i32
    %add3A_5 = arith.constant 0 : i32
    %add3A_6 = arith.addi %mul3A_4, %add3A_5 : i32
    %multiple_of3A = tpu.assume_multiple %add3A_6, 8 : i32
    %jit3A = arith.constant 6400 : i32
    %div3A = arith.divsi %multiple_of3A, %jit3A : i32
    %sign3A = arith.constant 0 : i32
    %sign3A_7 = arith.cmpi sgt, %multiple_of3A, %sign3A : i32
    %sign3A_8 = arith.extui %sign3A_7 : i1 to i32
    %sign3A_9 = arith.constant 0 : i32
    %sign3A_10 = arith.cmpi slt, %multiple_of3A, %sign3A_9 : i32
    %sign3A_11 = arith.extui %sign3A_10 : i1 to i32
    %sign3A_12 = arith.subi %sign3A_8, %sign3A_11 : i32
    %sign3A_13 = arith.constant 0 : i32
    %sign3A_14 = arith.cmpi sgt, %jit3A, %sign3A_13 : i32
    %sign3A_15 = arith.extui %sign3A_14 : i1 to i32
    %sign3A_16 = arith.constant 0 : i32
    %sign3A_17 = arith.cmpi slt, %jit3A, %sign3A_16 : i32
    %sign3A_18 = arith.extui %sign3A_17 : i1 to i32
    %sign3A_19 = arith.subi %sign3A_15, %sign3A_18 : i32
    %ne3A = arith.cmpi ne, %sign3A_12, %sign3A_19 : i32
    %rem3A = arith.remsi %multiple_of3A, %jit3A : i32
    %ne3A_20 = arith.constant 0 : i32
    %ne3A_21 = arith.cmpi ne, %rem3A, %ne3A_20 : i32
    %and3A = arith.andi %ne3A, %ne3A_21 : i1
    %sub3A = arith.constant 1 : i32
    %sub3A_22 = arith.subi %div3A, %sub3A : i32
    %select_n3A = arith.select %and3A, %sub3A_22, %div3A : i32
    %mul3A_23 = arith.constant 6400 : i32
    %mul3A_24 = arith.muli %select_n3A, %mul3A_23 : i32
    %sub3A_25 = arith.subi %multiple_of3A, %mul3A_24 : i32
    %mul3A_26 = arith.constant 12800 : i32
    %mul3A_27 = arith.muli %select_n3A, %mul3A_26 : i32
    %add3A_28 = arith.addi %mul3A_27, %sub3A_25 : i32
    %multiple_of3A_29 = tpu.assume_multiple %add3A_28, 8 : i32
    %add3A_30 = arith.constant 6400 : i32
    %add3A_31 = arith.addi %multiple_of3A_29, %add3A_30 : i32
    %multiple_of3A_32 = tpu.assume_multiple %add3A_31, 8 : i32
    %dma_start3A = arith.constant 0 : i32
    %dma_start3A_33 = tpu.memref_slice %arg9[%dma_start3A] : memref<80xi32, #tpu.memory_space<vmem>> -> memref<40xi32, #tpu.memory_space<vmem>>
    %dma_start3A_34 = tpu.memref_slice %arg4[%multiple_of3A_29] : memref<320000xi32, #tpu.memory_space<hbm>> -> memref<40xi32, #tpu.memory_space<hbm>>
    %dma_start3A_35 = arith.constant 0 : i32
    %dma_start3A_36 = tpu.memref_slice %arg9[%dma_start3A_35] : memref<80xi32, #tpu.memory_space<vmem>> -> memref<40xi32, #tpu.memory_space<vmem>>
    %dma_start3A_37 = tpu.memref_slice %arg4[%multiple_of3A_29] : memref<320000xi32, #tpu.memory_space<hbm>> -> memref<40xi32, #tpu.memory_space<hbm>>
    tpu.enqueue_dma source(%dma_start3A_37 : memref<40xi32, #tpu.memory_space<hbm>>) target(%dma_start3A_36 : memref<40xi32, #tpu.memory_space<vmem>>) target_semaphore(%arg24 : memref<!tpu.dma_semaphore, #tpu.memory_space<semaphore_mem>>)
    %dma_start3A_38 = arith.constant 40 : i32
    %dma_start3A_39 = tpu.memref_slice %arg9[%dma_start3A_38] : memref<80xi32, #tpu.memory_space<vmem>> -> memref<40xi32, #tpu.memory_space<vmem>>
    %dma_start3A_40 = tpu.memref_slice %arg4[%multiple_of3A_32] : memref<320000xi32, #tpu.memory_space<hbm>> -> memref<40xi32, #tpu.memory_space<hbm>>
    %dma_start3A_41 = arith.constant 40 : i32
    %dma_start3A_42 = tpu.memref_slice %arg9[%dma_start3A_41] : memref<80xi32, #tpu.memory_space<vmem>> -> memref<40xi32, #tpu.memory_space<vmem>>
    %dma_start3A_43 = tpu.memref_slice %arg4[%multiple_of3A_32] : memref<320000xi32, #tpu.memory_space<hbm>> -> memref<40xi32, #tpu.memory_space<hbm>>
    tpu.enqueue_dma source(%dma_start3A_43 : memref<40xi32, #tpu.memory_space<hbm>>) target(%dma_start3A_42 : memref<40xi32, #tpu.memory_space<vmem>>) target_semaphore(%arg24 : memref<!tpu.dma_semaphore, #tpu.memory_space<semaphore_mem>>)
    %dma_start3A_44 = arith.constant 0 : i32
    %dma_start3A_45 = tpu.memref_slice %arg13[%dma_start3A_44] : memref<80xi32, #tpu.memory_space<vmem>> -> memref<40xi32, #tpu.memory_space<vmem>>
    %dma_start3A_46 = tpu.memref_slice %arg5[%multiple_of3A_29] : memref<320000xi32, #tpu.memory_space<hbm>> -> memref<40xi32, #tpu.memory_space<hbm>>
    %dma_start3A_47 = arith.constant 0 : i32
    %dma_start3A_48 = tpu.memref_slice %arg13[%dma_start3A_47] : memref<80xi32, #tpu.memory_space<vmem>> -> memref<40xi32, #tpu.memory_space<vmem>>
    %dma_start3A_49 = tpu.memref_slice %arg5[%multiple_of3A_29] : memref<320000xi32, #tpu.memory_space<hbm>> -> memref<40xi32, #tpu.memory_space<hbm>>
    tpu.enqueue_dma source(%dma_start3A_49 : memref<40xi32, #tpu.memory_space<hbm>>) target(%dma_start3A_48 : memref<40xi32, #tpu.memory_space<vmem>>) target_semaphore(%arg24 : memref<!tpu.dma_semaphore, #tpu.memory_space<semaphore_mem>>)
    %dma_start3A_50 = arith.constant 40 : i32
    %dma_start3A_51 = tpu.memref_slice %arg13[%dma_start3A_50] : memref<80xi32, #tpu.memory_space<vmem>> -> memref<40xi32, #tpu.memory_space<vmem>>
    %dma_start3A_52 = tpu.memref_slice %arg5[%multiple_of3A_32] : memref<320000xi32, #tpu.memory_space<hbm>> -> memref<40xi32, #tpu.memory_space<hbm>>
    %dma_start3A_53 = arith.constant 40 : i32
    %dma_start3A_54 = tpu.memref_slice %arg13[%dma_start3A_53] : memref<80xi32, #tpu.memory_space<vmem>> -> memref<40xi32, #tpu.memory_space<vmem>>
    %dma_start3A_55 = tpu.memref_slice %arg5[%multiple_of3A_32] : memref<320000xi32, #tpu.memory_space<hbm>> -> memref<40xi32, #tpu.memory_space<hbm>>
    tpu.enqueue_dma source(%dma_start3A_55 : memref<40xi32, #tpu.memory_space<hbm>>) target(%dma_start3A_54 : memref<40xi32, #tpu.memory_space<vmem>>) target_semaphore(%arg24 : memref<!tpu.dma_semaphore, #tpu.memory_space<semaphore_mem>>)
    %mul3A_56 = arith.constant 5000 : i32
    %mul3A_57 = arith.muli %add3A, %mul3A_56 : i32
    %add3A_58 = arith.constant 40 : i32
    %add3A_59 = arith.addi %mul3A_57, %add3A_58 : i32
    %multiple_of3A_60 = tpu.assume_multiple %add3A_59, 8 : i32
    %jit3A_61 = arith.constant 6400 : i32
    %div3A_62 = arith.divsi %multiple_of3A_60, %jit3A_61 : i32
    %sign3A_63 = arith.constant 0 : i32
    %sign3A_64 = arith.cmpi sgt, %multiple_of3A_60, %sign3A_63 : i32
    %sign3A_65 = arith.extui %sign3A_64 : i1 to i32
    %sign3A_66 = arith.constant 0 : i32
    %sign3A_67 = arith.cmpi slt, %multiple_of3A_60, %sign3A_66 : i32
    %sign3A_68 = arith.extui %sign3A_67 : i1 to i32
    %sign3A_69 = arith.subi %sign3A_65, %sign3A_68 : i32
    %sign3A_70 = arith.constant 0 : i32
    %sign3A_71 = arith.cmpi sgt, %jit3A_61, %sign3A_70 : i32
    %sign3A_72 = arith.extui %sign3A_71 : i1 to i32
    %sign3A_73 = arith.constant 0 : i32
    %sign3A_74 = arith.cmpi slt, %jit3A_61, %sign3A_73 : i32
    %sign3A_75 = arith.extui %sign3A_74 : i1 to i32
    %sign3A_76 = arith.subi %sign3A_72, %sign3A_75 : i32
    %ne3A_77 = arith.cmpi ne, %sign3A_69, %sign3A_76 : i32
    %rem3A_78 = arith.remsi %multiple_of3A_60, %jit3A_61 : i32
    %ne3A_79 = arith.constant 0 : i32
    %ne3A_80 = arith.cmpi ne, %rem3A_78, %ne3A_79 : i32
    %and3A_81 = arith.andi %ne3A_77, %ne3A_80 : i1
    %sub3A_82 = arith.constant 1 : i32
    %sub3A_83 = arith.subi %div3A_62, %sub3A_82 : i32
    %select_n3A_84 = arith.select %and3A_81, %sub3A_83, %div3A_62 : i32
    %mul3A_85 = arith.constant 6400 : i32
    %mul3A_86 = arith.muli %select_n3A_84, %mul3A_85 : i32
    %sub3A_87 = arith.subi %multiple_of3A_60, %mul3A_86 : i32
    %mul3A_88 = arith.constant 12800 : i32
    %mul3A_89 = arith.muli %select_n3A_84, %mul3A_88 : i32
    %add3A_90 = arith.addi %mul3A_89, %sub3A_87 : i32
    %multiple_of3A_91 = tpu.assume_multiple %add3A_90, 8 : i32
    %add3A_92 = arith.constant 6400 : i32
    %add3A_93 = arith.addi %multiple_of3A_91, %add3A_92 : i32
    %multiple_of3A_94 = tpu.assume_multiple %add3A_93, 8 : i32
    %dma_start3A_95 = arith.constant 0 : i32
    %dma_start3A_96 = tpu.memref_slice %arg10[%dma_start3A_95] : memref<80xi32, #tpu.memory_space<vmem>> -> memref<40xi32, #tpu.memory_space<vmem>>
    %dma_start3A_97 = tpu.memref_slice %arg4[%multiple_of3A_91] : memref<320000xi32, #tpu.memory_space<hbm>> -> memref<40xi32, #tpu.memory_space<hbm>>
    %dma_start3A_98 = arith.constant 0 : i32
    %dma_start3A_99 = tpu.memref_slice %arg10[%dma_start3A_98] : memref<80xi32, #tpu.memory_space<vmem>> -> memref<40xi32, #tpu.memory_space<vmem>>
    %dma_start3A_100 = tpu.memref_slice %arg4[%multiple_of3A_91] : memref<320000xi32, #tpu.memory_space<hbm>> -> memref<40xi32, #tpu.memory_space<hbm>>
    tpu.enqueue_dma source(%dma_start3A_100 : memref<40xi32, #tpu.memory_space<hbm>>) target(%dma_start3A_99 : memref<40xi32, #tpu.memory_space<vmem>>) target_semaphore(%arg25 : memref<!tpu.dma_semaphore, #tpu.memory_space<semaphore_mem>>)
    %dma_start3A_101 = arith.constant 40 : i32
    %dma_start3A_102 = tpu.memref_slice %arg10[%dma_start3A_101] : memref<80xi32, #tpu.memory_space<vmem>> -> memref<40xi32, #tpu.memory_space<vmem>>
    %dma_start3A_103 = tpu.memref_slice %arg4[%multiple_of3A_94] : memref<320000xi32, #tpu.memory_space<hbm>> -> memref<40xi32, #tpu.memory_space<hbm>>
    %dma_start3A_104 = arith.constant 40 : i32
    %dma_start3A_105 = tpu.memref_slice %arg10[%dma_start3A_104] : memref<80xi32, #tpu.memory_space<vmem>> -> memref<40xi32, #tpu.memory_space<vmem>>
    %dma_start3A_106 = tpu.memref_slice %arg4[%multiple_of3A_94] : memref<320000xi32, #tpu.memory_space<hbm>> -> memref<40xi32, #tpu.memory_space<hbm>>
    tpu.enqueue_dma source(%dma_start3A_106 : memref<40xi32, #tpu.memory_space<hbm>>) target(%dma_start3A_105 : memref<40xi32, #tpu.memory_space<vmem>>) target_semaphore(%arg25 : memref<!tpu.dma_semaphore, #tpu.memory_space<semaphore_mem>>)
    %dma_start3A_107 = arith.constant 0 : i32
    %dma_start3A_108 = tpu.memref_slice %arg14[%dma_start3A_107] : memref<80xi32, #tpu.memory_space<vmem>> -> memref<40xi32, #tpu.memory_space<vmem>>
    %dma_start3A_109 = tpu.memref_slice %arg5[%multiple_of3A_91] : memref<320000xi32, #tpu.memory_space<hbm>> -> memref<40xi32, #tpu.memory_space<hbm>>
    %dma_start3A_110 = arith.constant 0 : i32
    %dma_start3A_111 = tpu.memref_slice %arg14[%dma_start3A_110] : memref<80xi32, #tpu.memory_space<vmem>> -> memref<40xi32, #tpu.memory_space<vmem>>
    %dma_start3A_112 = tpu.memref_slice %arg5[%multiple_of3A_91] : memref<320000xi32, #tpu.memory_space<hbm>> -> memref<40xi32, #tpu.memory_space<hbm>>
    tpu.enqueue_dma source(%dma_start3A_112 : memref<40xi32, #tpu.memory_space<hbm>>) target(%dma_start3A_111 : memref<40xi32, #tpu.memory_space<vmem>>) target_semaphore(%arg25 : memref<!tpu.dma_semaphore, #tpu.memory_space<semaphore_mem>>)
    %dma_start3A_113 = arith.constant 40 : i32
    %dma_start3A_114 = tpu.memref_slice %arg14[%dma_start3A_113] : memref<80xi32, #tpu.memory_space<vmem>> -> memref<40xi32, #tpu.memory_space<vmem>>
    %dma_start3A_115 = tpu.memref_slice %arg5[%multiple_of3A_94] : memref<320000xi32, #tpu.memory_space<hbm>> -> memref<40xi32, #tpu.memory_space<hbm>>
    %dma_start3A_116 = arith.constant 40 : i32
    %dma_start3A_117 = tpu.memref_slice %arg14[%dma_start3A_116] : memref<80xi32, #tpu.memory_space<vmem>> -> memref<40xi32, #tpu.memory_space<vmem>>
    %dma_start3A_118 = tpu.memref_slice %arg5[%multiple_of3A_94] : memref<320000xi32, #tpu.memory_space<hbm>> -> memref<40xi32, #tpu.memory_space<hbm>>
    tpu.enqueue_dma source(%dma_start3A_118 : memref<40xi32, #tpu.memory_space<hbm>>) target(%dma_start3A_117 : memref<40xi32, #tpu.memory_space<vmem>>) target_semaphore(%arg25 : memref<!tpu.dma_semaphore, #tpu.memory_space<semaphore_mem>>)
    %mul3A_119 = arith.constant 5000 : i32
    %mul3A_120 = arith.muli %add3A, %mul3A_119 : i32
    %add3A_121 = arith.constant 80 : i32
    %add3A_122 = arith.addi %mul3A_120, %add3A_121 : i32
    %multiple_of3A_123 = tpu.assume_multiple %add3A_122, 8 : i32
    %jit3A_124 = arith.constant 6400 : i32
    %div3A_125 = arith.divsi %multiple_of3A_123, %jit3A_124 : i32
    %sign3A_126 = arith.constant 0 : i32
    %sign3A_127 = arith.cmpi sgt, %multiple_of3A_123, %sign3A_126 : i32
    %sign3A_128 = arith.extui %sign3A_127 : i1 to i32
    %sign3A_129 = arith.constant 0 : i32
    %sign3A_130 = arith.cmpi slt, %multiple_of3A_123, %sign3A_129 : i32
    %sign3A_131 = arith.extui %sign3A_130 : i1 to i32
    %sign3A_132 = arith.subi %sign3A_128, %sign3A_131 : i32
    %sign3A_133 = arith.constant 0 : i32
    %sign3A_134 = arith.cmpi sgt, %jit3A_124, %sign3A_133 : i32
    %sign3A_135 = arith.extui %sign3A_134 : i1 to i32
    %sign3A_136 = arith.constant 0 : i32
    %sign3A_137 = arith.cmpi slt, %jit3A_124, %sign3A_136 : i32
    %sign3A_138 = arith.extui %sign3A_137 : i1 to i32
    %sign3A_139 = arith.subi %sign3A_135, %sign3A_138 : i32
    %ne3A_140 = arith.cmpi ne, %sign3A_132, %sign3A_139 : i32
    %rem3A_141 = arith.remsi %multiple_of3A_123, %jit3A_124 : i32
    %ne3A_142 = arith.constant 0 : i32
    %ne3A_143 = arith.cmpi ne, %rem3A_141, %ne3A_142 : i32
    %and3A_144 = arith.andi %ne3A_140, %ne3A_143 : i1
    %sub3A_145 = arith.constant 1 : i32
    %sub3A_146 = arith.subi %div3A_125, %sub3A_145 : i32
    %select_n3A_147 = arith.select %and3A_144, %sub3A_146, %div3A_125 : i32
    %mul3A_148 = arith.constant 6400 : i32
    %mul3A_149 = arith.muli %select_n3A_147, %mul3A_148 : i32
    %sub3A_150 = arith.subi %multiple_of3A_123, %mul3A_149 : i32
    %mul3A_151 = arith.constant 12800 : i32
    %mul3A_152 = arith.muli %select_n3A_147, %mul3A_151 : i32
    %add3A_153 = arith.addi %mul3A_152, %sub3A_150 : i32
    %multiple_of3A_154 = tpu.assume_multiple %add3A_153, 8 : i32
    %add3A_155 = arith.constant 6400 : i32
    %add3A_156 = arith.addi %multiple_of3A_154, %add3A_155 : i32
    %multiple_of3A_157 = tpu.assume_multiple %add3A_156, 8 : i32
    %dma_start3A_158 = arith.constant 0 : i32
    %dma_start3A_159 = tpu.memref_slice %arg11[%dma_start3A_158] : memref<80xi32, #tpu.memory_space<vmem>> -> memref<40xi32, #tpu.memory_space<vmem>>
    %dma_start3A_160 = tpu.memref_slice %arg4[%multiple_of3A_154] : memref<320000xi32, #tpu.memory_space<hbm>> -> memref<40xi32, #tpu.memory_space<hbm>>
    %dma_start3A_161 = arith.constant 0 : i32
    %dma_start3A_162 = tpu.memref_slice %arg11[%dma_start3A_161] : memref<80xi32, #tpu.memory_space<vmem>> -> memref<40xi32, #tpu.memory_space<vmem>>
    %dma_start3A_163 = tpu.memref_slice %arg4[%multiple_of3A_154] : memref<320000xi32, #tpu.memory_space<hbm>> -> memref<40xi32, #tpu.memory_space<hbm>>
    tpu.enqueue_dma source(%dma_start3A_163 : memref<40xi32, #tpu.memory_space<hbm>>) target(%dma_start3A_162 : memref<40xi32, #tpu.memory_space<vmem>>) target_semaphore(%arg26 : memref<!tpu.dma_semaphore, #tpu.memory_space<semaphore_mem>>)
    %dma_start3A_164 = arith.constant 40 : i32
    %dma_start3A_165 = tpu.memref_slice %arg11[%dma_start3A_164] : memref<80xi32, #tpu.memory_space<vmem>> -> memref<40xi32, #tpu.memory_space<vmem>>
    %dma_start3A_166 = tpu.memref_slice %arg4[%multiple_of3A_157] : memref<320000xi32, #tpu.memory_space<hbm>> -> memref<40xi32, #tpu.memory_space<hbm>>
    %dma_start3A_167 = arith.constant 40 : i32
    %dma_start3A_168 = tpu.memref_slice %arg11[%dma_start3A_167] : memref<80xi32, #tpu.memory_space<vmem>> -> memref<40xi32, #tpu.memory_space<vmem>>
    %dma_start3A_169 = tpu.memref_slice %arg4[%multiple_of3A_157] : memref<320000xi32, #tpu.memory_space<hbm>> -> memref<40xi32, #tpu.memory_space<hbm>>
    tpu.enqueue_dma source(%dma_start3A_169 : memref<40xi32, #tpu.memory_space<hbm>>) target(%dma_start3A_168 : memref<40xi32, #tpu.memory_space<vmem>>) target_semaphore(%arg26 : memref<!tpu.dma_semaphore, #tpu.memory_space<semaphore_mem>>)
    %dma_start3A_170 = arith.constant 0 : i32
    %dma_start3A_171 = tpu.memref_slice %arg15[%dma_start3A_170] : memref<80xi32, #tpu.memory_space<vmem>> -> memref<40xi32, #tpu.memory_space<vmem>>
    %dma_start3A_172 = tpu.memref_slice %arg5[%multiple_of3A_154] : memref<320000xi32, #tpu.memory_space<hbm>> -> memref<40xi32, #tpu.memory_space<hbm>>
    %dma_start3A_173 = arith.constant 0 : i32
    %dma_start3A_174 = tpu.memref_slice %arg15[%dma_start3A_173] : memref<80xi32, #tpu.memory_space<vmem>> -> memref<40xi32, #tpu.memory_space<vmem>>
    %dma_start3A_175 = tpu.memref_slice %arg5[%multiple_of3A_154] : memref<320000xi32, #tpu.memory_space<hbm>> -> memref<40xi32, #tpu.memory_space<hbm>>
    tpu.enqueue_dma source(%dma_start3A_175 : memref<40xi32, #tpu.memory_space<hbm>>) target(%dma_start3A_174 : memref<40xi32, #tpu.memory_space<vmem>>) target_semaphore(%arg26 : memref<!tpu.dma_semaphore, #tpu.memory_space<semaphore_mem>>)
    %dma_start3A_176 = arith.constant 40 : i32
    %dma_start3A_177 = tpu.memref_slice %arg15[%dma_start3A_176] : memref<80xi32, #tpu.memory_space<vmem>> -> memref<40xi32, #tpu.memory_space<vmem>>
    %dma_start3A_178 = tpu.memref_slice %arg5[%multiple_of3A_157] : memref<320000xi32, #tpu.memory_space<hbm>> -> memref<40xi32, #tpu.memory_space<hbm>>
    %dma_start3A_179 = arith.constant 40 : i32
    %dma_start3A_180 = tpu.memref_slice %arg15[%dma_start3A_179] : memref<80xi32, #tpu.memory_space<vmem>> -> memref<40xi32, #tpu.memory_space<vmem>>
    %dma_start3A_181 = tpu.memref_slice %arg5[%multiple_of3A_157] : memref<320000xi32, #tpu.memory_space<hbm>> -> memref<40xi32, #tpu.memory_space<hbm>>
    tpu.enqueue_dma source(%dma_start3A_181 : memref<40xi32, #tpu.memory_space<hbm>>) target(%dma_start3A_180 : memref<40xi32, #tpu.memory_space<vmem>>) target_semaphore(%arg26 : memref<!tpu.dma_semaphore, #tpu.memory_space<semaphore_mem>>)
    %mul3A_182 = arith.constant 5000 : i32
    %mul3A_183 = arith.muli %add3A, %mul3A_182 : i32
    %add3A_184 = arith.constant 120 : i32
    %add3A_185 = arith.addi %mul3A_183, %add3A_184 : i32
    %multiple_of3A_186 = tpu.assume_multiple %add3A_185, 8 : i32
    %jit3A_187 = arith.constant 6400 : i32
    %div3A_188 = arith.divsi %multiple_of3A_186, %jit3A_187 : i32
    %sign3A_189 = arith.constant 0 : i32
    %sign3A_190 = arith.cmpi sgt, %multiple_of3A_186, %sign3A_189 : i32
    %sign3A_191 = arith.extui %sign3A_190 : i1 to i32
    %sign3A_192 = arith.constant 0 : i32
    %sign3A_193 = arith.cmpi slt, %multiple_of3A_186, %sign3A_192 : i32
    %sign3A_194 = arith.extui %sign3A_193 : i1 to i32
    %sign3A_195 = arith.subi %sign3A_191, %sign3A_194 : i32
    %sign3A_196 = arith.constant 0 : i32
    %sign3A_197 = arith.cmpi sgt, %jit3A_187, %sign3A_196 : i32
    %sign3A_198 = arith.extui %sign3A_197 : i1 to i32
    %sign3A_199 = arith.constant 0 : i32
    %sign3A_200 = arith.cmpi slt, %jit3A_187, %sign3A_199 : i32
    %sign3A_201 = arith.extui %sign3A_200 : i1 to i32
    %sign3A_202 = arith.subi %sign3A_198, %sign3A_201 : i32
    %ne3A_203 = arith.cmpi ne, %sign3A_195, %sign3A_202 : i32
    %rem3A_204 = arith.remsi %multiple_of3A_186, %jit3A_187 : i32
    %ne3A_205 = arith.constant 0 : i32
    %ne3A_206 = arith.cmpi ne, %rem3A_204, %ne3A_205 : i32
    %and3A_207 = arith.andi %ne3A_203, %ne3A_206 : i1
    %sub3A_208 = arith.constant 1 : i32
    %sub3A_209 = arith.subi %div3A_188, %sub3A_208 : i32
    %select_n3A_210 = arith.select %and3A_207, %sub3A_209, %div3A_188 : i32
    %mul3A_211 = arith.constant 6400 : i32
    %mul3A_212 = arith.muli %select_n3A_210, %mul3A_211 : i32
    %sub3A_213 = arith.subi %multiple_of3A_186, %mul3A_212 : i32
    %mul3A_214 = arith.constant 12800 : i32
    %mul3A_215 = arith.muli %select_n3A_210, %mul3A_214 : i32
    %add3A_216 = arith.addi %mul3A_215, %sub3A_213 : i32
    %multiple_of3A_217 = tpu.assume_multiple %add3A_216, 8 : i32
    %add3A_218 = arith.constant 6400 : i32
    %add3A_219 = arith.addi %multiple_of3A_217, %add3A_218 : i32
    %multiple_of3A_220 = tpu.assume_multiple %add3A_219, 8 : i32
    %dma_start3A_221 = arith.constant 0 : i32
    %dma_start3A_222 = tpu.memref_slice %arg12[%dma_start3A_221] : memref<80xi32, #tpu.memory_space<vmem>> -> memref<40xi32, #tpu.memory_space<vmem>>
    %dma_start3A_223 = tpu.memref_slice %arg4[%multiple_of3A_217] : memref<320000xi32, #tpu.memory_space<hbm>> -> memref<40xi32, #tpu.memory_space<hbm>>
    %dma_start3A_224 = arith.constant 0 : i32
    %dma_start3A_225 = tpu.memref_slice %arg12[%dma_start3A_224] : memref<80xi32, #tpu.memory_space<vmem>> -> memref<40xi32, #tpu.memory_space<vmem>>
    %dma_start3A_226 = tpu.memref_slice %arg4[%multiple_of3A_217] : memref<320000xi32, #tpu.memory_space<hbm>> -> memref<40xi32, #tpu.memory_space<hbm>>
    tpu.enqueue_dma source(%dma_start3A_226 : memref<40xi32, #tpu.memory_space<hbm>>) target(%dma_start3A_225 : memref<40xi32, #tpu.memory_space<vmem>>) target_semaphore(%arg27 : memref<!tpu.dma_semaphore, #tpu.memory_space<semaphore_mem>>)
    %dma_start3A_227 = arith.constant 40 : i32
    %dma_start3A_228 = tpu.memref_slice %arg12[%dma_start3A_227] : memref<80xi32, #tpu.memory_space<vmem>> -> memref<40xi32, #tpu.memory_space<vmem>>
    %dma_start3A_229 = tpu.memref_slice %arg4[%multiple_of3A_220] : memref<320000xi32, #tpu.memory_space<hbm>> -> memref<40xi32, #tpu.memory_space<hbm>>
    %dma_start3A_230 = arith.constant 40 : i32
    %dma_start3A_231 = tpu.memref_slice %arg12[%dma_start3A_230] : memref<80xi32, #tpu.memory_space<vmem>> -> memref<40xi32, #tpu.memory_space<vmem>>
    %dma_start3A_232 = tpu.memref_slice %arg4[%multiple_of3A_220] : memref<320000xi32, #tpu.memory_space<hbm>> -> memref<40xi32, #tpu.memory_space<hbm>>
    tpu.enqueue_dma source(%dma_start3A_232 : memref<40xi32, #tpu.memory_space<hbm>>) target(%dma_start3A_231 : memref<40xi32, #tpu.memory_space<vmem>>) target_semaphore(%arg27 : memref<!tpu.dma_semaphore, #tpu.memory_space<semaphore_mem>>)
    %dma_start3A_233 = arith.constant 0 : i32
    %dma_start3A_234 = tpu.memref_slice %arg16[%dma_start3A_233] : memref<80xi32, #tpu.memory_space<vmem>> -> memref<40xi32, #tpu.memory_space<vmem>>
    %dma_start3A_235 = tpu.memref_slice %arg5[%multiple_of3A_217] : memref<320000xi32, #tpu.memory_space<hbm>> -> memref<40xi32, #tpu.memory_space<hbm>>
    %dma_start3A_236 = arith.constant 0 : i32
    %dma_start3A_237 = tpu.memref_slice %arg16[%dma_start3A_236] : memref<80xi32, #tpu.memory_space<vmem>> -> memref<40xi32, #tpu.memory_space<vmem>>
    %dma_start3A_238 = tpu.memref_slice %arg5[%multiple_of3A_217] : memref<320000xi32, #tpu.memory_space<hbm>> -> memref<40xi32, #tpu.memory_space<hbm>>
    tpu.enqueue_dma source(%dma_start3A_238 : memref<40xi32, #tpu.memory_space<hbm>>) target(%dma_start3A_237 : memref<40xi32, #tpu.memory_space<vmem>>) target_semaphore(%arg27 : memref<!tpu.dma_semaphore, #tpu.memory_space<semaphore_mem>>)
    %dma_start3A_239 = arith.constant 40 : i32
    %dma_start3A_240 = tpu.memref_slice %arg16[%dma_start3A_239] : memref<80xi32, #tpu.memory_space<vmem>> -> memref<40xi32, #tpu.memory_space<vmem>>
    %dma_start3A_241 = tpu.memref_slice %arg5[%multiple_of3A_220] : memref<320000xi32, #tpu.memory_space<hbm>> -> memref<40xi32, #tpu.memory_space<hbm>>
    %dma_start3A_242 = arith.constant 40 : i32
    %dma_start3A_243 = tpu.memref_slice %arg16[%dma_start3A_242] : memref<80xi32, #tpu.memory_space<vmem>> -> memref<40xi32, #tpu.memory_space<vmem>>
    %dma_start3A_244 = tpu.memref_slice %arg5[%multiple_of3A_220] : memref<320000xi32, #tpu.memory_space<hbm>> -> memref<40xi32, #tpu.memory_space<hbm>>
    tpu.enqueue_dma source(%dma_start3A_244 : memref<40xi32, #tpu.memory_space<hbm>>) target(%dma_start3A_243 : memref<40xi32, #tpu.memory_space<vmem>>) target_semaphore(%arg27 : memref<!tpu.dma_semaphore, #tpu.memory_space<semaphore_mem>>)
    %mul3A_245 = arith.constant 5000 : i32
    %mul3A_246 = arith.muli %add3A, %mul3A_245 : i32
    %add3A_247 = arith.constant 0 : i32
    %add3A_248 = arith.addi %mul3A_246, %add3A_247 : i32
    %multiple_of3A_249 = tpu.assume_multiple %add3A_248, 8 : i32
    %jit3A_250 = arith.constant 6400 : i32
    %div3A_251 = arith.divsi %multiple_of3A_249, %jit3A_250 : i32
    %sign3A_252 = arith.constant 0 : i32
    %sign3A_253 = arith.cmpi sgt, %multiple_of3A_249, %sign3A_252 : i32
    %sign3A_254 = arith.extui %sign3A_253 : i1 to i32
    %sign3A_255 = arith.constant 0 : i32
    %sign3A_256 = arith.cmpi slt, %multiple_of3A_249, %sign3A_255 : i32
    %sign3A_257 = arith.extui %sign3A_256 : i1 to i32
    %sign3A_258 = arith.subi %sign3A_254, %sign3A_257 : i32
    %sign3A_259 = arith.constant 0 : i32
    %sign3A_260 = arith.cmpi sgt, %jit3A_250, %sign3A_259 : i32
    %sign3A_261 = arith.extui %sign3A_260 : i1 to i32
    %sign3A_262 = arith.constant 0 : i32
    %sign3A_263 = arith.cmpi slt, %jit3A_250, %sign3A_262 : i32
    %sign3A_264 = arith.extui %sign3A_263 : i1 to i32
    %sign3A_265 = arith.subi %sign3A_261, %sign3A_264 : i32
    %ne3A_266 = arith.cmpi ne, %sign3A_258, %sign3A_265 : i32
    %rem3A_267 = arith.remsi %multiple_of3A_249, %jit3A_250 : i32
    %ne3A_268 = arith.constant 0 : i32
    %ne3A_269 = arith.cmpi ne, %rem3A_267, %ne3A_268 : i32
    %and3A_270 = arith.andi %ne3A_266, %ne3A_269 : i1
    %sub3A_271 = arith.constant 1 : i32
    %sub3A_272 = arith.subi %div3A_251, %sub3A_271 : i32
    %select_n3A_273 = arith.select %and3A_270, %sub3A_272, %div3A_251 : i32
    %mul3A_274 = arith.constant 6400 : i32
    %mul3A_275 = arith.muli %select_n3A_273, %mul3A_274 : i32
    %sub3A_276 = arith.subi %multiple_of3A_249, %mul3A_275 : i32
    %mul3A_277 = arith.constant 12800 : i32
    %mul3A_278 = arith.muli %select_n3A_273, %mul3A_277 : i32
    %add3A_279 = arith.addi %mul3A_278, %sub3A_276 : i32
    %multiple_of3A_280 = tpu.assume_multiple %add3A_279, 8 : i32
    %add3A_281 = arith.constant 6400 : i32
    %add3A_282 = arith.addi %multiple_of3A_280, %add3A_281 : i32
    %multiple_of3A_283 = tpu.assume_multiple %add3A_282, 8 : i32
    %dma_wait3A = arith.constant 0 : i32
    %dma_wait3A_284 = tpu.memref_slice %arg9[%dma_wait3A] : memref<80xi32, #tpu.memory_space<vmem>> -> memref<40xi32, #tpu.memory_space<vmem>>
    %dma_wait3A_285 = tpu.memref_slice %arg4[%multiple_of3A_280] : memref<320000xi32, #tpu.memory_space<hbm>> -> memref<40xi32, #tpu.memory_space<hbm>>
    %dma_wait3A_286 = arith.constant 0 : i32
    %dma_wait3A_287 = tpu.memref_slice %arg9[%dma_wait3A_286] : memref<80xi32, #tpu.memory_space<vmem>> -> memref<40xi32, #tpu.memory_space<vmem>>
    %dma_wait3A_288 = tpu.memref_slice %arg4[%multiple_of3A_280] : memref<320000xi32, #tpu.memory_space<hbm>> -> memref<40xi32, #tpu.memory_space<hbm>>
    tpu.wait_dma2 semaphore(%arg24 : memref<!tpu.dma_semaphore, #tpu.memory_space<semaphore_mem>>) src(%dma_wait3A_288 : memref<40xi32, #tpu.memory_space<hbm>>) dst(%dma_wait3A_287 : memref<40xi32, #tpu.memory_space<vmem>>)
    %dma_wait3A_289 = arith.constant 40 : i32
    %dma_wait3A_290 = tpu.memref_slice %arg9[%dma_wait3A_289] : memref<80xi32, #tpu.memory_space<vmem>> -> memref<40xi32, #tpu.memory_space<vmem>>
    %dma_wait3A_291 = tpu.memref_slice %arg4[%multiple_of3A_283] : memref<320000xi32, #tpu.memory_space<hbm>> -> memref<40xi32, #tpu.memory_space<hbm>>
    %dma_wait3A_292 = arith.constant 40 : i32
    %dma_wait3A_293 = tpu.memref_slice %arg9[%dma_wait3A_292] : memref<80xi32, #tpu.memory_space<vmem>> -> memref<40xi32, #tpu.memory_space<vmem>>
    %dma_wait3A_294 = tpu.memref_slice %arg4[%multiple_of3A_283] : memref<320000xi32, #tpu.memory_space<hbm>> -> memref<40xi32, #tpu.memory_space<hbm>>
    tpu.wait_dma2 semaphore(%arg24 : memref<!tpu.dma_semaphore, #tpu.memory_space<semaphore_mem>>) src(%dma_wait3A_294 : memref<40xi32, #tpu.memory_space<hbm>>) dst(%dma_wait3A_293 : memref<40xi32, #tpu.memory_space<vmem>>)
    %dma_wait3A_295 = arith.constant 0 : i32
    %dma_wait3A_296 = tpu.memref_slice %arg13[%dma_wait3A_295] : memref<80xi32, #tpu.memory_space<vmem>> -> memref<40xi32, #tpu.memory_space<vmem>>
    %dma_wait3A_297 = tpu.memref_slice %arg5[%multiple_of3A_280] : memref<320000xi32, #tpu.memory_space<hbm>> -> memref<40xi32, #tpu.memory_space<hbm>>
    %dma_wait3A_298 = arith.constant 0 : i32
    %dma_wait3A_299 = tpu.memref_slice %arg13[%dma_wait3A_298] : memref<80xi32, #tpu.memory_space<vmem>> -> memref<40xi32, #tpu.memory_space<vmem>>
    %dma_wait3A_300 = tpu.memref_slice %arg5[%multiple_of3A_280] : memref<320000xi32, #tpu.memory_space<hbm>> -> memref<40xi32, #tpu.memory_space<hbm>>
    tpu.wait_dma2 semaphore(%arg24 : memref<!tpu.dma_semaphore, #tpu.memory_space<semaphore_mem>>) src(%dma_wait3A_300 : memref<40xi32, #tpu.memory_space<hbm>>) dst(%dma_wait3A_299 : memref<40xi32, #tpu.memory_space<vmem>>)
    %dma_wait3A_301 = arith.constant 40 : i32
    %dma_wait3A_302 = tpu.memref_slice %arg13[%dma_wait3A_301] : memref<80xi32, #tpu.memory_space<vmem>> -> memref<40xi32, #tpu.memory_space<vmem>>
    %dma_wait3A_303 = tpu.memref_slice %arg5[%multiple_of3A_283] : memref<320000xi32, #tpu.memory_space<hbm>> -> memref<40xi32, #tpu.memory_space<hbm>>
    %dma_wait3A_304 = arith.constant 40 : i32
    %dma_wait3A_305 = tpu.memref_slice %arg13[%dma_wait3A_304] : memref<80xi32, #tpu.memory_space<vmem>> -> memref<40xi32, #tpu.memory_space<vmem>>
    %dma_wait3A_306 = tpu.memref_slice %arg5[%multiple_of3A_283] : memref<320000xi32, #tpu.memory_space<hbm>> -> memref<40xi32, #tpu.memory_space<hbm>>
    tpu.wait_dma2 semaphore(%arg24 : memref<!tpu.dma_semaphore, #tpu.memory_space<semaphore_mem>>) src(%dma_wait3A_306 : memref<40xi32, #tpu.memory_space<hbm>>) dst(%dma_wait3A_305 : memref<40xi32, #tpu.memory_space<vmem>>)
    %dma_start3A_307 = arith.constant 0 : i32
    %dma_start3A_308 = arith.constant 0 : i32
    %dma_start3A_309 = arith.constant 0 : i32
    %dma_start3A_310 = tpu.memref_slice %arg17[%dma_start3A_307, %dma_start3A_308, %dma_start3A_309] : memref<2x80x128xf32, #tpu.memory_space<vmem>> -> memref<1x80x128xf32, #tpu.memory_space<vmem>>
    %dma_start3A_311 = tpu.memref_squeeze %dma_start3A_310 : memref<1x80x128xf32, #tpu.memory_space<vmem>> -> memref<80x128xf32, #tpu.memory_space<vmem>>
    %dma_start3A_312 = arith.constant 0 : i32
    %dma_start3A_313 = arith.constant 0 : i32
    %dma_start3A_314 = tpu.memref_slice %arg2[%dma_start3A_312, %dma_start3A_313] : memref<10000x128xf32, #tpu.memory_space<hbm>> -> memref<10000x128xf32, #tpu.memory_space<hbm>>
    tpu.enqueue_indirect_dma source(%dma_start3A_314 : memref<10000x128xf32, #tpu.memory_space<hbm>>) target(%dma_start3A_311 : memref<80x128xf32, #tpu.memory_space<vmem>>) offsets(%arg9 : memref<80xi32, #tpu.memory_space<vmem>>) semaphore(%arg20 : memref<!tpu.dma_semaphore, #tpu.memory_space<semaphore_mem>>)
    %mul3A_315 = arith.constant 5000 : i32
    %mul3A_316 = arith.muli %add3A, %mul3A_315 : i32
    %add3A_317 = arith.constant 0 : i32
    %add3A_318 = arith.addi %mul3A_316, %add3A_317 : i32
    %multiple_of3A_319 = tpu.assume_multiple %add3A_318, 8 : i32
    %jit3A_320 = arith.constant 6400 : i32
    %div3A_321 = arith.divsi %multiple_of3A_319, %jit3A_320 : i32
    %sign3A_322 = arith.constant 0 : i32
    %sign3A_323 = arith.cmpi sgt, %multiple_of3A_319, %sign3A_322 : i32
    %sign3A_324 = arith.extui %sign3A_323 : i1 to i32
    %sign3A_325 = arith.constant 0 : i32
    %sign3A_326 = arith.cmpi slt, %multiple_of3A_319, %sign3A_325 : i32
    %sign3A_327 = arith.extui %sign3A_326 : i1 to i32
    %sign3A_328 = arith.subi %sign3A_324, %sign3A_327 : i32
    %sign3A_329 = arith.constant 0 : i32
    %sign3A_330 = arith.cmpi sgt, %jit3A_320, %sign3A_329 : i32
    %sign3A_331 = arith.extui %sign3A_330 : i1 to i32
    %sign3A_332 = arith.constant 0 : i32
    %sign3A_333 = arith.cmpi slt, %jit3A_320, %sign3A_332 : i32
    %sign3A_334 = arith.extui %sign3A_333 : i1 to i32
    %sign3A_335 = arith.subi %sign3A_331, %sign3A_334 : i32
    %ne3A_336 = arith.cmpi ne, %sign3A_328, %sign3A_335 : i32
    %rem3A_337 = arith.remsi %multiple_of3A_319, %jit3A_320 : i32
    %ne3A_338 = arith.constant 0 : i32
    %ne3A_339 = arith.cmpi ne, %rem3A_337, %ne3A_338 : i32
    %and3A_340 = arith.andi %ne3A_336, %ne3A_339 : i1
    %sub3A_341 = arith.constant 1 : i32
    %sub3A_342 = arith.subi %div3A_321, %sub3A_341 : i32
    %select_n3A_343 = arith.select %and3A_340, %sub3A_342, %div3A_321 : i32
    %mul3A_344 = arith.constant 6400 : i32
    %mul3A_345 = arith.muli %select_n3A_343, %mul3A_344 : i32
    %sub3A_346 = arith.subi %multiple_of3A_319, %mul3A_345 : i32
    %mul3A_347 = arith.constant 12800 : i32
    %mul3A_348 = arith.muli %select_n3A_343, %mul3A_347 : i32
    %add3A_349 = arith.addi %mul3A_348, %sub3A_346 : i32
    %multiple_of3A_350 = tpu.assume_multiple %add3A_349, 8 : i32
    %add3A_351 = arith.constant 6400 : i32
    %add3A_352 = arith.addi %multiple_of3A_350, %add3A_351 : i32
    %multiple_of3A_353 = tpu.assume_multiple %add3A_352, 8 : i32
    %dma_start3A_354 = arith.constant 0 : i32
    %dma_start3A_355 = arith.constant 0 : i32
    %dma_start3A_356 = arith.constant 0 : i32
    %dma_start3A_357 = tpu.memref_slice %arg18[%dma_start3A_354, %dma_start3A_355, %dma_start3A_356] : memref<2x40x128xi32, #tpu.memory_space<vmem>> -> memref<1x40x128xi32, #tpu.memory_space<vmem>>
    %dma_start3A_358 = tpu.memref_squeeze %dma_start3A_357 : memref<1x40x128xi32, #tpu.memory_space<vmem>> -> memref<40x128xi32, #tpu.memory_space<vmem>>
    %dma_start3A_359 = arith.constant 0 : i32
    %dma_start3A_360 = tpu.memref_slice %arg3[%multiple_of3A_319, %dma_start3A_359] : memref<160000x128xi32, #tpu.memory_space<hbm>> -> memref<40x128xi32, #tpu.memory_space<hbm>>
    %dma_start3A_361 = arith.constant 0 : i32
    %dma_start3A_362 = arith.constant 0 : i32
    %dma_start3A_363 = tpu.memref_slice %arg18[%dma_start3A_354, %dma_start3A_361, %dma_start3A_362] : memref<2x40x128xi32, #tpu.memory_space<vmem>> -> memref<1x40x128xi32, #tpu.memory_space<vmem>>
    %dma_start3A_364 = tpu.memref_squeeze %dma_start3A_363 : memref<1x40x128xi32, #tpu.memory_space<vmem>> -> memref<40x128xi32, #tpu.memory_space<vmem>>
    %dma_start3A_365 = arith.constant 0 : i32
    %dma_start3A_366 = tpu.memref_slice %arg3[%multiple_of3A_319, %dma_start3A_365] : memref<160000x128xi32, #tpu.memory_space<hbm>> -> memref<40x128xi32, #tpu.memory_space<hbm>>
    tpu.enqueue_dma source(%dma_start3A_366 : memref<40x128xi32, #tpu.memory_space<hbm>>) target(%dma_start3A_364 : memref<40x128xi32, #tpu.memory_space<vmem>>) target_semaphore(%arg22 : memref<!tpu.dma_semaphore, #tpu.memory_space<semaphore_mem>>)
    %mul3A_367 = arith.constant 5000 : i32
    %mul3A_368 = arith.muli %add3A, %mul3A_367 : i32
    %add3A_369 = arith.constant 40 : i32
    %add3A_370 = arith.addi %mul3A_368, %add3A_369 : i32
    %multiple_of3A_371 = tpu.assume_multiple %add3A_370, 8 : i32
    %jit3A_372 = arith.constant 6400 : i32
    %div3A_373 = arith.divsi %multiple_of3A_371, %jit3A_372 : i32
    %sign3A_374 = arith.constant 0 : i32
    %sign3A_375 = arith.cmpi sgt, %multiple_of3A_371, %sign3A_374 : i32
    %sign3A_376 = arith.extui %sign3A_375 : i1 to i32
    %sign3A_377 = arith.constant 0 : i32
    %sign3A_378 = arith.cmpi slt, %multiple_of3A_371, %sign3A_377 : i32
    %sign3A_379 = arith.extui %sign3A_378 : i1 to i32
    %sign3A_380 = arith.subi %sign3A_376, %sign3A_379 : i32
    %sign3A_381 = arith.constant 0 : i32
    %sign3A_382 = arith.cmpi sgt, %jit3A_372, %sign3A_381 : i32
    %sign3A_383 = arith.extui %sign3A_382 : i1 to i32
    %sign3A_384 = arith.constant 0 : i32
    %sign3A_385 = arith.cmpi slt, %jit3A_372, %sign3A_384 : i32
    %sign3A_386 = arith.extui %sign3A_385 : i1 to i32
    %sign3A_387 = arith.subi %sign3A_383, %sign3A_386 : i32
    %ne3A_388 = arith.cmpi ne, %sign3A_380, %sign3A_387 : i32
    %rem3A_389 = arith.remsi %multiple_of3A_371, %jit3A_372 : i32
    %ne3A_390 = arith.constant 0 : i32
    %ne3A_391 = arith.cmpi ne, %rem3A_389, %ne3A_390 : i32
    %and3A_392 = arith.andi %ne3A_388, %ne3A_391 : i1
    %sub3A_393 = arith.constant 1 : i32
    %sub3A_394 = arith.subi %div3A_373, %sub3A_393 : i32
    %select_n3A_395 = arith.select %and3A_392, %sub3A_394, %div3A_373 : i32
    %mul3A_396 = arith.constant 6400 : i32
    %mul3A_397 = arith.muli %select_n3A_395, %mul3A_396 : i32
    %sub3A_398 = arith.subi %multiple_of3A_371, %mul3A_397 : i32
    %mul3A_399 = arith.constant 12800 : i32
    %mul3A_400 = arith.muli %select_n3A_395, %mul3A_399 : i32
    %add3A_401 = arith.addi %mul3A_400, %sub3A_398 : i32
    %multiple_of3A_402 = tpu.assume_multiple %add3A_401, 8 : i32
    %add3A_403 = arith.constant 6400 : i32
    %add3A_404 = arith.addi %multiple_of3A_402, %add3A_403 : i32
    %multiple_of3A_405 = tpu.assume_multiple %add3A_404, 8 : i32
    %dma_wait3A_406 = arith.constant 0 : i32
    %dma_wait3A_407 = tpu.memref_slice %arg10[%dma_wait3A_406] : memref<80xi32, #tpu.memory_space<vmem>> -> memref<40xi32, #tpu.memory_space<vmem>>
    %dma_wait3A_408 = tpu.memref_slice %arg4[%multiple_of3A_402] : memref<320000xi32, #tpu.memory_space<hbm>> -> memref<40xi32, #tpu.memory_space<hbm>>
    %dma_wait3A_409 = arith.constant 0 : i32
    %dma_wait3A_410 = tpu.memref_slice %arg10[%dma_wait3A_409] : memref<80xi32, #tpu.memory_space<vmem>> -> memref<40xi32, #tpu.memory_space<vmem>>
    %dma_wait3A_411 = tpu.memref_slice %arg4[%multiple_of3A_402] : memref<320000xi32, #tpu.memory_space<hbm>> -> memref<40xi32, #tpu.memory_space<hbm>>
    tpu.wait_dma2 semaphore(%arg25 : memref<!tpu.dma_semaphore, #tpu.memory_space<semaphore_mem>>) src(%dma_wait3A_411 : memref<40xi32, #tpu.memory_space<hbm>>) dst(%dma_wait3A_410 : memref<40xi32, #tpu.memory_space<vmem>>)
    %dma_wait3A_412 = arith.constant 40 : i32
    %dma_wait3A_413 = tpu.memref_slice %arg10[%dma_wait3A_412] : memref<80xi32, #tpu.memory_space<vmem>> -> memref<40xi32, #tpu.memory_space<vmem>>
    %dma_wait3A_414 = tpu.memref_slice %arg4[%multiple_of3A_405] : memref<320000xi32, #tpu.memory_space<hbm>> -> memref<40xi32, #tpu.memory_space<hbm>>
    %dma_wait3A_415 = arith.constant 40 : i32
    %dma_wait3A_416 = tpu.memref_slice %arg10[%dma_wait3A_415] : memref<80xi32, #tpu.memory_space<vmem>> -> memref<40xi32, #tpu.memory_space<vmem>>
    %dma_wait3A_417 = tpu.memref_slice %arg4[%multiple_of3A_405] : memref<320000xi32, #tpu.memory_space<hbm>> -> memref<40xi32, #tpu.memory_space<hbm>>
    tpu.wait_dma2 semaphore(%arg25 : memref<!tpu.dma_semaphore, #tpu.memory_space<semaphore_mem>>) src(%dma_wait3A_417 : memref<40xi32, #tpu.memory_space<hbm>>) dst(%dma_wait3A_416 : memref<40xi32, #tpu.memory_space<vmem>>)
    %dma_wait3A_418 = arith.constant 0 : i32
    %dma_wait3A_419 = tpu.memref_slice %arg14[%dma_wait3A_418] : memref<80xi32, #tpu.memory_space<vmem>> -> memref<40xi32, #tpu.memory_space<vmem>>
    %dma_wait3A_420 = tpu.memref_slice %arg5[%multiple_of3A_402] : memref<320000xi32, #tpu.memory_space<hbm>> -> memref<40xi32, #tpu.memory_space<hbm>>
    %dma_wait3A_421 = arith.constant 0 : i32
    %dma_wait3A_422 = tpu.memref_slice %arg14[%dma_wait3A_421] : memref<80xi32, #tpu.memory_space<vmem>> -> memref<40xi32, #tpu.memory_space<vmem>>
    %dma_wait3A_423 = tpu.memref_slice %arg5[%multiple_of3A_402] : memref<320000xi32, #tpu.memory_space<hbm>> -> memref<40xi32, #tpu.memory_space<hbm>>
    tpu.wait_dma2 semaphore(%arg25 : memref<!tpu.dma_semaphore, #tpu.memory_space<semaphore_mem>>) src(%dma_wait3A_423 : memref<40xi32, #tpu.memory_space<hbm>>) dst(%dma_wait3A_422 : memref<40xi32, #tpu.memory_space<vmem>>)
    %dma_wait3A_424 = arith.constant 40 : i32
    %dma_wait3A_425 = tpu.memref_slice %arg14[%dma_wait3A_424] : memref<80xi32, #tpu.memory_space<vmem>> -> memref<40xi32, #tpu.memory_space<vmem>>
    %dma_wait3A_426 = tpu.memref_slice %arg5[%multiple_of3A_405] : memref<320000xi32, #tpu.memory_space<hbm>> -> memref<40xi32, #tpu.memory_space<hbm>>
    %dma_wait3A_427 = arith.constant 40 : i32
    %dma_wait3A_428 = tpu.memref_slice %arg14[%dma_wait3A_427] : memref<80xi32, #tpu.memory_space<vmem>> -> memref<40xi32, #tpu.memory_space<vmem>>
    %dma_wait3A_429 = tpu.memref_slice %arg5[%multiple_of3A_405] : memref<320000xi32, #tpu.memory_space<hbm>> -> memref<40xi32, #tpu.memory_space<hbm>>
    tpu.wait_dma2 semaphore(%arg25 : memref<!tpu.dma_semaphore, #tpu.memory_space<semaphore_mem>>) src(%dma_wait3A_429 : memref<40xi32, #tpu.memory_space<hbm>>) dst(%dma_wait3A_428 : memref<40xi32, #tpu.memory_space<vmem>>)
    %dma_start3A_430 = arith.constant 1 : i32
    %dma_start3A_431 = arith.constant 0 : i32
    %dma_start3A_432 = arith.constant 0 : i32
    %dma_start3A_433 = tpu.memref_slice %arg17[%dma_start3A_430, %dma_start3A_431, %dma_start3A_432] : memref<2x80x128xf32, #tpu.memory_space<vmem>> -> memref<1x80x128xf32, #tpu.memory_space<vmem>>
    %dma_start3A_434 = tpu.memref_squeeze %dma_start3A_433 : memref<1x80x128xf32, #tpu.memory_space<vmem>> -> memref<80x128xf32, #tpu.memory_space<vmem>>
    %dma_start3A_435 = arith.constant 0 : i32
    %dma_start3A_436 = arith.constant 0 : i32
    %dma_start3A_437 = tpu.memref_slice %arg2[%dma_start3A_435, %dma_start3A_436] : memref<10000x128xf32, #tpu.memory_space<hbm>> -> memref<10000x128xf32, #tpu.memory_space<hbm>>
    tpu.enqueue_indirect_dma source(%dma_start3A_437 : memref<10000x128xf32, #tpu.memory_space<hbm>>) target(%dma_start3A_434 : memref<80x128xf32, #tpu.memory_space<vmem>>) offsets(%arg10 : memref<80xi32, #tpu.memory_space<vmem>>) semaphore(%arg21 : memref<!tpu.dma_semaphore, #tpu.memory_space<semaphore_mem>>)
    %mul3A_438 = arith.constant 5000 : i32
    %mul3A_439 = arith.muli %add3A, %mul3A_438 : i32
    %add3A_440 = arith.constant 40 : i32
    %add3A_441 = arith.addi %mul3A_439, %add3A_440 : i32
    %multiple_of3A_442 = tpu.assume_multiple %add3A_441, 8 : i32
    %jit3A_443 = arith.constant 6400 : i32
    %div3A_444 = arith.divsi %multiple_of3A_442, %jit3A_443 : i32
    %sign3A_445 = arith.constant 0 : i32
    %sign3A_446 = arith.cmpi sgt, %multiple_of3A_442, %sign3A_445 : i32
    %sign3A_447 = arith.extui %sign3A_446 : i1 to i32
    %sign3A_448 = arith.constant 0 : i32
    %sign3A_449 = arith.cmpi slt, %multiple_of3A_442, %sign3A_448 : i32
    %sign3A_450 = arith.extui %sign3A_449 : i1 to i32
    %sign3A_451 = arith.subi %sign3A_447, %sign3A_450 : i32
    %sign3A_452 = arith.constant 0 : i32
    %sign3A_453 = arith.cmpi sgt, %jit3A_443, %sign3A_452 : i32
    %sign3A_454 = arith.extui %sign3A_453 : i1 to i32
    %sign3A_455 = arith.constant 0 : i32
    %sign3A_456 = arith.cmpi slt, %jit3A_443, %sign3A_455 : i32
    %sign3A_457 = arith.extui %sign3A_456 : i1 to i32
    %sign3A_458 = arith.subi %sign3A_454, %sign3A_457 : i32
    %ne3A_459 = arith.cmpi ne, %sign3A_451, %sign3A_458 : i32
    %rem3A_460 = arith.remsi %multiple_of3A_442, %jit3A_443 : i32
    %ne3A_461 = arith.constant 0 : i32
    %ne3A_462 = arith.cmpi ne, %rem3A_460, %ne3A_461 : i32
    %and3A_463 = arith.andi %ne3A_459, %ne3A_462 : i1
    %sub3A_464 = arith.constant 1 : i32
    %sub3A_465 = arith.subi %div3A_444, %sub3A_464 : i32
    %select_n3A_466 = arith.select %and3A_463, %sub3A_465, %div3A_444 : i32
    %mul3A_467 = arith.constant 6400 : i32
    %mul3A_468 = arith.muli %select_n3A_466, %mul3A_467 : i32
    %sub3A_469 = arith.subi %multiple_of3A_442, %mul3A_468 : i32
    %mul3A_470 = arith.constant 12800 : i32
    %mul3A_471 = arith.muli %select_n3A_466, %mul3A_470 : i32
    %add3A_472 = arith.addi %mul3A_471, %sub3A_469 : i32
    %multiple_of3A_473 = tpu.assume_multiple %add3A_472, 8 : i32
    %add3A_474 = arith.constant 6400 : i32
    %add3A_475 = arith.addi %multiple_of3A_473, %add3A_474 : i32
    %multiple_of3A_476 = tpu.assume_multiple %add3A_475, 8 : i32
    %dma_start3A_477 = arith.constant 1 : i32
    %dma_start3A_478 = arith.constant 0 : i32
    %dma_start3A_479 = arith.constant 0 : i32
    %dma_start3A_480 = tpu.memref_slice %arg18[%dma_start3A_477, %dma_start3A_478, %dma_start3A_479] : memref<2x40x128xi32, #tpu.memory_space<vmem>> -> memref<1x40x128xi32, #tpu.memory_space<vmem>>
    %dma_start3A_481 = tpu.memref_squeeze %dma_start3A_480 : memref<1x40x128xi32, #tpu.memory_space<vmem>> -> memref<40x128xi32, #tpu.memory_space<vmem>>
    %dma_start3A_482 = arith.constant 0 : i32
    %dma_start3A_483 = tpu.memref_slice %arg3[%multiple_of3A_442, %dma_start3A_482] : memref<160000x128xi32, #tpu.memory_space<hbm>> -> memref<40x128xi32, #tpu.memory_space<hbm>>
    %dma_start3A_484 = arith.constant 0 : i32
    %dma_start3A_485 = arith.constant 0 : i32
    %dma_start3A_486 = tpu.memref_slice %arg18[%dma_start3A_477, %dma_start3A_484, %dma_start3A_485] : memref<2x40x128xi32, #tpu.memory_space<vmem>> -> memref<1x40x128xi32, #tpu.memory_space<vmem>>
    %dma_start3A_487 = tpu.memref_squeeze %dma_start3A_486 : memref<1x40x128xi32, #tpu.memory_space<vmem>> -> memref<40x128xi32, #tpu.memory_space<vmem>>
    %dma_start3A_488 = arith.constant 0 : i32
    %dma_start3A_489 = tpu.memref_slice %arg3[%multiple_of3A_442, %dma_start3A_488] : memref<160000x128xi32, #tpu.memory_space<hbm>> -> memref<40x128xi32, #tpu.memory_space<hbm>>
    tpu.enqueue_dma source(%dma_start3A_489 : memref<40x128xi32, #tpu.memory_space<hbm>>) target(%dma_start3A_487 : memref<40x128xi32, #tpu.memory_space<vmem>>) target_semaphore(%arg23 : memref<!tpu.dma_semaphore, #tpu.memory_space<semaphore_mem>>)
    %barrier3A = arith.constant 0 : index
    tpu.barrier barrier_id(%barrier3A)
    %scan3A = arith.constant 0 : i32
    %scan3A_490 = arith.constant 31 : i32
    %scan3A_491 = arith.addi %scan3A, %scan3A_490 : i32
    %scan3A_492 = arith.constant 1 : i32
    scf.for %scan3A_570 = %scan3A to %scan3A_491 step %scan3A_492  : i32 {
      %mul3A_571 = arith.constant 4 : i32
      %mul3A_572 = arith.muli %scan3A_570, %mul3A_571 : i32
      %add3A_573 = arith.constant 0 : i32
      %add3A_574 = arith.addi %add3A_573, %mul3A_572 : i32
      %add3A_575 = arith.constant 0 : i32
      %add3A_576 = arith.addi %add3A_574, %add3A_575 : i32
      %dma_wait3A_577 = arith.constant 0 : i32
      %dma_wait3A_578 = arith.constant 0 : i32
      %dma_wait3A_579 = arith.constant 0 : i32
      %dma_wait3A_580 = tpu.memref_slice %arg17[%dma_wait3A_577, %dma_wait3A_578, %dma_wait3A_579] : memref<2x80x128xf32, #tpu.memory_space<vmem>> -> memref<1x80x128xf32, #tpu.memory_space<vmem>>
      %dma_wait3A_581 = tpu.memref_squeeze %dma_wait3A_580 : memref<1x80x128xf32, #tpu.memory_space<vmem>> -> memref<80x128xf32, #tpu.memory_space<vmem>>
      %dma_wait3A_582 = arith.constant 0 : i32
      %dma_wait3A_583 = arith.constant 0 : i32
      %dma_wait3A_584 = tpu.memref_slice %arg2[%dma_wait3A_582, %dma_wait3A_583] : memref<10000x128xf32, #tpu.memory_space<hbm>> -> memref<10000x128xf32, #tpu.memory_space<hbm>>
      tpu.wait_indirect_dma semaphore(%arg20 : memref<!tpu.dma_semaphore, #tpu.memory_space<semaphore_mem>>) src(%dma_wait3A_584 : memref<10000x128xf32, #tpu.memory_space<hbm>>) dst(%dma_wait3A_581 : memref<80x128xf32, #tpu.memory_space<vmem>>)
      %mul3A_585 = arith.constant 5000 : i32
      %mul3A_586 = arith.muli %add3A, %mul3A_585 : i32
      %mul3A_587 = arith.constant 40 : i32
      %mul3A_588 = arith.muli %add3A_576, %mul3A_587 : i32
      %add3A_589 = arith.addi %mul3A_586, %mul3A_588 : i32
      %multiple_of3A_590 = tpu.assume_multiple %add3A_589, 8 : i32
      %jit3A_591 = arith.constant 6400 : i32
      %div3A_592 = arith.divsi %multiple_of3A_590, %jit3A_591 : i32
      %sign3A_593 = arith.constant 0 : i32
      %sign3A_594 = arith.cmpi sgt, %multiple_of3A_590, %sign3A_593 : i32
      %sign3A_595 = arith.extui %sign3A_594 : i1 to i32
      %sign3A_596 = arith.constant 0 : i32
      %sign3A_597 = arith.cmpi slt, %multiple_of3A_590, %sign3A_596 : i32
      %sign3A_598 = arith.extui %sign3A_597 : i1 to i32
      %sign3A_599 = arith.subi %sign3A_595, %sign3A_598 : i32
      %sign3A_600 = arith.constant 0 : i32
      %sign3A_601 = arith.cmpi sgt, %jit3A_591, %sign3A_600 : i32
      %sign3A_602 = arith.extui %sign3A_601 : i1 to i32
      %sign3A_603 = arith.constant 0 : i32
      %sign3A_604 = arith.cmpi slt, %jit3A_591, %sign3A_603 : i32
      %sign3A_605 = arith.extui %sign3A_604 : i1 to i32
      %sign3A_606 = arith.subi %sign3A_602, %sign3A_605 : i32
      %ne3A_607 = arith.cmpi ne, %sign3A_599, %sign3A_606 : i32
      %rem3A_608 = arith.remsi %multiple_of3A_590, %jit3A_591 : i32
      %ne3A_609 = arith.constant 0 : i32
      %ne3A_610 = arith.cmpi ne, %rem3A_608, %ne3A_609 : i32
      %and3A_611 = arith.andi %ne3A_607, %ne3A_610 : i1
      %sub3A_612 = arith.constant 1 : i32
      %sub3A_613 = arith.subi %div3A_592, %sub3A_612 : i32
      %select_n3A_614 = arith.select %and3A_611, %sub3A_613, %div3A_592 : i32
      %mul3A_615 = arith.constant 6400 : i32
      %mul3A_616 = arith.muli %select_n3A_614, %mul3A_615 : i32
      %sub3A_617 = arith.subi %multiple_of3A_590, %mul3A_616 : i32
      %mul3A_618 = arith.constant 12800 : i32
      %mul3A_619 = arith.muli %select_n3A_614, %mul3A_618 : i32
      %add3A_620 = arith.addi %mul3A_619, %sub3A_617 : i32
      %multiple_of3A_621 = tpu.assume_multiple %add3A_620, 8 : i32
      %add3A_622 = arith.constant 6400 : i32
      %add3A_623 = arith.addi %multiple_of3A_621, %add3A_622 : i32
      %multiple_of3A_624 = tpu.assume_multiple %add3A_623, 8 : i32
      %dma_wait3A_625 = arith.constant 0 : i32
      %dma_wait3A_626 = arith.constant 0 : i32
      %dma_wait3A_627 = arith.constant 0 : i32
      %dma_wait3A_628 = tpu.memref_slice %arg18[%dma_wait3A_625, %dma_wait3A_626, %dma_wait3A_627] : memref<2x40x128xi32, #tpu.memory_space<vmem>> -> memref<1x40x128xi32, #tpu.memory_space<vmem>>
      %dma_wait3A_629 = tpu.memref_squeeze %dma_wait3A_628 : memref<1x40x128xi32, #tpu.memory_space<vmem>> -> memref<40x128xi32, #tpu.memory_space<vmem>>
      %dma_wait3A_630 = arith.constant 0 : i32
      %dma_wait3A_631 = tpu.memref_slice %arg3[%multiple_of3A_590, %dma_wait3A_630] : memref<160000x128xi32, #tpu.memory_space<hbm>> -> memref<40x128xi32, #tpu.memory_space<hbm>>
      %dma_wait3A_632 = arith.constant 0 : i32
      %dma_wait3A_633 = arith.constant 0 : i32
      %dma_wait3A_634 = tpu.memref_slice %arg18[%dma_wait3A_625, %dma_wait3A_632, %dma_wait3A_633] : memref<2x40x128xi32, #tpu.memory_space<vmem>> -> memref<1x40x128xi32, #tpu.memory_space<vmem>>
      %dma_wait3A_635 = tpu.memref_squeeze %dma_wait3A_634 : memref<1x40x128xi32, #tpu.memory_space<vmem>> -> memref<40x128xi32, #tpu.memory_space<vmem>>
      %dma_wait3A_636 = arith.constant 0 : i32
      %dma_wait3A_637 = tpu.memref_slice %arg3[%multiple_of3A_590, %dma_wait3A_636] : memref<160000x128xi32, #tpu.memory_space<hbm>> -> memref<40x128xi32, #tpu.memory_space<hbm>>
      tpu.wait_dma2 semaphore(%arg22 : memref<!tpu.dma_semaphore, #tpu.memory_space<semaphore_mem>>) src(%dma_wait3A_637 : memref<40x128xi32, #tpu.memory_space<hbm>>) dst(%dma_wait3A_635 : memref<40x128xi32, #tpu.memory_space<vmem>>)
      %scan3A_638 = arith.constant 0 : i32
      %scan3A_639 = arith.constant 0 : i32
      %scan3A_640 = arith.constant 40 : i32
      %scan3A_641 = arith.addi %scan3A_639, %scan3A_640 : i32
      %scan3A_642 = arith.constant 1 : i32
      scf.for %scan3A_910 = %scan3A_639 to %scan3A_641 step %scan3A_642  : i32 {
        %get3A = arith.constant 0 : i32
        %get3A_911 = arith.index_cast %get3A : i32 to index
        %get3A_912 = arith.index_cast %scan3A_910 : i32 to index
        %get3A_913 = arith.constant 0 : index
        %get3A_914 = tpu.vector_load %arg18[%get3A_911, %get3A_912, %get3A_913] {strides = array<i32>} : memref<2x40x128xi32, #tpu.memory_space<vmem>>, vector<1x1x16xi32>,
        %get3A_915 = vector.shape_cast %get3A_914 : vector<1x1x16xi32> to vector<16xi32>
        %shift_left3A = arith.constant 16 : i32
        %shift_left3A_916 = vector.broadcast %shift_left3A : i32 to vector<16xi32>
        %shift_left3A_917 = arith.shli %get3A_915, %shift_left3A_916 : vector<16xi32>
        %bitcast_convert_type3A = tpu.bitcast %shift_left3A_917 : vector<16xi32> -> vector<16xf32>
        %and3A_918 = arith.constant -65536 : i32
        %and3A_919 = vector.broadcast %and3A_918 : i32 to vector<16xi32>
        %and3A_920 = arith.andi %get3A_915, %and3A_919 : vector<16xi32>
        %bitcast_convert_type3A_921 = tpu.bitcast %and3A_920 : vector<16xi32> -> vector<16xf32>
        %add3A_922 = arith.constant 0 : i32
        %add3A_923 = arith.addi %add3A_922, %scan3A_910 : i32
        %get3A_924 = arith.constant 0 : i32
        %get3A_925 = arith.index_cast %get3A_924 : i32 to index
        %get3A_926 = arith.index_cast %add3A_923 : i32 to index
        %get3A_927 = arith.constant 0 : index
        %get3A_928 = tpu.vector_load %arg17[%get3A_925, %get3A_926, %get3A_927] {strides = array<i32>} : memref<2x80x128xf32, #tpu.memory_space<vmem>>, vector<1x1x16xf32>,
        %get3A_929 = vector.shape_cast %get3A_928 : vector<1x1x16xf32> to vector<16xf32>
        %mul3A_930 = arith.mulf %get3A_929, %bitcast_convert_type3A : vector<16xf32>
        %add3A_931 = arith.constant 0 : i32
        %add3A_932 = arith.addi %add3A_931, %scan3A_910 : i32
        %swap3A = arith.constant 0 : i32
        %swap3A_933 = arith.index_cast %swap3A : i32 to index
        %swap3A_934 = arith.index_cast %add3A_932 : i32 to index
        %swap3A_935 = arith.constant 0 : index
        %swap3A_936 = tpu.vector_load %arg17[%swap3A_933, %swap3A_934, %swap3A_935] {strides = array<i32>} : memref<2x80x128xf32, #tpu.memory_space<vmem>>, vector<1x1x16xf32>,
        %swap3A_937 = vector.shape_cast %swap3A_936 : vector<1x1x16xf32> to vector<16xf32>
        %swap3A_938 = vector.shape_cast %mul3A_930 : vector<16xf32> to vector<1x1x16xf32>
        tpu.vector_store %arg17[%swap3A_933, %swap3A_934, %swap3A_935], %swap3A_938 {strides = array<i32>} : memref<2x80x128xf32, #tpu.memory_space<vmem>>, vector<1x1x16xf32>,
        %add3A_939 = arith.constant 0 : i32
        %add3A_940 = arith.addi %add3A_939, %scan3A_910 : i32
        %get3A_941 = arith.constant 0 : i32
        %get3A_942 = arith.index_cast %get3A_941 : i32 to index
        %get3A_943 = arith.index_cast %add3A_940 : i32 to index
        %get3A_944 = arith.constant 16 : index
        %get3A_945 = tpu.vector_load %arg17[%get3A_942, %get3A_943, %get3A_944] {strides = array<i32>} : memref<2x80x128xf32, #tpu.memory_space<vmem>>, vector<1x1x16xf32>,
        %get3A_946 = vector.shape_cast %get3A_945 : vector<1x1x16xf32> to vector<16xf32>
        %mul3A_947 = arith.mulf %get3A_946, %bitcast_convert_type3A_921 : vector<16xf32>
        %add3A_948 = arith.constant 0 : i32
        %add3A_949 = arith.addi %add3A_948, %scan3A_910 : i32
        %swap3A_950 = arith.constant 0 : i32
        %swap3A_951 = arith.index_cast %swap3A_950 : i32 to index
        %swap3A_952 = arith.index_cast %add3A_949 : i32 to index
        %swap3A_953 = arith.constant 16 : index
        %swap3A_954 = tpu.vector_load %arg17[%swap3A_951, %swap3A_952, %swap3A_953] {strides = array<i32>} : memref<2x80x128xf32, #tpu.memory_space<vmem>>, vector<1x1x16xf32>,
        %swap3A_955 = vector.shape_cast %swap3A_954 : vector<1x1x16xf32> to vector<16xf32>
        %swap3A_956 = vector.shape_cast %mul3A_947 : vector<16xf32> to vector<1x1x16xf32>
        tpu.vector_store %arg17[%swap3A_951, %swap3A_952, %swap3A_953], %swap3A_956 {strides = array<i32>} : memref<2x80x128xf32, #tpu.memory_space<vmem>>, vector<1x1x16xf32>,
        %get3A_957 = arith.constant 0 : i32
        %get3A_958 = arith.index_cast %get3A_957 : i32 to index
        %get3A_959 = arith.index_cast %scan3A_910 : i32 to index
        %get3A_960 = arith.constant 16 : index
        %get3A_961 = tpu.vector_load %arg18[%get3A_958, %get3A_959, %get3A_960] {strides = array<i32>} : memref<2x40x128xi32, #tpu.memory_space<vmem>>, vector<1x1x16xi32>,
        %get3A_962 = vector.shape_cast %get3A_961 : vector<1x1x16xi32> to vector<16xi32>
        %shift_left3A_963 = arith.constant 16 : i32
        %shift_left3A_964 = vector.broadcast %shift_left3A_963 : i32 to vector<16xi32>
        %shift_left3A_965 = arith.shli %get3A_962, %shift_left3A_964 : vector<16xi32>
        %bitcast_convert_type3A_966 = tpu.bitcast %shift_left3A_965 : vector<16xi32> -> vector<16xf32>
        %and3A_967 = arith.constant -65536 : i32
        %and3A_968 = vector.broadcast %and3A_967 : i32 to vector<16xi32>
        %and3A_969 = arith.andi %get3A_962, %and3A_968 : vector<16xi32>
        %bitcast_convert_type3A_970 = tpu.bitcast %and3A_969 : vector<16xi32> -> vector<16xf32>
        %add3A_971 = arith.constant 0 : i32
        %add3A_972 = arith.addi %add3A_971, %scan3A_910 : i32
        %get3A_973 = arith.constant 0 : i32
        %get3A_974 = arith.index_cast %get3A_973 : i32 to index
        %get3A_975 = arith.index_cast %add3A_972 : i32 to index
        %get3A_976 = arith.constant 32 : index
        %get3A_977 = tpu.vector_load %arg17[%get3A_974, %get3A_975, %get3A_976] {strides = array<i32>} : memref<2x80x128xf32, #tpu.memory_space<vmem>>, vector<1x1x16xf32>,
        %get3A_978 = vector.shape_cast %get3A_977 : vector<1x1x16xf32> to vector<16xf32>
        %mul3A_979 = arith.mulf %get3A_978, %bitcast_convert_type3A_966 : vector<16xf32>
        %add3A_980 = arith.constant 0 : i32
        %add3A_981 = arith.addi %add3A_980, %scan3A_910 : i32
        %swap3A_982 = arith.constant 0 : i32
        %swap3A_983 = arith.index_cast %swap3A_982 : i32 to index
        %swap3A_984 = arith.index_cast %add3A_981 : i32 to index
        %swap3A_985 = arith.constant 32 : index
        %swap3A_986 = tpu.vector_load %arg17[%swap3A_983, %swap3A_984, %swap3A_985] {strides = array<i32>} : memref<2x80x128xf32, #tpu.memory_space<vmem>>, vector<1x1x16xf32>,
        %swap3A_987 = vector.shape_cast %swap3A_986 : vector<1x1x16xf32> to vector<16xf32>
        %swap3A_988 = vector.shape_cast %mul3A_979 : vector<16xf32> to vector<1x1x16xf32>
        tpu.vector_store %arg17[%swap3A_983, %swap3A_984, %swap3A_985], %swap3A_988 {strides = array<i32>} : memref<2x80x128xf32, #tpu.memory_space<vmem>>, vector<1x1x16xf32>,
        %add3A_989 = arith.constant 0 : i32
        %add3A_990 = arith.addi %add3A_989, %scan3A_910 : i32
        %get3A_991 = arith.constant 0 : i32
        %get3A_992 = arith.index_cast %get3A_991 : i32 to index
        %get3A_993 = arith.index_cast %add3A_990 : i32 to index
        %get3A_994 = arith.constant 48 : index
        %get3A_995 = tpu.vector_load %arg17[%get3A_992, %get3A_993, %get3A_994] {strides = array<i32>} : memref<2x80x128xf32, #tpu.memory_space<vmem>>, vector<1x1x16xf32>,
        %get3A_996 = vector.shape_cast %get3A_995 : vector<1x1x16xf32> to vector<16xf32>
        %mul3A_997 = arith.mulf %get3A_996, %bitcast_convert_type3A_970 : vector<16xf32>
        %add3A_998 = arith.constant 0 : i32
        %add3A_999 = arith.addi %add3A_998, %scan3A_910 : i32
        %swap3A_1000 = arith.constant 0 : i32
        %swap3A_1001 = arith.index_cast %swap3A_1000 : i32 to index
        %swap3A_1002 = arith.index_cast %add3A_999 : i32 to index
        %swap3A_1003 = arith.constant 48 : index
        %swap3A_1004 = tpu.vector_load %arg17[%swap3A_1001, %swap3A_1002, %swap3A_1003] {strides = array<i32>} : memref<2x80x128xf32, #tpu.memory_space<vmem>>, vector<1x1x16xf32>,
        %swap3A_1005 = vector.shape_cast %swap3A_1004 : vector<1x1x16xf32> to vector<16xf32>
        %swap3A_1006 = vector.shape_cast %mul3A_997 : vector<16xf32> to vector<1x1x16xf32>
        tpu.vector_store %arg17[%swap3A_1001, %swap3A_1002, %swap3A_1003], %swap3A_1006 {strides = array<i32>} : memref<2x80x128xf32, #tpu.memory_space<vmem>>, vector<1x1x16xf32>,
        %get3A_1007 = arith.constant 0 : i32
        %get3A_1008 = arith.index_cast %get3A_1007 : i32 to index
        %get3A_1009 = arith.index_cast %scan3A_910 : i32 to index
        %get3A_1010 = arith.constant 32 : index
        %get3A_1011 = tpu.vector_load %arg18[%get3A_1008, %get3A_1009, %get3A_1010] {strides = array<i32>} : memref<2x40x128xi32, #tpu.memory_space<vmem>>, vector<1x1x16xi32>,
        %get3A_1012 = vector.shape_cast %get3A_1011 : vector<1x1x16xi32> to vector<16xi32>
        %shift_left3A_1013 = arith.constant 16 : i32
        %shift_left3A_1014 = vector.broadcast %shift_left3A_1013 : i32 to vector<16xi32>
        %shift_left3A_1015 = arith.shli %get3A_1012, %shift_left3A_1014 : vector<16xi32>
        %bitcast_convert_type3A_1016 = tpu.bitcast %shift_left3A_1015 : vector<16xi32> -> vector<16xf32>
        %and3A_1017 = arith.constant -65536 : i32
        %and3A_1018 = vector.broadcast %and3A_1017 : i32 to vector<16xi32>
        %and3A_1019 = arith.andi %get3A_1012, %and3A_1018 : vector<16xi32>
        %bitcast_convert_type3A_1020 = tpu.bitcast %and3A_1019 : vector<16xi32> -> vector<16xf32>
        %add3A_1021 = arith.constant 0 : i32
        %add3A_1022 = arith.addi %add3A_1021, %scan3A_910 : i32
        %get3A_1023 = arith.constant 0 : i32
        %get3A_1024 = arith.index_cast %get3A_1023 : i32 to index
        %get3A_1025 = arith.index_cast %add3A_1022 : i32 to index
        %get3A_1026 = arith.constant 64 : index
        %get3A_1027 = tpu.vector_load %arg17[%get3A_1024, %get3A_1025, %get3A_1026] {strides = array<i32>} : memref<2x80x128xf32, #tpu.memory_space<vmem>>, vector<1x1x16xf32>,
        %get3A_1028 = vector.shape_cast %get3A_1027 : vector<1x1x16xf32> to vector<16xf32>
        %mul3A_1029 = arith.mulf %get3A_1028, %bitcast_convert_type3A_1016 : vector<16xf32>
        %add3A_1030 = arith.constant 0 : i32
        %add3A_1031 = arith.addi %add3A_1030, %scan3A_910 : i32
        %swap3A_1032 = arith.constant 0 : i32
        %swap3A_1033 = arith.index_cast %swap3A_1032 : i32 to index
        %swap3A_1034 = arith.index_cast %add3A_1031 : i32 to index
        %swap3A_1035 = arith.constant 64 : index
        %swap3A_1036 = tpu.vector_load %arg17[%swap3A_1033, %swap3A_1034, %swap3A_1035] {strides = array<i32>} : memref<2x80x128xf32, #tpu.memory_space<vmem>>, vector<1x1x16xf32>,
        %swap3A_1037 = vector.shape_cast %swap3A_1036 : vector<1x1x16xf32> to vector<16xf32>
        %swap3A_1038 = vector.shape_cast %mul3A_1029 : vector<16xf32> to vector<1x1x16xf32>
        tpu.vector_store %arg17[%swap3A_1033, %swap3A_1034, %swap3A_1035], %swap3A_1038 {strides = array<i32>} : memref<2x80x128xf32, #tpu.memory_space<vmem>>, vector<1x1x16xf32>,
        %add3A_1039 = arith.constant 0 : i32
        %add3A_1040 = arith.addi %add3A_1039, %scan3A_910 : i32
        %get3A_1041 = arith.constant 0 : i32
        %get3A_1042 = arith.index_cast %get3A_1041 : i32 to index
        %get3A_1043 = arith.index_cast %add3A_1040 : i32 to index
        %get3A_1044 = arith.constant 80 : index
        %get3A_1045 = tpu.vector_load %arg17[%get3A_1042, %get3A_1043, %get3A_1044] {strides = array<i32>} : memref<2x80x128xf32, #tpu.memory_space<vmem>>, vector<1x1x16xf32>,
        %get3A_1046 = vector.shape_cast %get3A_1045 : vector<1x1x16xf32> to vector<16xf32>
        %mul3A_1047 = arith.mulf %get3A_1046, %bitcast_convert_type3A_1020 : vector<16xf32>
        %add3A_1048 = arith.constant 0 : i32
        %add3A_1049 = arith.addi %add3A_1048, %scan3A_910 : i32
        %swap3A_1050 = arith.constant 0 : i32
        %swap3A_1051 = arith.index_cast %swap3A_1050 : i32 to index
        %swap3A_1052 = arith.index_cast %add3A_1049 : i32 to index
        %swap3A_1053 = arith.constant 80 : index
        %swap3A_1054 = tpu.vector_load %arg17[%swap3A_1051, %swap3A_1052, %swap3A_1053] {strides = array<i32>} : memref<2x80x128xf32, #tpu.memory_space<vmem>>, vector<1x1x16xf32>,
        %swap3A_1055 = vector.shape_cast %swap3A_1054 : vector<1x1x16xf32> to vector<16xf32>
        %swap3A_1056 = vector.shape_cast %mul3A_1047 : vector<16xf32> to vector<1x1x16xf32>
        tpu.vector_store %arg17[%swap3A_1051, %swap3A_1052, %swap3A_1053], %swap3A_1056 {strides = array<i32>} : memref<2x80x128xf32, #tpu.memory_space<vmem>>, vector<1x1x16xf32>,
        %get3A_1057 = arith.constant 0 : i32
        %get3A_1058 = arith.index_cast %get3A_1057 : i32 to index
        %get3A_1059 = arith.index_cast %scan3A_910 : i32 to index
        %get3A_1060 = arith.constant 48 : index
        %get3A_1061 = tpu.vector_load %arg18[%get3A_1058, %get3A_1059, %get3A_1060] {strides = array<i32>} : memref<2x40x128xi32, #tpu.memory_space<vmem>>, vector<1x1x16xi32>,
        %get3A_1062 = vector.shape_cast %get3A_1061 : vector<1x1x16xi32> to vector<16xi32>
        %shift_left3A_1063 = arith.constant 16 : i32
        %shift_left3A_1064 = vector.broadcast %shift_left3A_1063 : i32 to vector<16xi32>
        %shift_left3A_1065 = arith.shli %get3A_1062, %shift_left3A_1064 : vector<16xi32>
        %bitcast_convert_type3A_1066 = tpu.bitcast %shift_left3A_1065 : vector<16xi32> -> vector<16xf32>
        %and3A_1067 = arith.constant -65536 : i32
        %and3A_1068 = vector.broadcast %and3A_1067 : i32 to vector<16xi32>
        %and3A_1069 = arith.andi %get3A_1062, %and3A_1068 : vector<16xi32>
        %bitcast_convert_type3A_1070 = tpu.bitcast %and3A_1069 : vector<16xi32> -> vector<16xf32>
        %add3A_1071 = arith.constant 0 : i32
        %add3A_1072 = arith.addi %add3A_1071, %scan3A_910 : i32
        %get3A_1073 = arith.constant 0 : i32
        %get3A_1074 = arith.index_cast %get3A_1073 : i32 to index
        %get3A_1075 = arith.index_cast %add3A_1072 : i32 to index
        %get3A_1076 = arith.constant 96 : index
        %get3A_1077 = tpu.vector_load %arg17[%get3A_1074, %get3A_1075, %get3A_1076] {strides = array<i32>} : memref<2x80x128xf32, #tpu.memory_space<vmem>>, vector<1x1x16xf32>,
        %get3A_1078 = vector.shape_cast %get3A_1077 : vector<1x1x16xf32> to vector<16xf32>
        %mul3A_1079 = arith.mulf %get3A_1078, %bitcast_convert_type3A_1066 : vector<16xf32>
        %add3A_1080 = arith.constant 0 : i32
        %add3A_1081 = arith.addi %add3A_1080, %scan3A_910 : i32
        %swap3A_1082 = arith.constant 0 : i32
        %swap3A_1083 = arith.index_cast %swap3A_1082 : i32 to index
        %swap3A_1084 = arith.index_cast %add3A_1081 : i32 to index
        %swap3A_1085 = arith.constant 96 : index
        %swap3A_1086 = tpu.vector_load %arg17[%swap3A_1083, %swap3A_1084, %swap3A_1085] {strides = array<i32>} : memref<2x80x128xf32, #tpu.memory_space<vmem>>, vector<1x1x16xf32>,
        %swap3A_1087 = vector.shape_cast %swap3A_1086 : vector<1x1x16xf32> to vector<16xf32>
        %swap3A_1088 = vector.shape_cast %mul3A_1079 : vector<16xf32> to vector<1x1x16xf32>
        tpu.vector_store %arg17[%swap3A_1083, %swap3A_1084, %swap3A_1085], %swap3A_1088 {strides = array<i32>} : memref<2x80x128xf32, #tpu.memory_space<vmem>>, vector<1x1x16xf32>,
        %add3A_1089 = arith.constant 0 : i32
        %add3A_1090 = arith.addi %add3A_1089, %scan3A_910 : i32
        %get3A_1091 = arith.constant 0 : i32
        %get3A_1092 = arith.index_cast %get3A_1091 : i32 to index
        %get3A_1093 = arith.index_cast %add3A_1090 : i32 to index
        %get3A_1094 = arith.constant 112 : index
        %get3A_1095 = tpu.vector_load %arg17[%get3A_1092, %get3A_1093, %get3A_1094] {strides = array<i32>} : memref<2x80x128xf32, #tpu.memory_space<vmem>>, vector<1x1x16xf32>,
        %get3A_1096 = vector.shape_cast %get3A_1095 : vector<1x1x16xf32> to vector<16xf32>
        %mul3A_1097 = arith.mulf %get3A_1096, %bitcast_convert_type3A_1070 : vector<16xf32>
        %add3A_1098 = arith.constant 0 : i32
        %add3A_1099 = arith.addi %add3A_1098, %scan3A_910 : i32
        %swap3A_1100 = arith.constant 0 : i32
        %swap3A_1101 = arith.index_cast %swap3A_1100 : i32 to index
        %swap3A_1102 = arith.index_cast %add3A_1099 : i32 to index
        %swap3A_1103 = arith.constant 112 : index
        %swap3A_1104 = tpu.vector_load %arg17[%swap3A_1101, %swap3A_1102, %swap3A_1103] {strides = array<i32>} : memref<2x80x128xf32, #tpu.memory_space<vmem>>, vector<1x1x16xf32>,
        %swap3A_1105 = vector.shape_cast %swap3A_1104 : vector<1x1x16xf32> to vector<16xf32>
        %swap3A_1106 = vector.shape_cast %mul3A_1097 : vector<16xf32> to vector<1x1x16xf32>
        tpu.vector_store %arg17[%swap3A_1101, %swap3A_1102, %swap3A_1103], %swap3A_1106 {strides = array<i32>} : memref<2x80x128xf32, #tpu.memory_space<vmem>>, vector<1x1x16xf32>,
        %get3A_1107 = arith.constant 0 : i32
        %get3A_1108 = arith.index_cast %get3A_1107 : i32 to index
        %get3A_1109 = arith.index_cast %scan3A_910 : i32 to index
        %get3A_1110 = arith.constant 64 : index
        %get3A_1111 = tpu.vector_load %arg18[%get3A_1108, %get3A_1109, %get3A_1110] {strides = array<i32>} : memref<2x40x128xi32, #tpu.memory_space<vmem>>, vector<1x1x16xi32>,
        %get3A_1112 = vector.shape_cast %get3A_1111 : vector<1x1x16xi32> to vector<16xi32>
        %shift_left3A_1113 = arith.constant 16 : i32
        %shift_left3A_1114 = vector.broadcast %shift_left3A_1113 : i32 to vector<16xi32>
        %shift_left3A_1115 = arith.shli %get3A_1112, %shift_left3A_1114 : vector<16xi32>
        %bitcast_convert_type3A_1116 = tpu.bitcast %shift_left3A_1115 : vector<16xi32> -> vector<16xf32>
        %and3A_1117 = arith.constant -65536 : i32
        %and3A_1118 = vector.broadcast %and3A_1117 : i32 to vector<16xi32>
        %and3A_1119 = arith.andi %get3A_1112, %and3A_1118 : vector<16xi32>
        %bitcast_convert_type3A_1120 = tpu.bitcast %and3A_1119 : vector<16xi32> -> vector<16xf32>
        %add3A_1121 = arith.constant 40 : i32
        %add3A_1122 = arith.addi %add3A_1121, %scan3A_910 : i32
        %get3A_1123 = arith.constant 0 : i32
        %get3A_1124 = arith.index_cast %get3A_1123 : i32 to index
        %get3A_1125 = arith.index_cast %add3A_1122 : i32 to index
        %get3A_1126 = arith.constant 0 : index
        %get3A_1127 = tpu.vector_load %arg17[%get3A_1124, %get3A_1125, %get3A_1126] {strides = array<i32>} : memref<2x80x128xf32, #tpu.memory_space<vmem>>, vector<1x1x16xf32>,
        %get3A_1128 = vector.shape_cast %get3A_1127 : vector<1x1x16xf32> to vector<16xf32>
        %mul3A_1129 = arith.mulf %get3A_1128, %bitcast_convert_type3A_1116 : vector<16xf32>
        %add3A_1130 = arith.constant 40 : i32
        %add3A_1131 = arith.addi %add3A_1130, %scan3A_910 : i32
        %swap3A_1132 = arith.constant 0 : i32
        %swap3A_1133 = arith.index_cast %swap3A_1132 : i32 to index
        %swap3A_1134 = arith.index_cast %add3A_1131 : i32 to index
        %swap3A_1135 = arith.constant 0 : index
        %swap3A_1136 = tpu.vector_load %arg17[%swap3A_1133, %swap3A_1134, %swap3A_1135] {strides = array<i32>} : memref<2x80x128xf32, #tpu.memory_space<vmem>>, vector<1x1x16xf32>,
        %swap3A_1137 = vector.shape_cast %swap3A_1136 : vector<1x1x16xf32> to vector<16xf32>
        %swap3A_1138 = vector.shape_cast %mul3A_1129 : vector<16xf32> to vector<1x1x16xf32>
        tpu.vector_store %arg17[%swap3A_1133, %swap3A_1134, %swap3A_1135], %swap3A_1138 {strides = array<i32>} : memref<2x80x128xf32, #tpu.memory_space<vmem>>, vector<1x1x16xf32>,
        %add3A_1139 = arith.constant 40 : i32
        %add3A_1140 = arith.addi %add3A_1139, %scan3A_910 : i32
        %get3A_1141 = arith.constant 0 : i32
        %get3A_1142 = arith.index_cast %get3A_1141 : i32 to index
        %get3A_1143 = arith.index_cast %add3A_1140 : i32 to index
        %get3A_1144 = arith.constant 16 : index
        %get3A_1145 = tpu.vector_load %arg17[%get3A_1142, %get3A_1143, %get3A_1144] {strides = array<i32>} : memref<2x80x128xf32, #tpu.memory_space<vmem>>, vector<1x1x16xf32>,
        %get3A_1146 = vector.shape_cast %get3A_1145 : vector<1x1x16xf32> to vector<16xf32>
        %mul3A_1147 = arith.mulf %get3A_1146, %bitcast_convert_type3A_1120 : vector<16xf32>
        %add3A_1148 = arith.constant 40 : i32
        %add3A_1149 = arith.addi %add3A_1148, %scan3A_910 : i32
        %swap3A_1150 = arith.constant 0 : i32
        %swap3A_1151 = arith.index_cast %swap3A_1150 : i32 to index
        %swap3A_1152 = arith.index_cast %add3A_1149 : i32 to index
        %swap3A_1153 = arith.constant 16 : index
        %swap3A_1154 = tpu.vector_load %arg17[%swap3A_1151, %swap3A_1152, %swap3A_1153] {strides = array<i32>} : memref<2x80x128xf32, #tpu.memory_space<vmem>>, vector<1x1x16xf32>,
        %swap3A_1155 = vector.shape_cast %swap3A_1154 : vector<1x1x16xf32> to vector<16xf32>
        %swap3A_1156 = vector.shape_cast %mul3A_1147 : vector<16xf32> to vector<1x1x16xf32>
        tpu.vector_store %arg17[%swap3A_1151, %swap3A_1152, %swap3A_1153], %swap3A_1156 {strides = array<i32>} : memref<2x80x128xf32, #tpu.memory_space<vmem>>, vector<1x1x16xf32>,
        %get3A_1157 = arith.constant 0 : i32
        %get3A_1158 = arith.index_cast %get3A_1157 : i32 to index
        %get3A_1159 = arith.index_cast %scan3A_910 : i32 to index
        %get3A_1160 = arith.constant 80 : index
        %get3A_1161 = tpu.vector_load %arg18[%get3A_1158, %get3A_1159, %get3A_1160] {strides = array<i32>} : memref<2x40x128xi32, #tpu.memory_space<vmem>>, vector<1x1x16xi32>,
        %get3A_1162 = vector.shape_cast %get3A_1161 : vector<1x1x16xi32> to vector<16xi32>
        %shift_left3A_1163 = arith.constant 16 : i32
        %shift_left3A_1164 = vector.broadcast %shift_left3A_1163 : i32 to vector<16xi32>
        %shift_left3A_1165 = arith.shli %get3A_1162, %shift_left3A_1164 : vector<16xi32>
        %bitcast_convert_type3A_1166 = tpu.bitcast %shift_left3A_1165 : vector<16xi32> -> vector<16xf32>
        %and3A_1167 = arith.constant -65536 : i32
        %and3A_1168 = vector.broadcast %and3A_1167 : i32 to vector<16xi32>
        %and3A_1169 = arith.andi %get3A_1162, %and3A_1168 : vector<16xi32>
        %bitcast_convert_type3A_1170 = tpu.bitcast %and3A_1169 : vector<16xi32> -> vector<16xf32>
        %add3A_1171 = arith.constant 40 : i32
        %add3A_1172 = arith.addi %add3A_1171, %scan3A_910 : i32
        %get3A_1173 = arith.constant 0 : i32
        %get3A_1174 = arith.index_cast %get3A_1173 : i32 to index
        %get3A_1175 = arith.index_cast %add3A_1172 : i32 to index
        %get3A_1176 = arith.constant 32 : index
        %get3A_1177 = tpu.vector_load %arg17[%get3A_1174, %get3A_1175, %get3A_1176] {strides = array<i32>} : memref<2x80x128xf32, #tpu.memory_space<vmem>>, vector<1x1x16xf32>,
        %get3A_1178 = vector.shape_cast %get3A_1177 : vector<1x1x16xf32> to vector<16xf32>
        %mul3A_1179 = arith.mulf %get3A_1178, %bitcast_convert_type3A_1166 : vector<16xf32>
        %add3A_1180 = arith.constant 40 : i32
        %add3A_1181 = arith.addi %add3A_1180, %scan3A_910 : i32
        %swap3A_1182 = arith.constant 0 : i32
        %swap3A_1183 = arith.index_cast %swap3A_1182 : i32 to index
        %swap3A_1184 = arith.index_cast %add3A_1181 : i32 to index
        %swap3A_1185 = arith.constant 32 : index
        %swap3A_1186 = tpu.vector_load %arg17[%swap3A_1183, %swap3A_1184, %swap3A_1185] {strides = array<i32>} : memref<2x80x128xf32, #tpu.memory_space<vmem>>, vector<1x1x16xf32>,
        %swap3A_1187 = vector.shape_cast %swap3A_1186 : vector<1x1x16xf32> to vector<16xf32>
        %swap3A_1188 = vector.shape_cast %mul3A_1179 : vector<16xf32> to vector<1x1x16xf32>
        tpu.vector_store %arg17[%swap3A_1183, %swap3A_1184, %swap3A_1185], %swap3A_1188 {strides = array<i32>} : memref<2x80x128xf32, #tpu.memory_space<vmem>>, vector<1x1x16xf32>,
        %add3A_1189 = arith.constant 40 : i32
        %add3A_1190 = arith.addi %add3A_1189, %scan3A_910 : i32
        %get3A_1191 = arith.constant 0 : i32
        %get3A_1192 = arith.index_cast %get3A_1191 : i32 to index
        %get3A_1193 = arith.index_cast %add3A_1190 : i32 to index
        %get3A_1194 = arith.constant 48 : index
        %get3A_1195 = tpu.vector_load %arg17[%get3A_1192, %get3A_1193, %get3A_1194] {strides = array<i32>} : memref<2x80x128xf32, #tpu.memory_space<vmem>>, vector<1x1x16xf32>,
        %get3A_1196 = vector.shape_cast %get3A_1195 : vector<1x1x16xf32> to vector<16xf32>
        %mul3A_1197 = arith.mulf %get3A_1196, %bitcast_convert_type3A_1170 : vector<16xf32>
        %add3A_1198 = arith.constant 40 : i32
        %add3A_1199 = arith.addi %add3A_1198, %scan3A_910 : i32
        %swap3A_1200 = arith.constant 0 : i32
        %swap3A_1201 = arith.index_cast %swap3A_1200 : i32 to index
        %swap3A_1202 = arith.index_cast %add3A_1199 : i32 to index
        %swap3A_1203 = arith.constant 48 : index
        %swap3A_1204 = tpu.vector_load %arg17[%swap3A_1201, %swap3A_1202, %swap3A_1203] {strides = array<i32>} : memref<2x80x128xf32, #tpu.memory_space<vmem>>, vector<1x1x16xf32>,
        %swap3A_1205 = vector.shape_cast %swap3A_1204 : vector<1x1x16xf32> to vector<16xf32>
        %swap3A_1206 = vector.shape_cast %mul3A_1197 : vector<16xf32> to vector<1x1x16xf32>
        tpu.vector_store %arg17[%swap3A_1201, %swap3A_1202, %swap3A_1203], %swap3A_1206 {strides = array<i32>} : memref<2x80x128xf32, #tpu.memory_space<vmem>>, vector<1x1x16xf32>,
        %get3A_1207 = arith.constant 0 : i32
        %get3A_1208 = arith.index_cast %get3A_1207 : i32 to index
        %get3A_1209 = arith.index_cast %scan3A_910 : i32 to index
        %get3A_1210 = arith.constant 96 : index
        %get3A_1211 = tpu.vector_load %arg18[%get3A_1208, %get3A_1209, %get3A_1210] {strides = array<i32>} : memref<2x40x128xi32, #tpu.memory_space<vmem>>, vector<1x1x16xi32>,
        %get3A_1212 = vector.shape_cast %get3A_1211 : vector<1x1x16xi32> to vector<16xi32>
        %shift_left3A_1213 = arith.constant 16 : i32
        %shift_left3A_1214 = vector.broadcast %shift_left3A_1213 : i32 to vector<16xi32>
        %shift_left3A_1215 = arith.shli %get3A_1212, %shift_left3A_1214 : vector<16xi32>
        %bitcast_convert_type3A_1216 = tpu.bitcast %shift_left3A_1215 : vector<16xi32> -> vector<16xf32>
        %and3A_1217 = arith.constant -65536 : i32
        %and3A_1218 = vector.broadcast %and3A_1217 : i32 to vector<16xi32>
        %and3A_1219 = arith.andi %get3A_1212, %and3A_1218 : vector<16xi32>
        %bitcast_convert_type3A_1220 = tpu.bitcast %and3A_1219 : vector<16xi32> -> vector<16xf32>
        %add3A_1221 = arith.constant 40 : i32
        %add3A_1222 = arith.addi %add3A_1221, %scan3A_910 : i32
        %get3A_1223 = arith.constant 0 : i32
        %get3A_1224 = arith.index_cast %get3A_1223 : i32 to index
        %get3A_1225 = arith.index_cast %add3A_1222 : i32 to index
        %get3A_1226 = arith.constant 64 : index
        %get3A_1227 = tpu.vector_load %arg17[%get3A_1224, %get3A_1225, %get3A_1226] {strides = array<i32>} : memref<2x80x128xf32, #tpu.memory_space<vmem>>, vector<1x1x16xf32>,
        %get3A_1228 = vector.shape_cast %get3A_1227 : vector<1x1x16xf32> to vector<16xf32>
        %mul3A_1229 = arith.mulf %get3A_1228, %bitcast_convert_type3A_1216 : vector<16xf32>
        %add3A_1230 = arith.constant 40 : i32
        %add3A_1231 = arith.addi %add3A_1230, %scan3A_910 : i32
        %swap3A_1232 = arith.constant 0 : i32
        %swap3A_1233 = arith.index_cast %swap3A_1232 : i32 to index
        %swap3A_1234 = arith.index_cast %add3A_1231 : i32 to index
        %swap3A_1235 = arith.constant 64 : index
        %swap3A_1236 = tpu.vector_load %arg17[%swap3A_1233, %swap3A_1234, %swap3A_1235] {strides = array<i32>} : memref<2x80x128xf32, #tpu.memory_space<vmem>>, vector<1x1x16xf32>,
        %swap3A_1237 = vector.shape_cast %swap3A_1236 : vector<1x1x16xf32> to vector<16xf32>
        %swap3A_1238 = vector.shape_cast %mul3A_1229 : vector<16xf32> to vector<1x1x16xf32>
        tpu.vector_store %arg17[%swap3A_1233, %swap3A_1234, %swap3A_1235], %swap3A_1238 {strides = array<i32>} : memref<2x80x128xf32, #tpu.memory_space<vmem>>, vector<1x1x16xf32>,
        %add3A_1239 = arith.constant 40 : i32
        %add3A_1240 = arith.addi %add3A_1239, %scan3A_910 : i32
        %get3A_1241 = arith.constant 0 : i32
        %get3A_1242 = arith.index_cast %get3A_1241 : i32 to index
        %get3A_1243 = arith.index_cast %add3A_1240 : i32 to index
        %get3A_1244 = arith.constant 80 : index
        %get3A_1245 = tpu.vector_load %arg17[%get3A_1242, %get3A_1243, %get3A_1244] {strides = array<i32>} : memref<2x80x128xf32, #tpu.memory_space<vmem>>, vector<1x1x16xf32>,
        %get3A_1246 = vector.shape_cast %get3A_1245 : vector<1x1x16xf32> to vector<16xf32>
        %mul3A_1247 = arith.mulf %get3A_1246, %bitcast_convert_type3A_1220 : vector<16xf32>
        %add3A_1248 = arith.constant 40 : i32
        %add3A_1249 = arith.addi %add3A_1248, %scan3A_910 : i32
        %swap3A_1250 = arith.constant 0 : i32
        %swap3A_1251 = arith.index_cast %swap3A_1250 : i32 to index
        %swap3A_1252 = arith.index_cast %add3A_1249 : i32 to index
        %swap3A_1253 = arith.constant 80 : index
        %swap3A_1254 = tpu.vector_load %arg17[%swap3A_1251, %swap3A_1252, %swap3A_1253] {strides = array<i32>} : memref<2x80x128xf32, #tpu.memory_space<vmem>>, vector<1x1x16xf32>,
        %swap3A_1255 = vector.shape_cast %swap3A_1254 : vector<1x1x16xf32> to vector<16xf32>
        %swap3A_1256 = vector.shape_cast %mul3A_1247 : vector<16xf32> to vector<1x1x16xf32>
        tpu.vector_store %arg17[%swap3A_1251, %swap3A_1252, %swap3A_1253], %swap3A_1256 {strides = array<i32>} : memref<2x80x128xf32, #tpu.memory_space<vmem>>, vector<1x1x16xf32>,
        %get3A_1257 = arith.constant 0 : i32
        %get3A_1258 = arith.index_cast %get3A_1257 : i32 to index
        %get3A_1259 = arith.index_cast %scan3A_910 : i32 to index
        %get3A_1260 = arith.constant 112 : index
        %get3A_1261 = tpu.vector_load %arg18[%get3A_1258, %get3A_1259, %get3A_1260] {strides = array<i32>} : memref<2x40x128xi32, #tpu.memory_space<vmem>>, vector<1x1x16xi32>,
        %get3A_1262 = vector.shape_cast %get3A_1261 : vector<1x1x16xi32> to vector<16xi32>
        %shift_left3A_1263 = arith.constant 16 : i32
        %shift_left3A_1264 = vector.broadcast %shift_left3A_1263 : i32 to vector<16xi32>
        %shift_left3A_1265 = arith.shli %get3A_1262, %shift_left3A_1264 : vector<16xi32>
        %bitcast_convert_type3A_1266 = tpu.bitcast %shift_left3A_1265 : vector<16xi32> -> vector<16xf32>
        %and3A_1267 = arith.constant -65536 : i32
        %and3A_1268 = vector.broadcast %and3A_1267 : i32 to vector<16xi32>
        %and3A_1269 = arith.andi %get3A_1262, %and3A_1268 : vector<16xi32>
        %bitcast_convert_type3A_1270 = tpu.bitcast %and3A_1269 : vector<16xi32> -> vector<16xf32>
        %add3A_1271 = arith.constant 40 : i32
        %add3A_1272 = arith.addi %add3A_1271, %scan3A_910 : i32
        %get3A_1273 = arith.constant 0 : i32
        %get3A_1274 = arith.index_cast %get3A_1273 : i32 to index
        %get3A_1275 = arith.index_cast %add3A_1272 : i32 to index
        %get3A_1276 = arith.constant 96 : index
        %get3A_1277 = tpu.vector_load %arg17[%get3A_1274, %get3A_1275, %get3A_1276] {strides = array<i32>} : memref<2x80x128xf32, #tpu.memory_space<vmem>>, vector<1x1x16xf32>,
        %get3A_1278 = vector.shape_cast %get3A_1277 : vector<1x1x16xf32> to vector<16xf32>
        %mul3A_1279 = arith.mulf %get3A_1278, %bitcast_convert_type3A_1266 : vector<16xf32>
        %add3A_1280 = arith.constant 40 : i32
        %add3A_1281 = arith.addi %add3A_1280, %scan3A_910 : i32
        %swap3A_1282 = arith.constant 0 : i32
        %swap3A_1283 = arith.index_cast %swap3A_1282 : i32 to index
        %swap3A_1284 = arith.index_cast %add3A_1281 : i32 to index
        %swap3A_1285 = arith.constant 96 : index
        %swap3A_1286 = tpu.vector_load %arg17[%swap3A_1283, %swap3A_1284, %swap3A_1285] {strides = array<i32>} : memref<2x80x128xf32, #tpu.memory_space<vmem>>, vector<1x1x16xf32>,
        %swap3A_1287 = vector.shape_cast %swap3A_1286 : vector<1x1x16xf32> to vector<16xf32>
        %swap3A_1288 = vector.shape_cast %mul3A_1279 : vector<16xf32> to vector<1x1x16xf32>
        tpu.vector_store %arg17[%swap3A_1283, %swap3A_1284, %swap3A_1285], %swap3A_1288 {strides = array<i32>} : memref<2x80x128xf32, #tpu.memory_space<vmem>>, vector<1x1x16xf32>,
        %add3A_1289 = arith.constant 40 : i32
        %add3A_1290 = arith.addi %add3A_1289, %scan3A_910 : i32
        %get3A_1291 = arith.constant 0 : i32
        %get3A_1292 = arith.index_cast %get3A_1291 : i32 to index
        %get3A_1293 = arith.index_cast %add3A_1290 : i32 to index
        %get3A_1294 = arith.constant 112 : index
        %get3A_1295 = tpu.vector_load %arg17[%get3A_1292, %get3A_1293, %get3A_1294] {strides = array<i32>} : memref<2x80x128xf32, #tpu.memory_space<vmem>>, vector<1x1x16xf32>,
        %get3A_1296 = vector.shape_cast %get3A_1295 : vector<1x1x16xf32> to vector<16xf32>
        %mul3A_1297 = arith.mulf %get3A_1296, %bitcast_convert_type3A_1270 : vector<16xf32>
        %add3A_1298 = arith.constant 40 : i32
        %add3A_1299 = arith.addi %add3A_1298, %scan3A_910 : i32
        %swap3A_1300 = arith.constant 0 : i32
        %swap3A_1301 = arith.index_cast %swap3A_1300 : i32 to index
        %swap3A_1302 = arith.index_cast %add3A_1299 : i32 to index
        %swap3A_1303 = arith.constant 112 : index
        %swap3A_1304 = tpu.vector_load %arg17[%swap3A_1301, %swap3A_1302, %swap3A_1303] {strides = array<i32>} : memref<2x80x128xf32, #tpu.memory_space<vmem>>, vector<1x1x16xf32>,
        %swap3A_1305 = vector.shape_cast %swap3A_1304 : vector<1x1x16xf32> to vector<16xf32>
        %swap3A_1306 = vector.shape_cast %mul3A_1297 : vector<16xf32> to vector<1x1x16xf32>
        tpu.vector_store %arg17[%swap3A_1301, %swap3A_1302, %swap3A_1303], %swap3A_1306 {strides = array<i32>} : memref<2x80x128xf32, #tpu.memory_space<vmem>>, vector<1x1x16xf32>,
      }
      %scan3A_643 = arith.constant 40 : i32
      %run_scoped3A_644 = arith.constant 0 : i32
      "tpu.region"() ({
        %run_scoped3A_910 = tpu.sem_alloc : memref<!tpu.dma_semaphore, #tpu.memory_space<semaphore_mem>>
        %dma_start3A_911 = arith.constant 0 : i32
        %dma_start3A_912 = arith.constant 0 : i32
        %dma_start3A_913 = tpu.memref_slice %arg17[%run_scoped3A_644, %dma_start3A_911, %dma_start3A_912] : memref<2x80x128xf32, #tpu.memory_space<vmem>> -> memref<1x80x128xf32, #tpu.memory_space<vmem>>
        %dma_start3A_914 = tpu.memref_squeeze %dma_start3A_913 : memref<1x80x128xf32, #tpu.memory_space<vmem>> -> memref<80x128xf32, #tpu.memory_space<vmem>>
        %dma_start3A_915 = arith.constant 0 : i32
        %dma_start3A_916 = arith.constant 0 : i32
        %dma_start3A_917 = tpu.memref_slice %arg19[%dma_start3A_915, %dma_start3A_916] : memref<10240x128xf32, #tpu.memory_space<vmem_shared>> -> memref<10240x128xf32, #tpu.memory_space<vmem_shared>>
        tpu.enqueue_indirect_dma source(%dma_start3A_914 : memref<80x128xf32, #tpu.memory_space<vmem>>) target(%dma_start3A_917 : memref<10240x128xf32, #tpu.memory_space<vmem_shared>>) offsets(%arg13 : memref<80xi32, #tpu.memory_space<vmem>>) semaphore(%run_scoped3A_910 : memref<!tpu.dma_semaphore, #tpu.memory_space<semaphore_mem>>) {add = true}
        %dma_wait3A_918 = arith.constant 0 : i32
        %dma_wait3A_919 = arith.constant 0 : i32
        %dma_wait3A_920 = tpu.memref_slice %arg17[%run_scoped3A_644, %dma_wait3A_918, %dma_wait3A_919] : memref<2x80x128xf32, #tpu.memory_space<vmem>> -> memref<1x80x128xf32, #tpu.memory_space<vmem>>
        %dma_wait3A_921 = tpu.memref_squeeze %dma_wait3A_920 : memref<1x80x128xf32, #tpu.memory_space<vmem>> -> memref<80x128xf32, #tpu.memory_space<vmem>>
        %dma_wait3A_922 = arith.constant 0 : i32
        %dma_wait3A_923 = arith.constant 0 : i32
        %dma_wait3A_924 = tpu.memref_slice %arg19[%dma_wait3A_922, %dma_wait3A_923] : memref<10240x128xf32, #tpu.memory_space<vmem_shared>> -> memref<10240x128xf32, #tpu.memory_space<vmem_shared>>
        tpu.wait_indirect_dma semaphore(%run_scoped3A_910 : memref<!tpu.dma_semaphore, #tpu.memory_space<semaphore_mem>>) src(%dma_wait3A_921 : memref<80x128xf32, #tpu.memory_space<vmem>>) dst(%dma_wait3A_924 : memref<10240x128xf32, #tpu.memory_space<vmem_shared>>)
        tpu.yield
      }) : () -> ()
      %add3A_645 = arith.constant 2 : i32
      %add3A_646 = arith.addi %add3A_576, %add3A_645 : i32
      %lt3A = arith.constant 125 : i32
      %lt3A_647 = arith.cmpi slt, %add3A_646, %lt3A : i32
      %convert_element_type3A_648 = arith.extui %lt3A_647 : i1 to i32
      %cond3A_649 = arith.constant 0 : i32
      %cond3A_650 = arith.cmpi ne, %convert_element_type3A_648, %cond3A_649 : i32
      scf.if %cond3A_650 {
        %add3A_910 = arith.constant 2 : i32
        %add3A_911 = arith.addi %add3A_576, %add3A_910 : i32
        %mul3A_912 = arith.constant 5000 : i32
        %mul3A_913 = arith.muli %add3A, %mul3A_912 : i32
        %mul3A_914 = arith.constant 40 : i32
        %mul3A_915 = arith.muli %add3A_911, %mul3A_914 : i32
        %add3A_916 = arith.addi %mul3A_913, %mul3A_915 : i32
        %multiple_of3A_917 = tpu.assume_multiple %add3A_916, 8 : i32
        %jit3A_918 = arith.constant 6400 : i32
        %div3A_919 = arith.divsi %multiple_of3A_917, %jit3A_918 : i32
        %sign3A_920 = arith.constant 0 : i32
        %sign3A_921 = arith.cmpi sgt, %multiple_of3A_917, %sign3A_920 : i32
        %sign3A_922 = arith.extui %sign3A_921 : i1 to i32
        %sign3A_923 = arith.constant 0 : i32
        %sign3A_924 = arith.cmpi slt, %multiple_of3A_917, %sign3A_923 : i32
        %sign3A_925 = arith.extui %sign3A_924 : i1 to i32
        %sign3A_926 = arith.subi %sign3A_922, %sign3A_925 : i32
        %sign3A_927 = arith.constant 0 : i32
        %sign3A_928 = arith.cmpi sgt, %jit3A_918, %sign3A_927 : i32
        %sign3A_929 = arith.extui %sign3A_928 : i1 to i32
        %sign3A_930 = arith.constant 0 : i32
        %sign3A_931 = arith.cmpi slt, %jit3A_918, %sign3A_930 : i32
        %sign3A_932 = arith.extui %sign3A_931 : i1 to i32
        %sign3A_933 = arith.subi %sign3A_929, %sign3A_932 : i32
        %ne3A_934 = arith.cmpi ne, %sign3A_926, %sign3A_933 : i32
        %rem3A_935 = arith.remsi %multiple_of3A_917, %jit3A_918 : i32
        %ne3A_936 = arith.constant 0 : i32
        %ne3A_937 = arith.cmpi ne, %rem3A_935, %ne3A_936 : i32
        %and3A_938 = arith.andi %ne3A_934, %ne3A_937 : i1
        %sub3A_939 = arith.constant 1 : i32
        %sub3A_940 = arith.subi %div3A_919, %sub3A_939 : i32
        %select_n3A_941 = arith.select %and3A_938, %sub3A_940, %div3A_919 : i32
        %mul3A_942 = arith.constant 6400 : i32
        %mul3A_943 = arith.muli %select_n3A_941, %mul3A_942 : i32
        %sub3A_944 = arith.subi %multiple_of3A_917, %mul3A_943 : i32
        %mul3A_945 = arith.constant 12800 : i32
        %mul3A_946 = arith.muli %select_n3A_941, %mul3A_945 : i32
        %add3A_947 = arith.addi %mul3A_946, %sub3A_944 : i32
        %multiple_of3A_948 = tpu.assume_multiple %add3A_947, 8 : i32
        %add3A_949 = arith.constant 6400 : i32
        %add3A_950 = arith.addi %multiple_of3A_948, %add3A_949 : i32
        %multiple_of3A_951 = tpu.assume_multiple %add3A_950, 8 : i32
        %dma_wait3A_952 = arith.constant 0 : i32
        %dma_wait3A_953 = tpu.memref_slice %arg11[%dma_wait3A_952] : memref<80xi32, #tpu.memory_space<vmem>> -> memref<40xi32, #tpu.memory_space<vmem>>
        %dma_wait3A_954 = tpu.memref_slice %arg4[%multiple_of3A_948] : memref<320000xi32, #tpu.memory_space<hbm>> -> memref<40xi32, #tpu.memory_space<hbm>>
        %dma_wait3A_955 = arith.constant 0 : i32
        %dma_wait3A_956 = tpu.memref_slice %arg11[%dma_wait3A_955] : memref<80xi32, #tpu.memory_space<vmem>> -> memref<40xi32, #tpu.memory_space<vmem>>
        %dma_wait3A_957 = tpu.memref_slice %arg4[%multiple_of3A_948] : memref<320000xi32, #tpu.memory_space<hbm>> -> memref<40xi32, #tpu.memory_space<hbm>>
        tpu.wait_dma2 semaphore(%arg26 : memref<!tpu.dma_semaphore, #tpu.memory_space<semaphore_mem>>) src(%dma_wait3A_957 : memref<40xi32, #tpu.memory_space<hbm>>) dst(%dma_wait3A_956 : memref<40xi32, #tpu.memory_space<vmem>>)
        %dma_wait3A_958 = arith.constant 40 : i32
        %dma_wait3A_959 = tpu.memref_slice %arg11[%dma_wait3A_958] : memref<80xi32, #tpu.memory_space<vmem>> -> memref<40xi32, #tpu.memory_space<vmem>>
        %dma_wait3A_960 = tpu.memref_slice %arg4[%multiple_of3A_951] : memref<320000xi32, #tpu.memory_space<hbm>> -> memref<40xi32, #tpu.memory_space<hbm>>
        %dma_wait3A_961 = arith.constant 40 : i32
        %dma_wait3A_962 = tpu.memref_slice %arg11[%dma_wait3A_961] : memref<80xi32, #tpu.memory_space<vmem>> -> memref<40xi32, #tpu.memory_space<vmem>>
        %dma_wait3A_963 = tpu.memref_slice %arg4[%multiple_of3A_951] : memref<320000xi32, #tpu.memory_space<hbm>> -> memref<40xi32, #tpu.memory_space<hbm>>
        tpu.wait_dma2 semaphore(%arg26 : memref<!tpu.dma_semaphore, #tpu.memory_space<semaphore_mem>>) src(%dma_wait3A_963 : memref<40xi32, #tpu.memory_space<hbm>>) dst(%dma_wait3A_962 : memref<40xi32, #tpu.memory_space<vmem>>)
        %dma_wait3A_964 = arith.constant 0 : i32
        %dma_wait3A_965 = tpu.memref_slice %arg15[%dma_wait3A_964] : memref<80xi32, #tpu.memory_space<vmem>> -> memref<40xi32, #tpu.memory_space<vmem>>
        %dma_wait3A_966 = tpu.memref_slice %arg5[%multiple_of3A_948] : memref<320000xi32, #tpu.memory_space<hbm>> -> memref<40xi32, #tpu.memory_space<hbm>>
        %dma_wait3A_967 = arith.constant 0 : i32
        %dma_wait3A_968 = tpu.memref_slice %arg15[%dma_wait3A_967] : memref<80xi32, #tpu.memory_space<vmem>> -> memref<40xi32, #tpu.memory_space<vmem>>
        %dma_wait3A_969 = tpu.memref_slice %arg5[%multiple_of3A_948] : memref<320000xi32, #tpu.memory_space<hbm>> -> memref<40xi32, #tpu.memory_space<hbm>>
        tpu.wait_dma2 semaphore(%arg26 : memref<!tpu.dma_semaphore, #tpu.memory_space<semaphore_mem>>) src(%dma_wait3A_969 : memref<40xi32, #tpu.memory_space<hbm>>) dst(%dma_wait3A_968 : memref<40xi32, #tpu.memory_space<vmem>>)
        %dma_wait3A_970 = arith.constant 40 : i32
        %dma_wait3A_971 = tpu.memref_slice %arg15[%dma_wait3A_970] : memref<80xi32, #tpu.memory_space<vmem>> -> memref<40xi32, #tpu.memory_space<vmem>>
        %dma_wait3A_972 = tpu.memref_slice %arg5[%multiple_of3A_951] : memref<320000xi32, #tpu.memory_space<hbm>> -> memref<40xi32, #tpu.memory_space<hbm>>
        %dma_wait3A_973 = arith.constant 40 : i32
        %dma_wait3A_974 = tpu.memref_slice %arg15[%dma_wait3A_973] : memref<80xi32, #tpu.memory_space<vmem>> -> memref<40xi32, #tpu.memory_space<vmem>>
        %dma_wait3A_975 = tpu.memref_slice %arg5[%multiple_of3A_951] : memref<320000xi32, #tpu.memory_space<hbm>> -> memref<40xi32, #tpu.memory_space<hbm>>
        tpu.wait_dma2 semaphore(%arg26 : memref<!tpu.dma_semaphore, #tpu.memory_space<semaphore_mem>>) src(%dma_wait3A_975 : memref<40xi32, #tpu.memory_space<hbm>>) dst(%dma_wait3A_974 : memref<40xi32, #tpu.memory_space<vmem>>)
        %add3A_976 = arith.constant 2 : i32
        %add3A_977 = arith.addi %add3A_576, %add3A_976 : i32
        %dma_start3A_978 = arith.constant 0 : i32
        %dma_start3A_979 = arith.constant 0 : i32
        %dma_start3A_980 = arith.constant 0 : i32
        %dma_start3A_981 = tpu.memref_slice %arg17[%dma_start3A_978, %dma_start3A_979, %dma_start3A_980] : memref<2x80x128xf32, #tpu.memory_space<vmem>> -> memref<1x80x128xf32, #tpu.memory_space<vmem>>
        %dma_start3A_982 = tpu.memref_squeeze %dma_start3A_981 : memref<1x80x128xf32, #tpu.memory_space<vmem>> -> memref<80x128xf32, #tpu.memory_space<vmem>>
        %dma_start3A_983 = arith.constant 0 : i32
        %dma_start3A_984 = arith.constant 0 : i32
        %dma_start3A_985 = tpu.memref_slice %arg2[%dma_start3A_983, %dma_start3A_984] : memref<10000x128xf32, #tpu.memory_space<hbm>> -> memref<10000x128xf32, #tpu.memory_space<hbm>>
        tpu.enqueue_indirect_dma source(%dma_start3A_985 : memref<10000x128xf32, #tpu.memory_space<hbm>>) target(%dma_start3A_982 : memref<80x128xf32, #tpu.memory_space<vmem>>) offsets(%arg11 : memref<80xi32, #tpu.memory_space<vmem>>) semaphore(%arg20 : memref<!tpu.dma_semaphore, #tpu.memory_space<semaphore_mem>>)
        %mul3A_986 = arith.constant 5000 : i32
        %mul3A_987 = arith.muli %add3A, %mul3A_986 : i32
        %mul3A_988 = arith.constant 40 : i32
        %mul3A_989 = arith.muli %add3A_977, %mul3A_988 : i32
        %add3A_990 = arith.addi %mul3A_987, %mul3A_989 : i32
        %multiple_of3A_991 = tpu.assume_multiple %add3A_990, 8 : i32
        %jit3A_992 = arith.constant 6400 : i32
        %div3A_993 = arith.divsi %multiple_of3A_991, %jit3A_992 : i32
        %sign3A_994 = arith.constant 0 : i32
        %sign3A_995 = arith.cmpi sgt, %multiple_of3A_991, %sign3A_994 : i32
        %sign3A_996 = arith.extui %sign3A_995 : i1 to i32
        %sign3A_997 = arith.constant 0 : i32
        %sign3A_998 = arith.cmpi slt, %multiple_of3A_991, %sign3A_997 : i32
        %sign3A_999 = arith.extui %sign3A_998 : i1 to i32
        %sign3A_1000 = arith.subi %sign3A_996, %sign3A_999 : i32
        %sign3A_1001 = arith.constant 0 : i32
        %sign3A_1002 = arith.cmpi sgt, %jit3A_992, %sign3A_1001 : i32
        %sign3A_1003 = arith.extui %sign3A_1002 : i1 to i32
        %sign3A_1004 = arith.constant 0 : i32
        %sign3A_1005 = arith.cmpi slt, %jit3A_992, %sign3A_1004 : i32
        %sign3A_1006 = arith.extui %sign3A_1005 : i1 to i32
        %sign3A_1007 = arith.subi %sign3A_1003, %sign3A_1006 : i32
        %ne3A_1008 = arith.cmpi ne, %sign3A_1000, %sign3A_1007 : i32
        %rem3A_1009 = arith.remsi %multiple_of3A_991, %jit3A_992 : i32
        %ne3A_1010 = arith.constant 0 : i32
        %ne3A_1011 = arith.cmpi ne, %rem3A_1009, %ne3A_1010 : i32
        %and3A_1012 = arith.andi %ne3A_1008, %ne3A_1011 : i1
        %sub3A_1013 = arith.constant 1 : i32
        %sub3A_1014 = arith.subi %div3A_993, %sub3A_1013 : i32
        %select_n3A_1015 = arith.select %and3A_1012, %sub3A_1014, %div3A_993 : i32
        %mul3A_1016 = arith.constant 6400 : i32
        %mul3A_1017 = arith.muli %select_n3A_1015, %mul3A_1016 : i32
        %sub3A_1018 = arith.subi %multiple_of3A_991, %mul3A_1017 : i32
        %mul3A_1019 = arith.constant 12800 : i32
        %mul3A_1020 = arith.muli %select_n3A_1015, %mul3A_1019 : i32
        %add3A_1021 = arith.addi %mul3A_1020, %sub3A_1018 : i32
        %multiple_of3A_1022 = tpu.assume_multiple %add3A_1021, 8 : i32
        %add3A_1023 = arith.constant 6400 : i32
        %add3A_1024 = arith.addi %multiple_of3A_1022, %add3A_1023 : i32
        %multiple_of3A_1025 = tpu.assume_multiple %add3A_1024, 8 : i32
        %dma_start3A_1026 = arith.constant 0 : i32
        %dma_start3A_1027 = arith.constant 0 : i32
        %dma_start3A_1028 = arith.constant 0 : i32
        %dma_start3A_1029 = tpu.memref_slice %arg18[%dma_start3A_1026, %dma_start3A_1027, %dma_start3A_1028] : memref<2x40x128xi32, #tpu.memory_space<vmem>> -> memref<1x40x128xi32, #tpu.memory_space<vmem>>
        %dma_start3A_1030 = tpu.memref_squeeze %dma_start3A_1029 : memref<1x40x128xi32, #tpu.memory_space<vmem>> -> memref<40x128xi32, #tpu.memory_space<vmem>>
        %dma_start3A_1031 = arith.constant 0 : i32
        %dma_start3A_1032 = tpu.memref_slice %arg3[%multiple_of3A_991, %dma_start3A_1031] : memref<160000x128xi32, #tpu.memory_space<hbm>> -> memref<40x128xi32, #tpu.memory_space<hbm>>
        %dma_start3A_1033 = arith.constant 0 : i32
        %dma_start3A_1034 = arith.constant 0 : i32
        %dma_start3A_1035 = tpu.memref_slice %arg18[%dma_start3A_1026, %dma_start3A_1033, %dma_start3A_1034] : memref<2x40x128xi32, #tpu.memory_space<vmem>> -> memref<1x40x128xi32, #tpu.memory_space<vmem>>
        %dma_start3A_1036 = tpu.memref_squeeze %dma_start3A_1035 : memref<1x40x128xi32, #tpu.memory_space<vmem>> -> memref<40x128xi32, #tpu.memory_space<vmem>>
        %dma_start3A_1037 = arith.constant 0 : i32
        %dma_start3A_1038 = tpu.memref_slice %arg3[%multiple_of3A_991, %dma_start3A_1037] : memref<160000x128xi32, #tpu.memory_space<hbm>> -> memref<40x128xi32, #tpu.memory_space<hbm>>
        tpu.enqueue_dma source(%dma_start3A_1038 : memref<40x128xi32, #tpu.memory_space<hbm>>) target(%dma_start3A_1036 : memref<40x128xi32, #tpu.memory_space<vmem>>) target_semaphore(%arg22 : memref<!tpu.dma_semaphore, #tpu.memory_space<semaphore_mem>>)
      } else {
      }
      %add3A_651 = arith.constant 4 : i32
      %add3A_652 = arith.addi %add3A_576, %add3A_651 : i32
      %lt3A_653 = arith.constant 125 : i32
      %lt3A_654 = arith.cmpi slt, %add3A_652, %lt3A_653 : i32
      %convert_element_type3A_655 = arith.extui %lt3A_654 : i1 to i32
      %cond3A_656 = arith.constant 0 : i32
      %cond3A_657 = arith.cmpi ne, %convert_element_type3A_655, %cond3A_656 : i32
      scf.if %cond3A_657 {
        %add3A_910 = arith.constant 4 : i32
        %add3A_911 = arith.addi %add3A_576, %add3A_910 : i32
        %mul3A_912 = arith.constant 5000 : i32
        %mul3A_913 = arith.muli %add3A, %mul3A_912 : i32
        %mul3A_914 = arith.constant 40 : i32
        %mul3A_915 = arith.muli %add3A_911, %mul3A_914 : i32
        %add3A_916 = arith.addi %mul3A_913, %mul3A_915 : i32
        %multiple_of3A_917 = tpu.assume_multiple %add3A_916, 8 : i32
        %jit3A_918 = arith.constant 6400 : i32
        %div3A_919 = arith.divsi %multiple_of3A_917, %jit3A_918 : i32
        %sign3A_920 = arith.constant 0 : i32
        %sign3A_921 = arith.cmpi sgt, %multiple_of3A_917, %sign3A_920 : i32
        %sign3A_922 = arith.extui %sign3A_921 : i1 to i32
        %sign3A_923 = arith.constant 0 : i32
        %sign3A_924 = arith.cmpi slt, %multiple_of3A_917, %sign3A_923 : i32
        %sign3A_925 = arith.extui %sign3A_924 : i1 to i32
        %sign3A_926 = arith.subi %sign3A_922, %sign3A_925 : i32
        %sign3A_927 = arith.constant 0 : i32
        %sign3A_928 = arith.cmpi sgt, %jit3A_918, %sign3A_927 : i32
        %sign3A_929 = arith.extui %sign3A_928 : i1 to i32
        %sign3A_930 = arith.constant 0 : i32
        %sign3A_931 = arith.cmpi slt, %jit3A_918, %sign3A_930 : i32
        %sign3A_932 = arith.extui %sign3A_931 : i1 to i32
        %sign3A_933 = arith.subi %sign3A_929, %sign3A_932 : i32
        %ne3A_934 = arith.cmpi ne, %sign3A_926, %sign3A_933 : i32
        %rem3A_935 = arith.remsi %multiple_of3A_917, %jit3A_918 : i32
        %ne3A_936 = arith.constant 0 : i32
        %ne3A_937 = arith.cmpi ne, %rem3A_935, %ne3A_936 : i32
        %and3A_938 = arith.andi %ne3A_934, %ne3A_937 : i1
        %sub3A_939 = arith.constant 1 : i32
        %sub3A_940 = arith.subi %div3A_919, %sub3A_939 : i32
        %select_n3A_941 = arith.select %and3A_938, %sub3A_940, %div3A_919 : i32
        %mul3A_942 = arith.constant 6400 : i32
        %mul3A_943 = arith.muli %select_n3A_941, %mul3A_942 : i32
        %sub3A_944 = arith.subi %multiple_of3A_917, %mul3A_943 : i32
        %mul3A_945 = arith.constant 12800 : i32
        %mul3A_946 = arith.muli %select_n3A_941, %mul3A_945 : i32
        %add3A_947 = arith.addi %mul3A_946, %sub3A_944 : i32
        %multiple_of3A_948 = tpu.assume_multiple %add3A_947, 8 : i32
        %add3A_949 = arith.constant 6400 : i32
        %add3A_950 = arith.addi %multiple_of3A_948, %add3A_949 : i32
        %multiple_of3A_951 = tpu.assume_multiple %add3A_950, 8 : i32
        %dma_start3A_952 = arith.constant 0 : i32
        %dma_start3A_953 = tpu.memref_slice %arg9[%dma_start3A_952] : memref<80xi32, #tpu.memory_space<vmem>> -> memref<40xi32, #tpu.memory_space<vmem>>
        %dma_start3A_954 = tpu.memref_slice %arg4[%multiple_of3A_948] : memref<320000xi32, #tpu.memory_space<hbm>> -> memref<40xi32, #tpu.memory_space<hbm>>
        %dma_start3A_955 = arith.constant 0 : i32
        %dma_start3A_956 = tpu.memref_slice %arg9[%dma_start3A_955] : memref<80xi32, #tpu.memory_space<vmem>> -> memref<40xi32, #tpu.memory_space<vmem>>
        %dma_start3A_957 = tpu.memref_slice %arg4[%multiple_of3A_948] : memref<320000xi32, #tpu.memory_space<hbm>> -> memref<40xi32, #tpu.memory_space<hbm>>
        tpu.enqueue_dma source(%dma_start3A_957 : memref<40xi32, #tpu.memory_space<hbm>>) target(%dma_start3A_956 : memref<40xi32, #tpu.memory_space<vmem>>) target_semaphore(%arg24 : memref<!tpu.dma_semaphore, #tpu.memory_space<semaphore_mem>>)
        %dma_start3A_958 = arith.constant 40 : i32
        %dma_start3A_959 = tpu.memref_slice %arg9[%dma_start3A_958] : memref<80xi32, #tpu.memory_space<vmem>> -> memref<40xi32, #tpu.memory_space<vmem>>
        %dma_start3A_960 = tpu.memref_slice %arg4[%multiple_of3A_951] : memref<320000xi32, #tpu.memory_space<hbm>> -> memref<40xi32, #tpu.memory_space<hbm>>
        %dma_start3A_961 = arith.constant 40 : i32
        %dma_start3A_962 = tpu.memref_slice %arg9[%dma_start3A_961] : memref<80xi32, #tpu.memory_space<vmem>> -> memref<40xi32, #tpu.memory_space<vmem>>
        %dma_start3A_963 = tpu.memref_slice %arg4[%multiple_of3A_951] : memref<320000xi32, #tpu.memory_space<hbm>> -> memref<40xi32, #tpu.memory_space<hbm>>
        tpu.enqueue_dma source(%dma_start3A_963 : memref<40xi32, #tpu.memory_space<hbm>>) target(%dma_start3A_962 : memref<40xi32, #tpu.memory_space<vmem>>) target_semaphore(%arg24 : memref<!tpu.dma_semaphore, #tpu.memory_space<semaphore_mem>>)
        %dma_start3A_964 = arith.constant 0 : i32
        %dma_start3A_965 = tpu.memref_slice %arg13[%dma_start3A_964] : memref<80xi32, #tpu.memory_space<vmem>> -> memref<40xi32, #tpu.memory_space<vmem>>
        %dma_start3A_966 = tpu.memref_slice %arg5[%multiple_of3A_948] : memref<320000xi32, #tpu.memory_space<hbm>> -> memref<40xi32, #tpu.memory_space<hbm>>
        %dma_start3A_967 = arith.constant 0 : i32
        %dma_start3A_968 = tpu.memref_slice %arg13[%dma_start3A_967] : memref<80xi32, #tpu.memory_space<vmem>> -> memref<40xi32, #tpu.memory_space<vmem>>
        %dma_start3A_969 = tpu.memref_slice %arg5[%multiple_of3A_948] : memref<320000xi32, #tpu.memory_space<hbm>> -> memref<40xi32, #tpu.memory_space<hbm>>
        tpu.enqueue_dma source(%dma_start3A_969 : memref<40xi32, #tpu.memory_space<hbm>>) target(%dma_start3A_968 : memref<40xi32, #tpu.memory_space<vmem>>) target_semaphore(%arg24 : memref<!tpu.dma_semaphore, #tpu.memory_space<semaphore_mem>>)
        %dma_start3A_970 = arith.constant 40 : i32
        %dma_start3A_971 = tpu.memref_slice %arg13[%dma_start3A_970] : memref<80xi32, #tpu.memory_space<vmem>> -> memref<40xi32, #tpu.memory_space<vmem>>
        %dma_start3A_972 = tpu.memref_slice %arg5[%multiple_of3A_951] : memref<320000xi32, #tpu.memory_space<hbm>> -> memref<40xi32, #tpu.memory_space<hbm>>
        %dma_start3A_973 = arith.constant 40 : i32
        %dma_start3A_974 = tpu.memref_slice %arg13[%dma_start3A_973] : memref<80xi32, #tpu.memory_space<vmem>> -> memref<40xi32, #tpu.memory_space<vmem>>
        %dma_start3A_975 = tpu.memref_slice %arg5[%multiple_of3A_951] : memref<320000xi32, #tpu.memory_space<hbm>> -> memref<40xi32, #tpu.memory_space<hbm>>
        tpu.enqueue_dma source(%dma_start3A_975 : memref<40xi32, #tpu.memory_space<hbm>>) target(%dma_start3A_974 : memref<40xi32, #tpu.memory_space<vmem>>) target_semaphore(%arg24 : memref<!tpu.dma_semaphore, #tpu.memory_space<semaphore_mem>>)
      } else {
      }
      %add3A_658 = arith.constant 1 : i32
      %add3A_659 = arith.addi %add3A_574, %add3A_658 : i32
      %dma_wait3A_660 = arith.constant 1 : i32
      %dma_wait3A_661 = arith.constant 0 : i32
      %dma_wait3A_662 = arith.constant 0 : i32
      %dma_wait3A_663 = tpu.memref_slice %arg17[%dma_wait3A_660, %dma_wait3A_661, %dma_wait3A_662] : memref<2x80x128xf32, #tpu.memory_space<vmem>> -> memref<1x80x128xf32, #tpu.memory_space<vmem>>
      %dma_wait3A_664 = tpu.memref_squeeze %dma_wait3A_663 : memref<1x80x128xf32, #tpu.memory_space<vmem>> -> memref<80x128xf32, #tpu.memory_space<vmem>>
      %dma_wait3A_665 = arith.constant 0 : i32
      %dma_wait3A_666 = arith.constant 0 : i32
      %dma_wait3A_667 = tpu.memref_slice %arg2[%dma_wait3A_665, %dma_wait3A_666] : memref<10000x128xf32, #tpu.memory_space<hbm>> -> memref<10000x128xf32, #tpu.memory_space<hbm>>
      tpu.wait_indirect_dma semaphore(%arg21 : memref<!tpu.dma_semaphore, #tpu.memory_space<semaphore_mem>>) src(%dma_wait3A_667 : memref<10000x128xf32, #tpu.memory_space<hbm>>) dst(%dma_wait3A_664 : memref<80x128xf32, #tpu.memory_space<vmem>>)
      %mul3A_668 = arith.constant 5000 : i32
      %mul3A_669 = arith.muli %add3A, %mul3A_668 : i32
      %mul3A_670 = arith.constant 40 : i32
      %mul3A_671 = arith.muli %add3A_659, %mul3A_670 : i32
      %add3A_672 = arith.addi %mul3A_669, %mul3A_671 : i32
      %multiple_of3A_673 = tpu.assume_multiple %add3A_672, 8 : i32
      %jit3A_674 = arith.constant 6400 : i32
      %div3A_675 = arith.divsi %multiple_of3A_673, %jit3A_674 : i32
      %sign3A_676 = arith.constant 0 : i32
      %sign3A_677 = arith.cmpi sgt, %multiple_of3A_673, %sign3A_676 : i32
      %sign3A_678 = arith.extui %sign3A_677 : i1 to i32
      %sign3A_679 = arith.constant 0 : i32
      %sign3A_680 = arith.cmpi slt, %multiple_of3A_673, %sign3A_679 : i32
      %sign3A_681 = arith.extui %sign3A_680 : i1 to i32
      %sign3A_682 = arith.subi %sign3A_678, %sign3A_681 : i32
      %sign3A_683 = arith.constant 0 : i32
      %sign3A_684 = arith.cmpi sgt, %jit3A_674, %sign3A_683 : i32
      %sign3A_685 = arith.extui %sign3A_684 : i1 to i32
      %sign3A_686 = arith.constant 0 : i32
      %sign3A_687 = arith.cmpi slt, %jit3A_674, %sign3A_686 : i32
      %sign3A_688 = arith.extui %sign3A_687 : i1 to i32
      %sign3A_689 = arith.subi %sign3A_685, %sign3A_688 : i32
      %ne3A_690 = arith.cmpi ne, %sign3A_682, %sign3A_689 : i32
      %rem3A_691 = arith.remsi %multiple_of3A_673, %jit3A_674 : i32
      %ne3A_692 = arith.constant 0 : i32
      %ne3A_693 = arith.cmpi ne, %rem3A_691, %ne3A_692 : i32
      %and3A_694 = arith.andi %ne3A_690, %ne3A_693 : i1
      %sub3A_695 = arith.constant 1 : i32
      %sub3A_696 = arith.subi %div3A_675, %sub3A_695 : i32
      %select_n3A_697 = arith.select %and3A_694, %sub3A_696, %div3A_675 : i32
      %mul3A_698 = arith.constant 6400 : i32
      %mul3A_699 = arith.muli %select_n3A_697, %mul3A_698 : i32
      %sub3A_700 = arith.subi %multiple_of3A_673, %mul3A_699 : i32
      %mul3A_701 = arith.constant 12800 : i32
      %mul3A_702 = arith.muli %select_n3A_697, %mul3A_701 : i32
      %add3A_703 = arith.addi %mul3A_702, %sub3A_700 : i32
      %multiple_of3A_704 = tpu.assume_multiple %add3A_703, 8 : i32
      %add3A_705 = arith.constant 6400 : i32
      %add3A_706 = arith.addi %multiple_of3A_704, %add3A_705 : i32
      %multiple_of3A_707 = tpu.assume_multiple %add3A_706, 8 : i32
      %dma_wait3A_708 = arith.constant 1 : i32
      %dma_wait3A_709 = arith.constant 0 : i32
      %dma_wait3A_710 = arith.constant 0 : i32
      %dma_wait3A_711 = tpu.memref_slice %arg18[%dma_wait3A_708, %dma_wait3A_709, %dma_wait3A_710] : memref<2x40x128xi32, #tpu.memory_space<vmem>> -> memref<1x40x128xi32, #tpu.memory_space<vmem>>
      %dma_wait3A_712 = tpu.memref_squeeze %dma_wait3A_711 : memref<1x40x128xi32, #tpu.memory_space<vmem>> -> memref<40x128xi32, #tpu.memory_space<vmem>>
      %dma_wait3A_713 = arith.constant 0 : i32
      %dma_wait3A_714 = tpu.memref_slice %arg3[%multiple_of3A_673, %dma_wait3A_713] : memref<160000x128xi32, #tpu.memory_space<hbm>> -> memref<40x128xi32, #tpu.memory_space<hbm>>
      %dma_wait3A_715 = arith.constant 0 : i32
      %dma_wait3A_716 = arith.constant 0 : i32
      %dma_wait3A_717 = tpu.memref_slice %arg18[%dma_wait3A_708, %dma_wait3A_715, %dma_wait3A_716] : memref<2x40x128xi32, #tpu.memory_space<vmem>> -> memref<1x40x128xi32, #tpu.memory_space<vmem>>
      %dma_wait3A_718 = tpu.memref_squeeze %dma_wait3A_717 : memref<1x40x128xi32, #tpu.memory_space<vmem>> -> memref<40x128xi32, #tpu.memory_space<vmem>>
      %dma_wait3A_719 = arith.constant 0 : i32
      %dma_wait3A_720 = tpu.memref_slice %arg3[%multiple_of3A_673, %dma_wait3A_719] : memref<160000x128xi32, #tpu.memory_space<hbm>> -> memref<40x128xi32, #tpu.memory_space<hbm>>
      tpu.wait_dma2 semaphore(%arg23 : memref<!tpu.dma_semaphore, #tpu.memory_space<semaphore_mem>>) src(%dma_wait3A_720 : memref<40x128xi32, #tpu.memory_space<hbm>>) dst(%dma_wait3A_718 : memref<40x128xi32, #tpu.memory_space<vmem>>)
      %scan3A_721 = arith.constant 0 : i32
      %scan3A_722 = arith.constant 0 : i32
      %scan3A_723 = arith.constant 40 : i32
      %scan3A_724 = arith.addi %scan3A_722, %scan3A_723 : i32
      %scan3A_725 = arith.constant 1 : i32
      scf.for %scan3A_910 = %scan3A_722 to %scan3A_724 step %scan3A_725  : i32 {
        %get3A = arith.constant 1 : i32
        %get3A_911 = arith.index_cast %get3A : i32 to index
        %get3A_912 = arith.index_cast %scan3A_910 : i32 to index
        %get3A_913 = arith.constant 0 : index
        %get3A_914 = tpu.vector_load %arg18[%get3A_911, %get3A_912, %get3A_913] {strides = array<i32>} : memref<2x40x128xi32, #tpu.memory_space<vmem>>, vector<1x1x16xi32>,
        %get3A_915 = vector.shape_cast %get3A_914 : vector<1x1x16xi32> to vector<16xi32>
        %shift_left3A = arith.constant 16 : i32
        %shift_left3A_916 = vector.broadcast %shift_left3A : i32 to vector<16xi32>
        %shift_left3A_917 = arith.shli %get3A_915, %shift_left3A_916 : vector<16xi32>
        %bitcast_convert_type3A = tpu.bitcast %shift_left3A_917 : vector<16xi32> -> vector<16xf32>
        %and3A_918 = arith.constant -65536 : i32
        %and3A_919 = vector.broadcast %and3A_918 : i32 to vector<16xi32>
        %and3A_920 = arith.andi %get3A_915, %and3A_919 : vector<16xi32>
        %bitcast_convert_type3A_921 = tpu.bitcast %and3A_920 : vector<16xi32> -> vector<16xf32>
        %add3A_922 = arith.constant 0 : i32
        %add3A_923 = arith.addi %add3A_922, %scan3A_910 : i32
        %get3A_924 = arith.constant 1 : i32
        %get3A_925 = arith.index_cast %get3A_924 : i32 to index
        %get3A_926 = arith.index_cast %add3A_923 : i32 to index
        %get3A_927 = arith.constant 0 : index
        %get3A_928 = tpu.vector_load %arg17[%get3A_925, %get3A_926, %get3A_927] {strides = array<i32>} : memref<2x80x128xf32, #tpu.memory_space<vmem>>, vector<1x1x16xf32>,
        %get3A_929 = vector.shape_cast %get3A_928 : vector<1x1x16xf32> to vector<16xf32>
        %mul3A_930 = arith.mulf %get3A_929, %bitcast_convert_type3A : vector<16xf32>
        %add3A_931 = arith.constant 0 : i32
        %add3A_932 = arith.addi %add3A_931, %scan3A_910 : i32
        %swap3A = arith.constant 1 : i32
        %swap3A_933 = arith.index_cast %swap3A : i32 to index
        %swap3A_934 = arith.index_cast %add3A_932 : i32 to index
        %swap3A_935 = arith.constant 0 : index
        %swap3A_936 = tpu.vector_load %arg17[%swap3A_933, %swap3A_934, %swap3A_935] {strides = array<i32>} : memref<2x80x128xf32, #tpu.memory_space<vmem>>, vector<1x1x16xf32>,
        %swap3A_937 = vector.shape_cast %swap3A_936 : vector<1x1x16xf32> to vector<16xf32>
        %swap3A_938 = vector.shape_cast %mul3A_930 : vector<16xf32> to vector<1x1x16xf32>
        tpu.vector_store %arg17[%swap3A_933, %swap3A_934, %swap3A_935], %swap3A_938 {strides = array<i32>} : memref<2x80x128xf32, #tpu.memory_space<vmem>>, vector<1x1x16xf32>,
        %add3A_939 = arith.constant 0 : i32
        %add3A_940 = arith.addi %add3A_939, %scan3A_910 : i32
        %get3A_941 = arith.constant 1 : i32
        %get3A_942 = arith.index_cast %get3A_941 : i32 to index
        %get3A_943 = arith.index_cast %add3A_940 : i32 to index
        %get3A_944 = arith.constant 16 : index
        %get3A_945 = tpu.vector_load %arg17[%get3A_942, %get3A_943, %get3A_944] {strides = array<i32>} : memref<2x80x128xf32, #tpu.memory_space<vmem>>, vector<1x1x16xf32>,
        %get3A_946 = vector.shape_cast %get3A_945 : vector<1x1x16xf32> to vector<16xf32>
        %mul3A_947 = arith.mulf %get3A_946, %bitcast_convert_type3A_921 : vector<16xf32>
        %add3A_948 = arith.constant 0 : i32
        %add3A_949 = arith.addi %add3A_948, %scan3A_910 : i32
        %swap3A_950 = arith.constant 1 : i32
        %swap3A_951 = arith.index_cast %swap3A_950 : i32 to index
        %swap3A_952 = arith.index_cast %add3A_949 : i32 to index
        %swap3A_953 = arith.constant 16 : index
        %swap3A_954 = tpu.vector_load %arg17[%swap3A_951, %swap3A_952, %swap3A_953] {strides = array<i32>} : memref<2x80x128xf32, #tpu.memory_space<vmem>>, vector<1x1x16xf32>,
        %swap3A_955 = vector.shape_cast %swap3A_954 : vector<1x1x16xf32> to vector<16xf32>
        %swap3A_956 = vector.shape_cast %mul3A_947 : vector<16xf32> to vector<1x1x16xf32>
        tpu.vector_store %arg17[%swap3A_951, %swap3A_952, %swap3A_953], %swap3A_956 {strides = array<i32>} : memref<2x80x128xf32, #tpu.memory_space<vmem>>, vector<1x1x16xf32>,
        %get3A_957 = arith.constant 1 : i32
        %get3A_958 = arith.index_cast %get3A_957 : i32 to index
        %get3A_959 = arith.index_cast %scan3A_910 : i32 to index
        %get3A_960 = arith.constant 16 : index
        %get3A_961 = tpu.vector_load %arg18[%get3A_958, %get3A_959, %get3A_960] {strides = array<i32>} : memref<2x40x128xi32, #tpu.memory_space<vmem>>, vector<1x1x16xi32>,
        %get3A_962 = vector.shape_cast %get3A_961 : vector<1x1x16xi32> to vector<16xi32>
        %shift_left3A_963 = arith.constant 16 : i32
        %shift_left3A_964 = vector.broadcast %shift_left3A_963 : i32 to vector<16xi32>
        %shift_left3A_965 = arith.shli %get3A_962, %shift_left3A_964 : vector<16xi32>
        %bitcast_convert_type3A_966 = tpu.bitcast %shift_left3A_965 : vector<16xi32> -> vector<16xf32>
        %and3A_967 = arith.constant -65536 : i32
        %and3A_968 = vector.broadcast %and3A_967 : i32 to vector<16xi32>
        %and3A_969 = arith.andi %get3A_962, %and3A_968 : vector<16xi32>
        %bitcast_convert_type3A_970 = tpu.bitcast %and3A_969 : vector<16xi32> -> vector<16xf32>
        %add3A_971 = arith.constant 0 : i32
        %add3A_972 = arith.addi %add3A_971, %scan3A_910 : i32
        %get3A_973 = arith.constant 1 : i32
        %get3A_974 = arith.index_cast %get3A_973 : i32 to index
        %get3A_975 = arith.index_cast %add3A_972 : i32 to index
        %get3A_976 = arith.constant 32 : index
        %get3A_977 = tpu.vector_load %arg17[%get3A_974, %get3A_975, %get3A_976] {strides = array<i32>} : memref<2x80x128xf32, #tpu.memory_space<vmem>>, vector<1x1x16xf32>,
        %get3A_978 = vector.shape_cast %get3A_977 : vector<1x1x16xf32> to vector<16xf32>
        %mul3A_979 = arith.mulf %get3A_978, %bitcast_convert_type3A_966 : vector<16xf32>
        %add3A_980 = arith.constant 0 : i32
        %add3A_981 = arith.addi %add3A_980, %scan3A_910 : i32
        %swap3A_982 = arith.constant 1 : i32
        %swap3A_983 = arith.index_cast %swap3A_982 : i32 to index
        %swap3A_984 = arith.index_cast %add3A_981 : i32 to index
        %swap3A_985 = arith.constant 32 : index
        %swap3A_986 = tpu.vector_load %arg17[%swap3A_983, %swap3A_984, %swap3A_985] {strides = array<i32>} : memref<2x80x128xf32, #tpu.memory_space<vmem>>, vector<1x1x16xf32>,
        %swap3A_987 = vector.shape_cast %swap3A_986 : vector<1x1x16xf32> to vector<16xf32>
        %swap3A_988 = vector.shape_cast %mul3A_979 : vector<16xf32> to vector<1x1x16xf32>
        tpu.vector_store %arg17[%swap3A_983, %swap3A_984, %swap3A_985], %swap3A_988 {strides = array<i32>} : memref<2x80x128xf32, #tpu.memory_space<vmem>>, vector<1x1x16xf32>,
        %add3A_989 = arith.constant 0 : i32
        %add3A_990 = arith.addi %add3A_989, %scan3A_910 : i32
        %get3A_991 = arith.constant 1 : i32
        %get3A_992 = arith.index_cast %get3A_991 : i32 to index
        %get3A_993 = arith.index_cast %add3A_990 : i32 to index
        %get3A_994 = arith.constant 48 : index
        %get3A_995 = tpu.vector_load %arg17[%get3A_992, %get3A_993, %get3A_994] {strides = array<i32>} : memref<2x80x128xf32, #tpu.memory_space<vmem>>, vector<1x1x16xf32>,
        %get3A_996 = vector.shape_cast %get3A_995 : vector<1x1x16xf32> to vector<16xf32>
        %mul3A_997 = arith.mulf %get3A_996, %bitcast_convert_type3A_970 : vector<16xf32>
        %add3A_998 = arith.constant 0 : i32
        %add3A_999 = arith.addi %add3A_998, %scan3A_910 : i32
        %swap3A_1000 = arith.constant 1 : i32
        %swap3A_1001 = arith.index_cast %swap3A_1000 : i32 to index
        %swap3A_1002 = arith.index_cast %add3A_999 : i32 to index
        %swap3A_1003 = arith.constant 48 : index
        %swap3A_1004 = tpu.vector_load %arg17[%swap3A_1001, %swap3A_1002, %swap3A_1003] {strides = array<i32>} : memref<2x80x128xf32, #tpu.memory_space<vmem>>, vector<1x1x16xf32>,
        %swap3A_1005 = vector.shape_cast %swap3A_1004 : vector<1x1x16xf32> to vector<16xf32>
        %swap3A_1006 = vector.shape_cast %mul3A_997 : vector<16xf32> to vector<1x1x16xf32>
        tpu.vector_store %arg17[%swap3A_1001, %swap3A_1002, %swap3A_1003], %swap3A_1006 {strides = array<i32>} : memref<2x80x128xf32, #tpu.memory_space<vmem>>, vector<1x1x16xf32>,
        %get3A_1007 = arith.constant 1 : i32
        %get3A_1008 = arith.index_cast %get3A_1007 : i32 to index
        %get3A_1009 = arith.index_cast %scan3A_910 : i32 to index
        %get3A_1010 = arith.constant 32 : index
        %get3A_1011 = tpu.vector_load %arg18[%get3A_1008, %get3A_1009, %get3A_1010] {strides = array<i32>} : memref<2x40x128xi32, #tpu.memory_space<vmem>>, vector<1x1x16xi32>,
        %get3A_1012 = vector.shape_cast %get3A_1011 : vector<1x1x16xi32> to vector<16xi32>
        %shift_left3A_1013 = arith.constant 16 : i32
        %shift_left3A_1014 = vector.broadcast %shift_left3A_1013 : i32 to vector<16xi32>
        %shift_left3A_1015 = arith.shli %get3A_1012, %shift_left3A_1014 : vector<16xi32>
        %bitcast_convert_type3A_1016 = tpu.bitcast %shift_left3A_1015 : vector<16xi32> -> vector<16xf32>
        %and3A_1017 = arith.constant -65536 : i32
        %and3A_1018 = vector.broadcast %and3A_1017 : i32 to vector<16xi32>
        %and3A_1019 = arith.andi %get3A_1012, %and3A_1018 : vector<16xi32>
        %bitcast_convert_type3A_1020 = tpu.bitcast %and3A_1019 : vector<16xi32> -> vector<16xf32>
        %add3A_1021 = arith.constant 0 : i32
        %add3A_1022 = arith.addi %add3A_1021, %scan3A_910 : i32
        %get3A_1023 = arith.constant 1 : i32
        %get3A_1024 = arith.index_cast %get3A_1023 : i32 to index
        %get3A_1025 = arith.index_cast %add3A_1022 : i32 to index
        %get3A_1026 = arith.constant 64 : index
        %get3A_1027 = tpu.vector_load %arg17[%get3A_1024, %get3A_1025, %get3A_1026] {strides = array<i32>} : memref<2x80x128xf32, #tpu.memory_space<vmem>>, vector<1x1x16xf32>,
        %get3A_1028 = vector.shape_cast %get3A_1027 : vector<1x1x16xf32> to vector<16xf32>
        %mul3A_1029 = arith.mulf %get3A_1028, %bitcast_convert_type3A_1016 : vector<16xf32>
        %add3A_1030 = arith.constant 0 : i32
        %add3A_1031 = arith.addi %add3A_1030, %scan3A_910 : i32
        %swap3A_1032 = arith.constant 1 : i32
        %swap3A_1033 = arith.index_cast %swap3A_1032 : i32 to index
        %swap3A_1034 = arith.index_cast %add3A_1031 : i32 to index
        %swap3A_1035 = arith.constant 64 : index
        %swap3A_1036 = tpu.vector_load %arg17[%swap3A_1033, %swap3A_1034, %swap3A_1035] {strides = array<i32>} : memref<2x80x128xf32, #tpu.memory_space<vmem>>, vector<1x1x16xf32>,
        %swap3A_1037 = vector.shape_cast %swap3A_1036 : vector<1x1x16xf32> to vector<16xf32>
        %swap3A_1038 = vector.shape_cast %mul3A_1029 : vector<16xf32> to vector<1x1x16xf32>
        tpu.vector_store %arg17[%swap3A_1033, %swap3A_1034, %swap3A_1035], %swap3A_1038 {strides = array<i32>} : memref<2x80x128xf32, #tpu.memory_space<vmem>>, vector<1x1x16xf32>,
        %add3A_1039 = arith.constant 0 : i32
        %add3A_1040 = arith.addi %add3A_1039, %scan3A_910 : i32
        %get3A_1041 = arith.constant 1 : i32
        %get3A_1042 = arith.index_cast %get3A_1041 : i32 to index
        %get3A_1043 = arith.index_cast %add3A_1040 : i32 to index
        %get3A_1044 = arith.constant 80 : index
        %get3A_1045 = tpu.vector_load %arg17[%get3A_1042, %get3A_1043, %get3A_1044] {strides = array<i32>} : memref<2x80x128xf32, #tpu.memory_space<vmem>>, vector<1x1x16xf32>,
        %get3A_1046 = vector.shape_cast %get3A_1045 : vector<1x1x16xf32> to vector<16xf32>
        %mul3A_1047 = arith.mulf %get3A_1046, %bitcast_convert_type3A_1020 : vector<16xf32>
        %add3A_1048 = arith.constant 0 : i32
        %add3A_1049 = arith.addi %add3A_1048, %scan3A_910 : i32
        %swap3A_1050 = arith.constant 1 : i32
        %swap3A_1051 = arith.index_cast %swap3A_1050 : i32 to index
        %swap3A_1052 = arith.index_cast %add3A_1049 : i32 to index
        %swap3A_1053 = arith.constant 80 : index
        %swap3A_1054 = tpu.vector_load %arg17[%swap3A_1051, %swap3A_1052, %swap3A_1053] {strides = array<i32>} : memref<2x80x128xf32, #tpu.memory_space<vmem>>, vector<1x1x16xf32>,
        %swap3A_1055 = vector.shape_cast %swap3A_1054 : vector<1x1x16xf32> to vector<16xf32>
        %swap3A_1056 = vector.shape_cast %mul3A_1047 : vector<16xf32> to vector<1x1x16xf32>
        tpu.vector_store %arg17[%swap3A_1051, %swap3A_1052, %swap3A_1053], %swap3A_1056 {strides = array<i32>} : memref<2x80x128xf32, #tpu.memory_space<vmem>>, vector<1x1x16xf32>,
        %get3A_1057 = arith.constant 1 : i32
        %get3A_1058 = arith.index_cast %get3A_1057 : i32 to index
        %get3A_1059 = arith.index_cast %scan3A_910 : i32 to index
        %get3A_1060 = arith.constant 48 : index
        %get3A_1061 = tpu.vector_load %arg18[%get3A_1058, %get3A_1059, %get3A_1060] {strides = array<i32>} : memref<2x40x128xi32, #tpu.memory_space<vmem>>, vector<1x1x16xi32>,
        %get3A_1062 = vector.shape_cast %get3A_1061 : vector<1x1x16xi32> to vector<16xi32>
        %shift_left3A_1063 = arith.constant 16 : i32
        %shift_left3A_1064 = vector.broadcast %shift_left3A_1063 : i32 to vector<16xi32>
        %shift_left3A_1065 = arith.shli %get3A_1062, %shift_left3A_1064 : vector<16xi32>
        %bitcast_convert_type3A_1066 = tpu.bitcast %shift_left3A_1065 : vector<16xi32> -> vector<16xf32>
        %and3A_1067 = arith.constant -65536 : i32
        %and3A_1068 = vector.broadcast %and3A_1067 : i32 to vector<16xi32>
        %and3A_1069 = arith.andi %get3A_1062, %and3A_1068 : vector<16xi32>
        %bitcast_convert_type3A_1070 = tpu.bitcast %and3A_1069 : vector<16xi32> -> vector<16xf32>
        %add3A_1071 = arith.constant 0 : i32
        %add3A_1072 = arith.addi %add3A_1071, %scan3A_910 : i32
        %get3A_1073 = arith.constant 1 : i32
        %get3A_1074 = arith.index_cast %get3A_1073 : i32 to index
        %get3A_1075 = arith.index_cast %add3A_1072 : i32 to index
        %get3A_1076 = arith.constant 96 : index
        %get3A_1077 = tpu.vector_load %arg17[%get3A_1074, %get3A_1075, %get3A_1076] {strides = array<i32>} : memref<2x80x128xf32, #tpu.memory_space<vmem>>, vector<1x1x16xf32>,
        %get3A_1078 = vector.shape_cast %get3A_1077 : vector<1x1x16xf32> to vector<16xf32>
        %mul3A_1079 = arith.mulf %get3A_1078, %bitcast_convert_type3A_1066 : vector<16xf32>
        %add3A_1080 = arith.constant 0 : i32
        %add3A_1081 = arith.addi %add3A_1080, %scan3A_910 : i32
        %swap3A_1082 = arith.constant 1 : i32
        %swap3A_1083 = arith.index_cast %swap3A_1082 : i32 to index
        %swap3A_1084 = arith.index_cast %add3A_1081 : i32 to index
        %swap3A_1085 = arith.constant 96 : index
        %swap3A_1086 = tpu.vector_load %arg17[%swap3A_1083, %swap3A_1084, %swap3A_1085] {strides = array<i32>} : memref<2x80x128xf32, #tpu.memory_space<vmem>>, vector<1x1x16xf32>,
        %swap3A_1087 = vector.shape_cast %swap3A_1086 : vector<1x1x16xf32> to vector<16xf32>
        %swap3A_1088 = vector.shape_cast %mul3A_1079 : vector<16xf32> to vector<1x1x16xf32>
        tpu.vector_store %arg17[%swap3A_1083, %swap3A_1084, %swap3A_1085], %swap3A_1088 {strides = array<i32>} : memref<2x80x128xf32, #tpu.memory_space<vmem>>, vector<1x1x16xf32>,
        %add3A_1089 = arith.constant 0 : i32
        %add3A_1090 = arith.addi %add3A_1089, %scan3A_910 : i32
        %get3A_1091 = arith.constant 1 : i32
        %get3A_1092 = arith.index_cast %get3A_1091 : i32 to index
        %get3A_1093 = arith.index_cast %add3A_1090 : i32 to index
        %get3A_1094 = arith.constant 112 : index
        %get3A_1095 = tpu.vector_load %arg17[%get3A_1092, %get3A_1093, %get3A_1094] {strides = array<i32>} : memref<2x80x128xf32, #tpu.memory_space<vmem>>, vector<1x1x16xf32>,
        %get3A_1096 = vector.shape_cast %get3A_1095 : vector<1x1x16xf32> to vector<16xf32>
        %mul3A_1097 = arith.mulf %get3A_1096, %bitcast_convert_type3A_1070 : vector<16xf32>
        %add3A_1098 = arith.constant 0 : i32
        %add3A_1099 = arith.addi %add3A_1098, %scan3A_910 : i32
        %swap3A_1100 = arith.constant 1 : i32
        %swap3A_1101 = arith.index_cast %swap3A_1100 : i32 to index
        %swap3A_1102 = arith.index_cast %add3A_1099 : i32 to index
        %swap3A_1103 = arith.constant 112 : index
        %swap3A_1104 = tpu.vector_load %arg17[%swap3A_1101, %swap3A_1102, %swap3A_1103] {strides = array<i32>} : memref<2x80x128xf32, #tpu.memory_space<vmem>>, vector<1x1x16xf32>,
        %swap3A_1105 = vector.shape_cast %swap3A_1104 : vector<1x1x16xf32> to vector<16xf32>
        %swap3A_1106 = vector.shape_cast %mul3A_1097 : vector<16xf32> to vector<1x1x16xf32>
        tpu.vector_store %arg17[%swap3A_1101, %swap3A_1102, %swap3A_1103], %swap3A_1106 {strides = array<i32>} : memref<2x80x128xf32, #tpu.memory_space<vmem>>, vector<1x1x16xf32>,
        %get3A_1107 = arith.constant 1 : i32
        %get3A_1108 = arith.index_cast %get3A_1107 : i32 to index
        %get3A_1109 = arith.index_cast %scan3A_910 : i32 to index
        %get3A_1110 = arith.constant 64 : index
        %get3A_1111 = tpu.vector_load %arg18[%get3A_1108, %get3A_1109, %get3A_1110] {strides = array<i32>} : memref<2x40x128xi32, #tpu.memory_space<vmem>>, vector<1x1x16xi32>,
        %get3A_1112 = vector.shape_cast %get3A_1111 : vector<1x1x16xi32> to vector<16xi32>
        %shift_left3A_1113 = arith.constant 16 : i32
        %shift_left3A_1114 = vector.broadcast %shift_left3A_1113 : i32 to vector<16xi32>
        %shift_left3A_1115 = arith.shli %get3A_1112, %shift_left3A_1114 : vector<16xi32>
        %bitcast_convert_type3A_1116 = tpu.bitcast %shift_left3A_1115 : vector<16xi32> -> vector<16xf32>
        %and3A_1117 = arith.constant -65536 : i32
        %and3A_1118 = vector.broadcast %and3A_1117 : i32 to vector<16xi32>
        %and3A_1119 = arith.andi %get3A_1112, %and3A_1118 : vector<16xi32>
        %bitcast_convert_type3A_1120 = tpu.bitcast %and3A_1119 : vector<16xi32> -> vector<16xf32>
        %add3A_1121 = arith.constant 40 : i32
        %add3A_1122 = arith.addi %add3A_1121, %scan3A_910 : i32
        %get3A_1123 = arith.constant 1 : i32
        %get3A_1124 = arith.index_cast %get3A_1123 : i32 to index
        %get3A_1125 = arith.index_cast %add3A_1122 : i32 to index
        %get3A_1126 = arith.constant 0 : index
        %get3A_1127 = tpu.vector_load %arg17[%get3A_1124, %get3A_1125, %get3A_1126] {strides = array<i32>} : memref<2x80x128xf32, #tpu.memory_space<vmem>>, vector<1x1x16xf32>,
        %get3A_1128 = vector.shape_cast %get3A_1127 : vector<1x1x16xf32> to vector<16xf32>
        %mul3A_1129 = arith.mulf %get3A_1128, %bitcast_convert_type3A_1116 : vector<16xf32>
        %add3A_1130 = arith.constant 40 : i32
        %add3A_1131 = arith.addi %add3A_1130, %scan3A_910 : i32
        %swap3A_1132 = arith.constant 1 : i32
        %swap3A_1133 = arith.index_cast %swap3A_1132 : i32 to index
        %swap3A_1134 = arith.index_cast %add3A_1131 : i32 to index
        %swap3A_1135 = arith.constant 0 : index
        %swap3A_1136 = tpu.vector_load %arg17[%swap3A_1133, %swap3A_1134, %swap3A_1135] {strides = array<i32>} : memref<2x80x128xf32, #tpu.memory_space<vmem>>, vector<1x1x16xf32>,
        %swap3A_1137 = vector.shape_cast %swap3A_1136 : vector<1x1x16xf32> to vector<16xf32>
        %swap3A_1138 = vector.shape_cast %mul3A_1129 : vector<16xf32> to vector<1x1x16xf32>
        tpu.vector_store %arg17[%swap3A_1133, %swap3A_1134, %swap3A_1135], %swap3A_1138 {strides = array<i32>} : memref<2x80x128xf32, #tpu.memory_space<vmem>>, vector<1x1x16xf32>,
        %add3A_1139 = arith.constant 40 : i32
        %add3A_1140 = arith.addi %add3A_1139, %scan3A_910 : i32
        %get3A_1141 = arith.constant 1 : i32
        %get3A_1142 = arith.index_cast %get3A_1141 : i32 to index
        %get3A_1143 = arith.index_cast %add3A_1140 : i32 to index
        %get3A_1144 = arith.constant 16 : index
        %get3A_1145 = tpu.vector_load %arg17[%get3A_1142, %get3A_1143, %get3A_1144] {strides = array<i32>} : memref<2x80x128xf32, #tpu.memory_space<vmem>>, vector<1x1x16xf32>,
        %get3A_1146 = vector.shape_cast %get3A_1145 : vector<1x1x16xf32> to vector<16xf32>
        %mul3A_1147 = arith.mulf %get3A_1146, %bitcast_convert_type3A_1120 : vector<16xf32>
        %add3A_1148 = arith.constant 40 : i32
        %add3A_1149 = arith.addi %add3A_1148, %scan3A_910 : i32
        %swap3A_1150 = arith.constant 1 : i32
        %swap3A_1151 = arith.index_cast %swap3A_1150 : i32 to index
        %swap3A_1152 = arith.index_cast %add3A_1149 : i32 to index
        %swap3A_1153 = arith.constant 16 : index
        %swap3A_1154 = tpu.vector_load %arg17[%swap3A_1151, %swap3A_1152, %swap3A_1153] {strides = array<i32>} : memref<2x80x128xf32, #tpu.memory_space<vmem>>, vector<1x1x16xf32>,
        %swap3A_1155 = vector.shape_cast %swap3A_1154 : vector<1x1x16xf32> to vector<16xf32>
        %swap3A_1156 = vector.shape_cast %mul3A_1147 : vector<16xf32> to vector<1x1x16xf32>
        tpu.vector_store %arg17[%swap3A_1151, %swap3A_1152, %swap3A_1153], %swap3A_1156 {strides = array<i32>} : memref<2x80x128xf32, #tpu.memory_space<vmem>>, vector<1x1x16xf32>,
        %get3A_1157 = arith.constant 1 : i32
        %get3A_1158 = arith.index_cast %get3A_1157 : i32 to index
        %get3A_1159 = arith.index_cast %scan3A_910 : i32 to index
        %get3A_1160 = arith.constant 80 : index
        %get3A_1161 = tpu.vector_load %arg18[%get3A_1158, %get3A_1159, %get3A_1160] {strides = array<i32>} : memref<2x40x128xi32, #tpu.memory_space<vmem>>, vector<1x1x16xi32>,
        %get3A_1162 = vector.shape_cast %get3A_1161 : vector<1x1x16xi32> to vector<16xi32>
        %shift_left3A_1163 = arith.constant 16 : i32
        %shift_left3A_1164 = vector.broadcast %shift_left3A_1163 : i32 to vector<16xi32>
        %shift_left3A_1165 = arith.shli %get3A_1162, %shift_left3A_1164 : vector<16xi32>
        %bitcast_convert_type3A_1166 = tpu.bitcast %shift_left3A_1165 : vector<16xi32> -> vector<16xf32>
        %and3A_1167 = arith.constant -65536 : i32
        %and3A_1168 = vector.broadcast %and3A_1167 : i32 to vector<16xi32>
        %and3A_1169 = arith.andi %get3A_1162, %and3A_1168 : vector<16xi32>
        %bitcast_convert_type3A_1170 = tpu.bitcast %and3A_1169 : vector<16xi32> -> vector<16xf32>
        %add3A_1171 = arith.constant 40 : i32
        %add3A_1172 = arith.addi %add3A_1171, %scan3A_910 : i32
        %get3A_1173 = arith.constant 1 : i32
        %get3A_1174 = arith.index_cast %get3A_1173 : i32 to index
        %get3A_1175 = arith.index_cast %add3A_1172 : i32 to index
        %get3A_1176 = arith.constant 32 : index
        %get3A_1177 = tpu.vector_load %arg17[%get3A_1174, %get3A_1175, %get3A_1176] {strides = array<i32>} : memref<2x80x128xf32, #tpu.memory_space<vmem>>, vector<1x1x16xf32>,
        %get3A_1178 = vector.shape_cast %get3A_1177 : vector<1x1x16xf32> to vector<16xf32>
        %mul3A_1179 = arith.mulf %get3A_1178, %bitcast_convert_type3A_1166 : vector<16xf32>
        %add3A_1180 = arith.constant 40 : i32
        %add3A_1181 = arith.addi %add3A_1180, %scan3A_910 : i32
        %swap3A_1182 = arith.constant 1 : i32
        %swap3A_1183 = arith.index_cast %swap3A_1182 : i32 to index
        %swap3A_1184 = arith.index_cast %add3A_1181 : i32 to index
        %swap3A_1185 = arith.constant 32 : index
        %swap3A_1186 = tpu.vector_load %arg17[%swap3A_1183, %swap3A_1184, %swap3A_1185] {strides = array<i32>} : memref<2x80x128xf32, #tpu.memory_space<vmem>>, vector<1x1x16xf32>,
        %swap3A_1187 = vector.shape_cast %swap3A_1186 : vector<1x1x16xf32> to vector<16xf32>
        %swap3A_1188 = vector.shape_cast %mul3A_1179 : vector<16xf32> to vector<1x1x16xf32>
        tpu.vector_store %arg17[%swap3A_1183, %swap3A_1184, %swap3A_1185], %swap3A_1188 {strides = array<i32>} : memref<2x80x128xf32, #tpu.memory_space<vmem>>, vector<1x1x16xf32>,
        %add3A_1189 = arith.constant 40 : i32
        %add3A_1190 = arith.addi %add3A_1189, %scan3A_910 : i32
        %get3A_1191 = arith.constant 1 : i32
        %get3A_1192 = arith.index_cast %get3A_1191 : i32 to index
        %get3A_1193 = arith.index_cast %add3A_1190 : i32 to index
        %get3A_1194 = arith.constant 48 : index
        %get3A_1195 = tpu.vector_load %arg17[%get3A_1192, %get3A_1193, %get3A_1194] {strides = array<i32>} : memref<2x80x128xf32, #tpu.memory_space<vmem>>, vector<1x1x16xf32>,
        %get3A_1196 = vector.shape_cast %get3A_1195 : vector<1x1x16xf32> to vector<16xf32>
        %mul3A_1197 = arith.mulf %get3A_1196, %bitcast_convert_type3A_1170 : vector<16xf32>
        %add3A_1198 = arith.constant 40 : i32
        %add3A_1199 = arith.addi %add3A_1198, %scan3A_910 : i32
        %swap3A_1200 = arith.constant 1 : i32
        %swap3A_1201 = arith.index_cast %swap3A_1200 : i32 to index
        %swap3A_1202 = arith.index_cast %add3A_1199 : i32 to index
        %swap3A_1203 = arith.constant 48 : index
        %swap3A_1204 = tpu.vector_load %arg17[%swap3A_1201, %swap3A_1202, %swap3A_1203] {strides = array<i32>} : memref<2x80x128xf32, #tpu.memory_space<vmem>>, vector<1x1x16xf32>,
        %swap3A_1205 = vector.shape_cast %swap3A_1204 : vector<1x1x16xf32> to vector<16xf32>
        %swap3A_1206 = vector.shape_cast %mul3A_1197 : vector<16xf32> to vector<1x1x16xf32>
        tpu.vector_store %arg17[%swap3A_1201, %swap3A_1202, %swap3A_1203], %swap3A_1206 {strides = array<i32>} : memref<2x80x128xf32, #tpu.memory_space<vmem>>, vector<1x1x16xf32>,
        %get3A_1207 = arith.constant 1 : i32
        %get3A_1208 = arith.index_cast %get3A_1207 : i32 to index
        %get3A_1209 = arith.index_cast %scan3A_910 : i32 to index
        %get3A_1210 = arith.constant 96 : index
        %get3A_1211 = tpu.vector_load %arg18[%get3A_1208, %get3A_1209, %get3A_1210] {strides = array<i32>} : memref<2x40x128xi32, #tpu.memory_space<vmem>>, vector<1x1x16xi32>,
        %get3A_1212 = vector.shape_cast %get3A_1211 : vector<1x1x16xi32> to vector<16xi32>
        %shift_left3A_1213 = arith.constant 16 : i32
        %shift_left3A_1214 = vector.broadcast %shift_left3A_1213 : i32 to vector<16xi32>
        %shift_left3A_1215 = arith.shli %get3A_1212, %shift_left3A_1214 : vector<16xi32>
        %bitcast_convert_type3A_1216 = tpu.bitcast %shift_left3A_1215 : vector<16xi32> -> vector<16xf32>
        %and3A_1217 = arith.constant -65536 : i32
        %and3A_1218 = vector.broadcast %and3A_1217 : i32 to vector<16xi32>
        %and3A_1219 = arith.andi %get3A_1212, %and3A_1218 : vector<16xi32>
        %bitcast_convert_type3A_1220 = tpu.bitcast %and3A_1219 : vector<16xi32> -> vector<16xf32>
        %add3A_1221 = arith.constant 40 : i32
        %add3A_1222 = arith.addi %add3A_1221, %scan3A_910 : i32
        %get3A_1223 = arith.constant 1 : i32
        %get3A_1224 = arith.index_cast %get3A_1223 : i32 to index
        %get3A_1225 = arith.index_cast %add3A_1222 : i32 to index
        %get3A_1226 = arith.constant 64 : index
        %get3A_1227 = tpu.vector_load %arg17[%get3A_1224, %get3A_1225, %get3A_1226] {strides = array<i32>} : memref<2x80x128xf32, #tpu.memory_space<vmem>>, vector<1x1x16xf32>,
        %get3A_1228 = vector.shape_cast %get3A_1227 : vector<1x1x16xf32> to vector<16xf32>
        %mul3A_1229 = arith.mulf %get3A_1228, %bitcast_convert_type3A_1216 : vector<16xf32>
        %add3A_1230 = arith.constant 40 : i32
        %add3A_1231 = arith.addi %add3A_1230, %scan3A_910 : i32
        %swap3A_1232 = arith.constant 1 : i32
        %swap3A_1233 = arith.index_cast %swap3A_1232 : i32 to index
        %swap3A_1234 = arith.index_cast %add3A_1231 : i32 to index
        %swap3A_1235 = arith.constant 64 : index
        %swap3A_1236 = tpu.vector_load %arg17[%swap3A_1233, %swap3A_1234, %swap3A_1235] {strides = array<i32>} : memref<2x80x128xf32, #tpu.memory_space<vmem>>, vector<1x1x16xf32>,
        %swap3A_1237 = vector.shape_cast %swap3A_1236 : vector<1x1x16xf32> to vector<16xf32>
        %swap3A_1238 = vector.shape_cast %mul3A_1229 : vector<16xf32> to vector<1x1x16xf32>
        tpu.vector_store %arg17[%swap3A_1233, %swap3A_1234, %swap3A_1235], %swap3A_1238 {strides = array<i32>} : memref<2x80x128xf32, #tpu.memory_space<vmem>>, vector<1x1x16xf32>,
        %add3A_1239 = arith.constant 40 : i32
        %add3A_1240 = arith.addi %add3A_1239, %scan3A_910 : i32
        %get3A_1241 = arith.constant 1 : i32
        %get3A_1242 = arith.index_cast %get3A_1241 : i32 to index
        %get3A_1243 = arith.index_cast %add3A_1240 : i32 to index
        %get3A_1244 = arith.constant 80 : index
        %get3A_1245 = tpu.vector_load %arg17[%get3A_1242, %get3A_1243, %get3A_1244] {strides = array<i32>} : memref<2x80x128xf32, #tpu.memory_space<vmem>>, vector<1x1x16xf32>,
        %get3A_1246 = vector.shape_cast %get3A_1245 : vector<1x1x16xf32> to vector<16xf32>
        %mul3A_1247 = arith.mulf %get3A_1246, %bitcast_convert_type3A_1220 : vector<16xf32>
        %add3A_1248 = arith.constant 40 : i32
        %add3A_1249 = arith.addi %add3A_1248, %scan3A_910 : i32
        %swap3A_1250 = arith.constant 1 : i32
        %swap3A_1251 = arith.index_cast %swap3A_1250 : i32 to index
        %swap3A_1252 = arith.index_cast %add3A_1249 : i32 to index
        %swap3A_1253 = arith.constant 80 : index
        %swap3A_1254 = tpu.vector_load %arg17[%swap3A_1251, %swap3A_1252, %swap3A_1253] {strides = array<i32>} : memref<2x80x128xf32, #tpu.memory_space<vmem>>, vector<1x1x16xf32>,
        %swap3A_1255 = vector.shape_cast %swap3A_1254 : vector<1x1x16xf32> to vector<16xf32>
        %swap3A_1256 = vector.shape_cast %mul3A_1247 : vector<16xf32> to vector<1x1x16xf32>
        tpu.vector_store %arg17[%swap3A_1251, %swap3A_1252, %swap3A_1253], %swap3A_1256 {strides = array<i32>} : memref<2x80x128xf32, #tpu.memory_space<vmem>>, vector<1x1x16xf32>,
        %get3A_1257 = arith.constant 1 : i32
        %get3A_1258 = arith.index_cast %get3A_1257 : i32 to index
        %get3A_1259 = arith.index_cast %scan3A_910 : i32 to index
        %get3A_1260 = arith.constant 112 : index
        %get3A_1261 = tpu.vector_load %arg18[%get3A_1258, %get3A_1259, %get3A_1260] {strides = array<i32>} : memref<2x40x128xi32, #tpu.memory_space<vmem>>, vector<1x1x16xi32>,
        %get3A_1262 = vector.shape_cast %get3A_1261 : vector<1x1x16xi32> to vector<16xi32>
        %shift_left3A_1263 = arith.constant 16 : i32
        %shift_left3A_1264 = vector.broadcast %shift_left3A_1263 : i32 to vector<16xi32>
        %shift_left3A_1265 = arith.shli %get3A_1262, %shift_left3A_1264 : vector<16xi32>
        %bitcast_convert_type3A_1266 = tpu.bitcast %shift_left3A_1265 : vector<16xi32> -> vector<16xf32>
        %and3A_1267 = arith.constant -65536 : i32
        %and3A_1268 = vector.broadcast %and3A_1267 : i32 to vector<16xi32>
        %and3A_1269 = arith.andi %get3A_1262, %and3A_1268 : vector<16xi32>
        %bitcast_convert_type3A_1270 = tpu.bitcast %and3A_1269 : vector<16xi32> -> vector<16xf32>
        %add3A_1271 = arith.constant 40 : i32
        %add3A_1272 = arith.addi %add3A_1271, %scan3A_910 : i32
        %get3A_1273 = arith.constant 1 : i32
        %get3A_1274 = arith.index_cast %get3A_1273 : i32 to index
        %get3A_1275 = arith.index_cast %add3A_1272 : i32 to index
        %get3A_1276 = arith.constant 96 : index
        %get3A_1277 = tpu.vector_load %arg17[%get3A_1274, %get3A_1275, %get3A_1276] {strides = array<i32>} : memref<2x80x128xf32, #tpu.memory_space<vmem>>, vector<1x1x16xf32>,
        %get3A_1278 = vector.shape_cast %get3A_1277 : vector<1x1x16xf32> to vector<16xf32>
        %mul3A_1279 = arith.mulf %get3A_1278, %bitcast_convert_type3A_1266 : vector<16xf32>
        %add3A_1280 = arith.constant 40 : i32
        %add3A_1281 = arith.addi %add3A_1280, %scan3A_910 : i32
        %swap3A_1282 = arith.constant 1 : i32
        %swap3A_1283 = arith.index_cast %swap3A_1282 : i32 to index
        %swap3A_1284 = arith.index_cast %add3A_1281 : i32 to index
        %swap3A_1285 = arith.constant 96 : index
        %swap3A_1286 = tpu.vector_load %arg17[%swap3A_1283, %swap3A_1284, %swap3A_1285] {strides = array<i32>} : memref<2x80x128xf32, #tpu.memory_space<vmem>>, vector<1x1x16xf32>,
        %swap3A_1287 = vector.shape_cast %swap3A_1286 : vector<1x1x16xf32> to vector<16xf32>
        %swap3A_1288 = vector.shape_cast %mul3A_1279 : vector<16xf32> to vector<1x1x16xf32>
        tpu.vector_store %arg17[%swap3A_1283, %swap3A_1284, %swap3A_1285], %swap3A_1288 {strides = array<i32>} : memref<2x80x128xf32, #tpu.memory_space<vmem>>, vector<1x1x16xf32>,
        %add3A_1289 = arith.constant 40 : i32
        %add3A_1290 = arith.addi %add3A_1289, %scan3A_910 : i32
        %get3A_1291 = arith.constant 1 : i32
        %get3A_1292 = arith.index_cast %get3A_1291 : i32 to index
        %get3A_1293 = arith.index_cast %add3A_1290 : i32 to index
        %get3A_1294 = arith.constant 112 : index
        %get3A_1295 = tpu.vector_load %arg17[%get3A_1292, %get3A_1293, %get3A_1294] {strides = array<i32>} : memref<2x80x128xf32, #tpu.memory_space<vmem>>, vector<1x1x16xf32>,
        %get3A_1296 = vector.shape_cast %get3A_1295 : vector<1x1x16xf32> to vector<16xf32>
        %mul3A_1297 = arith.mulf %get3A_1296, %bitcast_convert_type3A_1270 : vector<16xf32>
        %add3A_1298 = arith.constant 40 : i32
        %add3A_1299 = arith.addi %add3A_1298, %scan3A_910 : i32
        %swap3A_1300 = arith.constant 1 : i32
        %swap3A_1301 = arith.index_cast %swap3A_1300 : i32 to index
        %swap3A_1302 = arith.index_cast %add3A_1299 : i32 to index
        %swap3A_1303 = arith.constant 112 : index
        %swap3A_1304 = tpu.vector_load %arg17[%swap3A_1301, %swap3A_1302, %swap3A_1303] {strides = array<i32>} : memref<2x80x128xf32, #tpu.memory_space<vmem>>, vector<1x1x16xf32>,
        %swap3A_1305 = vector.shape_cast %swap3A_1304 : vector<1x1x16xf32> to vector<16xf32>
        %swap3A_1306 = vector.shape_cast %mul3A_1297 : vector<16xf32> to vector<1x1x16xf32>
        tpu.vector_store %arg17[%swap3A_1301, %swap3A_1302, %swap3A_1303], %swap3A_1306 {strides = array<i32>} : memref<2x80x128xf32, #tpu.memory_space<vmem>>, vector<1x1x16xf32>,
      }
      %scan3A_726 = arith.constant 40 : i32
      %run_scoped3A_727 = arith.constant 1 : i32
      "tpu.region"() ({
        %run_scoped3A_910 = tpu.sem_alloc : memref<!tpu.dma_semaphore, #tpu.memory_space<semaphore_mem>>
        %dma_start3A_911 = arith.constant 0 : i32
        %dma_start3A_912 = arith.constant 0 : i32
        %dma_start3A_913 = tpu.memref_slice %arg17[%run_scoped3A_727, %dma_start3A_911, %dma_start3A_912] : memref<2x80x128xf32, #tpu.memory_space<vmem>> -> memref<1x80x128xf32, #tpu.memory_space<vmem>>
        %dma_start3A_914 = tpu.memref_squeeze %dma_start3A_913 : memref<1x80x128xf32, #tpu.memory_space<vmem>> -> memref<80x128xf32, #tpu.memory_space<vmem>>
        %dma_start3A_915 = arith.constant 0 : i32
        %dma_start3A_916 = arith.constant 0 : i32
        %dma_start3A_917 = tpu.memref_slice %arg19[%dma_start3A_915, %dma_start3A_916] : memref<10240x128xf32, #tpu.memory_space<vmem_shared>> -> memref<10240x128xf32, #tpu.memory_space<vmem_shared>>
        tpu.enqueue_indirect_dma source(%dma_start3A_914 : memref<80x128xf32, #tpu.memory_space<vmem>>) target(%dma_start3A_917 : memref<10240x128xf32, #tpu.memory_space<vmem_shared>>) offsets(%arg14 : memref<80xi32, #tpu.memory_space<vmem>>) semaphore(%run_scoped3A_910 : memref<!tpu.dma_semaphore, #tpu.memory_space<semaphore_mem>>) {add = true}
        %dma_wait3A_918 = arith.constant 0 : i32
        %dma_wait3A_919 = arith.constant 0 : i32
        %dma_wait3A_920 = tpu.memref_slice %arg17[%run_scoped3A_727, %dma_wait3A_918, %dma_wait3A_919] : memref<2x80x128xf32, #tpu.memory_space<vmem>> -> memref<1x80x128xf32, #tpu.memory_space<vmem>>
        %dma_wait3A_921 = tpu.memref_squeeze %dma_wait3A_920 : memref<1x80x128xf32, #tpu.memory_space<vmem>> -> memref<80x128xf32, #tpu.memory_space<vmem>>
        %dma_wait3A_922 = arith.constant 0 : i32
        %dma_wait3A_923 = arith.constant 0 : i32
        %dma_wait3A_924 = tpu.memref_slice %arg19[%dma_wait3A_922, %dma_wait3A_923] : memref<10240x128xf32, #tpu.memory_space<vmem_shared>> -> memref<10240x128xf32, #tpu.memory_space<vmem_shared>>
        tpu.wait_indirect_dma semaphore(%run_scoped3A_910 : memref<!tpu.dma_semaphore, #tpu.memory_space<semaphore_mem>>) src(%dma_wait3A_921 : memref<80x128xf32, #tpu.memory_space<vmem>>) dst(%dma_wait3A_924 : memref<10240x128xf32, #tpu.memory_space<vmem_shared>>)
        tpu.yield
      }) : () -> ()
      %add3A_728 = arith.constant 2 : i32
      %add3A_729 = arith.addi %add3A_659, %add3A_728 : i32
      %lt3A_730 = arith.constant 125 : i32
      %lt3A_731 = arith.cmpi slt, %add3A_729, %lt3A_730 : i32
      %convert_element_type3A_732 = arith.extui %lt3A_731 : i1 to i32
      %cond3A_733 = arith.constant 0 : i32
      %cond3A_734 = arith.cmpi ne, %convert_element_type3A_732, %cond3A_733 : i32
      scf.if %cond3A_734 {
        %add3A_910 = arith.constant 2 : i32
        %add3A_911 = arith.addi %add3A_659, %add3A_910 : i32
        %mul3A_912 = arith.constant 5000 : i32
        %mul3A_913 = arith.muli %add3A, %mul3A_912 : i32
        %mul3A_914 = arith.constant 40 : i32
        %mul3A_915 = arith.muli %add3A_911, %mul3A_914 : i32
        %add3A_916 = arith.addi %mul3A_913, %mul3A_915 : i32
        %multiple_of3A_917 = tpu.assume_multiple %add3A_916, 8 : i32
        %jit3A_918 = arith.constant 6400 : i32
        %div3A_919 = arith.divsi %multiple_of3A_917, %jit3A_918 : i32
        %sign3A_920 = arith.constant 0 : i32
        %sign3A_921 = arith.cmpi sgt, %multiple_of3A_917, %sign3A_920 : i32
        %sign3A_922 = arith.extui %sign3A_921 : i1 to i32
        %sign3A_923 = arith.constant 0 : i32
        %sign3A_924 = arith.cmpi slt, %multiple_of3A_917, %sign3A_923 : i32
        %sign3A_925 = arith.extui %sign3A_924 : i1 to i32
        %sign3A_926 = arith.subi %sign3A_922, %sign3A_925 : i32
        %sign3A_927 = arith.constant 0 : i32
        %sign3A_928 = arith.cmpi sgt, %jit3A_918, %sign3A_927 : i32
        %sign3A_929 = arith.extui %sign3A_928 : i1 to i32
        %sign3A_930 = arith.constant 0 : i32
        %sign3A_931 = arith.cmpi slt, %jit3A_918, %sign3A_930 : i32
        %sign3A_932 = arith.extui %sign3A_931 : i1 to i32
        %sign3A_933 = arith.subi %sign3A_929, %sign3A_932 : i32
        %ne3A_934 = arith.cmpi ne, %sign3A_926, %sign3A_933 : i32
        %rem3A_935 = arith.remsi %multiple_of3A_917, %jit3A_918 : i32
        %ne3A_936 = arith.constant 0 : i32
        %ne3A_937 = arith.cmpi ne, %rem3A_935, %ne3A_936 : i32
        %and3A_938 = arith.andi %ne3A_934, %ne3A_937 : i1
        %sub3A_939 = arith.constant 1 : i32
        %sub3A_940 = arith.subi %div3A_919, %sub3A_939 : i32
        %select_n3A_941 = arith.select %and3A_938, %sub3A_940, %div3A_919 : i32
        %mul3A_942 = arith.constant 6400 : i32
        %mul3A_943 = arith.muli %select_n3A_941, %mul3A_942 : i32
        %sub3A_944 = arith.subi %multiple_of3A_917, %mul3A_943 : i32
        %mul3A_945 = arith.constant 12800 : i32
        %mul3A_946 = arith.muli %select_n3A_941, %mul3A_945 : i32
        %add3A_947 = arith.addi %mul3A_946, %sub3A_944 : i32
        %multiple_of3A_948 = tpu.assume_multiple %add3A_947, 8 : i32
        %add3A_949 = arith.constant 6400 : i32
        %add3A_950 = arith.addi %multiple_of3A_948, %add3A_949 : i32
        %multiple_of3A_951 = tpu.assume_multiple %add3A_950, 8 : i32
        %dma_wait3A_952 = arith.constant 0 : i32
        %dma_wait3A_953 = tpu.memref_slice %arg12[%dma_wait3A_952] : memref<80xi32, #tpu.memory_space<vmem>> -> memref<40xi32, #tpu.memory_space<vmem>>
        %dma_wait3A_954 = tpu.memref_slice %arg4[%multiple_of3A_948] : memref<320000xi32, #tpu.memory_space<hbm>> -> memref<40xi32, #tpu.memory_space<hbm>>
        %dma_wait3A_955 = arith.constant 0 : i32
        %dma_wait3A_956 = tpu.memref_slice %arg12[%dma_wait3A_955] : memref<80xi32, #tpu.memory_space<vmem>> -> memref<40xi32, #tpu.memory_space<vmem>>
        %dma_wait3A_957 = tpu.memref_slice %arg4[%multiple_of3A_948] : memref<320000xi32, #tpu.memory_space<hbm>> -> memref<40xi32, #tpu.memory_space<hbm>>
        tpu.wait_dma2 semaphore(%arg27 : memref<!tpu.dma_semaphore, #tpu.memory_space<semaphore_mem>>) src(%dma_wait3A_957 : memref<40xi32, #tpu.memory_space<hbm>>) dst(%dma_wait3A_956 : memref<40xi32, #tpu.memory_space<vmem>>)
        %dma_wait3A_958 = arith.constant 40 : i32
        %dma_wait3A_959 = tpu.memref_slice %arg12[%dma_wait3A_958] : memref<80xi32, #tpu.memory_space<vmem>> -> memref<40xi32, #tpu.memory_space<vmem>>
        %dma_wait3A_960 = tpu.memref_slice %arg4[%multiple_of3A_951] : memref<320000xi32, #tpu.memory_space<hbm>> -> memref<40xi32, #tpu.memory_space<hbm>>
        %dma_wait3A_961 = arith.constant 40 : i32
        %dma_wait3A_962 = tpu.memref_slice %arg12[%dma_wait3A_961] : memref<80xi32, #tpu.memory_space<vmem>> -> memref<40xi32, #tpu.memory_space<vmem>>
        %dma_wait3A_963 = tpu.memref_slice %arg4[%multiple_of3A_951] : memref<320000xi32, #tpu.memory_space<hbm>> -> memref<40xi32, #tpu.memory_space<hbm>>
        tpu.wait_dma2 semaphore(%arg27 : memref<!tpu.dma_semaphore, #tpu.memory_space<semaphore_mem>>) src(%dma_wait3A_963 : memref<40xi32, #tpu.memory_space<hbm>>) dst(%dma_wait3A_962 : memref<40xi32, #tpu.memory_space<vmem>>)
        %dma_wait3A_964 = arith.constant 0 : i32
        %dma_wait3A_965 = tpu.memref_slice %arg16[%dma_wait3A_964] : memref<80xi32, #tpu.memory_space<vmem>> -> memref<40xi32, #tpu.memory_space<vmem>>
        %dma_wait3A_966 = tpu.memref_slice %arg5[%multiple_of3A_948] : memref<320000xi32, #tpu.memory_space<hbm>> -> memref<40xi32, #tpu.memory_space<hbm>>
        %dma_wait3A_967 = arith.constant 0 : i32
        %dma_wait3A_968 = tpu.memref_slice %arg16[%dma_wait3A_967] : memref<80xi32, #tpu.memory_space<vmem>> -> memref<40xi32, #tpu.memory_space<vmem>>
        %dma_wait3A_969 = tpu.memref_slice %arg5[%multiple_of3A_948] : memref<320000xi32, #tpu.memory_space<hbm>> -> memref<40xi32, #tpu.memory_space<hbm>>
        tpu.wait_dma2 semaphore(%arg27 : memref<!tpu.dma_semaphore, #tpu.memory_space<semaphore_mem>>) src(%dma_wait3A_969 : memref<40xi32, #tpu.memory_space<hbm>>) dst(%dma_wait3A_968 : memref<40xi32, #tpu.memory_space<vmem>>)
        %dma_wait3A_970 = arith.constant 40 : i32
        %dma_wait3A_971 = tpu.memref_slice %arg16[%dma_wait3A_970] : memref<80xi32, #tpu.memory_space<vmem>> -> memref<40xi32, #tpu.memory_space<vmem>>
        %dma_wait3A_972 = tpu.memref_slice %arg5[%multiple_of3A_951] : memref<320000xi32, #tpu.memory_space<hbm>> -> memref<40xi32, #tpu.memory_space<hbm>>
        %dma_wait3A_973 = arith.constant 40 : i32
        %dma_wait3A_974 = tpu.memref_slice %arg16[%dma_wait3A_973] : memref<80xi32, #tpu.memory_space<vmem>> -> memref<40xi32, #tpu.memory_space<vmem>>
        %dma_wait3A_975 = tpu.memref_slice %arg5[%multiple_of3A_951] : memref<320000xi32, #tpu.memory_space<hbm>> -> memref<40xi32, #tpu.memory_space<hbm>>
        tpu.wait_dma2 semaphore(%arg27 : memref<!tpu.dma_semaphore, #tpu.memory_space<semaphore_mem>>) src(%dma_wait3A_975 : memref<40xi32, #tpu.memory_space<hbm>>) dst(%dma_wait3A_974 : memref<40xi32, #tpu.memory_space<vmem>>)
        %add3A_976 = arith.constant 2 : i32
        %add3A_977 = arith.addi %add3A_659, %add3A_976 : i32
        %dma_start3A_978 = arith.constant 1 : i32
        %dma_start3A_979 = arith.constant 0 : i32
        %dma_start3A_980 = arith.constant 0 : i32
        %dma_start3A_981 = tpu.memref_slice %arg17[%dma_start3A_978, %dma_start3A_979, %dma_start3A_980] : memref<2x80x128xf32, #tpu.memory_space<vmem>> -> memref<1x80x128xf32, #tpu.memory_space<vmem>>
        %dma_start3A_982 = tpu.memref_squeeze %dma_start3A_981 : memref<1x80x128xf32, #tpu.memory_space<vmem>> -> memref<80x128xf32, #tpu.memory_space<vmem>>
        %dma_start3A_983 = arith.constant 0 : i32
        %dma_start3A_984 = arith.constant 0 : i32
        %dma_start3A_985 = tpu.memref_slice %arg2[%dma_start3A_983, %dma_start3A_984] : memref<10000x128xf32, #tpu.memory_space<hbm>> -> memref<10000x128xf32, #tpu.memory_space<hbm>>
        tpu.enqueue_indirect_dma source(%dma_start3A_985 : memref<10000x128xf32, #tpu.memory_space<hbm>>) target(%dma_start3A_982 : memref<80x128xf32, #tpu.memory_space<vmem>>) offsets(%arg12 : memref<80xi32, #tpu.memory_space<vmem>>) semaphore(%arg21 : memref<!tpu.dma_semaphore, #tpu.memory_space<semaphore_mem>>)
        %mul3A_986 = arith.constant 5000 : i32
        %mul3A_987 = arith.muli %add3A, %mul3A_986 : i32
        %mul3A_988 = arith.constant 40 : i32
        %mul3A_989 = arith.muli %add3A_977, %mul3A_988 : i32
        %add3A_990 = arith.addi %mul3A_987, %mul3A_989 : i32
        %multiple_of3A_991 = tpu.assume_multiple %add3A_990, 8 : i32
        %jit3A_992 = arith.constant 6400 : i32
        %div3A_993 = arith.divsi %multiple_of3A_991, %jit3A_992 : i32
        %sign3A_994 = arith.constant 0 : i32
        %sign3A_995 = arith.cmpi sgt, %multiple_of3A_991, %sign3A_994 : i32
        %sign3A_996 = arith.extui %sign3A_995 : i1 to i32
        %sign3A_997 = arith.constant 0 : i32
        %sign3A_998 = arith.cmpi slt, %multiple_of3A_991, %sign3A_997 : i32
        %sign3A_999 = arith.extui %sign3A_998 : i1 to i32
        %sign3A_1000 = arith.subi %sign3A_996, %sign3A_999 : i32
        %sign3A_1001 = arith.constant 0 : i32
        %sign3A_1002 = arith.cmpi sgt, %jit3A_992, %sign3A_1001 : i32
        %sign3A_1003 = arith.extui %sign3A_1002 : i1 to i32
        %sign3A_1004 = arith.constant 0 : i32
        %sign3A_1005 = arith.cmpi slt, %jit3A_992, %sign3A_1004 : i32
        %sign3A_1006 = arith.extui %sign3A_1005 : i1 to i32
        %sign3A_1007 = arith.subi %sign3A_1003, %sign3A_1006 : i32
        %ne3A_1008 = arith.cmpi ne, %sign3A_1000, %sign3A_1007 : i32
        %rem3A_1009 = arith.remsi %multiple_of3A_991, %jit3A_992 : i32
        %ne3A_1010 = arith.constant 0 : i32
        %ne3A_1011 = arith.cmpi ne, %rem3A_1009, %ne3A_1010 : i32
        %and3A_1012 = arith.andi %ne3A_1008, %ne3A_1011 : i1
        %sub3A_1013 = arith.constant 1 : i32
        %sub3A_1014 = arith.subi %div3A_993, %sub3A_1013 : i32
        %select_n3A_1015 = arith.select %and3A_1012, %sub3A_1014, %div3A_993 : i32
        %mul3A_1016 = arith.constant 6400 : i32
        %mul3A_1017 = arith.muli %select_n3A_1015, %mul3A_1016 : i32
        %sub3A_1018 = arith.subi %multiple_of3A_991, %mul3A_1017 : i32
        %mul3A_1019 = arith.constant 12800 : i32
        %mul3A_1020 = arith.muli %select_n3A_1015, %mul3A_1019 : i32
        %add3A_1021 = arith.addi %mul3A_1020, %sub3A_1018 : i32
        %multiple_of3A_1022 = tpu.assume_multiple %add3A_1021, 8 : i32
        %add3A_1023 = arith.constant 6400 : i32
        %add3A_1024 = arith.addi %multiple_of3A_1022, %add3A_1023 : i32
        %multiple_of3A_1025 = tpu.assume_multiple %add3A_1024, 8 : i32
        %dma_start3A_1026 = arith.constant 1 : i32
        %dma_start3A_1027 = arith.constant 0 : i32
        %dma_start3A_1028 = arith.constant 0 : i32
        %dma_start3A_1029 = tpu.memref_slice %arg18[%dma_start3A_1026, %dma_start3A_1027, %dma_start3A_1028] : memref<2x40x128xi32, #tpu.memory_space<vmem>> -> memref<1x40x128xi32, #tpu.memory_space<vmem>>
        %dma_start3A_1030 = tpu.memref_squeeze %dma_start3A_1029 : memref<1x40x128xi32, #tpu.memory_space<vmem>> -> memref<40x128xi32, #tpu.memory_space<vmem>>
        %dma_start3A_1031 = arith.constant 0 : i32
        %dma_start3A_1032 = tpu.memref_slice %arg3[%multiple_of3A_991, %dma_start3A_1031] : memref<160000x128xi32, #tpu.memory_space<hbm>> -> memref<40x128xi32, #tpu.memory_space<hbm>>
        %dma_start3A_1033 = arith.constant 0 : i32
        %dma_start3A_1034 = arith.constant 0 : i32
        %dma_start3A_1035 = tpu.memref_slice %arg18[%dma_start3A_1026, %dma_start3A_1033, %dma_start3A_1034] : memref<2x40x128xi32, #tpu.memory_space<vmem>> -> memref<1x40x128xi32, #tpu.memory_space<vmem>>
        %dma_start3A_1036 = tpu.memref_squeeze %dma_start3A_1035 : memref<1x40x128xi32, #tpu.memory_space<vmem>> -> memref<40x128xi32, #tpu.memory_space<vmem>>
        %dma_start3A_1037 = arith.constant 0 : i32
        %dma_start3A_1038 = tpu.memref_slice %arg3[%multiple_of3A_991, %dma_start3A_1037] : memref<160000x128xi32, #tpu.memory_space<hbm>> -> memref<40x128xi32, #tpu.memory_space<hbm>>
        tpu.enqueue_dma source(%dma_start3A_1038 : memref<40x128xi32, #tpu.memory_space<hbm>>) target(%dma_start3A_1036 : memref<40x128xi32, #tpu.memory_space<vmem>>) target_semaphore(%arg23 : memref<!tpu.dma_semaphore, #tpu.memory_space<semaphore_mem>>)
      } else {
      }
      %add3A_735 = arith.constant 4 : i32
      %add3A_736 = arith.addi %add3A_659, %add3A_735 : i32
      %lt3A_737 = arith.constant 125 : i32
      %lt3A_738 = arith.cmpi slt, %add3A_736, %lt3A_737 : i32
      %convert_element_type3A_739 = arith.extui %lt3A_738 : i1 to i32
      %cond3A_740 = arith.constant 0 : i32
      %cond3A_741 = arith.cmpi ne, %convert_element_type3A_739, %cond3A_740 : i32
      scf.if %cond3A_741 {
        %add3A_910 = arith.constant 4 : i32
        %add3A_911 = arith.addi %add3A_659, %add3A_910 : i32
        %mul3A_912 = arith.constant 5000 : i32
        %mul3A_913 = arith.muli %add3A, %mul3A_912 : i32
        %mul3A_914 = arith.constant 40 : i32
        %mul3A_915 = arith.muli %add3A_911, %mul3A_914 : i32
        %add3A_916 = arith.addi %mul3A_913, %mul3A_915 : i32
        %multiple_of3A_917 = tpu.assume_multiple %add3A_916, 8 : i32
        %jit3A_918 = arith.constant 6400 : i32
        %div3A_919 = arith.divsi %multiple_of3A_917, %jit3A_918 : i32
        %sign3A_920 = arith.constant 0 : i32
        %sign3A_921 = arith.cmpi sgt, %multiple_of3A_917, %sign3A_920 : i32
        %sign3A_922 = arith.extui %sign3A_921 : i1 to i32
        %sign3A_923 = arith.constant 0 : i32
        %sign3A_924 = arith.cmpi slt, %multiple_of3A_917, %sign3A_923 : i32
        %sign3A_925 = arith.extui %sign3A_924 : i1 to i32
        %sign3A_926 = arith.subi %sign3A_922, %sign3A_925 : i32
        %sign3A_927 = arith.constant 0 : i32
        %sign3A_928 = arith.cmpi sgt, %jit3A_918, %sign3A_927 : i32
        %sign3A_929 = arith.extui %sign3A_928 : i1 to i32
        %sign3A_930 = arith.constant 0 : i32
        %sign3A_931 = arith.cmpi slt, %jit3A_918, %sign3A_930 : i32
        %sign3A_932 = arith.extui %sign3A_931 : i1 to i32
        %sign3A_933 = arith.subi %sign3A_929, %sign3A_932 : i32
        %ne3A_934 = arith.cmpi ne, %sign3A_926, %sign3A_933 : i32
        %rem3A_935 = arith.remsi %multiple_of3A_917, %jit3A_918 : i32
        %ne3A_936 = arith.constant 0 : i32
        %ne3A_937 = arith.cmpi ne, %rem3A_935, %ne3A_936 : i32
        %and3A_938 = arith.andi %ne3A_934, %ne3A_937 : i1
        %sub3A_939 = arith.constant 1 : i32
        %sub3A_940 = arith.subi %div3A_919, %sub3A_939 : i32
        %select_n3A_941 = arith.select %and3A_938, %sub3A_940, %div3A_919 : i32
        %mul3A_942 = arith.constant 6400 : i32
        %mul3A_943 = arith.muli %select_n3A_941, %mul3A_942 : i32
        %sub3A_944 = arith.subi %multiple_of3A_917, %mul3A_943 : i32
        %mul3A_945 = arith.constant 12800 : i32
        %mul3A_946 = arith.muli %select_n3A_941, %mul3A_945 : i32
        %add3A_947 = arith.addi %mul3A_946, %sub3A_944 : i32
        %multiple_of3A_948 = tpu.assume_multiple %add3A_947, 8 : i32
        %add3A_949 = arith.constant 6400 : i32
        %add3A_950 = arith.addi %multiple_of3A_948, %add3A_949 : i32
        %multiple_of3A_951 = tpu.assume_multiple %add3A_950, 8 : i32
        %dma_start3A_952 = arith.constant 0 : i32
        %dma_start3A_953 = tpu.memref_slice %arg10[%dma_start3A_952] : memref<80xi32, #tpu.memory_space<vmem>> -> memref<40xi32, #tpu.memory_space<vmem>>
        %dma_start3A_954 = tpu.memref_slice %arg4[%multiple_of3A_948] : memref<320000xi32, #tpu.memory_space<hbm>> -> memref<40xi32, #tpu.memory_space<hbm>>
        %dma_start3A_955 = arith.constant 0 : i32
        %dma_start3A_956 = tpu.memref_slice %arg10[%dma_start3A_955] : memref<80xi32, #tpu.memory_space<vmem>> -> memref<40xi32, #tpu.memory_space<vmem>>
        %dma_start3A_957 = tpu.memref_slice %arg4[%multiple_of3A_948] : memref<320000xi32, #tpu.memory_space<hbm>> -> memref<40xi32, #tpu.memory_space<hbm>>
        tpu.enqueue_dma source(%dma_start3A_957 : memref<40xi32, #tpu.memory_space<hbm>>) target(%dma_start3A_956 : memref<40xi32, #tpu.memory_space<vmem>>) target_semaphore(%arg25 : memref<!tpu.dma_semaphore, #tpu.memory_space<semaphore_mem>>)
        %dma_start3A_958 = arith.constant 40 : i32
        %dma_start3A_959 = tpu.memref_slice %arg10[%dma_start3A_958] : memref<80xi32, #tpu.memory_space<vmem>> -> memref<40xi32, #tpu.memory_space<vmem>>
        %dma_start3A_960 = tpu.memref_slice %arg4[%multiple_of3A_951] : memref<320000xi32, #tpu.memory_space<hbm>> -> memref<40xi32, #tpu.memory_space<hbm>>
        %dma_start3A_961 = arith.constant 40 : i32
        %dma_start3A_962 = tpu.memref_slice %arg10[%dma_start3A_961] : memref<80xi32, #tpu.memory_space<vmem>> -> memref<40xi32, #tpu.memory_space<vmem>>
        %dma_start3A_963 = tpu.memref_slice %arg4[%multiple_of3A_951] : memref<320000xi32, #tpu.memory_space<hbm>> -> memref<40xi32, #tpu.memory_space<hbm>>
        tpu.enqueue_dma source(%dma_start3A_963 : memref<40xi32, #tpu.memory_space<hbm>>) target(%dma_start3A_962 : memref<40xi32, #tpu.memory_space<vmem>>) target_semaphore(%arg25 : memref<!tpu.dma_semaphore, #tpu.memory_space<semaphore_mem>>)
        %dma_start3A_964 = arith.constant 0 : i32
        %dma_start3A_965 = tpu.memref_slice %arg14[%dma_start3A_964] : memref<80xi32, #tpu.memory_space<vmem>> -> memref<40xi32, #tpu.memory_space<vmem>>
        %dma_start3A_966 = tpu.memref_slice %arg5[%multiple_of3A_948] : memref<320000xi32, #tpu.memory_space<hbm>> -> memref<40xi32, #tpu.memory_space<hbm>>
        %dma_start3A_967 = arith.constant 0 : i32
        %dma_start3A_968 = tpu.memref_slice %arg14[%dma_start3A_967] : memref<80xi32, #tpu.memory_space<vmem>> -> memref<40xi32, #tpu.memory_space<vmem>>
        %dma_start3A_969 = tpu.memref_slice %arg5[%multiple_of3A_948] : memref<320000xi32, #tpu.memory_space<hbm>> -> memref<40xi32, #tpu.memory_space<hbm>>
        tpu.enqueue_dma source(%dma_start3A_969 : memref<40xi32, #tpu.memory_space<hbm>>) target(%dma_start3A_968 : memref<40xi32, #tpu.memory_space<vmem>>) target_semaphore(%arg25 : memref<!tpu.dma_semaphore, #tpu.memory_space<semaphore_mem>>)
        %dma_start3A_970 = arith.constant 40 : i32
        %dma_start3A_971 = tpu.memref_slice %arg14[%dma_start3A_970] : memref<80xi32, #tpu.memory_space<vmem>> -> memref<40xi32, #tpu.memory_space<vmem>>
        %dma_start3A_972 = tpu.memref_slice %arg5[%multiple_of3A_951] : memref<320000xi32, #tpu.memory_space<hbm>> -> memref<40xi32, #tpu.memory_space<hbm>>
        %dma_start3A_973 = arith.constant 40 : i32
        %dma_start3A_974 = tpu.memref_slice %arg14[%dma_start3A_973] : memref<80xi32, #tpu.memory_space<vmem>> -> memref<40xi32, #tpu.memory_space<vmem>>
        %dma_start3A_975 = tpu.memref_slice %arg5[%multiple_of3A_951] : memref<320000xi32, #tpu.memory_space<hbm>> -> memref<40xi32, #tpu.memory_space<hbm>>
        tpu.enqueue_dma source(%dma_start3A_975 : memref<40xi32, #tpu.memory_space<hbm>>) target(%dma_start3A_974 : memref<40xi32, #tpu.memory_space<vmem>>) target_semaphore(%arg25 : memref<!tpu.dma_semaphore, #tpu.memory_space<semaphore_mem>>)
      } else {
      }
      %add3A_742 = arith.constant 2 : i32
      %add3A_743 = arith.addi %add3A_574, %add3A_742 : i32
      %dma_wait3A_744 = arith.constant 0 : i32
      %dma_wait3A_745 = arith.constant 0 : i32
      %dma_wait3A_746 = arith.constant 0 : i32
      %dma_wait3A_747 = tpu.memref_slice %arg17[%dma_wait3A_744, %dma_wait3A_745, %dma_wait3A_746] : memref<2x80x128xf32, #tpu.memory_space<vmem>> -> memref<1x80x128xf32, #tpu.memory_space<vmem>>
      %dma_wait3A_748 = tpu.memref_squeeze %dma_wait3A_747 : memref<1x80x128xf32, #tpu.memory_space<vmem>> -> memref<80x128xf32, #tpu.memory_space<vmem>>
      %dma_wait3A_749 = arith.constant 0 : i32
      %dma_wait3A_750 = arith.constant 0 : i32
      %dma_wait3A_751 = tpu.memref_slice %arg2[%dma_wait3A_749, %dma_wait3A_750] : memref<10000x128xf32, #tpu.memory_space<hbm>> -> memref<10000x128xf32, #tpu.memory_space<hbm>>
      tpu.wait_indirect_dma semaphore(%arg20 : memref<!tpu.dma_semaphore, #tpu.memory_space<semaphore_mem>>) src(%dma_wait3A_751 : memref<10000x128xf32, #tpu.memory_space<hbm>>) dst(%dma_wait3A_748 : memref<80x128xf32, #tpu.memory_space<vmem>>)
      %mul3A_752 = arith.constant 5000 : i32
      %mul3A_753 = arith.muli %add3A, %mul3A_752 : i32
      %mul3A_754 = arith.constant 40 : i32
      %mul3A_755 = arith.muli %add3A_743, %mul3A_754 : i32
      %add3A_756 = arith.addi %mul3A_753, %mul3A_755 : i32
      %multiple_of3A_757 = tpu.assume_multiple %add3A_756, 8 : i32
      %jit3A_758 = arith.constant 6400 : i32
      %div3A_759 = arith.divsi %multiple_of3A_757, %jit3A_758 : i32
      %sign3A_760 = arith.constant 0 : i32
      %sign3A_761 = arith.cmpi sgt, %multiple_of3A_757, %sign3A_760 : i32
      %sign3A_762 = arith.extui %sign3A_761 : i1 to i32
      %sign3A_763 = arith.constant 0 : i32
      %sign3A_764 = arith.cmpi slt, %multiple_of3A_757, %sign3A_763 : i32
      %sign3A_765 = arith.extui %sign3A_764 : i1 to i32
      %sign3A_766 = arith.subi %sign3A_762, %sign3A_765 : i32
      %sign3A_767 = arith.constant 0 : i32
      %sign3A_768 = arith.cmpi sgt, %jit3A_758, %sign3A_767 : i32
      %sign3A_769 = arith.extui %sign3A_768 : i1 to i32
      %sign3A_770 = arith.constant 0 : i32
      %sign3A_771 = arith.cmpi slt, %jit3A_758, %sign3A_770 : i32
      %sign3A_772 = arith.extui %sign3A_771 : i1 to i32
      %sign3A_773 = arith.subi %sign3A_769, %sign3A_772 : i32
      %ne3A_774 = arith.cmpi ne, %sign3A_766, %sign3A_773 : i32
      %rem3A_775 = arith.remsi %multiple_of3A_757, %jit3A_758 : i32
      %ne3A_776 = arith.constant 0 : i32
      %ne3A_777 = arith.cmpi ne, %rem3A_775, %ne3A_776 : i32
      %and3A_778 = arith.andi %ne3A_774, %ne3A_777 : i1
      %sub3A_779 = arith.constant 1 : i32
      %sub3A_780 = arith.subi %div3A_759, %sub3A_779 : i32
      %select_n3A_781 = arith.select %and3A_778, %sub3A_780, %div3A_759 : i32
      %mul3A_782 = arith.constant 6400 : i32
      %mul3A_783 = arith.muli %select_n3A_781, %mul3A_782 : i32
      %sub3A_784 = arith.subi %multiple_of3A_757, %mul3A_783 : i32
      %mul3A_785 = arith.constant 12800 : i32
      %mul3A_786 = arith.muli %select_n3A_781, %mul3A_785 : i32
      %add3A_787 = arith.addi %mul3A_786, %sub3A_784 : i32
      %multiple_of3A_788 = tpu.assume_multiple %add3A_787, 8 : i32
      %add3A_789 = arith.constant 6400 : i32
      %add3A_790 = arith.addi %multiple_of3A_788, %add3A_789 : i32
      %multiple_of3A_791 = tpu.assume_multiple %add3A_790, 8 : i32
      %dma_wait3A_792 = arith.constant 0 : i32
      %dma_wait3A_793 = arith.constant 0 : i32
      %dma_wait3A_794 = arith.constant 0 : i32
      %dma_wait3A_795 = tpu.memref_slice %arg18[%dma_wait3A_792, %dma_wait3A_793, %dma_wait3A_794] : memref<2x40x128xi32, #tpu.memory_space<vmem>> -> memref<1x40x128xi32, #tpu.memory_space<vmem>>
      %dma_wait3A_796 = tpu.memref_squeeze %dma_wait3A_795 : memref<1x40x128xi32, #tpu.memory_space<vmem>> -> memref<40x128xi32, #tpu.memory_space<vmem>>
      %dma_wait3A_797 = arith.constant 0 : i32
      %dma_wait3A_798 = tpu.memref_slice %arg3[%multiple_of3A_757, %dma_wait3A_797] : memref<160000x128xi32, #tpu.memory_space<hbm>> -> memref<40x128xi32, #tpu.memory_space<hbm>>
      %dma_wait3A_799 = arith.constant 0 : i32
      %dma_wait3A_800 = arith.constant 0 : i32
      %dma_wait3A_801 = tpu.memref_slice %arg18[%dma_wait3A_792, %dma_wait3A_799, %dma_wait3A_800] : memref<2x40x128xi32, #tpu.memory_space<vmem>> -> memref<1x40x128xi32, #tpu.memory_space<vmem>>
      %dma_wait3A_802 = tpu.memref_squeeze %dma_wait3A_801 : memref<1x40x128xi32, #tpu.memory_space<vmem>> -> memref<40x128xi32, #tpu.memory_space<vmem>>
      %dma_wait3A_803 = arith.constant 0 : i32
      %dma_wait3A_804 = tpu.memref_slice %arg3[%multiple_of3A_757, %dma_wait3A_803] : memref<160000x128xi32, #tpu.memory_space<hbm>> -> memref<40x128xi32, #tpu.memory_space<hbm>>
      tpu.wait_dma2 semaphore(%arg22 : memref<!tpu.dma_semaphore, #tpu.memory_space<semaphore_mem>>) src(%dma_wait3A_804 : memref<40x128xi32, #tpu.memory_space<hbm>>) dst(%dma_wait3A_802 : memref<40x128xi32, #tpu.memory_space<vmem>>)
      %scan3A_805 = arith.constant 0 : i32
      %scan3A_806 = arith.constant 0 : i32
      %scan3A_807 = arith.constant 40 : i32
      %scan3A_808 = arith.addi %scan3A_806, %scan3A_807 : i32
      %scan3A_809 = arith.constant 1 : i32
      scf.for %scan3A_910 = %scan3A_806 to %scan3A_808 step %scan3A_809  : i32 {
        %get3A = arith.constant 0 : i32
        %get3A_911 = arith.index_cast %get3A : i32 to index
        %get3A_912 = arith.index_cast %scan3A_910 : i32 to index
        %get3A_913 = arith.constant 0 : index
        %get3A_914 = tpu.vector_load %arg18[%get3A_911, %get3A_912, %get3A_913] {strides = array<i32>} : memref<2x40x128xi32, #tpu.memory_space<vmem>>, vector<1x1x16xi32>,
        %get3A_915 = vector.shape_cast %get3A_914 : vector<1x1x16xi32> to vector<16xi32>
        %shift_left3A = arith.constant 16 : i32
        %shift_left3A_916 = vector.broadcast %shift_left3A : i32 to vector<16xi32>
        %shift_left3A_917 = arith.shli %get3A_915, %shift_left3A_916 : vector<16xi32>
        %bitcast_convert_type3A = tpu.bitcast %shift_left3A_917 : vector<16xi32> -> vector<16xf32>
        %and3A_918 = arith.constant -65536 : i32
        %and3A_919 = vector.broadcast %and3A_918 : i32 to vector<16xi32>
        %and3A_920 = arith.andi %get3A_915, %and3A_919 : vector<16xi32>
        %bitcast_convert_type3A_921 = tpu.bitcast %and3A_920 : vector<16xi32> -> vector<16xf32>
        %add3A_922 = arith.constant 0 : i32
        %add3A_923 = arith.addi %add3A_922, %scan3A_910 : i32
        %get3A_924 = arith.constant 0 : i32
        %get3A_925 = arith.index_cast %get3A_924 : i32 to index
        %get3A_926 = arith.index_cast %add3A_923 : i32 to index
        %get3A_927 = arith.constant 0 : index
        %get3A_928 = tpu.vector_load %arg17[%get3A_925, %get3A_926, %get3A_927] {strides = array<i32>} : memref<2x80x128xf32, #tpu.memory_space<vmem>>, vector<1x1x16xf32>,
        %get3A_929 = vector.shape_cast %get3A_928 : vector<1x1x16xf32> to vector<16xf32>
        %mul3A_930 = arith.mulf %get3A_929, %bitcast_convert_type3A : vector<16xf32>
        %add3A_931 = arith.constant 0 : i32
        %add3A_932 = arith.addi %add3A_931, %scan3A_910 : i32
        %swap3A = arith.constant 0 : i32
        %swap3A_933 = arith.index_cast %swap3A : i32 to index
        %swap3A_934 = arith.index_cast %add3A_932 : i32 to index
        %swap3A_935 = arith.constant 0 : index
        %swap3A_936 = tpu.vector_load %arg17[%swap3A_933, %swap3A_934, %swap3A_935] {strides = array<i32>} : memref<2x80x128xf32, #tpu.memory_space<vmem>>, vector<1x1x16xf32>,
        %swap3A_937 = vector.shape_cast %swap3A_936 : vector<1x1x16xf32> to vector<16xf32>
        %swap3A_938 = vector.shape_cast %mul3A_930 : vector<16xf32> to vector<1x1x16xf32>
        tpu.vector_store %arg17[%swap3A_933, %swap3A_934, %swap3A_935], %swap3A_938 {strides = array<i32>} : memref<2x80x128xf32, #tpu.memory_space<vmem>>, vector<1x1x16xf32>,
        %add3A_939 = arith.constant 0 : i32
        %add3A_940 = arith.addi %add3A_939, %scan3A_910 : i32
        %get3A_941 = arith.constant 0 : i32
        %get3A_942 = arith.index_cast %get3A_941 : i32 to index
        %get3A_943 = arith.index_cast %add3A_940 : i32 to index
        %get3A_944 = arith.constant 16 : index
        %get3A_945 = tpu.vector_load %arg17[%get3A_942, %get3A_943, %get3A_944] {strides = array<i32>} : memref<2x80x128xf32, #tpu.memory_space<vmem>>, vector<1x1x16xf32>,
        %get3A_946 = vector.shape_cast %get3A_945 : vector<1x1x16xf32> to vector<16xf32>
        %mul3A_947 = arith.mulf %get3A_946, %bitcast_convert_type3A_921 : vector<16xf32>
        %add3A_948 = arith.constant 0 : i32
        %add3A_949 = arith.addi %add3A_948, %scan3A_910 : i32
        %swap3A_950 = arith.constant 0 : i32
        %swap3A_951 = arith.index_cast %swap3A_950 : i32 to index
        %swap3A_952 = arith.index_cast %add3A_949 : i32 to index
        %swap3A_953 = arith.constant 16 : index
        %swap3A_954 = tpu.vector_load %arg17[%swap3A_951, %swap3A_952, %swap3A_953] {strides = array<i32>} : memref<2x80x128xf32, #tpu.memory_space<vmem>>, vector<1x1x16xf32>,
        %swap3A_955 = vector.shape_cast %swap3A_954 : vector<1x1x16xf32> to vector<16xf32>
        %swap3A_956 = vector.shape_cast %mul3A_947 : vector<16xf32> to vector<1x1x16xf32>
        tpu.vector_store %arg17[%swap3A_951, %swap3A_952, %swap3A_953], %swap3A_956 {strides = array<i32>} : memref<2x80x128xf32, #tpu.memory_space<vmem>>, vector<1x1x16xf32>,
        %get3A_957 = arith.constant 0 : i32
        %get3A_958 = arith.index_cast %get3A_957 : i32 to index
        %get3A_959 = arith.index_cast %scan3A_910 : i32 to index
        %get3A_960 = arith.constant 16 : index
        %get3A_961 = tpu.vector_load %arg18[%get3A_958, %get3A_959, %get3A_960] {strides = array<i32>} : memref<2x40x128xi32, #tpu.memory_space<vmem>>, vector<1x1x16xi32>,
        %get3A_962 = vector.shape_cast %get3A_961 : vector<1x1x16xi32> to vector<16xi32>
        %shift_left3A_963 = arith.constant 16 : i32
        %shift_left3A_964 = vector.broadcast %shift_left3A_963 : i32 to vector<16xi32>
        %shift_left3A_965 = arith.shli %get3A_962, %shift_left3A_964 : vector<16xi32>
        %bitcast_convert_type3A_966 = tpu.bitcast %shift_left3A_965 : vector<16xi32> -> vector<16xf32>
        %and3A_967 = arith.constant -65536 : i32
        %and3A_968 = vector.broadcast %and3A_967 : i32 to vector<16xi32>
        %and3A_969 = arith.andi %get3A_962, %and3A_968 : vector<16xi32>
        %bitcast_convert_type3A_970 = tpu.bitcast %and3A_969 : vector<16xi32> -> vector<16xf32>
        %add3A_971 = arith.constant 0 : i32
        %add3A_972 = arith.addi %add3A_971, %scan3A_910 : i32
        %get3A_973 = arith.constant 0 : i32
        %get3A_974 = arith.index_cast %get3A_973 : i32 to index
        %get3A_975 = arith.index_cast %add3A_972 : i32 to index
        %get3A_976 = arith.constant 32 : index
        %get3A_977 = tpu.vector_load %arg17[%get3A_974, %get3A_975, %get3A_976] {strides = array<i32>} : memref<2x80x128xf32, #tpu.memory_space<vmem>>, vector<1x1x16xf32>,
        %get3A_978 = vector.shape_cast %get3A_977 : vector<1x1x16xf32> to vector<16xf32>
        %mul3A_979 = arith.mulf %get3A_978, %bitcast_convert_type3A_966 : vector<16xf32>
        %add3A_980 = arith.constant 0 : i32
        %add3A_981 = arith.addi %add3A_980, %scan3A_910 : i32
        %swap3A_982 = arith.constant 0 : i32
        %swap3A_983 = arith.index_cast %swap3A_982 : i32 to index
        %swap3A_984 = arith.index_cast %add3A_981 : i32 to index
        %swap3A_985 = arith.constant 32 : index
        %swap3A_986 = tpu.vector_load %arg17[%swap3A_983, %swap3A_984, %swap3A_985] {strides = array<i32>} : memref<2x80x128xf32, #tpu.memory_space<vmem>>, vector<1x1x16xf32>,
        %swap3A_987 = vector.shape_cast %swap3A_986 : vector<1x1x16xf32> to vector<16xf32>
        %swap3A_988 = vector.shape_cast %mul3A_979 : vector<16xf32> to vector<1x1x16xf32>
        tpu.vector_store %arg17[%swap3A_983, %swap3A_984, %swap3A_985], %swap3A_988 {strides = array<i32>} : memref<2x80x128xf32, #tpu.memory_space<vmem>>, vector<1x1x16xf32>,
        %add3A_989 = arith.constant 0 : i32
        %add3A_990 = arith.addi %add3A_989, %scan3A_910 : i32
        %get3A_991 = arith.constant 0 : i32
        %get3A_992 = arith.index_cast %get3A_991 : i32 to index
        %get3A_993 = arith.index_cast %add3A_990 : i32 to index
        %get3A_994 = arith.constant 48 : index
        %get3A_995 = tpu.vector_load %arg17[%get3A_992, %get3A_993, %get3A_994] {strides = array<i32>} : memref<2x80x128xf32, #tpu.memory_space<vmem>>, vector<1x1x16xf32>,
        %get3A_996 = vector.shape_cast %get3A_995 : vector<1x1x16xf32> to vector<16xf32>
        %mul3A_997 = arith.mulf %get3A_996, %bitcast_convert_type3A_970 : vector<16xf32>
        %add3A_998 = arith.constant 0 : i32
        %add3A_999 = arith.addi %add3A_998, %scan3A_910 : i32
        %swap3A_1000 = arith.constant 0 : i32
        %swap3A_1001 = arith.index_cast %swap3A_1000 : i32 to index
        %swap3A_1002 = arith.index_cast %add3A_999 : i32 to index
        %swap3A_1003 = arith.constant 48 : index
        %swap3A_1004 = tpu.vector_load %arg17[%swap3A_1001, %swap3A_1002, %swap3A_1003] {strides = array<i32>} : memref<2x80x128xf32, #tpu.memory_space<vmem>>, vector<1x1x16xf32>,
        %swap3A_1005 = vector.shape_cast %swap3A_1004 : vector<1x1x16xf32> to vector<16xf32>
        %swap3A_1006 = vector.shape_cast %mul3A_997 : vector<16xf32> to vector<1x1x16xf32>
        tpu.vector_store %arg17[%swap3A_1001, %swap3A_1002, %swap3A_1003], %swap3A_1006 {strides = array<i32>} : memref<2x80x128xf32, #tpu.memory_space<vmem>>, vector<1x1x16xf32>,
        %get3A_1007 = arith.constant 0 : i32
        %get3A_1008 = arith.index_cast %get3A_1007 : i32 to index
        %get3A_1009 = arith.index_cast %scan3A_910 : i32 to index
        %get3A_1010 = arith.constant 32 : index
        %get3A_1011 = tpu.vector_load %arg18[%get3A_1008, %get3A_1009, %get3A_1010] {strides = array<i32>} : memref<2x40x128xi32, #tpu.memory_space<vmem>>, vector<1x1x16xi32>,
        %get3A_1012 = vector.shape_cast %get3A_1011 : vector<1x1x16xi32> to vector<16xi32>
        %shift_left3A_1013 = arith.constant 16 : i32
        %shift_left3A_1014 = vector.broadcast %shift_left3A_1013 : i32 to vector<16xi32>
        %shift_left3A_1015 = arith.shli %get3A_1012, %shift_left3A_1014 : vector<16xi32>
        %bitcast_convert_type3A_1016 = tpu.bitcast %shift_left3A_1015 : vector<16xi32> -> vector<16xf32>
        %and3A_1017 = arith.constant -65536 : i32
        %and3A_1018 = vector.broadcast %and3A_1017 : i32 to vector<16xi32>
        %and3A_1019 = arith.andi %get3A_1012, %and3A_1018 : vector<16xi32>
        %bitcast_convert_type3A_1020 = tpu.bitcast %and3A_1019 : vector<16xi32> -> vector<16xf32>
        %add3A_1021 = arith.constant 0 : i32
        %add3A_1022 = arith.addi %add3A_1021, %scan3A_910 : i32
        %get3A_1023 = arith.constant 0 : i32
        %get3A_1024 = arith.index_cast %get3A_1023 : i32 to index
        %get3A_1025 = arith.index_cast %add3A_1022 : i32 to index
        %get3A_1026 = arith.constant 64 : index
        %get3A_1027 = tpu.vector_load %arg17[%get3A_1024, %get3A_1025, %get3A_1026] {strides = array<i32>} : memref<2x80x128xf32, #tpu.memory_space<vmem>>, vector<1x1x16xf32>,
        %get3A_1028 = vector.shape_cast %get3A_1027 : vector<1x1x16xf32> to vector<16xf32>
        %mul3A_1029 = arith.mulf %get3A_1028, %bitcast_convert_type3A_1016 : vector<16xf32>
        %add3A_1030 = arith.constant 0 : i32
        %add3A_1031 = arith.addi %add3A_1030, %scan3A_910 : i32
        %swap3A_1032 = arith.constant 0 : i32
        %swap3A_1033 = arith.index_cast %swap3A_1032 : i32 to index
        %swap3A_1034 = arith.index_cast %add3A_1031 : i32 to index
        %swap3A_1035 = arith.constant 64 : index
        %swap3A_1036 = tpu.vector_load %arg17[%swap3A_1033, %swap3A_1034, %swap3A_1035] {strides = array<i32>} : memref<2x80x128xf32, #tpu.memory_space<vmem>>, vector<1x1x16xf32>,
        %swap3A_1037 = vector.shape_cast %swap3A_1036 : vector<1x1x16xf32> to vector<16xf32>
        %swap3A_1038 = vector.shape_cast %mul3A_1029 : vector<16xf32> to vector<1x1x16xf32>
        tpu.vector_store %arg17[%swap3A_1033, %swap3A_1034, %swap3A_1035], %swap3A_1038 {strides = array<i32>} : memref<2x80x128xf32, #tpu.memory_space<vmem>>, vector<1x1x16xf32>,
        %add3A_1039 = arith.constant 0 : i32
        %add3A_1040 = arith.addi %add3A_1039, %scan3A_910 : i32
        %get3A_1041 = arith.constant 0 : i32
        %get3A_1042 = arith.index_cast %get3A_1041 : i32 to index
        %get3A_1043 = arith.index_cast %add3A_1040 : i32 to index
        %get3A_1044 = arith.constant 80 : index
        %get3A_1045 = tpu.vector_load %arg17[%get3A_1042, %get3A_1043, %get3A_1044] {strides = array<i32>} : memref<2x80x128xf32, #tpu.memory_space<vmem>>, vector<1x1x16xf32>,
        %get3A_1046 = vector.shape_cast %get3A_1045 : vector<1x1x16xf32> to vector<16xf32>
        %mul3A_1047 = arith.mulf %get3A_1046, %bitcast_convert_type3A_1020 : vector<16xf32>
        %add3A_1048 = arith.constant 0 : i32
        %add3A_1049 = arith.addi %add3A_1048, %scan3A_910 : i32
        %swap3A_1050 = arith.constant 0 : i32
        %swap3A_1051 = arith.index_cast %swap3A_1050 : i32 to index
        %swap3A_1052 = arith.index_cast %add3A_1049 : i32 to index
        %swap3A_1053 = arith.constant 80 : index
        %swap3A_1054 = tpu.vector_load %arg17[%swap3A_1051, %swap3A_1052, %swap3A_1053] {strides = array<i32>} : memref<2x80x128xf32, #tpu.memory_space<vmem>>, vector<1x1x16xf32>,
        %swap3A_1055 = vector.shape_cast %swap3A_1054 : vector<1x1x16xf32> to vector<16xf32>
        %swap3A_1056 = vector.shape_cast %mul3A_1047 : vector<16xf32> to vector<1x1x16xf32>
        tpu.vector_store %arg17[%swap3A_1051, %swap3A_1052, %swap3A_1053], %swap3A_1056 {strides = array<i32>} : memref<2x80x128xf32, #tpu.memory_space<vmem>>, vector<1x1x16xf32>,
        %get3A_1057 = arith.constant 0 : i32
        %get3A_1058 = arith.index_cast %get3A_1057 : i32 to index
        %get3A_1059 = arith.index_cast %scan3A_910 : i32 to index
        %get3A_1060 = arith.constant 48 : index
        %get3A_1061 = tpu.vector_load %arg18[%get3A_1058, %get3A_1059, %get3A_1060] {strides = array<i32>} : memref<2x40x128xi32, #tpu.memory_space<vmem>>, vector<1x1x16xi32>,
        %get3A_1062 = vector.shape_cast %get3A_1061 : vector<1x1x16xi32> to vector<16xi32>
        %shift_left3A_1063 = arith.constant 16 : i32
        %shift_left3A_1064 = vector.broadcast %shift_left3A_1063 : i32 to vector<16xi32>
        %shift_left3A_1065 = arith.shli %get3A_1062, %shift_left3A_1064 : vector<16xi32>
        %bitcast_convert_type3A_1066 = tpu.bitcast %shift_left3A_1065 : vector<16xi32> -> vector<16xf32>
        %and3A_1067 = arith.constant -65536 : i32
        %and3A_1068 = vector.broadcast %and3A_1067 : i32 to vector<16xi32>
        %and3A_1069 = arith.andi %get3A_1062, %and3A_1068 : vector<16xi32>
        %bitcast_convert_type3A_1070 = tpu.bitcast %and3A_1069 : vector<16xi32> -> vector<16xf32>
        %add3A_1071 = arith.constant 0 : i32
        %add3A_1072 = arith.addi %add3A_1071, %scan3A_910 : i32
        %get3A_1073 = arith.constant 0 : i32
        %get3A_1074 = arith.index_cast %get3A_1073 : i32 to index
        %get3A_1075 = arith.index_cast %add3A_1072 : i32 to index
        %get3A_1076 = arith.constant 96 : index
        %get3A_1077 = tpu.vector_load %arg17[%get3A_1074, %get3A_1075, %get3A_1076] {strides = array<i32>} : memref<2x80x128xf32, #tpu.memory_space<vmem>>, vector<1x1x16xf32>,
        %get3A_1078 = vector.shape_cast %get3A_1077 : vector<1x1x16xf32> to vector<16xf32>
        %mul3A_1079 = arith.mulf %get3A_1078, %bitcast_convert_type3A_1066 : vector<16xf32>
        %add3A_1080 = arith.constant 0 : i32
        %add3A_1081 = arith.addi %add3A_1080, %scan3A_910 : i32
        %swap3A_1082 = arith.constant 0 : i32
        %swap3A_1083 = arith.index_cast %swap3A_1082 : i32 to index
        %swap3A_1084 = arith.index_cast %add3A_1081 : i32 to index
        %swap3A_1085 = arith.constant 96 : index
        %swap3A_1086 = tpu.vector_load %arg17[%swap3A_1083, %swap3A_1084, %swap3A_1085] {strides = array<i32>} : memref<2x80x128xf32, #tpu.memory_space<vmem>>, vector<1x1x16xf32>,
        %swap3A_1087 = vector.shape_cast %swap3A_1086 : vector<1x1x16xf32> to vector<16xf32>
        %swap3A_1088 = vector.shape_cast %mul3A_1079 : vector<16xf32> to vector<1x1x16xf32>
        tpu.vector_store %arg17[%swap3A_1083, %swap3A_1084, %swap3A_1085], %swap3A_1088 {strides = array<i32>} : memref<2x80x128xf32, #tpu.memory_space<vmem>>, vector<1x1x16xf32>,
        %add3A_1089 = arith.constant 0 : i32
        %add3A_1090 = arith.addi %add3A_1089, %scan3A_910 : i32
        %get3A_1091 = arith.constant 0 : i32
        %get3A_1092 = arith.index_cast %get3A_1091 : i32 to index
        %get3A_1093 = arith.index_cast %add3A_1090 : i32 to index
        %get3A_1094 = arith.constant 112 : index
        %get3A_1095 = tpu.vector_load %arg17[%get3A_1092, %get3A_1093, %get3A_1094] {strides = array<i32>} : memref<2x80x128xf32, #tpu.memory_space<vmem>>, vector<1x1x16xf32>,
        %get3A_1096 = vector.shape_cast %get3A_1095 : vector<1x1x16xf32> to vector<16xf32>
        %mul3A_1097 = arith.mulf %get3A_1096, %bitcast_convert_type3A_1070 : vector<16xf32>
        %add3A_1098 = arith.constant 0 : i32
        %add3A_1099 = arith.addi %add3A_1098, %scan3A_910 : i32
        %swap3A_1100 = arith.constant 0 : i32
        %swap3A_1101 = arith.index_cast %swap3A_1100 : i32 to index
        %swap3A_1102 = arith.index_cast %add3A_1099 : i32 to index
        %swap3A_1103 = arith.constant 112 : index
        %swap3A_1104 = tpu.vector_load %arg17[%swap3A_1101, %swap3A_1102, %swap3A_1103] {strides = array<i32>} : memref<2x80x128xf32, #tpu.memory_space<vmem>>, vector<1x1x16xf32>,
        %swap3A_1105 = vector.shape_cast %swap3A_1104 : vector<1x1x16xf32> to vector<16xf32>
        %swap3A_1106 = vector.shape_cast %mul3A_1097 : vector<16xf32> to vector<1x1x16xf32>
        tpu.vector_store %arg17[%swap3A_1101, %swap3A_1102, %swap3A_1103], %swap3A_1106 {strides = array<i32>} : memref<2x80x128xf32, #tpu.memory_space<vmem>>, vector<1x1x16xf32>,
        %get3A_1107 = arith.constant 0 : i32
        %get3A_1108 = arith.index_cast %get3A_1107 : i32 to index
        %get3A_1109 = arith.index_cast %scan3A_910 : i32 to index
        %get3A_1110 = arith.constant 64 : index
        %get3A_1111 = tpu.vector_load %arg18[%get3A_1108, %get3A_1109, %get3A_1110] {strides = array<i32>} : memref<2x40x128xi32, #tpu.memory_space<vmem>>, vector<1x1x16xi32>,
        %get3A_1112 = vector.shape_cast %get3A_1111 : vector<1x1x16xi32> to vector<16xi32>
        %shift_left3A_1113 = arith.constant 16 : i32
        %shift_left3A_1114 = vector.broadcast %shift_left3A_1113 : i32 to vector<16xi32>
        %shift_left3A_1115 = arith.shli %get3A_1112, %shift_left3A_1114 : vector<16xi32>
        %bitcast_convert_type3A_1116 = tpu.bitcast %shift_left3A_1115 : vector<16xi32> -> vector<16xf32>
        %and3A_1117 = arith.constant -65536 : i32
        %and3A_1118 = vector.broadcast %and3A_1117 : i32 to vector<16xi32>
        %and3A_1119 = arith.andi %get3A_1112, %and3A_1118 : vector<16xi32>
        %bitcast_convert_type3A_1120 = tpu.bitcast %and3A_1119 : vector<16xi32> -> vector<16xf32>
        %add3A_1121 = arith.constant 40 : i32
        %add3A_1122 = arith.addi %add3A_1121, %scan3A_910 : i32
        %get3A_1123 = arith.constant 0 : i32
        %get3A_1124 = arith.index_cast %get3A_1123 : i32 to index
        %get3A_1125 = arith.index_cast %add3A_1122 : i32 to index
        %get3A_1126 = arith.constant 0 : index
        %get3A_1127 = tpu.vector_load %arg17[%get3A_1124, %get3A_1125, %get3A_1126] {strides = array<i32>} : memref<2x80x128xf32, #tpu.memory_space<vmem>>, vector<1x1x16xf32>,
        %get3A_1128 = vector.shape_cast %get3A_1127 : vector<1x1x16xf32> to vector<16xf32>
        %mul3A_1129 = arith.mulf %get3A_1128, %bitcast_convert_type3A_1116 : vector<16xf32>
        %add3A_1130 = arith.constant 40 : i32
        %add3A_1131 = arith.addi %add3A_1130, %scan3A_910 : i32
        %swap3A_1132 = arith.constant 0 : i32
        %swap3A_1133 = arith.index_cast %swap3A_1132 : i32 to index
        %swap3A_1134 = arith.index_cast %add3A_1131 : i32 to index
        %swap3A_1135 = arith.constant 0 : index
        %swap3A_1136 = tpu.vector_load %arg17[%swap3A_1133, %swap3A_1134, %swap3A_1135] {strides = array<i32>} : memref<2x80x128xf32, #tpu.memory_space<vmem>>, vector<1x1x16xf32>,
        %swap3A_1137 = vector.shape_cast %swap3A_1136 : vector<1x1x16xf32> to vector<16xf32>
        %swap3A_1138 = vector.shape_cast %mul3A_1129 : vector<16xf32> to vector<1x1x16xf32>
        tpu.vector_store %arg17[%swap3A_1133, %swap3A_1134, %swap3A_1135], %swap3A_1138 {strides = array<i32>} : memref<2x80x128xf32, #tpu.memory_space<vmem>>, vector<1x1x16xf32>,
        %add3A_1139 = arith.constant 40 : i32
        %add3A_1140 = arith.addi %add3A_1139, %scan3A_910 : i32
        %get3A_1141 = arith.constant 0 : i32
        %get3A_1142 = arith.index_cast %get3A_1141 : i32 to index
        %get3A_1143 = arith.index_cast %add3A_1140 : i32 to index
        %get3A_1144 = arith.constant 16 : index
        %get3A_1145 = tpu.vector_load %arg17[%get3A_1142, %get3A_1143, %get3A_1144] {strides = array<i32>} : memref<2x80x128xf32, #tpu.memory_space<vmem>>, vector<1x1x16xf32>,
        %get3A_1146 = vector.shape_cast %get3A_1145 : vector<1x1x16xf32> to vector<16xf32>
        %mul3A_1147 = arith.mulf %get3A_1146, %bitcast_convert_type3A_1120 : vector<16xf32>
        %add3A_1148 = arith.constant 40 : i32
        %add3A_1149 = arith.addi %add3A_1148, %scan3A_910 : i32
        %swap3A_1150 = arith.constant 0 : i32
        %swap3A_1151 = arith.index_cast %swap3A_1150 : i32 to index
        %swap3A_1152 = arith.index_cast %add3A_1149 : i32 to index
        %swap3A_1153 = arith.constant 16 : index
        %swap3A_1154 = tpu.vector_load %arg17[%swap3A_1151, %swap3A_1152, %swap3A_1153] {strides = array<i32>} : memref<2x80x128xf32, #tpu.memory_space<vmem>>, vector<1x1x16xf32>,
        %swap3A_1155 = vector.shape_cast %swap3A_1154 : vector<1x1x16xf32> to vector<16xf32>
        %swap3A_1156 = vector.shape_cast %mul3A_1147 : vector<16xf32> to vector<1x1x16xf32>
        tpu.vector_store %arg17[%swap3A_1151, %swap3A_1152, %swap3A_1153], %swap3A_1156 {strides = array<i32>} : memref<2x80x128xf32, #tpu.memory_space<vmem>>, vector<1x1x16xf32>,
        %get3A_1157 = arith.constant 0 : i32
        %get3A_1158 = arith.index_cast %get3A_1157 : i32 to index
        %get3A_1159 = arith.index_cast %scan3A_910 : i32 to index
        %get3A_1160 = arith.constant 80 : index
        %get3A_1161 = tpu.vector_load %arg18[%get3A_1158, %get3A_1159, %get3A_1160] {strides = array<i32>} : memref<2x40x128xi32, #tpu.memory_space<vmem>>, vector<1x1x16xi32>,
        %get3A_1162 = vector.shape_cast %get3A_1161 : vector<1x1x16xi32> to vector<16xi32>
        %shift_left3A_1163 = arith.constant 16 : i32
        %shift_left3A_1164 = vector.broadcast %shift_left3A_1163 : i32 to vector<16xi32>
        %shift_left3A_1165 = arith.shli %get3A_1162, %shift_left3A_1164 : vector<16xi32>
        %bitcast_convert_type3A_1166 = tpu.bitcast %shift_left3A_1165 : vector<16xi32> -> vector<16xf32>
        %and3A_1167 = arith.constant -65536 : i32
        %and3A_1168 = vector.broadcast %and3A_1167 : i32 to vector<16xi32>
        %and3A_1169 = arith.andi %get3A_1162, %and3A_1168 : vector<16xi32>
        %bitcast_convert_type3A_1170 = tpu.bitcast %and3A_1169 : vector<16xi32> -> vector<16xf32>
        %add3A_1171 = arith.constant 40 : i32
        %add3A_1172 = arith.addi %add3A_1171, %scan3A_910 : i32
        %get3A_1173 = arith.constant 0 : i32
        %get3A_1174 = arith.index_cast %get3A_1173 : i32 to index
        %get3A_1175 = arith.index_cast %add3A_1172 : i32 to index
        %get3A_1176 = arith.constant 32 : index
        %get3A_1177 = tpu.vector_load %arg17[%get3A_1174, %get3A_1175, %get3A_1176] {strides = array<i32>} : memref<2x80x128xf32, #tpu.memory_space<vmem>>, vector<1x1x16xf32>,
        %get3A_1178 = vector.shape_cast %get3A_1177 : vector<1x1x16xf32> to vector<16xf32>
        %mul3A_1179 = arith.mulf %get3A_1178, %bitcast_convert_type3A_1166 : vector<16xf32>
        %add3A_1180 = arith.constant 40 : i32
        %add3A_1181 = arith.addi %add3A_1180, %scan3A_910 : i32
        %swap3A_1182 = arith.constant 0 : i32
        %swap3A_1183 = arith.index_cast %swap3A_1182 : i32 to index
        %swap3A_1184 = arith.index_cast %add3A_1181 : i32 to index
        %swap3A_1185 = arith.constant 32 : index
        %swap3A_1186 = tpu.vector_load %arg17[%swap3A_1183, %swap3A_1184, %swap3A_1185] {strides = array<i32>} : memref<2x80x128xf32, #tpu.memory_space<vmem>>, vector<1x1x16xf32>,
        %swap3A_1187 = vector.shape_cast %swap3A_1186 : vector<1x1x16xf32> to vector<16xf32>
        %swap3A_1188 = vector.shape_cast %mul3A_1179 : vector<16xf32> to vector<1x1x16xf32>
        tpu.vector_store %arg17[%swap3A_1183, %swap3A_1184, %swap3A_1185], %swap3A_1188 {strides = array<i32>} : memref<2x80x128xf32, #tpu.memory_space<vmem>>, vector<1x1x16xf32>,
        %add3A_1189 = arith.constant 40 : i32
        %add3A_1190 = arith.addi %add3A_1189, %scan3A_910 : i32
        %get3A_1191 = arith.constant 0 : i32
        %get3A_1192 = arith.index_cast %get3A_1191 : i32 to index
        %get3A_1193 = arith.index_cast %add3A_1190 : i32 to index
        %get3A_1194 = arith.constant 48 : index
        %get3A_1195 = tpu.vector_load %arg17[%get3A_1192, %get3A_1193, %get3A_1194] {strides = array<i32>} : memref<2x80x128xf32, #tpu.memory_space<vmem>>, vector<1x1x16xf32>,
        %get3A_1196 = vector.shape_cast %get3A_1195 : vector<1x1x16xf32> to vector<16xf32>
        %mul3A_1197 = arith.mulf %get3A_1196, %bitcast_convert_type3A_1170 : vector<16xf32>
        %add3A_1198 = arith.constant 40 : i32
        %add3A_1199 = arith.addi %add3A_1198, %scan3A_910 : i32
        %swap3A_1200 = arith.constant 0 : i32
        %swap3A_1201 = arith.index_cast %swap3A_1200 : i32 to index
        %swap3A_1202 = arith.index_cast %add3A_1199 : i32 to index
        %swap3A_1203 = arith.constant 48 : index
        %swap3A_1204 = tpu.vector_load %arg17[%swap3A_1201, %swap3A_1202, %swap3A_1203] {strides = array<i32>} : memref<2x80x128xf32, #tpu.memory_space<vmem>>, vector<1x1x16xf32>,
        %swap3A_1205 = vector.shape_cast %swap3A_1204 : vector<1x1x16xf32> to vector<16xf32>
        %swap3A_1206 = vector.shape_cast %mul3A_1197 : vector<16xf32> to vector<1x1x16xf32>
        tpu.vector_store %arg17[%swap3A_1201, %swap3A_1202, %swap3A_1203], %swap3A_1206 {strides = array<i32>} : memref<2x80x128xf32, #tpu.memory_space<vmem>>, vector<1x1x16xf32>,
        %get3A_1207 = arith.constant 0 : i32
        %get3A_1208 = arith.index_cast %get3A_1207 : i32 to index
        %get3A_1209 = arith.index_cast %scan3A_910 : i32 to index
        %get3A_1210 = arith.constant 96 : index
        %get3A_1211 = tpu.vector_load %arg18[%get3A_1208, %get3A_1209, %get3A_1210] {strides = array<i32>} : memref<2x40x128xi32, #tpu.memory_space<vmem>>, vector<1x1x16xi32>,
        %get3A_1212 = vector.shape_cast %get3A_1211 : vector<1x1x16xi32> to vector<16xi32>
        %shift_left3A_1213 = arith.constant 16 : i32
        %shift_left3A_1214 = vector.broadcast %shift_left3A_1213 : i32 to vector<16xi32>
        %shift_left3A_1215 = arith.shli %get3A_1212, %shift_left3A_1214 : vector<16xi32>
        %bitcast_convert_type3A_1216 = tpu.bitcast %shift_left3A_1215 : vector<16xi32> -> vector<16xf32>
        %and3A_1217 = arith.constant -65536 : i32
        %and3A_1218 = vector.broadcast %and3A_1217 : i32 to vector<16xi32>
        %and3A_1219 = arith.andi %get3A_1212, %and3A_1218 : vector<16xi32>
        %bitcast_convert_type3A_1220 = tpu.bitcast %and3A_1219 : vector<16xi32> -> vector<16xf32>
        %add3A_1221 = arith.constant 40 : i32
        %add3A_1222 = arith.addi %add3A_1221, %scan3A_910 : i32
        %get3A_1223 = arith.constant 0 : i32
        %get3A_1224 = arith.index_cast %get3A_1223 : i32 to index
        %get3A_1225 = arith.index_cast %add3A_1222 : i32 to index
        %get3A_1226 = arith.constant 64 : index
        %get3A_1227 = tpu.vector_load %arg17[%get3A_1224, %get3A_1225, %get3A_1226] {strides = array<i32>} : memref<2x80x128xf32, #tpu.memory_space<vmem>>, vector<1x1x16xf32>,
        %get3A_1228 = vector.shape_cast %get3A_1227 : vector<1x1x16xf32> to vector<16xf32>
        %mul3A_1229 = arith.mulf %get3A_1228, %bitcast_convert_type3A_1216 : vector<16xf32>
        %add3A_1230 = arith.constant 40 : i32
        %add3A_1231 = arith.addi %add3A_1230, %scan3A_910 : i32
        %swap3A_1232 = arith.constant 0 : i32
        %swap3A_1233 = arith.index_cast %swap3A_1232 : i32 to index
        %swap3A_1234 = arith.index_cast %add3A_1231 : i32 to index
        %swap3A_1235 = arith.constant 64 : index
        %swap3A_1236 = tpu.vector_load %arg17[%swap3A_1233, %swap3A_1234, %swap3A_1235] {strides = array<i32>} : memref<2x80x128xf32, #tpu.memory_space<vmem>>, vector<1x1x16xf32>,
        %swap3A_1237 = vector.shape_cast %swap3A_1236 : vector<1x1x16xf32> to vector<16xf32>
        %swap3A_1238 = vector.shape_cast %mul3A_1229 : vector<16xf32> to vector<1x1x16xf32>
        tpu.vector_store %arg17[%swap3A_1233, %swap3A_1234, %swap3A_1235], %swap3A_1238 {strides = array<i32>} : memref<2x80x128xf32, #tpu.memory_space<vmem>>, vector<1x1x16xf32>,
        %add3A_1239 = arith.constant 40 : i32
        %add3A_1240 = arith.addi %add3A_1239, %scan3A_910 : i32
        %get3A_1241 = arith.constant 0 : i32
        %get3A_1242 = arith.index_cast %get3A_1241 : i32 to index
        %get3A_1243 = arith.index_cast %add3A_1240 : i32 to index
        %get3A_1244 = arith.constant 80 : index
        %get3A_1245 = tpu.vector_load %arg17[%get3A_1242, %get3A_1243, %get3A_1244] {strides = array<i32>} : memref<2x80x128xf32, #tpu.memory_space<vmem>>, vector<1x1x16xf32>,
        %get3A_1246 = vector.shape_cast %get3A_1245 : vector<1x1x16xf32> to vector<16xf32>
        %mul3A_1247 = arith.mulf %get3A_1246, %bitcast_convert_type3A_1220 : vector<16xf32>
        %add3A_1248 = arith.constant 40 : i32
        %add3A_1249 = arith.addi %add3A_1248, %scan3A_910 : i32
        %swap3A_1250 = arith.constant 0 : i32
        %swap3A_1251 = arith.index_cast %swap3A_1250 : i32 to index
        %swap3A_1252 = arith.index_cast %add3A_1249 : i32 to index
        %swap3A_1253 = arith.constant 80 : index
        %swap3A_1254 = tpu.vector_load %arg17[%swap3A_1251, %swap3A_1252, %swap3A_1253] {strides = array<i32>} : memref<2x80x128xf32, #tpu.memory_space<vmem>>, vector<1x1x16xf32>,
        %swap3A_1255 = vector.shape_cast %swap3A_1254 : vector<1x1x16xf32> to vector<16xf32>
        %swap3A_1256 = vector.shape_cast %mul3A_1247 : vector<16xf32> to vector<1x1x16xf32>
        tpu.vector_store %arg17[%swap3A_1251, %swap3A_1252, %swap3A_1253], %swap3A_1256 {strides = array<i32>} : memref<2x80x128xf32, #tpu.memory_space<vmem>>, vector<1x1x16xf32>,
        %get3A_1257 = arith.constant 0 : i32
        %get3A_1258 = arith.index_cast %get3A_1257 : i32 to index
        %get3A_1259 = arith.index_cast %scan3A_910 : i32 to index
        %get3A_1260 = arith.constant 112 : index
        %get3A_1261 = tpu.vector_load %arg18[%get3A_1258, %get3A_1259, %get3A_1260] {strides = array<i32>} : memref<2x40x128xi32, #tpu.memory_space<vmem>>, vector<1x1x16xi32>,
        %get3A_1262 = vector.shape_cast %get3A_1261 : vector<1x1x16xi32> to vector<16xi32>
        %shift_left3A_1263 = arith.constant 16 : i32
        %shift_left3A_1264 = vector.broadcast %shift_left3A_1263 : i32 to vector<16xi32>
        %shift_left3A_1265 = arith.shli %get3A_1262, %shift_left3A_1264 : vector<16xi32>
        %bitcast_convert_type3A_1266 = tpu.bitcast %shift_left3A_1265 : vector<16xi32> -> vector<16xf32>
        %and3A_1267 = arith.constant -65536 : i32
        %and3A_1268 = vector.broadcast %and3A_1267 : i32 to vector<16xi32>
        %and3A_1269 = arith.andi %get3A_1262, %and3A_1268 : vector<16xi32>
        %bitcast_convert_type3A_1270 = tpu.bitcast %and3A_1269 : vector<16xi32> -> vector<16xf32>
        %add3A_1271 = arith.constant 40 : i32
        %add3A_1272 = arith.addi %add3A_1271, %scan3A_910 : i32
        %get3A_1273 = arith.constant 0 : i32
        %get3A_1274 = arith.index_cast %get3A_1273 : i32 to index
        %get3A_1275 = arith.index_cast %add3A_1272 : i32 to index
        %get3A_1276 = arith.constant 96 : index
        %get3A_1277 = tpu.vector_load %arg17[%get3A_1274, %get3A_1275, %get3A_1276] {strides = array<i32>} : memref<2x80x128xf32, #tpu.memory_space<vmem>>, vector<1x1x16xf32>,
        %get3A_1278 = vector.shape_cast %get3A_1277 : vector<1x1x16xf32> to vector<16xf32>
        %mul3A_1279 = arith.mulf %get3A_1278, %bitcast_convert_type3A_1266 : vector<16xf32>
        %add3A_1280 = arith.constant 40 : i32
        %add3A_1281 = arith.addi %add3A_1280, %scan3A_910 : i32
        %swap3A_1282 = arith.constant 0 : i32
        %swap3A_1283 = arith.index_cast %swap3A_1282 : i32 to index
        %swap3A_1284 = arith.index_cast %add3A_1281 : i32 to index
        %swap3A_1285 = arith.constant 96 : index
        %swap3A_1286 = tpu.vector_load %arg17[%swap3A_1283, %swap3A_1284, %swap3A_1285] {strides = array<i32>} : memref<2x80x128xf32, #tpu.memory_space<vmem>>, vector<1x1x16xf32>,
        %swap3A_1287 = vector.shape_cast %swap3A_1286 : vector<1x1x16xf32> to vector<16xf32>
        %swap3A_1288 = vector.shape_cast %mul3A_1279 : vector<16xf32> to vector<1x1x16xf32>
        tpu.vector_store %arg17[%swap3A_1283, %swap3A_1284, %swap3A_1285], %swap3A_1288 {strides = array<i32>} : memref<2x80x128xf32, #tpu.memory_space<vmem>>, vector<1x1x16xf32>,
        %add3A_1289 = arith.constant 40 : i32
        %add3A_1290 = arith.addi %add3A_1289, %scan3A_910 : i32
        %get3A_1291 = arith.constant 0 : i32
        %get3A_1292 = arith.index_cast %get3A_1291 : i32 to index
        %get3A_1293 = arith.index_cast %add3A_1290 : i32 to index
        %get3A_1294 = arith.constant 112 : index
        %get3A_1295 = tpu.vector_load %arg17[%get3A_1292, %get3A_1293, %get3A_1294] {strides = array<i32>} : memref<2x80x128xf32, #tpu.memory_space<vmem>>, vector<1x1x16xf32>,
        %get3A_1296 = vector.shape_cast %get3A_1295 : vector<1x1x16xf32> to vector<16xf32>
        %mul3A_1297 = arith.mulf %get3A_1296, %bitcast_convert_type3A_1270 : vector<16xf32>
        %add3A_1298 = arith.constant 40 : i32
        %add3A_1299 = arith.addi %add3A_1298, %scan3A_910 : i32
        %swap3A_1300 = arith.constant 0 : i32
        %swap3A_1301 = arith.index_cast %swap3A_1300 : i32 to index
        %swap3A_1302 = arith.index_cast %add3A_1299 : i32 to index
        %swap3A_1303 = arith.constant 112 : index
        %swap3A_1304 = tpu.vector_load %arg17[%swap3A_1301, %swap3A_1302, %swap3A_1303] {strides = array<i32>} : memref<2x80x128xf32, #tpu.memory_space<vmem>>, vector<1x1x16xf32>,
        %swap3A_1305 = vector.shape_cast %swap3A_1304 : vector<1x1x16xf32> to vector<16xf32>
        %swap3A_1306 = vector.shape_cast %mul3A_1297 : vector<16xf32> to vector<1x1x16xf32>
        tpu.vector_store %arg17[%swap3A_1301, %swap3A_1302, %swap3A_1303], %swap3A_1306 {strides = array<i32>} : memref<2x80x128xf32, #tpu.memory_space<vmem>>, vector<1x1x16xf32>,
      }
      %scan3A_810 = arith.constant 40 : i32
      %run_scoped3A_811 = arith.constant 0 : i32
      "tpu.region"() ({
        %run_scoped3A_910 = tpu.sem_alloc : memref<!tpu.dma_semaphore, #tpu.memory_space<semaphore_mem>>
        %dma_start3A_911 = arith.constant 0 : i32
        %dma_start3A_912 = arith.constant 0 : i32
        %dma_start3A_913 = tpu.memref_slice %arg17[%run_scoped3A_811, %dma_start3A_911, %dma_start3A_912] : memref<2x80x128xf32, #tpu.memory_space<vmem>> -> memref<1x80x128xf32, #tpu.memory_space<vmem>>
        %dma_start3A_914 = tpu.memref_squeeze %dma_start3A_913 : memref<1x80x128xf32, #tpu.memory_space<vmem>> -> memref<80x128xf32, #tpu.memory_space<vmem>>
        %dma_start3A_915 = arith.constant 0 : i32
        %dma_start3A_916 = arith.constant 0 : i32
        %dma_start3A_917 = tpu.memref_slice %arg19[%dma_start3A_915, %dma_start3A_916] : memref<10240x128xf32, #tpu.memory_space<vmem_shared>> -> memref<10240x128xf32, #tpu.memory_space<vmem_shared>>
        tpu.enqueue_indirect_dma source(%dma_start3A_914 : memref<80x128xf32, #tpu.memory_space<vmem>>) target(%dma_start3A_917 : memref<10240x128xf32, #tpu.memory_space<vmem_shared>>) offsets(%arg15 : memref<80xi32, #tpu.memory_space<vmem>>) semaphore(%run_scoped3A_910 : memref<!tpu.dma_semaphore, #tpu.memory_space<semaphore_mem>>) {add = true}
        %dma_wait3A_918 = arith.constant 0 : i32
        %dma_wait3A_919 = arith.constant 0 : i32
        %dma_wait3A_920 = tpu.memref_slice %arg17[%run_scoped3A_811, %dma_wait3A_918, %dma_wait3A_919] : memref<2x80x128xf32, #tpu.memory_space<vmem>> -> memref<1x80x128xf32, #tpu.memory_space<vmem>>
        %dma_wait3A_921 = tpu.memref_squeeze %dma_wait3A_920 : memref<1x80x128xf32, #tpu.memory_space<vmem>> -> memref<80x128xf32, #tpu.memory_space<vmem>>
        %dma_wait3A_922 = arith.constant 0 : i32
        %dma_wait3A_923 = arith.constant 0 : i32
        %dma_wait3A_924 = tpu.memref_slice %arg19[%dma_wait3A_922, %dma_wait3A_923] : memref<10240x128xf32, #tpu.memory_space<vmem_shared>> -> memref<10240x128xf32, #tpu.memory_space<vmem_shared>>
        tpu.wait_indirect_dma semaphore(%run_scoped3A_910 : memref<!tpu.dma_semaphore, #tpu.memory_space<semaphore_mem>>) src(%dma_wait3A_921 : memref<80x128xf32, #tpu.memory_space<vmem>>) dst(%dma_wait3A_924 : memref<10240x128xf32, #tpu.memory_space<vmem_shared>>)
        tpu.yield
      }) : () -> ()
      %add3A_812 = arith.constant 2 : i32
      %add3A_813 = arith.addi %add3A_743, %add3A_812 : i32
      %lt3A_814 = arith.constant 125 : i32
      %lt3A_815 = arith.cmpi slt, %add3A_813, %lt3A_814 : i32
      %convert_element_type3A_816 = arith.extui %lt3A_815 : i1 to i32
      %cond3A_817 = arith.constant 0 : i32
      %cond3A_818 = arith.cmpi ne, %convert_element_type3A_816, %cond3A_817 : i32
      scf.if %cond3A_818 {
        %add3A_910 = arith.constant 2 : i32
        %add3A_911 = arith.addi %add3A_743, %add3A_910 : i32
        %mul3A_912 = arith.constant 5000 : i32
        %mul3A_913 = arith.muli %add3A, %mul3A_912 : i32
        %mul3A_914 = arith.constant 40 : i32
        %mul3A_915 = arith.muli %add3A_911, %mul3A_914 : i32
        %add3A_916 = arith.addi %mul3A_913, %mul3A_915 : i32
        %multiple_of3A_917 = tpu.assume_multiple %add3A_916, 8 : i32
        %jit3A_918 = arith.constant 6400 : i32
        %div3A_919 = arith.divsi %multiple_of3A_917, %jit3A_918 : i32
        %sign3A_920 = arith.constant 0 : i32
        %sign3A_921 = arith.cmpi sgt, %multiple_of3A_917, %sign3A_920 : i32
        %sign3A_922 = arith.extui %sign3A_921 : i1 to i32
        %sign3A_923 = arith.constant 0 : i32
        %sign3A_924 = arith.cmpi slt, %multiple_of3A_917, %sign3A_923 : i32
        %sign3A_925 = arith.extui %sign3A_924 : i1 to i32
        %sign3A_926 = arith.subi %sign3A_922, %sign3A_925 : i32
        %sign3A_927 = arith.constant 0 : i32
        %sign3A_928 = arith.cmpi sgt, %jit3A_918, %sign3A_927 : i32
        %sign3A_929 = arith.extui %sign3A_928 : i1 to i32
        %sign3A_930 = arith.constant 0 : i32
        %sign3A_931 = arith.cmpi slt, %jit3A_918, %sign3A_930 : i32
        %sign3A_932 = arith.extui %sign3A_931 : i1 to i32
        %sign3A_933 = arith.subi %sign3A_929, %sign3A_932 : i32
        %ne3A_934 = arith.cmpi ne, %sign3A_926, %sign3A_933 : i32
        %rem3A_935 = arith.remsi %multiple_of3A_917, %jit3A_918 : i32
        %ne3A_936 = arith.constant 0 : i32
        %ne3A_937 = arith.cmpi ne, %rem3A_935, %ne3A_936 : i32
        %and3A_938 = arith.andi %ne3A_934, %ne3A_937 : i1
        %sub3A_939 = arith.constant 1 : i32
        %sub3A_940 = arith.subi %div3A_919, %sub3A_939 : i32
        %select_n3A_941 = arith.select %and3A_938, %sub3A_940, %div3A_919 : i32
        %mul3A_942 = arith.constant 6400 : i32
        %mul3A_943 = arith.muli %select_n3A_941, %mul3A_942 : i32
        %sub3A_944 = arith.subi %multiple_of3A_917, %mul3A_943 : i32
        %mul3A_945 = arith.constant 12800 : i32
        %mul3A_946 = arith.muli %select_n3A_941, %mul3A_945 : i32
        %add3A_947 = arith.addi %mul3A_946, %sub3A_944 : i32
        %multiple_of3A_948 = tpu.assume_multiple %add3A_947, 8 : i32
        %add3A_949 = arith.constant 6400 : i32
        %add3A_950 = arith.addi %multiple_of3A_948, %add3A_949 : i32
        %multiple_of3A_951 = tpu.assume_multiple %add3A_950, 8 : i32
        %dma_wait3A_952 = arith.constant 0 : i32
        %dma_wait3A_953 = tpu.memref_slice %arg9[%dma_wait3A_952] : memref<80xi32, #tpu.memory_space<vmem>> -> memref<40xi32, #tpu.memory_space<vmem>>
        %dma_wait3A_954 = tpu.memref_slice %arg4[%multiple_of3A_948] : memref<320000xi32, #tpu.memory_space<hbm>> -> memref<40xi32, #tpu.memory_space<hbm>>
        %dma_wait3A_955 = arith.constant 0 : i32
        %dma_wait3A_956 = tpu.memref_slice %arg9[%dma_wait3A_955] : memref<80xi32, #tpu.memory_space<vmem>> -> memref<40xi32, #tpu.memory_space<vmem>>
        %dma_wait3A_957 = tpu.memref_slice %arg4[%multiple_of3A_948] : memref<320000xi32, #tpu.memory_space<hbm>> -> memref<40xi32, #tpu.memory_space<hbm>>
        tpu.wait_dma2 semaphore(%arg24 : memref<!tpu.dma_semaphore, #tpu.memory_space<semaphore_mem>>) src(%dma_wait3A_957 : memref<40xi32, #tpu.memory_space<hbm>>) dst(%dma_wait3A_956 : memref<40xi32, #tpu.memory_space<vmem>>)
        %dma_wait3A_958 = arith.constant 40 : i32
        %dma_wait3A_959 = tpu.memref_slice %arg9[%dma_wait3A_958] : memref<80xi32, #tpu.memory_space<vmem>> -> memref<40xi32, #tpu.memory_space<vmem>>
        %dma_wait3A_960 = tpu.memref_slice %arg4[%multiple_of3A_951] : memref<320000xi32, #tpu.memory_space<hbm>> -> memref<40xi32, #tpu.memory_space<hbm>>
        %dma_wait3A_961 = arith.constant 40 : i32
        %dma_wait3A_962 = tpu.memref_slice %arg9[%dma_wait3A_961] : memref<80xi32, #tpu.memory_space<vmem>> -> memref<40xi32, #tpu.memory_space<vmem>>
        %dma_wait3A_963 = tpu.memref_slice %arg4[%multiple_of3A_951] : memref<320000xi32, #tpu.memory_space<hbm>> -> memref<40xi32, #tpu.memory_space<hbm>>
        tpu.wait_dma2 semaphore(%arg24 : memref<!tpu.dma_semaphore, #tpu.memory_space<semaphore_mem>>) src(%dma_wait3A_963 : memref<40xi32, #tpu.memory_space<hbm>>) dst(%dma_wait3A_962 : memref<40xi32, #tpu.memory_space<vmem>>)
        %dma_wait3A_964 = arith.constant 0 : i32
        %dma_wait3A_965 = tpu.memref_slice %arg13[%dma_wait3A_964] : memref<80xi32, #tpu.memory_space<vmem>> -> memref<40xi32, #tpu.memory_space<vmem>>
        %dma_wait3A_966 = tpu.memref_slice %arg5[%multiple_of3A_948] : memref<320000xi32, #tpu.memory_space<hbm>> -> memref<40xi32, #tpu.memory_space<hbm>>
        %dma_wait3A_967 = arith.constant 0 : i32
        %dma_wait3A_968 = tpu.memref_slice %arg13[%dma_wait3A_967] : memref<80xi32, #tpu.memory_space<vmem>> -> memref<40xi32, #tpu.memory_space<vmem>>
        %dma_wait3A_969 = tpu.memref_slice %arg5[%multiple_of3A_948] : memref<320000xi32, #tpu.memory_space<hbm>> -> memref<40xi32, #tpu.memory_space<hbm>>
        tpu.wait_dma2 semaphore(%arg24 : memref<!tpu.dma_semaphore, #tpu.memory_space<semaphore_mem>>) src(%dma_wait3A_969 : memref<40xi32, #tpu.memory_space<hbm>>) dst(%dma_wait3A_968 : memref<40xi32, #tpu.memory_space<vmem>>)
        %dma_wait3A_970 = arith.constant 40 : i32
        %dma_wait3A_971 = tpu.memref_slice %arg13[%dma_wait3A_970] : memref<80xi32, #tpu.memory_space<vmem>> -> memref<40xi32, #tpu.memory_space<vmem>>
        %dma_wait3A_972 = tpu.memref_slice %arg5[%multiple_of3A_951] : memref<320000xi32, #tpu.memory_space<hbm>> -> memref<40xi32, #tpu.memory_space<hbm>>
        %dma_wait3A_973 = arith.constant 40 : i32
        %dma_wait3A_974 = tpu.memref_slice %arg13[%dma_wait3A_973] : memref<80xi32, #tpu.memory_space<vmem>> -> memref<40xi32, #tpu.memory_space<vmem>>
        %dma_wait3A_975 = tpu.memref_slice %arg5[%multiple_of3A_951] : memref<320000xi32, #tpu.memory_space<hbm>> -> memref<40xi32, #tpu.memory_space<hbm>>
        tpu.wait_dma2 semaphore(%arg24 : memref<!tpu.dma_semaphore, #tpu.memory_space<semaphore_mem>>) src(%dma_wait3A_975 : memref<40xi32, #tpu.memory_space<hbm>>) dst(%dma_wait3A_974 : memref<40xi32, #tpu.memory_space<vmem>>)
        %add3A_976 = arith.constant 2 : i32
        %add3A_977 = arith.addi %add3A_743, %add3A_976 : i32
        %dma_start3A_978 = arith.constant 0 : i32
        %dma_start3A_979 = arith.constant 0 : i32
        %dma_start3A_980 = arith.constant 0 : i32
        %dma_start3A_981 = tpu.memref_slice %arg17[%dma_start3A_978, %dma_start3A_979, %dma_start3A_980] : memref<2x80x128xf32, #tpu.memory_space<vmem>> -> memref<1x80x128xf32, #tpu.memory_space<vmem>>
        %dma_start3A_982 = tpu.memref_squeeze %dma_start3A_981 : memref<1x80x128xf32, #tpu.memory_space<vmem>> -> memref<80x128xf32, #tpu.memory_space<vmem>>
        %dma_start3A_983 = arith.constant 0 : i32
        %dma_start3A_984 = arith.constant 0 : i32
        %dma_start3A_985 = tpu.memref_slice %arg2[%dma_start3A_983, %dma_start3A_984] : memref<10000x128xf32, #tpu.memory_space<hbm>> -> memref<10000x128xf32, #tpu.memory_space<hbm>>
        tpu.enqueue_indirect_dma source(%dma_start3A_985 : memref<10000x128xf32, #tpu.memory_space<hbm>>) target(%dma_start3A_982 : memref<80x128xf32, #tpu.memory_space<vmem>>) offsets(%arg9 : memref<80xi32, #tpu.memory_space<vmem>>) semaphore(%arg20 : memref<!tpu.dma_semaphore, #tpu.memory_space<semaphore_mem>>)
        %mul3A_986 = arith.constant 5000 : i32
        %mul3A_987 = arith.muli %add3A, %mul3A_986 : i32
        %mul3A_988 = arith.constant 40 : i32
        %mul3A_989 = arith.muli %add3A_977, %mul3A_988 : i32
        %add3A_990 = arith.addi %mul3A_987, %mul3A_989 : i32
        %multiple_of3A_991 = tpu.assume_multiple %add3A_990, 8 : i32
        %jit3A_992 = arith.constant 6400 : i32
        %div3A_993 = arith.divsi %multiple_of3A_991, %jit3A_992 : i32
        %sign3A_994 = arith.constant 0 : i32
        %sign3A_995 = arith.cmpi sgt, %multiple_of3A_991, %sign3A_994 : i32
        %sign3A_996 = arith.extui %sign3A_995 : i1 to i32
        %sign3A_997 = arith.constant 0 : i32
        %sign3A_998 = arith.cmpi slt, %multiple_of3A_991, %sign3A_997 : i32
        %sign3A_999 = arith.extui %sign3A_998 : i1 to i32
        %sign3A_1000 = arith.subi %sign3A_996, %sign3A_999 : i32
        %sign3A_1001 = arith.constant 0 : i32
        %sign3A_1002 = arith.cmpi sgt, %jit3A_992, %sign3A_1001 : i32
        %sign3A_1003 = arith.extui %sign3A_1002 : i1 to i32
        %sign3A_1004 = arith.constant 0 : i32
        %sign3A_1005 = arith.cmpi slt, %jit3A_992, %sign3A_1004 : i32
        %sign3A_1006 = arith.extui %sign3A_1005 : i1 to i32
        %sign3A_1007 = arith.subi %sign3A_1003, %sign3A_1006 : i32
        %ne3A_1008 = arith.cmpi ne, %sign3A_1000, %sign3A_1007 : i32
        %rem3A_1009 = arith.remsi %multiple_of3A_991, %jit3A_992 : i32
        %ne3A_1010 = arith.constant 0 : i32
        %ne3A_1011 = arith.cmpi ne, %rem3A_1009, %ne3A_1010 : i32
        %and3A_1012 = arith.andi %ne3A_1008, %ne3A_1011 : i1
        %sub3A_1013 = arith.constant 1 : i32
        %sub3A_1014 = arith.subi %div3A_993, %sub3A_1013 : i32
        %select_n3A_1015 = arith.select %and3A_1012, %sub3A_1014, %div3A_993 : i32
        %mul3A_1016 = arith.constant 6400 : i32
        %mul3A_1017 = arith.muli %select_n3A_1015, %mul3A_1016 : i32
        %sub3A_1018 = arith.subi %multiple_of3A_991, %mul3A_1017 : i32
        %mul3A_1019 = arith.constant 12800 : i32
        %mul3A_1020 = arith.muli %select_n3A_1015, %mul3A_1019 : i32
        %add3A_1021 = arith.addi %mul3A_1020, %sub3A_1018 : i32
        %multiple_of3A_1022 = tpu.assume_multiple %add3A_1021, 8 : i32
        %add3A_1023 = arith.constant 6400 : i32
        %add3A_1024 = arith.addi %multiple_of3A_1022, %add3A_1023 : i32
        %multiple_of3A_1025 = tpu.assume_multiple %add3A_1024, 8 : i32
        %dma_start3A_1026 = arith.constant 0 : i32
        %dma_start3A_1027 = arith.constant 0 : i32
        %dma_start3A_1028 = arith.constant 0 : i32
        %dma_start3A_1029 = tpu.memref_slice %arg18[%dma_start3A_1026, %dma_start3A_1027, %dma_start3A_1028] : memref<2x40x128xi32, #tpu.memory_space<vmem>> -> memref<1x40x128xi32, #tpu.memory_space<vmem>>
        %dma_start3A_1030 = tpu.memref_squeeze %dma_start3A_1029 : memref<1x40x128xi32, #tpu.memory_space<vmem>> -> memref<40x128xi32, #tpu.memory_space<vmem>>
        %dma_start3A_1031 = arith.constant 0 : i32
        %dma_start3A_1032 = tpu.memref_slice %arg3[%multiple_of3A_991, %dma_start3A_1031] : memref<160000x128xi32, #tpu.memory_space<hbm>> -> memref<40x128xi32, #tpu.memory_space<hbm>>
        %dma_start3A_1033 = arith.constant 0 : i32
        %dma_start3A_1034 = arith.constant 0 : i32
        %dma_start3A_1035 = tpu.memref_slice %arg18[%dma_start3A_1026, %dma_start3A_1033, %dma_start3A_1034] : memref<2x40x128xi32, #tpu.memory_space<vmem>> -> memref<1x40x128xi32, #tpu.memory_space<vmem>>
        %dma_start3A_1036 = tpu.memref_squeeze %dma_start3A_1035 : memref<1x40x128xi32, #tpu.memory_space<vmem>> -> memref<40x128xi32, #tpu.memory_space<vmem>>
        %dma_start3A_1037 = arith.constant 0 : i32
        %dma_start3A_1038 = tpu.memref_slice %arg3[%multiple_of3A_991, %dma_start3A_1037] : memref<160000x128xi32, #tpu.memory_space<hbm>> -> memref<40x128xi32, #tpu.memory_space<hbm>>
        tpu.enqueue_dma source(%dma_start3A_1038 : memref<40x128xi32, #tpu.memory_space<hbm>>) target(%dma_start3A_1036 : memref<40x128xi32, #tpu.memory_space<vmem>>) target_semaphore(%arg22 : memref<!tpu.dma_semaphore, #tpu.memory_space<semaphore_mem>>)
      } else {
      }
      %add3A_819 = arith.constant 4 : i32
      %add3A_820 = arith.addi %add3A_743, %add3A_819 : i32
      %lt3A_821 = arith.constant 125 : i32
      %lt3A_822 = arith.cmpi slt, %add3A_820, %lt3A_821 : i32
      %convert_element_type3A_823 = arith.extui %lt3A_822 : i1 to i32
      %cond3A_824 = arith.constant 0 : i32
      %cond3A_825 = arith.cmpi ne, %convert_element_type3A_823, %cond3A_824 : i32
      scf.if %cond3A_825 {
        %add3A_910 = arith.constant 4 : i32
        %add3A_911 = arith.addi %add3A_743, %add3A_910 : i32
        %mul3A_912 = arith.constant 5000 : i32
        %mul3A_913 = arith.muli %add3A, %mul3A_912 : i32
        %mul3A_914 = arith.constant 40 : i32
        %mul3A_915 = arith.muli %add3A_911, %mul3A_914 : i32
        %add3A_916 = arith.addi %mul3A_913, %mul3A_915 : i32
        %multiple_of3A_917 = tpu.assume_multiple %add3A_916, 8 : i32
        %jit3A_918 = arith.constant 6400 : i32
        %div3A_919 = arith.divsi %multiple_of3A_917, %jit3A_918 : i32
        %sign3A_920 = arith.constant 0 : i32
        %sign3A_921 = arith.cmpi sgt, %multiple_of3A_917, %sign3A_920 : i32
        %sign3A_922 = arith.extui %sign3A_921 : i1 to i32
        %sign3A_923 = arith.constant 0 : i32
        %sign3A_924 = arith.cmpi slt, %multiple_of3A_917, %sign3A_923 : i32
        %sign3A_925 = arith.extui %sign3A_924 : i1 to i32
        %sign3A_926 = arith.subi %sign3A_922, %sign3A_925 : i32
        %sign3A_927 = arith.constant 0 : i32
        %sign3A_928 = arith.cmpi sgt, %jit3A_918, %sign3A_927 : i32
        %sign3A_929 = arith.extui %sign3A_928 : i1 to i32
        %sign3A_930 = arith.constant 0 : i32
        %sign3A_931 = arith.cmpi slt, %jit3A_918, %sign3A_930 : i32
        %sign3A_932 = arith.extui %sign3A_931 : i1 to i32
        %sign3A_933 = arith.subi %sign3A_929, %sign3A_932 : i32
        %ne3A_934 = arith.cmpi ne, %sign3A_926, %sign3A_933 : i32
        %rem3A_935 = arith.remsi %multiple_of3A_917, %jit3A_918 : i32
        %ne3A_936 = arith.constant 0 : i32
        %ne3A_937 = arith.cmpi ne, %rem3A_935, %ne3A_936 : i32
        %and3A_938 = arith.andi %ne3A_934, %ne3A_937 : i1
        %sub3A_939 = arith.constant 1 : i32
        %sub3A_940 = arith.subi %div3A_919, %sub3A_939 : i32
        %select_n3A_941 = arith.select %and3A_938, %sub3A_940, %div3A_919 : i32
        %mul3A_942 = arith.constant 6400 : i32
        %mul3A_943 = arith.muli %select_n3A_941, %mul3A_942 : i32
        %sub3A_944 = arith.subi %multiple_of3A_917, %mul3A_943 : i32
        %mul3A_945 = arith.constant 12800 : i32
        %mul3A_946 = arith.muli %select_n3A_941, %mul3A_945 : i32
        %add3A_947 = arith.addi %mul3A_946, %sub3A_944 : i32
        %multiple_of3A_948 = tpu.assume_multiple %add3A_947, 8 : i32
        %add3A_949 = arith.constant 6400 : i32
        %add3A_950 = arith.addi %multiple_of3A_948, %add3A_949 : i32
        %multiple_of3A_951 = tpu.assume_multiple %add3A_950, 8 : i32
        %dma_start3A_952 = arith.constant 0 : i32
        %dma_start3A_953 = tpu.memref_slice %arg11[%dma_start3A_952] : memref<80xi32, #tpu.memory_space<vmem>> -> memref<40xi32, #tpu.memory_space<vmem>>
        %dma_start3A_954 = tpu.memref_slice %arg4[%multiple_of3A_948] : memref<320000xi32, #tpu.memory_space<hbm>> -> memref<40xi32, #tpu.memory_space<hbm>>
        %dma_start3A_955 = arith.constant 0 : i32
        %dma_start3A_956 = tpu.memref_slice %arg11[%dma_start3A_955] : memref<80xi32, #tpu.memory_space<vmem>> -> memref<40xi32, #tpu.memory_space<vmem>>
        %dma_start3A_957 = tpu.memref_slice %arg4[%multiple_of3A_948] : memref<320000xi32, #tpu.memory_space<hbm>> -> memref<40xi32, #tpu.memory_space<hbm>>
        tpu.enqueue_dma source(%dma_start3A_957 : memref<40xi32, #tpu.memory_space<hbm>>) target(%dma_start3A_956 : memref<40xi32, #tpu.memory_space<vmem>>) target_semaphore(%arg26 : memref<!tpu.dma_semaphore, #tpu.memory_space<semaphore_mem>>)
        %dma_start3A_958 = arith.constant 40 : i32
        %dma_start3A_959 = tpu.memref_slice %arg11[%dma_start3A_958] : memref<80xi32, #tpu.memory_space<vmem>> -> memref<40xi32, #tpu.memory_space<vmem>>
        %dma_start3A_960 = tpu.memref_slice %arg4[%multiple_of3A_951] : memref<320000xi32, #tpu.memory_space<hbm>> -> memref<40xi32, #tpu.memory_space<hbm>>
        %dma_start3A_961 = arith.constant 40 : i32
        %dma_start3A_962 = tpu.memref_slice %arg11[%dma_start3A_961] : memref<80xi32, #tpu.memory_space<vmem>> -> memref<40xi32, #tpu.memory_space<vmem>>
        %dma_start3A_963 = tpu.memref_slice %arg4[%multiple_of3A_951] : memref<320000xi32, #tpu.memory_space<hbm>> -> memref<40xi32, #tpu.memory_space<hbm>>
        tpu.enqueue_dma source(%dma_start3A_963 : memref<40xi32, #tpu.memory_space<hbm>>) target(%dma_start3A_962 : memref<40xi32, #tpu.memory_space<vmem>>) target_semaphore(%arg26 : memref<!tpu.dma_semaphore, #tpu.memory_space<semaphore_mem>>)
        %dma_start3A_964 = arith.constant 0 : i32
        %dma_start3A_965 = tpu.memref_slice %arg15[%dma_start3A_964] : memref<80xi32, #tpu.memory_space<vmem>> -> memref<40xi32, #tpu.memory_space<vmem>>
        %dma_start3A_966 = tpu.memref_slice %arg5[%multiple_of3A_948] : memref<320000xi32, #tpu.memory_space<hbm>> -> memref<40xi32, #tpu.memory_space<hbm>>
        %dma_start3A_967 = arith.constant 0 : i32
        %dma_start3A_968 = tpu.memref_slice %arg15[%dma_start3A_967] : memref<80xi32, #tpu.memory_space<vmem>> -> memref<40xi32, #tpu.memory_space<vmem>>
        %dma_start3A_969 = tpu.memref_slice %arg5[%multiple_of3A_948] : memref<320000xi32, #tpu.memory_space<hbm>> -> memref<40xi32, #tpu.memory_space<hbm>>
        tpu.enqueue_dma source(%dma_start3A_969 : memref<40xi32, #tpu.memory_space<hbm>>) target(%dma_start3A_968 : memref<40xi32, #tpu.memory_space<vmem>>) target_semaphore(%arg26 : memref<!tpu.dma_semaphore, #tpu.memory_space<semaphore_mem>>)
        %dma_start3A_970 = arith.constant 40 : i32
        %dma_start3A_971 = tpu.memref_slice %arg15[%dma_start3A_970] : memref<80xi32, #tpu.memory_space<vmem>> -> memref<40xi32, #tpu.memory_space<vmem>>
        %dma_start3A_972 = tpu.memref_slice %arg5[%multiple_of3A_951] : memref<320000xi32, #tpu.memory_space<hbm>> -> memref<40xi32, #tpu.memory_space<hbm>>
        %dma_start3A_973 = arith.constant 40 : i32
        %dma_start3A_974 = tpu.memref_slice %arg15[%dma_start3A_973] : memref<80xi32, #tpu.memory_space<vmem>> -> memref<40xi32, #tpu.memory_space<vmem>>
        %dma_start3A_975 = tpu.memref_slice %arg5[%multiple_of3A_951] : memref<320000xi32, #tpu.memory_space<hbm>> -> memref<40xi32, #tpu.memory_space<hbm>>
        tpu.enqueue_dma source(%dma_start3A_975 : memref<40xi32, #tpu.memory_space<hbm>>) target(%dma_start3A_974 : memref<40xi32, #tpu.memory_space<vmem>>) target_semaphore(%arg26 : memref<!tpu.dma_semaphore, #tpu.memory_space<semaphore_mem>>)
      } else {
      }
      %add3A_826 = arith.constant 3 : i32
      %add3A_827 = arith.addi %add3A_574, %add3A_826 : i32
      %dma_wait3A_828 = arith.constant 1 : i32
      %dma_wait3A_829 = arith.constant 0 : i32
      %dma_wait3A_830 = arith.constant 0 : i32
      %dma_wait3A_831 = tpu.memref_slice %arg17[%dma_wait3A_828, %dma_wait3A_829, %dma_wait3A_830] : memref<2x80x128xf32, #tpu.memory_space<vmem>> -> memref<1x80x128xf32, #tpu.memory_space<vmem>>
      %dma_wait3A_832 = tpu.memref_squeeze %dma_wait3A_831 : memref<1x80x128xf32, #tpu.memory_space<vmem>> -> memref<80x128xf32, #tpu.memory_space<vmem>>
      %dma_wait3A_833 = arith.constant 0 : i32
      %dma_wait3A_834 = arith.constant 0 : i32
      %dma_wait3A_835 = tpu.memref_slice %arg2[%dma_wait3A_833, %dma_wait3A_834] : memref<10000x128xf32, #tpu.memory_space<hbm>> -> memref<10000x128xf32, #tpu.memory_space<hbm>>
      tpu.wait_indirect_dma semaphore(%arg21 : memref<!tpu.dma_semaphore, #tpu.memory_space<semaphore_mem>>) src(%dma_wait3A_835 : memref<10000x128xf32, #tpu.memory_space<hbm>>) dst(%dma_wait3A_832 : memref<80x128xf32, #tpu.memory_space<vmem>>)
      %mul3A_836 = arith.constant 5000 : i32
      %mul3A_837 = arith.muli %add3A, %mul3A_836 : i32
      %mul3A_838 = arith.constant 40 : i32
      %mul3A_839 = arith.muli %add3A_827, %mul3A_838 : i32
      %add3A_840 = arith.addi %mul3A_837, %mul3A_839 : i32
      %multiple_of3A_841 = tpu.assume_multiple %add3A_840, 8 : i32
      %jit3A_842 = arith.constant 6400 : i32
      %div3A_843 = arith.divsi %multiple_of3A_841, %jit3A_842 : i32
      %sign3A_844 = arith.constant 0 : i32
      %sign3A_845 = arith.cmpi sgt, %multiple_of3A_841, %sign3A_844 : i32
      %sign3A_846 = arith.extui %sign3A_845 : i1 to i32
      %sign3A_847 = arith.constant 0 : i32
      %sign3A_848 = arith.cmpi slt, %multiple_of3A_841, %sign3A_847 : i32
      %sign3A_849 = arith.extui %sign3A_848 : i1 to i32
      %sign3A_850 = arith.subi %sign3A_846, %sign3A_849 : i32
      %sign3A_851 = arith.constant 0 : i32
      %sign3A_852 = arith.cmpi sgt, %jit3A_842, %sign3A_851 : i32
      %sign3A_853 = arith.extui %sign3A_852 : i1 to i32
      %sign3A_854 = arith.constant 0 : i32
      %sign3A_855 = arith.cmpi slt, %jit3A_842, %sign3A_854 : i32
      %sign3A_856 = arith.extui %sign3A_855 : i1 to i32
      %sign3A_857 = arith.subi %sign3A_853, %sign3A_856 : i32
      %ne3A_858 = arith.cmpi ne, %sign3A_850, %sign3A_857 : i32
      %rem3A_859 = arith.remsi %multiple_of3A_841, %jit3A_842 : i32
      %ne3A_860 = arith.constant 0 : i32
      %ne3A_861 = arith.cmpi ne, %rem3A_859, %ne3A_860 : i32
      %and3A_862 = arith.andi %ne3A_858, %ne3A_861 : i1
      %sub3A_863 = arith.constant 1 : i32
      %sub3A_864 = arith.subi %div3A_843, %sub3A_863 : i32
      %select_n3A_865 = arith.select %and3A_862, %sub3A_864, %div3A_843 : i32
      %mul3A_866 = arith.constant 6400 : i32
      %mul3A_867 = arith.muli %select_n3A_865, %mul3A_866 : i32
      %sub3A_868 = arith.subi %multiple_of3A_841, %mul3A_867 : i32
      %mul3A_869 = arith.constant 12800 : i32
      %mul3A_870 = arith.muli %select_n3A_865, %mul3A_869 : i32
      %add3A_871 = arith.addi %mul3A_870, %sub3A_868 : i32
      %multiple_of3A_872 = tpu.assume_multiple %add3A_871, 8 : i32
      %add3A_873 = arith.constant 6400 : i32
      %add3A_874 = arith.addi %multiple_of3A_872, %add3A_873 : i32
      %multiple_of3A_875 = tpu.assume_multiple %add3A_874, 8 : i32
      %dma_wait3A_876 = arith.constant 1 : i32
      %dma_wait3A_877 = arith.constant 0 : i32
      %dma_wait3A_878 = arith.constant 0 : i32
      %dma_wait3A_879 = tpu.memref_slice %arg18[%dma_wait3A_876, %dma_wait3A_877, %dma_wait3A_878] : memref<2x40x128xi32, #tpu.memory_space<vmem>> -> memref<1x40x128xi32, #tpu.memory_space<vmem>>
      %dma_wait3A_880 = tpu.memref_squeeze %dma_wait3A_879 : memref<1x40x128xi32, #tpu.memory_space<vmem>> -> memref<40x128xi32, #tpu.memory_space<vmem>>
      %dma_wait3A_881 = arith.constant 0 : i32
      %dma_wait3A_882 = tpu.memref_slice %arg3[%multiple_of3A_841, %dma_wait3A_881] : memref<160000x128xi32, #tpu.memory_space<hbm>> -> memref<40x128xi32, #tpu.memory_space<hbm>>
      %dma_wait3A_883 = arith.constant 0 : i32
      %dma_wait3A_884 = arith.constant 0 : i32
      %dma_wait3A_885 = tpu.memref_slice %arg18[%dma_wait3A_876, %dma_wait3A_883, %dma_wait3A_884] : memref<2x40x128xi32, #tpu.memory_space<vmem>> -> memref<1x40x128xi32, #tpu.memory_space<vmem>>
      %dma_wait3A_886 = tpu.memref_squeeze %dma_wait3A_885 : memref<1x40x128xi32, #tpu.memory_space<vmem>> -> memref<40x128xi32, #tpu.memory_space<vmem>>
      %dma_wait3A_887 = arith.constant 0 : i32
      %dma_wait3A_888 = tpu.memref_slice %arg3[%multiple_of3A_841, %dma_wait3A_887] : memref<160000x128xi32, #tpu.memory_space<hbm>> -> memref<40x128xi32, #tpu.memory_space<hbm>>
      tpu.wait_dma2 semaphore(%arg23 : memref<!tpu.dma_semaphore, #tpu.memory_space<semaphore_mem>>) src(%dma_wait3A_888 : memref<40x128xi32, #tpu.memory_space<hbm>>) dst(%dma_wait3A_886 : memref<40x128xi32, #tpu.memory_space<vmem>>)
      %scan3A_889 = arith.constant 0 : i32
      %scan3A_890 = arith.constant 0 : i32
      %scan3A_891 = arith.constant 40 : i32
      %scan3A_892 = arith.addi %scan3A_890, %scan3A_891 : i32
      %scan3A_893 = arith.constant 1 : i32
      scf.for %scan3A_910 = %scan3A_890 to %scan3A_892 step %scan3A_893  : i32 {
        %get3A = arith.constant 1 : i32
        %get3A_911 = arith.index_cast %get3A : i32 to index
        %get3A_912 = arith.index_cast %scan3A_910 : i32 to index
        %get3A_913 = arith.constant 0 : index
        %get3A_914 = tpu.vector_load %arg18[%get3A_911, %get3A_912, %get3A_913] {strides = array<i32>} : memref<2x40x128xi32, #tpu.memory_space<vmem>>, vector<1x1x16xi32>,
        %get3A_915 = vector.shape_cast %get3A_914 : vector<1x1x16xi32> to vector<16xi32>
        %shift_left3A = arith.constant 16 : i32
        %shift_left3A_916 = vector.broadcast %shift_left3A : i32 to vector<16xi32>
        %shift_left3A_917 = arith.shli %get3A_915, %shift_left3A_916 : vector<16xi32>
        %bitcast_convert_type3A = tpu.bitcast %shift_left3A_917 : vector<16xi32> -> vector<16xf32>
        %and3A_918 = arith.constant -65536 : i32
        %and3A_919 = vector.broadcast %and3A_918 : i32 to vector<16xi32>
        %and3A_920 = arith.andi %get3A_915, %and3A_919 : vector<16xi32>
        %bitcast_convert_type3A_921 = tpu.bitcast %and3A_920 : vector<16xi32> -> vector<16xf32>
        %add3A_922 = arith.constant 0 : i32
        %add3A_923 = arith.addi %add3A_922, %scan3A_910 : i32
        %get3A_924 = arith.constant 1 : i32
        %get3A_925 = arith.index_cast %get3A_924 : i32 to index
        %get3A_926 = arith.index_cast %add3A_923 : i32 to index
        %get3A_927 = arith.constant 0 : index
        %get3A_928 = tpu.vector_load %arg17[%get3A_925, %get3A_926, %get3A_927] {strides = array<i32>} : memref<2x80x128xf32, #tpu.memory_space<vmem>>, vector<1x1x16xf32>,
        %get3A_929 = vector.shape_cast %get3A_928 : vector<1x1x16xf32> to vector<16xf32>
        %mul3A_930 = arith.mulf %get3A_929, %bitcast_convert_type3A : vector<16xf32>
        %add3A_931 = arith.constant 0 : i32
        %add3A_932 = arith.addi %add3A_931, %scan3A_910 : i32
        %swap3A = arith.constant 1 : i32
        %swap3A_933 = arith.index_cast %swap3A : i32 to index
        %swap3A_934 = arith.index_cast %add3A_932 : i32 to index
        %swap3A_935 = arith.constant 0 : index
        %swap3A_936 = tpu.vector_load %arg17[%swap3A_933, %swap3A_934, %swap3A_935] {strides = array<i32>} : memref<2x80x128xf32, #tpu.memory_space<vmem>>, vector<1x1x16xf32>,
        %swap3A_937 = vector.shape_cast %swap3A_936 : vector<1x1x16xf32> to vector<16xf32>
        %swap3A_938 = vector.shape_cast %mul3A_930 : vector<16xf32> to vector<1x1x16xf32>
        tpu.vector_store %arg17[%swap3A_933, %swap3A_934, %swap3A_935], %swap3A_938 {strides = array<i32>} : memref<2x80x128xf32, #tpu.memory_space<vmem>>, vector<1x1x16xf32>,
        %add3A_939 = arith.constant 0 : i32
        %add3A_940 = arith.addi %add3A_939, %scan3A_910 : i32
        %get3A_941 = arith.constant 1 : i32
        %get3A_942 = arith.index_cast %get3A_941 : i32 to index
        %get3A_943 = arith.index_cast %add3A_940 : i32 to index
        %get3A_944 = arith.constant 16 : index
        %get3A_945 = tpu.vector_load %arg17[%get3A_942, %get3A_943, %get3A_944] {strides = array<i32>} : memref<2x80x128xf32, #tpu.memory_space<vmem>>, vector<1x1x16xf32>,
        %get3A_946 = vector.shape_cast %get3A_945 : vector<1x1x16xf32> to vector<16xf32>
        %mul3A_947 = arith.mulf %get3A_946, %bitcast_convert_type3A_921 : vector<16xf32>
        %add3A_948 = arith.constant 0 : i32
        %add3A_949 = arith.addi %add3A_948, %scan3A_910 : i32
        %swap3A_950 = arith.constant 1 : i32
        %swap3A_951 = arith.index_cast %swap3A_950 : i32 to index
        %swap3A_952 = arith.index_cast %add3A_949 : i32 to index
        %swap3A_953 = arith.constant 16 : index
        %swap3A_954 = tpu.vector_load %arg17[%swap3A_951, %swap3A_952, %swap3A_953] {strides = array<i32>} : memref<2x80x128xf32, #tpu.memory_space<vmem>>, vector<1x1x16xf32>,
        %swap3A_955 = vector.shape_cast %swap3A_954 : vector<1x1x16xf32> to vector<16xf32>
        %swap3A_956 = vector.shape_cast %mul3A_947 : vector<16xf32> to vector<1x1x16xf32>
        tpu.vector_store %arg17[%swap3A_951, %swap3A_952, %swap3A_953], %swap3A_956 {strides = array<i32>} : memref<2x80x128xf32, #tpu.memory_space<vmem>>, vector<1x1x16xf32>,
        %get3A_957 = arith.constant 1 : i32
        %get3A_958 = arith.index_cast %get3A_957 : i32 to index
        %get3A_959 = arith.index_cast %scan3A_910 : i32 to index
        %get3A_960 = arith.constant 16 : index
        %get3A_961 = tpu.vector_load %arg18[%get3A_958, %get3A_959, %get3A_960] {strides = array<i32>} : memref<2x40x128xi32, #tpu.memory_space<vmem>>, vector<1x1x16xi32>,
        %get3A_962 = vector.shape_cast %get3A_961 : vector<1x1x16xi32> to vector<16xi32>
        %shift_left3A_963 = arith.constant 16 : i32
        %shift_left3A_964 = vector.broadcast %shift_left3A_963 : i32 to vector<16xi32>
        %shift_left3A_965 = arith.shli %get3A_962, %shift_left3A_964 : vector<16xi32>
        %bitcast_convert_type3A_966 = tpu.bitcast %shift_left3A_965 : vector<16xi32> -> vector<16xf32>
        %and3A_967 = arith.constant -65536 : i32
        %and3A_968 = vector.broadcast %and3A_967 : i32 to vector<16xi32>
        %and3A_969 = arith.andi %get3A_962, %and3A_968 : vector<16xi32>
        %bitcast_convert_type3A_970 = tpu.bitcast %and3A_969 : vector<16xi32> -> vector<16xf32>
        %add3A_971 = arith.constant 0 : i32
        %add3A_972 = arith.addi %add3A_971, %scan3A_910 : i32
        %get3A_973 = arith.constant 1 : i32
        %get3A_974 = arith.index_cast %get3A_973 : i32 to index
        %get3A_975 = arith.index_cast %add3A_972 : i32 to index
        %get3A_976 = arith.constant 32 : index
        %get3A_977 = tpu.vector_load %arg17[%get3A_974, %get3A_975, %get3A_976] {strides = array<i32>} : memref<2x80x128xf32, #tpu.memory_space<vmem>>, vector<1x1x16xf32>,
        %get3A_978 = vector.shape_cast %get3A_977 : vector<1x1x16xf32> to vector<16xf32>
        %mul3A_979 = arith.mulf %get3A_978, %bitcast_convert_type3A_966 : vector<16xf32>
        %add3A_980 = arith.constant 0 : i32
        %add3A_981 = arith.addi %add3A_980, %scan3A_910 : i32
        %swap3A_982 = arith.constant 1 : i32
        %swap3A_983 = arith.index_cast %swap3A_982 : i32 to index
        %swap3A_984 = arith.index_cast %add3A_981 : i32 to index
        %swap3A_985 = arith.constant 32 : index
        %swap3A_986 = tpu.vector_load %arg17[%swap3A_983, %swap3A_984, %swap3A_985] {strides = array<i32>} : memref<2x80x128xf32, #tpu.memory_space<vmem>>, vector<1x1x16xf32>,
        %swap3A_987 = vector.shape_cast %swap3A_986 : vector<1x1x16xf32> to vector<16xf32>
        %swap3A_988 = vector.shape_cast %mul3A_979 : vector<16xf32> to vector<1x1x16xf32>
        tpu.vector_store %arg17[%swap3A_983, %swap3A_984, %swap3A_985], %swap3A_988 {strides = array<i32>} : memref<2x80x128xf32, #tpu.memory_space<vmem>>, vector<1x1x16xf32>,
        %add3A_989 = arith.constant 0 : i32
        %add3A_990 = arith.addi %add3A_989, %scan3A_910 : i32
        %get3A_991 = arith.constant 1 : i32
        %get3A_992 = arith.index_cast %get3A_991 : i32 to index
        %get3A_993 = arith.index_cast %add3A_990 : i32 to index
        %get3A_994 = arith.constant 48 : index
        %get3A_995 = tpu.vector_load %arg17[%get3A_992, %get3A_993, %get3A_994] {strides = array<i32>} : memref<2x80x128xf32, #tpu.memory_space<vmem>>, vector<1x1x16xf32>,
        %get3A_996 = vector.shape_cast %get3A_995 : vector<1x1x16xf32> to vector<16xf32>
        %mul3A_997 = arith.mulf %get3A_996, %bitcast_convert_type3A_970 : vector<16xf32>
        %add3A_998 = arith.constant 0 : i32
        %add3A_999 = arith.addi %add3A_998, %scan3A_910 : i32
        %swap3A_1000 = arith.constant 1 : i32
        %swap3A_1001 = arith.index_cast %swap3A_1000 : i32 to index
        %swap3A_1002 = arith.index_cast %add3A_999 : i32 to index
        %swap3A_1003 = arith.constant 48 : index
        %swap3A_1004 = tpu.vector_load %arg17[%swap3A_1001, %swap3A_1002, %swap3A_1003] {strides = array<i32>} : memref<2x80x128xf32, #tpu.memory_space<vmem>>, vector<1x1x16xf32>,
        %swap3A_1005 = vector.shape_cast %swap3A_1004 : vector<1x1x16xf32> to vector<16xf32>
        %swap3A_1006 = vector.shape_cast %mul3A_997 : vector<16xf32> to vector<1x1x16xf32>
        tpu.vector_store %arg17[%swap3A_1001, %swap3A_1002, %swap3A_1003], %swap3A_1006 {strides = array<i32>} : memref<2x80x128xf32, #tpu.memory_space<vmem>>, vector<1x1x16xf32>,
        %get3A_1007 = arith.constant 1 : i32
        %get3A_1008 = arith.index_cast %get3A_1007 : i32 to index
        %get3A_1009 = arith.index_cast %scan3A_910 : i32 to index
        %get3A_1010 = arith.constant 32 : index
        %get3A_1011 = tpu.vector_load %arg18[%get3A_1008, %get3A_1009, %get3A_1010] {strides = array<i32>} : memref<2x40x128xi32, #tpu.memory_space<vmem>>, vector<1x1x16xi32>,
        %get3A_1012 = vector.shape_cast %get3A_1011 : vector<1x1x16xi32> to vector<16xi32>
        %shift_left3A_1013 = arith.constant 16 : i32
        %shift_left3A_1014 = vector.broadcast %shift_left3A_1013 : i32 to vector<16xi32>
        %shift_left3A_1015 = arith.shli %get3A_1012, %shift_left3A_1014 : vector<16xi32>
        %bitcast_convert_type3A_1016 = tpu.bitcast %shift_left3A_1015 : vector<16xi32> -> vector<16xf32>
        %and3A_1017 = arith.constant -65536 : i32
        %and3A_1018 = vector.broadcast %and3A_1017 : i32 to vector<16xi32>
        %and3A_1019 = arith.andi %get3A_1012, %and3A_1018 : vector<16xi32>
        %bitcast_convert_type3A_1020 = tpu.bitcast %and3A_1019 : vector<16xi32> -> vector<16xf32>
        %add3A_1021 = arith.constant 0 : i32
        %add3A_1022 = arith.addi %add3A_1021, %scan3A_910 : i32
        %get3A_1023 = arith.constant 1 : i32
        %get3A_1024 = arith.index_cast %get3A_1023 : i32 to index
        %get3A_1025 = arith.index_cast %add3A_1022 : i32 to index
        %get3A_1026 = arith.constant 64 : index
        %get3A_1027 = tpu.vector_load %arg17[%get3A_1024, %get3A_1025, %get3A_1026] {strides = array<i32>} : memref<2x80x128xf32, #tpu.memory_space<vmem>>, vector<1x1x16xf32>,
        %get3A_1028 = vector.shape_cast %get3A_1027 : vector<1x1x16xf32> to vector<16xf32>
        %mul3A_1029 = arith.mulf %get3A_1028, %bitcast_convert_type3A_1016 : vector<16xf32>
        %add3A_1030 = arith.constant 0 : i32
        %add3A_1031 = arith.addi %add3A_1030, %scan3A_910 : i32
        %swap3A_1032 = arith.constant 1 : i32
        %swap3A_1033 = arith.index_cast %swap3A_1032 : i32 to index
        %swap3A_1034 = arith.index_cast %add3A_1031 : i32 to index
        %swap3A_1035 = arith.constant 64 : index
        %swap3A_1036 = tpu.vector_load %arg17[%swap3A_1033, %swap3A_1034, %swap3A_1035] {strides = array<i32>} : memref<2x80x128xf32, #tpu.memory_space<vmem>>, vector<1x1x16xf32>,
        %swap3A_1037 = vector.shape_cast %swap3A_1036 : vector<1x1x16xf32> to vector<16xf32>
        %swap3A_1038 = vector.shape_cast %mul3A_1029 : vector<16xf32> to vector<1x1x16xf32>
        tpu.vector_store %arg17[%swap3A_1033, %swap3A_1034, %swap3A_1035], %swap3A_1038 {strides = array<i32>} : memref<2x80x128xf32, #tpu.memory_space<vmem>>, vector<1x1x16xf32>,
        %add3A_1039 = arith.constant 0 : i32
        %add3A_1040 = arith.addi %add3A_1039, %scan3A_910 : i32
        %get3A_1041 = arith.constant 1 : i32
        %get3A_1042 = arith.index_cast %get3A_1041 : i32 to index
        %get3A_1043 = arith.index_cast %add3A_1040 : i32 to index
        %get3A_1044 = arith.constant 80 : index
        %get3A_1045 = tpu.vector_load %arg17[%get3A_1042, %get3A_1043, %get3A_1044] {strides = array<i32>} : memref<2x80x128xf32, #tpu.memory_space<vmem>>, vector<1x1x16xf32>,
        %get3A_1046 = vector.shape_cast %get3A_1045 : vector<1x1x16xf32> to vector<16xf32>
        %mul3A_1047 = arith.mulf %get3A_1046, %bitcast_convert_type3A_1020 : vector<16xf32>
        %add3A_1048 = arith.constant 0 : i32
        %add3A_1049 = arith.addi %add3A_1048, %scan3A_910 : i32
        %swap3A_1050 = arith.constant 1 : i32
        %swap3A_1051 = arith.index_cast %swap3A_1050 : i32 to index
        %swap3A_1052 = arith.index_cast %add3A_1049 : i32 to index
        %swap3A_1053 = arith.constant 80 : index
        %swap3A_1054 = tpu.vector_load %arg17[%swap3A_1051, %swap3A_1052, %swap3A_1053] {strides = array<i32>} : memref<2x80x128xf32, #tpu.memory_space<vmem>>, vector<1x1x16xf32>,
        %swap3A_1055 = vector.shape_cast %swap3A_1054 : vector<1x1x16xf32> to vector<16xf32>
        %swap3A_1056 = vector.shape_cast %mul3A_1047 : vector<16xf32> to vector<1x1x16xf32>
        tpu.vector_store %arg17[%swap3A_1051, %swap3A_1052, %swap3A_1053], %swap3A_1056 {strides = array<i32>} : memref<2x80x128xf32, #tpu.memory_space<vmem>>, vector<1x1x16xf32>,
        %get3A_1057 = arith.constant 1 : i32
        %get3A_1058 = arith.index_cast %get3A_1057 : i32 to index
        %get3A_1059 = arith.index_cast %scan3A_910 : i32 to index
        %get3A_1060 = arith.constant 48 : index
        %get3A_1061 = tpu.vector_load %arg18[%get3A_1058, %get3A_1059, %get3A_1060] {strides = array<i32>} : memref<2x40x128xi32, #tpu.memory_space<vmem>>, vector<1x1x16xi32>,
        %get3A_1062 = vector.shape_cast %get3A_1061 : vector<1x1x16xi32> to vector<16xi32>
        %shift_left3A_1063 = arith.constant 16 : i32
        %shift_left3A_1064 = vector.broadcast %shift_left3A_1063 : i32 to vector<16xi32>
        %shift_left3A_1065 = arith.shli %get3A_1062, %shift_left3A_1064 : vector<16xi32>
        %bitcast_convert_type3A_1066 = tpu.bitcast %shift_left3A_1065 : vector<16xi32> -> vector<16xf32>
        %and3A_1067 = arith.constant -65536 : i32
        %and3A_1068 = vector.broadcast %and3A_1067 : i32 to vector<16xi32>
        %and3A_1069 = arith.andi %get3A_1062, %and3A_1068 : vector<16xi32>
        %bitcast_convert_type3A_1070 = tpu.bitcast %and3A_1069 : vector<16xi32> -> vector<16xf32>
        %add3A_1071 = arith.constant 0 : i32
        %add3A_1072 = arith.addi %add3A_1071, %scan3A_910 : i32
        %get3A_1073 = arith.constant 1 : i32
        %get3A_1074 = arith.index_cast %get3A_1073 : i32 to index
        %get3A_1075 = arith.index_cast %add3A_1072 : i32 to index
        %get3A_1076 = arith.constant 96 : index
        %get3A_1077 = tpu.vector_load %arg17[%get3A_1074, %get3A_1075, %get3A_1076] {strides = array<i32>} : memref<2x80x128xf32, #tpu.memory_space<vmem>>, vector<1x1x16xf32>,
        %get3A_1078 = vector.shape_cast %get3A_1077 : vector<1x1x16xf32> to vector<16xf32>
        %mul3A_1079 = arith.mulf %get3A_1078, %bitcast_convert_type3A_1066 : vector<16xf32>
        %add3A_1080 = arith.constant 0 : i32
        %add3A_1081 = arith.addi %add3A_1080, %scan3A_910 : i32
        %swap3A_1082 = arith.constant 1 : i32
        %swap3A_1083 = arith.index_cast %swap3A_1082 : i32 to index
        %swap3A_1084 = arith.index_cast %add3A_1081 : i32 to index
        %swap3A_1085 = arith.constant 96 : index
        %swap3A_1086 = tpu.vector_load %arg17[%swap3A_1083, %swap3A_1084, %swap3A_1085] {strides = array<i32>} : memref<2x80x128xf32, #tpu.memory_space<vmem>>, vector<1x1x16xf32>,
        %swap3A_1087 = vector.shape_cast %swap3A_1086 : vector<1x1x16xf32> to vector<16xf32>
        %swap3A_1088 = vector.shape_cast %mul3A_1079 : vector<16xf32> to vector<1x1x16xf32>
        tpu.vector_store %arg17[%swap3A_1083, %swap3A_1084, %swap3A_1085], %swap3A_1088 {strides = array<i32>} : memref<2x80x128xf32, #tpu.memory_space<vmem>>, vector<1x1x16xf32>,
        %add3A_1089 = arith.constant 0 : i32
        %add3A_1090 = arith.addi %add3A_1089, %scan3A_910 : i32
        %get3A_1091 = arith.constant 1 : i32
        %get3A_1092 = arith.index_cast %get3A_1091 : i32 to index
        %get3A_1093 = arith.index_cast %add3A_1090 : i32 to index
        %get3A_1094 = arith.constant 112 : index
        %get3A_1095 = tpu.vector_load %arg17[%get3A_1092, %get3A_1093, %get3A_1094] {strides = array<i32>} : memref<2x80x128xf32, #tpu.memory_space<vmem>>, vector<1x1x16xf32>,
        %get3A_1096 = vector.shape_cast %get3A_1095 : vector<1x1x16xf32> to vector<16xf32>
        %mul3A_1097 = arith.mulf %get3A_1096, %bitcast_convert_type3A_1070 : vector<16xf32>
        %add3A_1098 = arith.constant 0 : i32
        %add3A_1099 = arith.addi %add3A_1098, %scan3A_910 : i32
        %swap3A_1100 = arith.constant 1 : i32
        %swap3A_1101 = arith.index_cast %swap3A_1100 : i32 to index
        %swap3A_1102 = arith.index_cast %add3A_1099 : i32 to index
        %swap3A_1103 = arith.constant 112 : index
        %swap3A_1104 = tpu.vector_load %arg17[%swap3A_1101, %swap3A_1102, %swap3A_1103] {strides = array<i32>} : memref<2x80x128xf32, #tpu.memory_space<vmem>>, vector<1x1x16xf32>,
        %swap3A_1105 = vector.shape_cast %swap3A_1104 : vector<1x1x16xf32> to vector<16xf32>
        %swap3A_1106 = vector.shape_cast %mul3A_1097 : vector<16xf32> to vector<1x1x16xf32>
        tpu.vector_store %arg17[%swap3A_1101, %swap3A_1102, %swap3A_1103], %swap3A_1106 {strides = array<i32>} : memref<2x80x128xf32, #tpu.memory_space<vmem>>, vector<1x1x16xf32>,
        %get3A_1107 = arith.constant 1 : i32
        %get3A_1108 = arith.index_cast %get3A_1107 : i32 to index
        %get3A_1109 = arith.index_cast %scan3A_910 : i32 to index
        %get3A_1110 = arith.constant 64 : index
        %get3A_1111 = tpu.vector_load %arg18[%get3A_1108, %get3A_1109, %get3A_1110] {strides = array<i32>} : memref<2x40x128xi32, #tpu.memory_space<vmem>>, vector<1x1x16xi32>,
        %get3A_1112 = vector.shape_cast %get3A_1111 : vector<1x1x16xi32> to vector<16xi32>
        %shift_left3A_1113 = arith.constant 16 : i32
        %shift_left3A_1114 = vector.broadcast %shift_left3A_1113 : i32 to vector<16xi32>
        %shift_left3A_1115 = arith.shli %get3A_1112, %shift_left3A_1114 : vector<16xi32>
        %bitcast_convert_type3A_1116 = tpu.bitcast %shift_left3A_1115 : vector<16xi32> -> vector<16xf32>
        %and3A_1117 = arith.constant -65536 : i32
        %and3A_1118 = vector.broadcast %and3A_1117 : i32 to vector<16xi32>
        %and3A_1119 = arith.andi %get3A_1112, %and3A_1118 : vector<16xi32>
        %bitcast_convert_type3A_1120 = tpu.bitcast %and3A_1119 : vector<16xi32> -> vector<16xf32>
        %add3A_1121 = arith.constant 40 : i32
        %add3A_1122 = arith.addi %add3A_1121, %scan3A_910 : i32
        %get3A_1123 = arith.constant 1 : i32
        %get3A_1124 = arith.index_cast %get3A_1123 : i32 to index
        %get3A_1125 = arith.index_cast %add3A_1122 : i32 to index
        %get3A_1126 = arith.constant 0 : index
        %get3A_1127 = tpu.vector_load %arg17[%get3A_1124, %get3A_1125, %get3A_1126] {strides = array<i32>} : memref<2x80x128xf32, #tpu.memory_space<vmem>>, vector<1x1x16xf32>,
        %get3A_1128 = vector.shape_cast %get3A_1127 : vector<1x1x16xf32> to vector<16xf32>
        %mul3A_1129 = arith.mulf %get3A_1128, %bitcast_convert_type3A_1116 : vector<16xf32>
        %add3A_1130 = arith.constant 40 : i32
        %add3A_1131 = arith.addi %add3A_1130, %scan3A_910 : i32
        %swap3A_1132 = arith.constant 1 : i32
        %swap3A_1133 = arith.index_cast %swap3A_1132 : i32 to index
        %swap3A_1134 = arith.index_cast %add3A_1131 : i32 to index
        %swap3A_1135 = arith.constant 0 : index
        %swap3A_1136 = tpu.vector_load %arg17[%swap3A_1133, %swap3A_1134, %swap3A_1135] {strides = array<i32>} : memref<2x80x128xf32, #tpu.memory_space<vmem>>, vector<1x1x16xf32>,
        %swap3A_1137 = vector.shape_cast %swap3A_1136 : vector<1x1x16xf32> to vector<16xf32>
        %swap3A_1138 = vector.shape_cast %mul3A_1129 : vector<16xf32> to vector<1x1x16xf32>
        tpu.vector_store %arg17[%swap3A_1133, %swap3A_1134, %swap3A_1135], %swap3A_1138 {strides = array<i32>} : memref<2x80x128xf32, #tpu.memory_space<vmem>>, vector<1x1x16xf32>,
        %add3A_1139 = arith.constant 40 : i32
        %add3A_1140 = arith.addi %add3A_1139, %scan3A_910 : i32
        %get3A_1141 = arith.constant 1 : i32
        %get3A_1142 = arith.index_cast %get3A_1141 : i32 to index
        %get3A_1143 = arith.index_cast %add3A_1140 : i32 to index
        %get3A_1144 = arith.constant 16 : index
        %get3A_1145 = tpu.vector_load %arg17[%get3A_1142, %get3A_1143, %get3A_1144] {strides = array<i32>} : memref<2x80x128xf32, #tpu.memory_space<vmem>>, vector<1x1x16xf32>,
        %get3A_1146 = vector.shape_cast %get3A_1145 : vector<1x1x16xf32> to vector<16xf32>
        %mul3A_1147 = arith.mulf %get3A_1146, %bitcast_convert_type3A_1120 : vector<16xf32>
        %add3A_1148 = arith.constant 40 : i32
        %add3A_1149 = arith.addi %add3A_1148, %scan3A_910 : i32
        %swap3A_1150 = arith.constant 1 : i32
        %swap3A_1151 = arith.index_cast %swap3A_1150 : i32 to index
        %swap3A_1152 = arith.index_cast %add3A_1149 : i32 to index
        %swap3A_1153 = arith.constant 16 : index
        %swap3A_1154 = tpu.vector_load %arg17[%swap3A_1151, %swap3A_1152, %swap3A_1153] {strides = array<i32>} : memref<2x80x128xf32, #tpu.memory_space<vmem>>, vector<1x1x16xf32>,
        %swap3A_1155 = vector.shape_cast %swap3A_1154 : vector<1x1x16xf32> to vector<16xf32>
        %swap3A_1156 = vector.shape_cast %mul3A_1147 : vector<16xf32> to vector<1x1x16xf32>
        tpu.vector_store %arg17[%swap3A_1151, %swap3A_1152, %swap3A_1153], %swap3A_1156 {strides = array<i32>} : memref<2x80x128xf32, #tpu.memory_space<vmem>>, vector<1x1x16xf32>,
        %get3A_1157 = arith.constant 1 : i32
        %get3A_1158 = arith.index_cast %get3A_1157 : i32 to index
        %get3A_1159 = arith.index_cast %scan3A_910 : i32 to index
        %get3A_1160 = arith.constant 80 : index
        %get3A_1161 = tpu.vector_load %arg18[%get3A_1158, %get3A_1159, %get3A_1160] {strides = array<i32>} : memref<2x40x128xi32, #tpu.memory_space<vmem>>, vector<1x1x16xi32>,
        %get3A_1162 = vector.shape_cast %get3A_1161 : vector<1x1x16xi32> to vector<16xi32>
        %shift_left3A_1163 = arith.constant 16 : i32
        %shift_left3A_1164 = vector.broadcast %shift_left3A_1163 : i32 to vector<16xi32>
        %shift_left3A_1165 = arith.shli %get3A_1162, %shift_left3A_1164 : vector<16xi32>
        %bitcast_convert_type3A_1166 = tpu.bitcast %shift_left3A_1165 : vector<16xi32> -> vector<16xf32>
        %and3A_1167 = arith.constant -65536 : i32
        %and3A_1168 = vector.broadcast %and3A_1167 : i32 to vector<16xi32>
        %and3A_1169 = arith.andi %get3A_1162, %and3A_1168 : vector<16xi32>
        %bitcast_convert_type3A_1170 = tpu.bitcast %and3A_1169 : vector<16xi32> -> vector<16xf32>
        %add3A_1171 = arith.constant 40 : i32
        %add3A_1172 = arith.addi %add3A_1171, %scan3A_910 : i32
        %get3A_1173 = arith.constant 1 : i32
        %get3A_1174 = arith.index_cast %get3A_1173 : i32 to index
        %get3A_1175 = arith.index_cast %add3A_1172 : i32 to index
        %get3A_1176 = arith.constant 32 : index
        %get3A_1177 = tpu.vector_load %arg17[%get3A_1174, %get3A_1175, %get3A_1176] {strides = array<i32>} : memref<2x80x128xf32, #tpu.memory_space<vmem>>, vector<1x1x16xf32>,
        %get3A_1178 = vector.shape_cast %get3A_1177 : vector<1x1x16xf32> to vector<16xf32>
        %mul3A_1179 = arith.mulf %get3A_1178, %bitcast_convert_type3A_1166 : vector<16xf32>
        %add3A_1180 = arith.constant 40 : i32
        %add3A_1181 = arith.addi %add3A_1180, %scan3A_910 : i32
        %swap3A_1182 = arith.constant 1 : i32
        %swap3A_1183 = arith.index_cast %swap3A_1182 : i32 to index
        %swap3A_1184 = arith.index_cast %add3A_1181 : i32 to index
        %swap3A_1185 = arith.constant 32 : index
        %swap3A_1186 = tpu.vector_load %arg17[%swap3A_1183, %swap3A_1184, %swap3A_1185] {strides = array<i32>} : memref<2x80x128xf32, #tpu.memory_space<vmem>>, vector<1x1x16xf32>,
        %swap3A_1187 = vector.shape_cast %swap3A_1186 : vector<1x1x16xf32> to vector<16xf32>
        %swap3A_1188 = vector.shape_cast %mul3A_1179 : vector<16xf32> to vector<1x1x16xf32>
        tpu.vector_store %arg17[%swap3A_1183, %swap3A_1184, %swap3A_1185], %swap3A_1188 {strides = array<i32>} : memref<2x80x128xf32, #tpu.memory_space<vmem>>, vector<1x1x16xf32>,
        %add3A_1189 = arith.constant 40 : i32
        %add3A_1190 = arith.addi %add3A_1189, %scan3A_910 : i32
        %get3A_1191 = arith.constant 1 : i32
        %get3A_1192 = arith.index_cast %get3A_1191 : i32 to index
        %get3A_1193 = arith.index_cast %add3A_1190 : i32 to index
        %get3A_1194 = arith.constant 48 : index
        %get3A_1195 = tpu.vector_load %arg17[%get3A_1192, %get3A_1193, %get3A_1194] {strides = array<i32>} : memref<2x80x128xf32, #tpu.memory_space<vmem>>, vector<1x1x16xf32>,
        %get3A_1196 = vector.shape_cast %get3A_1195 : vector<1x1x16xf32> to vector<16xf32>
        %mul3A_1197 = arith.mulf %get3A_1196, %bitcast_convert_type3A_1170 : vector<16xf32>
        %add3A_1198 = arith.constant 40 : i32
        %add3A_1199 = arith.addi %add3A_1198, %scan3A_910 : i32
        %swap3A_1200 = arith.constant 1 : i32
        %swap3A_1201 = arith.index_cast %swap3A_1200 : i32 to index
        %swap3A_1202 = arith.index_cast %add3A_1199 : i32 to index
        %swap3A_1203 = arith.constant 48 : index
        %swap3A_1204 = tpu.vector_load %arg17[%swap3A_1201, %swap3A_1202, %swap3A_1203] {strides = array<i32>} : memref<2x80x128xf32, #tpu.memory_space<vmem>>, vector<1x1x16xf32>,
        %swap3A_1205 = vector.shape_cast %swap3A_1204 : vector<1x1x16xf32> to vector<16xf32>
        %swap3A_1206 = vector.shape_cast %mul3A_1197 : vector<16xf32> to vector<1x1x16xf32>
        tpu.vector_store %arg17[%swap3A_1201, %swap3A_1202, %swap3A_1203], %swap3A_1206 {strides = array<i32>} : memref<2x80x128xf32, #tpu.memory_space<vmem>>, vector<1x1x16xf32>,
        %get3A_1207 = arith.constant 1 : i32
        %get3A_1208 = arith.index_cast %get3A_1207 : i32 to index
        %get3A_1209 = arith.index_cast %scan3A_910 : i32 to index
        %get3A_1210 = arith.constant 96 : index
        %get3A_1211 = tpu.vector_load %arg18[%get3A_1208, %get3A_1209, %get3A_1210] {strides = array<i32>} : memref<2x40x128xi32, #tpu.memory_space<vmem>>, vector<1x1x16xi32>,
        %get3A_1212 = vector.shape_cast %get3A_1211 : vector<1x1x16xi32> to vector<16xi32>
        %shift_left3A_1213 = arith.constant 16 : i32
        %shift_left3A_1214 = vector.broadcast %shift_left3A_1213 : i32 to vector<16xi32>
        %shift_left3A_1215 = arith.shli %get3A_1212, %shift_left3A_1214 : vector<16xi32>
        %bitcast_convert_type3A_1216 = tpu.bitcast %shift_left3A_1215 : vector<16xi32> -> vector<16xf32>
        %and3A_1217 = arith.constant -65536 : i32
        %and3A_1218 = vector.broadcast %and3A_1217 : i32 to vector<16xi32>
        %and3A_1219 = arith.andi %get3A_1212, %and3A_1218 : vector<16xi32>
        %bitcast_convert_type3A_1220 = tpu.bitcast %and3A_1219 : vector<16xi32> -> vector<16xf32>
        %add3A_1221 = arith.constant 40 : i32
        %add3A_1222 = arith.addi %add3A_1221, %scan3A_910 : i32
        %get3A_1223 = arith.constant 1 : i32
        %get3A_1224 = arith.index_cast %get3A_1223 : i32 to index
        %get3A_1225 = arith.index_cast %add3A_1222 : i32 to index
        %get3A_1226 = arith.constant 64 : index
        %get3A_1227 = tpu.vector_load %arg17[%get3A_1224, %get3A_1225, %get3A_1226] {strides = array<i32>} : memref<2x80x128xf32, #tpu.memory_space<vmem>>, vector<1x1x16xf32>,
        %get3A_1228 = vector.shape_cast %get3A_1227 : vector<1x1x16xf32> to vector<16xf32>
        %mul3A_1229 = arith.mulf %get3A_1228, %bitcast_convert_type3A_1216 : vector<16xf32>
        %add3A_1230 = arith.constant 40 : i32
        %add3A_1231 = arith.addi %add3A_1230, %scan3A_910 : i32
        %swap3A_1232 = arith.constant 1 : i32
        %swap3A_1233 = arith.index_cast %swap3A_1232 : i32 to index
        %swap3A_1234 = arith.index_cast %add3A_1231 : i32 to index
        %swap3A_1235 = arith.constant 64 : index
        %swap3A_1236 = tpu.vector_load %arg17[%swap3A_1233, %swap3A_1234, %swap3A_1235] {strides = array<i32>} : memref<2x80x128xf32, #tpu.memory_space<vmem>>, vector<1x1x16xf32>,
        %swap3A_1237 = vector.shape_cast %swap3A_1236 : vector<1x1x16xf32> to vector<16xf32>
        %swap3A_1238 = vector.shape_cast %mul3A_1229 : vector<16xf32> to vector<1x1x16xf32>
        tpu.vector_store %arg17[%swap3A_1233, %swap3A_1234, %swap3A_1235], %swap3A_1238 {strides = array<i32>} : memref<2x80x128xf32, #tpu.memory_space<vmem>>, vector<1x1x16xf32>,
        %add3A_1239 = arith.constant 40 : i32
        %add3A_1240 = arith.addi %add3A_1239, %scan3A_910 : i32
        %get3A_1241 = arith.constant 1 : i32
        %get3A_1242 = arith.index_cast %get3A_1241 : i32 to index
        %get3A_1243 = arith.index_cast %add3A_1240 : i32 to index
        %get3A_1244 = arith.constant 80 : index
        %get3A_1245 = tpu.vector_load %arg17[%get3A_1242, %get3A_1243, %get3A_1244] {strides = array<i32>} : memref<2x80x128xf32, #tpu.memory_space<vmem>>, vector<1x1x16xf32>,
        %get3A_1246 = vector.shape_cast %get3A_1245 : vector<1x1x16xf32> to vector<16xf32>
        %mul3A_1247 = arith.mulf %get3A_1246, %bitcast_convert_type3A_1220 : vector<16xf32>
        %add3A_1248 = arith.constant 40 : i32
        %add3A_1249 = arith.addi %add3A_1248, %scan3A_910 : i32
        %swap3A_1250 = arith.constant 1 : i32
        %swap3A_1251 = arith.index_cast %swap3A_1250 : i32 to index
        %swap3A_1252 = arith.index_cast %add3A_1249 : i32 to index
        %swap3A_1253 = arith.constant 80 : index
        %swap3A_1254 = tpu.vector_load %arg17[%swap3A_1251, %swap3A_1252, %swap3A_1253] {strides = array<i32>} : memref<2x80x128xf32, #tpu.memory_space<vmem>>, vector<1x1x16xf32>,
        %swap3A_1255 = vector.shape_cast %swap3A_1254 : vector<1x1x16xf32> to vector<16xf32>
        %swap3A_1256 = vector.shape_cast %mul3A_1247 : vector<16xf32> to vector<1x1x16xf32>
        tpu.vector_store %arg17[%swap3A_1251, %swap3A_1252, %swap3A_1253], %swap3A_1256 {strides = array<i32>} : memref<2x80x128xf32, #tpu.memory_space<vmem>>, vector<1x1x16xf32>,
        %get3A_1257 = arith.constant 1 : i32
        %get3A_1258 = arith.index_cast %get3A_1257 : i32 to index
        %get3A_1259 = arith.index_cast %scan3A_910 : i32 to index
        %get3A_1260 = arith.constant 112 : index
        %get3A_1261 = tpu.vector_load %arg18[%get3A_1258, %get3A_1259, %get3A_1260] {strides = array<i32>} : memref<2x40x128xi32, #tpu.memory_space<vmem>>, vector<1x1x16xi32>,
        %get3A_1262 = vector.shape_cast %get3A_1261 : vector<1x1x16xi32> to vector<16xi32>
        %shift_left3A_1263 = arith.constant 16 : i32
        %shift_left3A_1264 = vector.broadcast %shift_left3A_1263 : i32 to vector<16xi32>
        %shift_left3A_1265 = arith.shli %get3A_1262, %shift_left3A_1264 : vector<16xi32>
        %bitcast_convert_type3A_1266 = tpu.bitcast %shift_left3A_1265 : vector<16xi32> -> vector<16xf32>
        %and3A_1267 = arith.constant -65536 : i32
        %and3A_1268 = vector.broadcast %and3A_1267 : i32 to vector<16xi32>
        %and3A_1269 = arith.andi %get3A_1262, %and3A_1268 : vector<16xi32>
        %bitcast_convert_type3A_1270 = tpu.bitcast %and3A_1269 : vector<16xi32> -> vector<16xf32>
        %add3A_1271 = arith.constant 40 : i32
        %add3A_1272 = arith.addi %add3A_1271, %scan3A_910 : i32
        %get3A_1273 = arith.constant 1 : i32
        %get3A_1274 = arith.index_cast %get3A_1273 : i32 to index
        %get3A_1275 = arith.index_cast %add3A_1272 : i32 to index
        %get3A_1276 = arith.constant 96 : index
        %get3A_1277 = tpu.vector_load %arg17[%get3A_1274, %get3A_1275, %get3A_1276] {strides = array<i32>} : memref<2x80x128xf32, #tpu.memory_space<vmem>>, vector<1x1x16xf32>,
        %get3A_1278 = vector.shape_cast %get3A_1277 : vector<1x1x16xf32> to vector<16xf32>
        %mul3A_1279 = arith.mulf %get3A_1278, %bitcast_convert_type3A_1266 : vector<16xf32>
        %add3A_1280 = arith.constant 40 : i32
        %add3A_1281 = arith.addi %add3A_1280, %scan3A_910 : i32
        %swap3A_1282 = arith.constant 1 : i32
        %swap3A_1283 = arith.index_cast %swap3A_1282 : i32 to index
        %swap3A_1284 = arith.index_cast %add3A_1281 : i32 to index
        %swap3A_1285 = arith.constant 96 : index
        %swap3A_1286 = tpu.vector_load %arg17[%swap3A_1283, %swap3A_1284, %swap3A_1285] {strides = array<i32>} : memref<2x80x128xf32, #tpu.memory_space<vmem>>, vector<1x1x16xf32>,
        %swap3A_1287 = vector.shape_cast %swap3A_1286 : vector<1x1x16xf32> to vector<16xf32>
        %swap3A_1288 = vector.shape_cast %mul3A_1279 : vector<16xf32> to vector<1x1x16xf32>
        tpu.vector_store %arg17[%swap3A_1283, %swap3A_1284, %swap3A_1285], %swap3A_1288 {strides = array<i32>} : memref<2x80x128xf32, #tpu.memory_space<vmem>>, vector<1x1x16xf32>,
        %add3A_1289 = arith.constant 40 : i32
        %add3A_1290 = arith.addi %add3A_1289, %scan3A_910 : i32
        %get3A_1291 = arith.constant 1 : i32
        %get3A_1292 = arith.index_cast %get3A_1291 : i32 to index
        %get3A_1293 = arith.index_cast %add3A_1290 : i32 to index
        %get3A_1294 = arith.constant 112 : index
        %get3A_1295 = tpu.vector_load %arg17[%get3A_1292, %get3A_1293, %get3A_1294] {strides = array<i32>} : memref<2x80x128xf32, #tpu.memory_space<vmem>>, vector<1x1x16xf32>,
        %get3A_1296 = vector.shape_cast %get3A_1295 : vector<1x1x16xf32> to vector<16xf32>
        %mul3A_1297 = arith.mulf %get3A_1296, %bitcast_convert_type3A_1270 : vector<16xf32>
        %add3A_1298 = arith.constant 40 : i32
        %add3A_1299 = arith.addi %add3A_1298, %scan3A_910 : i32
        %swap3A_1300 = arith.constant 1 : i32
        %swap3A_1301 = arith.index_cast %swap3A_1300 : i32 to index
        %swap3A_1302 = arith.index_cast %add3A_1299 : i32 to index
        %swap3A_1303 = arith.constant 112 : index
        %swap3A_1304 = tpu.vector_load %arg17[%swap3A_1301, %swap3A_1302, %swap3A_1303] {strides = array<i32>} : memref<2x80x128xf32, #tpu.memory_space<vmem>>, vector<1x1x16xf32>,
        %swap3A_1305 = vector.shape_cast %swap3A_1304 : vector<1x1x16xf32> to vector<16xf32>
        %swap3A_1306 = vector.shape_cast %mul3A_1297 : vector<16xf32> to vector<1x1x16xf32>
        tpu.vector_store %arg17[%swap3A_1301, %swap3A_1302, %swap3A_1303], %swap3A_1306 {strides = array<i32>} : memref<2x80x128xf32, #tpu.memory_space<vmem>>, vector<1x1x16xf32>,
      }
      %scan3A_894 = arith.constant 40 : i32
      %run_scoped3A_895 = arith.constant 1 : i32
      "tpu.region"() ({
        %run_scoped3A_910 = tpu.sem_alloc : memref<!tpu.dma_semaphore, #tpu.memory_space<semaphore_mem>>
        %dma_start3A_911 = arith.constant 0 : i32
        %dma_start3A_912 = arith.constant 0 : i32
        %dma_start3A_913 = tpu.memref_slice %arg17[%run_scoped3A_895, %dma_start3A_911, %dma_start3A_912] : memref<2x80x128xf32, #tpu.memory_space<vmem>> -> memref<1x80x128xf32, #tpu.memory_space<vmem>>
        %dma_start3A_914 = tpu.memref_squeeze %dma_start3A_913 : memref<1x80x128xf32, #tpu.memory_space<vmem>> -> memref<80x128xf32, #tpu.memory_space<vmem>>
        %dma_start3A_915 = arith.constant 0 : i32
        %dma_start3A_916 = arith.constant 0 : i32
        %dma_start3A_917 = tpu.memref_slice %arg19[%dma_start3A_915, %dma_start3A_916] : memref<10240x128xf32, #tpu.memory_space<vmem_shared>> -> memref<10240x128xf32, #tpu.memory_space<vmem_shared>>
        tpu.enqueue_indirect_dma source(%dma_start3A_914 : memref<80x128xf32, #tpu.memory_space<vmem>>) target(%dma_start3A_917 : memref<10240x128xf32, #tpu.memory_space<vmem_shared>>) offsets(%arg16 : memref<80xi32, #tpu.memory_space<vmem>>) semaphore(%run_scoped3A_910 : memref<!tpu.dma_semaphore, #tpu.memory_space<semaphore_mem>>) {add = true}
        %dma_wait3A_918 = arith.constant 0 : i32
        %dma_wait3A_919 = arith.constant 0 : i32
        %dma_wait3A_920 = tpu.memref_slice %arg17[%run_scoped3A_895, %dma_wait3A_918, %dma_wait3A_919] : memref<2x80x128xf32, #tpu.memory_space<vmem>> -> memref<1x80x128xf32, #tpu.memory_space<vmem>>
        %dma_wait3A_921 = tpu.memref_squeeze %dma_wait3A_920 : memref<1x80x128xf32, #tpu.memory_space<vmem>> -> memref<80x128xf32, #tpu.memory_space<vmem>>
        %dma_wait3A_922 = arith.constant 0 : i32
        %dma_wait3A_923 = arith.constant 0 : i32
        %dma_wait3A_924 = tpu.memref_slice %arg19[%dma_wait3A_922, %dma_wait3A_923] : memref<10240x128xf32, #tpu.memory_space<vmem_shared>> -> memref<10240x128xf32, #tpu.memory_space<vmem_shared>>
        tpu.wait_indirect_dma semaphore(%run_scoped3A_910 : memref<!tpu.dma_semaphore, #tpu.memory_space<semaphore_mem>>) src(%dma_wait3A_921 : memref<80x128xf32, #tpu.memory_space<vmem>>) dst(%dma_wait3A_924 : memref<10240x128xf32, #tpu.memory_space<vmem_shared>>)
        tpu.yield
      }) : () -> ()
      %add3A_896 = arith.constant 2 : i32
      %add3A_897 = arith.addi %add3A_827, %add3A_896 : i32
      %lt3A_898 = arith.constant 125 : i32
      %lt3A_899 = arith.cmpi slt, %add3A_897, %lt3A_898 : i32
      %convert_element_type3A_900 = arith.extui %lt3A_899 : i1 to i32
      %cond3A_901 = arith.constant 0 : i32
      %cond3A_902 = arith.cmpi ne, %convert_element_type3A_900, %cond3A_901 : i32
      scf.if %cond3A_902 {
        %add3A_910 = arith.constant 2 : i32
        %add3A_911 = arith.addi %add3A_827, %add3A_910 : i32
        %mul3A_912 = arith.constant 5000 : i32
        %mul3A_913 = arith.muli %add3A, %mul3A_912 : i32
        %mul3A_914 = arith.constant 40 : i32
        %mul3A_915 = arith.muli %add3A_911, %mul3A_914 : i32
        %add3A_916 = arith.addi %mul3A_913, %mul3A_915 : i32
        %multiple_of3A_917 = tpu.assume_multiple %add3A_916, 8 : i32
        %jit3A_918 = arith.constant 6400 : i32
        %div3A_919 = arith.divsi %multiple_of3A_917, %jit3A_918 : i32
        %sign3A_920 = arith.constant 0 : i32
        %sign3A_921 = arith.cmpi sgt, %multiple_of3A_917, %sign3A_920 : i32
        %sign3A_922 = arith.extui %sign3A_921 : i1 to i32
        %sign3A_923 = arith.constant 0 : i32
        %sign3A_924 = arith.cmpi slt, %multiple_of3A_917, %sign3A_923 : i32
        %sign3A_925 = arith.extui %sign3A_924 : i1 to i32
        %sign3A_926 = arith.subi %sign3A_922, %sign3A_925 : i32
        %sign3A_927 = arith.constant 0 : i32
        %sign3A_928 = arith.cmpi sgt, %jit3A_918, %sign3A_927 : i32
        %sign3A_929 = arith.extui %sign3A_928 : i1 to i32
        %sign3A_930 = arith.constant 0 : i32
        %sign3A_931 = arith.cmpi slt, %jit3A_918, %sign3A_930 : i32
        %sign3A_932 = arith.extui %sign3A_931 : i1 to i32
        %sign3A_933 = arith.subi %sign3A_929, %sign3A_932 : i32
        %ne3A_934 = arith.cmpi ne, %sign3A_926, %sign3A_933 : i32
        %rem3A_935 = arith.remsi %multiple_of3A_917, %jit3A_918 : i32
        %ne3A_936 = arith.constant 0 : i32
        %ne3A_937 = arith.cmpi ne, %rem3A_935, %ne3A_936 : i32
        %and3A_938 = arith.andi %ne3A_934, %ne3A_937 : i1
        %sub3A_939 = arith.constant 1 : i32
        %sub3A_940 = arith.subi %div3A_919, %sub3A_939 : i32
        %select_n3A_941 = arith.select %and3A_938, %sub3A_940, %div3A_919 : i32
        %mul3A_942 = arith.constant 6400 : i32
        %mul3A_943 = arith.muli %select_n3A_941, %mul3A_942 : i32
        %sub3A_944 = arith.subi %multiple_of3A_917, %mul3A_943 : i32
        %mul3A_945 = arith.constant 12800 : i32
        %mul3A_946 = arith.muli %select_n3A_941, %mul3A_945 : i32
        %add3A_947 = arith.addi %mul3A_946, %sub3A_944 : i32
        %multiple_of3A_948 = tpu.assume_multiple %add3A_947, 8 : i32
        %add3A_949 = arith.constant 6400 : i32
        %add3A_950 = arith.addi %multiple_of3A_948, %add3A_949 : i32
        %multiple_of3A_951 = tpu.assume_multiple %add3A_950, 8 : i32
        %dma_wait3A_952 = arith.constant 0 : i32
        %dma_wait3A_953 = tpu.memref_slice %arg10[%dma_wait3A_952] : memref<80xi32, #tpu.memory_space<vmem>> -> memref<40xi32, #tpu.memory_space<vmem>>
        %dma_wait3A_954 = tpu.memref_slice %arg4[%multiple_of3A_948] : memref<320000xi32, #tpu.memory_space<hbm>> -> memref<40xi32, #tpu.memory_space<hbm>>
        %dma_wait3A_955 = arith.constant 0 : i32
        %dma_wait3A_956 = tpu.memref_slice %arg10[%dma_wait3A_955] : memref<80xi32, #tpu.memory_space<vmem>> -> memref<40xi32, #tpu.memory_space<vmem>>
        %dma_wait3A_957 = tpu.memref_slice %arg4[%multiple_of3A_948] : memref<320000xi32, #tpu.memory_space<hbm>> -> memref<40xi32, #tpu.memory_space<hbm>>
        tpu.wait_dma2 semaphore(%arg25 : memref<!tpu.dma_semaphore, #tpu.memory_space<semaphore_mem>>) src(%dma_wait3A_957 : memref<40xi32, #tpu.memory_space<hbm>>) dst(%dma_wait3A_956 : memref<40xi32, #tpu.memory_space<vmem>>)
        %dma_wait3A_958 = arith.constant 40 : i32
        %dma_wait3A_959 = tpu.memref_slice %arg10[%dma_wait3A_958] : memref<80xi32, #tpu.memory_space<vmem>> -> memref<40xi32, #tpu.memory_space<vmem>>
        %dma_wait3A_960 = tpu.memref_slice %arg4[%multiple_of3A_951] : memref<320000xi32, #tpu.memory_space<hbm>> -> memref<40xi32, #tpu.memory_space<hbm>>
        %dma_wait3A_961 = arith.constant 40 : i32
        %dma_wait3A_962 = tpu.memref_slice %arg10[%dma_wait3A_961] : memref<80xi32, #tpu.memory_space<vmem>> -> memref<40xi32, #tpu.memory_space<vmem>>
        %dma_wait3A_963 = tpu.memref_slice %arg4[%multiple_of3A_951] : memref<320000xi32, #tpu.memory_space<hbm>> -> memref<40xi32, #tpu.memory_space<hbm>>
        tpu.wait_dma2 semaphore(%arg25 : memref<!tpu.dma_semaphore, #tpu.memory_space<semaphore_mem>>) src(%dma_wait3A_963 : memref<40xi32, #tpu.memory_space<hbm>>) dst(%dma_wait3A_962 : memref<40xi32, #tpu.memory_space<vmem>>)
        %dma_wait3A_964 = arith.constant 0 : i32
        %dma_wait3A_965 = tpu.memref_slice %arg14[%dma_wait3A_964] : memref<80xi32, #tpu.memory_space<vmem>> -> memref<40xi32, #tpu.memory_space<vmem>>
        %dma_wait3A_966 = tpu.memref_slice %arg5[%multiple_of3A_948] : memref<320000xi32, #tpu.memory_space<hbm>> -> memref<40xi32, #tpu.memory_space<hbm>>
        %dma_wait3A_967 = arith.constant 0 : i32
        %dma_wait3A_968 = tpu.memref_slice %arg14[%dma_wait3A_967] : memref<80xi32, #tpu.memory_space<vmem>> -> memref<40xi32, #tpu.memory_space<vmem>>
        %dma_wait3A_969 = tpu.memref_slice %arg5[%multiple_of3A_948] : memref<320000xi32, #tpu.memory_space<hbm>> -> memref<40xi32, #tpu.memory_space<hbm>>
        tpu.wait_dma2 semaphore(%arg25 : memref<!tpu.dma_semaphore, #tpu.memory_space<semaphore_mem>>) src(%dma_wait3A_969 : memref<40xi32, #tpu.memory_space<hbm>>) dst(%dma_wait3A_968 : memref<40xi32, #tpu.memory_space<vmem>>)
        %dma_wait3A_970 = arith.constant 40 : i32
        %dma_wait3A_971 = tpu.memref_slice %arg14[%dma_wait3A_970] : memref<80xi32, #tpu.memory_space<vmem>> -> memref<40xi32, #tpu.memory_space<vmem>>
        %dma_wait3A_972 = tpu.memref_slice %arg5[%multiple_of3A_951] : memref<320000xi32, #tpu.memory_space<hbm>> -> memref<40xi32, #tpu.memory_space<hbm>>
        %dma_wait3A_973 = arith.constant 40 : i32
        %dma_wait3A_974 = tpu.memref_slice %arg14[%dma_wait3A_973] : memref<80xi32, #tpu.memory_space<vmem>> -> memref<40xi32, #tpu.memory_space<vmem>>
        %dma_wait3A_975 = tpu.memref_slice %arg5[%multiple_of3A_951] : memref<320000xi32, #tpu.memory_space<hbm>> -> memref<40xi32, #tpu.memory_space<hbm>>
        tpu.wait_dma2 semaphore(%arg25 : memref<!tpu.dma_semaphore, #tpu.memory_space<semaphore_mem>>) src(%dma_wait3A_975 : memref<40xi32, #tpu.memory_space<hbm>>) dst(%dma_wait3A_974 : memref<40xi32, #tpu.memory_space<vmem>>)
        %add3A_976 = arith.constant 2 : i32
        %add3A_977 = arith.addi %add3A_827, %add3A_976 : i32
        %dma_start3A_978 = arith.constant 1 : i32
        %dma_start3A_979 = arith.constant 0 : i32
        %dma_start3A_980 = arith.constant 0 : i32
        %dma_start3A_981 = tpu.memref_slice %arg17[%dma_start3A_978, %dma_start3A_979, %dma_start3A_980] : memref<2x80x128xf32, #tpu.memory_space<vmem>> -> memref<1x80x128xf32, #tpu.memory_space<vmem>>
        %dma_start3A_982 = tpu.memref_squeeze %dma_start3A_981 : memref<1x80x128xf32, #tpu.memory_space<vmem>> -> memref<80x128xf32, #tpu.memory_space<vmem>>
        %dma_start3A_983 = arith.constant 0 : i32
        %dma_start3A_984 = arith.constant 0 : i32
        %dma_start3A_985 = tpu.memref_slice %arg2[%dma_start3A_983, %dma_start3A_984] : memref<10000x128xf32, #tpu.memory_space<hbm>> -> memref<10000x128xf32, #tpu.memory_space<hbm>>
        tpu.enqueue_indirect_dma source(%dma_start3A_985 : memref<10000x128xf32, #tpu.memory_space<hbm>>) target(%dma_start3A_982 : memref<80x128xf32, #tpu.memory_space<vmem>>) offsets(%arg10 : memref<80xi32, #tpu.memory_space<vmem>>) semaphore(%arg21 : memref<!tpu.dma_semaphore, #tpu.memory_space<semaphore_mem>>)
        %mul3A_986 = arith.constant 5000 : i32
        %mul3A_987 = arith.muli %add3A, %mul3A_986 : i32
        %mul3A_988 = arith.constant 40 : i32
        %mul3A_989 = arith.muli %add3A_977, %mul3A_988 : i32
        %add3A_990 = arith.addi %mul3A_987, %mul3A_989 : i32
        %multiple_of3A_991 = tpu.assume_multiple %add3A_990, 8 : i32
        %jit3A_992 = arith.constant 6400 : i32
        %div3A_993 = arith.divsi %multiple_of3A_991, %jit3A_992 : i32
        %sign3A_994 = arith.constant 0 : i32
        %sign3A_995 = arith.cmpi sgt, %multiple_of3A_991, %sign3A_994 : i32
        %sign3A_996 = arith.extui %sign3A_995 : i1 to i32
        %sign3A_997 = arith.constant 0 : i32
        %sign3A_998 = arith.cmpi slt, %multiple_of3A_991, %sign3A_997 : i32
        %sign3A_999 = arith.extui %sign3A_998 : i1 to i32
        %sign3A_1000 = arith.subi %sign3A_996, %sign3A_999 : i32
        %sign3A_1001 = arith.constant 0 : i32
        %sign3A_1002 = arith.cmpi sgt, %jit3A_992, %sign3A_1001 : i32
        %sign3A_1003 = arith.extui %sign3A_1002 : i1 to i32
        %sign3A_1004 = arith.constant 0 : i32
        %sign3A_1005 = arith.cmpi slt, %jit3A_992, %sign3A_1004 : i32
        %sign3A_1006 = arith.extui %sign3A_1005 : i1 to i32
        %sign3A_1007 = arith.subi %sign3A_1003, %sign3A_1006 : i32
        %ne3A_1008 = arith.cmpi ne, %sign3A_1000, %sign3A_1007 : i32
        %rem3A_1009 = arith.remsi %multiple_of3A_991, %jit3A_992 : i32
        %ne3A_1010 = arith.constant 0 : i32
        %ne3A_1011 = arith.cmpi ne, %rem3A_1009, %ne3A_1010 : i32
        %and3A_1012 = arith.andi %ne3A_1008, %ne3A_1011 : i1
        %sub3A_1013 = arith.constant 1 : i32
        %sub3A_1014 = arith.subi %div3A_993, %sub3A_1013 : i32
        %select_n3A_1015 = arith.select %and3A_1012, %sub3A_1014, %div3A_993 : i32
        %mul3A_1016 = arith.constant 6400 : i32
        %mul3A_1017 = arith.muli %select_n3A_1015, %mul3A_1016 : i32
        %sub3A_1018 = arith.subi %multiple_of3A_991, %mul3A_1017 : i32
        %mul3A_1019 = arith.constant 12800 : i32
        %mul3A_1020 = arith.muli %select_n3A_1015, %mul3A_1019 : i32
        %add3A_1021 = arith.addi %mul3A_1020, %sub3A_1018 : i32
        %multiple_of3A_1022 = tpu.assume_multiple %add3A_1021, 8 : i32
        %add3A_1023 = arith.constant 6400 : i32
        %add3A_1024 = arith.addi %multiple_of3A_1022, %add3A_1023 : i32
        %multiple_of3A_1025 = tpu.assume_multiple %add3A_1024, 8 : i32
        %dma_start3A_1026 = arith.constant 1 : i32
        %dma_start3A_1027 = arith.constant 0 : i32
        %dma_start3A_1028 = arith.constant 0 : i32
        %dma_start3A_1029 = tpu.memref_slice %arg18[%dma_start3A_1026, %dma_start3A_1027, %dma_start3A_1028] : memref<2x40x128xi32, #tpu.memory_space<vmem>> -> memref<1x40x128xi32, #tpu.memory_space<vmem>>
        %dma_start3A_1030 = tpu.memref_squeeze %dma_start3A_1029 : memref<1x40x128xi32, #tpu.memory_space<vmem>> -> memref<40x128xi32, #tpu.memory_space<vmem>>
        %dma_start3A_1031 = arith.constant 0 : i32
        %dma_start3A_1032 = tpu.memref_slice %arg3[%multiple_of3A_991, %dma_start3A_1031] : memref<160000x128xi32, #tpu.memory_space<hbm>> -> memref<40x128xi32, #tpu.memory_space<hbm>>
        %dma_start3A_1033 = arith.constant 0 : i32
        %dma_start3A_1034 = arith.constant 0 : i32
        %dma_start3A_1035 = tpu.memref_slice %arg18[%dma_start3A_1026, %dma_start3A_1033, %dma_start3A_1034] : memref<2x40x128xi32, #tpu.memory_space<vmem>> -> memref<1x40x128xi32, #tpu.memory_space<vmem>>
        %dma_start3A_1036 = tpu.memref_squeeze %dma_start3A_1035 : memref<1x40x128xi32, #tpu.memory_space<vmem>> -> memref<40x128xi32, #tpu.memory_space<vmem>>
        %dma_start3A_1037 = arith.constant 0 : i32
        %dma_start3A_1038 = tpu.memref_slice %arg3[%multiple_of3A_991, %dma_start3A_1037] : memref<160000x128xi32, #tpu.memory_space<hbm>> -> memref<40x128xi32, #tpu.memory_space<hbm>>
        tpu.enqueue_dma source(%dma_start3A_1038 : memref<40x128xi32, #tpu.memory_space<hbm>>) target(%dma_start3A_1036 : memref<40x128xi32, #tpu.memory_space<vmem>>) target_semaphore(%arg23 : memref<!tpu.dma_semaphore, #tpu.memory_space<semaphore_mem>>)
      } else {
      }
      %add3A_903 = arith.constant 4 : i32
      %add3A_904 = arith.addi %add3A_827, %add3A_903 : i32
      %lt3A_905 = arith.constant 125 : i32
      %lt3A_906 = arith.cmpi slt, %add3A_904, %lt3A_905 : i32
      %convert_element_type3A_907 = arith.extui %lt3A_906 : i1 to i32
      %cond3A_908 = arith.constant 0 : i32
      %cond3A_909 = arith.cmpi ne, %convert_element_type3A_907, %cond3A_908 : i32
      scf.if %cond3A_909 {
        %add3A_910 = arith.constant 4 : i32
        %add3A_911 = arith.addi %add3A_827, %add3A_910 : i32
        %mul3A_912 = arith.constant 5000 : i32
        %mul3A_913 = arith.muli %add3A, %mul3A_912 : i32
        %mul3A_914 = arith.constant 40 : i32
        %mul3A_915 = arith.muli %add3A_911, %mul3A_914 : i32
        %add3A_916 = arith.addi %mul3A_913, %mul3A_915 : i32
        %multiple_of3A_917 = tpu.assume_multiple %add3A_916, 8 : i32
        %jit3A_918 = arith.constant 6400 : i32
        %div3A_919 = arith.divsi %multiple_of3A_917, %jit3A_918 : i32
        %sign3A_920 = arith.constant 0 : i32
        %sign3A_921 = arith.cmpi sgt, %multiple_of3A_917, %sign3A_920 : i32
        %sign3A_922 = arith.extui %sign3A_921 : i1 to i32
        %sign3A_923 = arith.constant 0 : i32
        %sign3A_924 = arith.cmpi slt, %multiple_of3A_917, %sign3A_923 : i32
        %sign3A_925 = arith.extui %sign3A_924 : i1 to i32
        %sign3A_926 = arith.subi %sign3A_922, %sign3A_925 : i32
        %sign3A_927 = arith.constant 0 : i32
        %sign3A_928 = arith.cmpi sgt, %jit3A_918, %sign3A_927 : i32
        %sign3A_929 = arith.extui %sign3A_928 : i1 to i32
        %sign3A_930 = arith.constant 0 : i32
        %sign3A_931 = arith.cmpi slt, %jit3A_918, %sign3A_930 : i32
        %sign3A_932 = arith.extui %sign3A_931 : i1 to i32
        %sign3A_933 = arith.subi %sign3A_929, %sign3A_932 : i32
        %ne3A_934 = arith.cmpi ne, %sign3A_926, %sign3A_933 : i32
        %rem3A_935 = arith.remsi %multiple_of3A_917, %jit3A_918 : i32
        %ne3A_936 = arith.constant 0 : i32
        %ne3A_937 = arith.cmpi ne, %rem3A_935, %ne3A_936 : i32
        %and3A_938 = arith.andi %ne3A_934, %ne3A_937 : i1
        %sub3A_939 = arith.constant 1 : i32
        %sub3A_940 = arith.subi %div3A_919, %sub3A_939 : i32
        %select_n3A_941 = arith.select %and3A_938, %sub3A_940, %div3A_919 : i32
        %mul3A_942 = arith.constant 6400 : i32
        %mul3A_943 = arith.muli %select_n3A_941, %mul3A_942 : i32
        %sub3A_944 = arith.subi %multiple_of3A_917, %mul3A_943 : i32
        %mul3A_945 = arith.constant 12800 : i32
        %mul3A_946 = arith.muli %select_n3A_941, %mul3A_945 : i32
        %add3A_947 = arith.addi %mul3A_946, %sub3A_944 : i32
        %multiple_of3A_948 = tpu.assume_multiple %add3A_947, 8 : i32
        %add3A_949 = arith.constant 6400 : i32
        %add3A_950 = arith.addi %multiple_of3A_948, %add3A_949 : i32
        %multiple_of3A_951 = tpu.assume_multiple %add3A_950, 8 : i32
        %dma_start3A_952 = arith.constant 0 : i32
        %dma_start3A_953 = tpu.memref_slice %arg12[%dma_start3A_952] : memref<80xi32, #tpu.memory_space<vmem>> -> memref<40xi32, #tpu.memory_space<vmem>>
        %dma_start3A_954 = tpu.memref_slice %arg4[%multiple_of3A_948] : memref<320000xi32, #tpu.memory_space<hbm>> -> memref<40xi32, #tpu.memory_space<hbm>>
        %dma_start3A_955 = arith.constant 0 : i32
        %dma_start3A_956 = tpu.memref_slice %arg12[%dma_start3A_955] : memref<80xi32, #tpu.memory_space<vmem>> -> memref<40xi32, #tpu.memory_space<vmem>>
        %dma_start3A_957 = tpu.memref_slice %arg4[%multiple_of3A_948] : memref<320000xi32, #tpu.memory_space<hbm>> -> memref<40xi32, #tpu.memory_space<hbm>>
        tpu.enqueue_dma source(%dma_start3A_957 : memref<40xi32, #tpu.memory_space<hbm>>) target(%dma_start3A_956 : memref<40xi32, #tpu.memory_space<vmem>>) target_semaphore(%arg27 : memref<!tpu.dma_semaphore, #tpu.memory_space<semaphore_mem>>)
        %dma_start3A_958 = arith.constant 40 : i32
        %dma_start3A_959 = tpu.memref_slice %arg12[%dma_start3A_958] : memref<80xi32, #tpu.memory_space<vmem>> -> memref<40xi32, #tpu.memory_space<vmem>>
        %dma_start3A_960 = tpu.memref_slice %arg4[%multiple_of3A_951] : memref<320000xi32, #tpu.memory_space<hbm>> -> memref<40xi32, #tpu.memory_space<hbm>>
        %dma_start3A_961 = arith.constant 40 : i32
        %dma_start3A_962 = tpu.memref_slice %arg12[%dma_start3A_961] : memref<80xi32, #tpu.memory_space<vmem>> -> memref<40xi32, #tpu.memory_space<vmem>>
        %dma_start3A_963 = tpu.memref_slice %arg4[%multiple_of3A_951] : memref<320000xi32, #tpu.memory_space<hbm>> -> memref<40xi32, #tpu.memory_space<hbm>>
        tpu.enqueue_dma source(%dma_start3A_963 : memref<40xi32, #tpu.memory_space<hbm>>) target(%dma_start3A_962 : memref<40xi32, #tpu.memory_space<vmem>>) target_semaphore(%arg27 : memref<!tpu.dma_semaphore, #tpu.memory_space<semaphore_mem>>)
        %dma_start3A_964 = arith.constant 0 : i32
        %dma_start3A_965 = tpu.memref_slice %arg16[%dma_start3A_964] : memref<80xi32, #tpu.memory_space<vmem>> -> memref<40xi32, #tpu.memory_space<vmem>>
        %dma_start3A_966 = tpu.memref_slice %arg5[%multiple_of3A_948] : memref<320000xi32, #tpu.memory_space<hbm>> -> memref<40xi32, #tpu.memory_space<hbm>>
        %dma_start3A_967 = arith.constant 0 : i32
        %dma_start3A_968 = tpu.memref_slice %arg16[%dma_start3A_967] : memref<80xi32, #tpu.memory_space<vmem>> -> memref<40xi32, #tpu.memory_space<vmem>>
        %dma_start3A_969 = tpu.memref_slice %arg5[%multiple_of3A_948] : memref<320000xi32, #tpu.memory_space<hbm>> -> memref<40xi32, #tpu.memory_space<hbm>>
        tpu.enqueue_dma source(%dma_start3A_969 : memref<40xi32, #tpu.memory_space<hbm>>) target(%dma_start3A_968 : memref<40xi32, #tpu.memory_space<vmem>>) target_semaphore(%arg27 : memref<!tpu.dma_semaphore, #tpu.memory_space<semaphore_mem>>)
        %dma_start3A_970 = arith.constant 40 : i32
        %dma_start3A_971 = tpu.memref_slice %arg16[%dma_start3A_970] : memref<80xi32, #tpu.memory_space<vmem>> -> memref<40xi32, #tpu.memory_space<vmem>>
        %dma_start3A_972 = tpu.memref_slice %arg5[%multiple_of3A_951] : memref<320000xi32, #tpu.memory_space<hbm>> -> memref<40xi32, #tpu.memory_space<hbm>>
        %dma_start3A_973 = arith.constant 40 : i32
        %dma_start3A_974 = tpu.memref_slice %arg16[%dma_start3A_973] : memref<80xi32, #tpu.memory_space<vmem>> -> memref<40xi32, #tpu.memory_space<vmem>>
        %dma_start3A_975 = tpu.memref_slice %arg5[%multiple_of3A_951] : memref<320000xi32, #tpu.memory_space<hbm>> -> memref<40xi32, #tpu.memory_space<hbm>>
        tpu.enqueue_dma source(%dma_start3A_975 : memref<40xi32, #tpu.memory_space<hbm>>) target(%dma_start3A_974 : memref<40xi32, #tpu.memory_space<vmem>>) target_semaphore(%arg27 : memref<!tpu.dma_semaphore, #tpu.memory_space<semaphore_mem>>)
      } else {
      }
    }
    %scan3A_493 = arith.constant 31 : i32
    %dma_wait3A_494 = arith.constant 0 : i32
    %dma_wait3A_495 = arith.constant 0 : i32
    %dma_wait3A_496 = arith.constant 0 : i32
    %dma_wait3A_497 = tpu.memref_slice %arg17[%dma_wait3A_494, %dma_wait3A_495, %dma_wait3A_496] : memref<2x80x128xf32, #tpu.memory_space<vmem>> -> memref<1x80x128xf32, #tpu.memory_space<vmem>>
    %dma_wait3A_498 = tpu.memref_squeeze %dma_wait3A_497 : memref<1x80x128xf32, #tpu.memory_space<vmem>> -> memref<80x128xf32, #tpu.memory_space<vmem>>
    %dma_wait3A_499 = arith.constant 0 : i32
    %dma_wait3A_500 = arith.constant 0 : i32
    %dma_wait3A_501 = tpu.memref_slice %arg2[%dma_wait3A_499, %dma_wait3A_500] : memref<10000x128xf32, #tpu.memory_space<hbm>> -> memref<10000x128xf32, #tpu.memory_space<hbm>>
    tpu.wait_indirect_dma semaphore(%arg20 : memref<!tpu.dma_semaphore, #tpu.memory_space<semaphore_mem>>) src(%dma_wait3A_501 : memref<10000x128xf32, #tpu.memory_space<hbm>>) dst(%dma_wait3A_498 : memref<80x128xf32, #tpu.memory_space<vmem>>)
    %mul3A_502 = arith.constant 5000 : i32
    %mul3A_503 = arith.muli %add3A, %mul3A_502 : i32
    %add3A_504 = arith.constant 4960 : i32
    %add3A_505 = arith.addi %mul3A_503, %add3A_504 : i32
    %multiple_of3A_506 = tpu.assume_multiple %add3A_505, 8 : i32
    %jit3A_507 = arith.constant 6400 : i32
    %div3A_508 = arith.divsi %multiple_of3A_506, %jit3A_507 : i32
    %sign3A_509 = arith.constant 0 : i32
    %sign3A_510 = arith.cmpi sgt, %multiple_of3A_506, %sign3A_509 : i32
    %sign3A_511 = arith.extui %sign3A_510 : i1 to i32
    %sign3A_512 = arith.constant 0 : i32
    %sign3A_513 = arith.cmpi slt, %multiple_of3A_506, %sign3A_512 : i32
    %sign3A_514 = arith.extui %sign3A_513 : i1 to i32
    %sign3A_515 = arith.subi %sign3A_511, %sign3A_514 : i32
    %sign3A_516 = arith.constant 0 : i32
    %sign3A_517 = arith.cmpi sgt, %jit3A_507, %sign3A_516 : i32
    %sign3A_518 = arith.extui %sign3A_517 : i1 to i32
    %sign3A_519 = arith.constant 0 : i32
    %sign3A_520 = arith.cmpi slt, %jit3A_507, %sign3A_519 : i32
    %sign3A_521 = arith.extui %sign3A_520 : i1 to i32
    %sign3A_522 = arith.subi %sign3A_518, %sign3A_521 : i32
    %ne3A_523 = arith.cmpi ne, %sign3A_515, %sign3A_522 : i32
    %rem3A_524 = arith.remsi %multiple_of3A_506, %jit3A_507 : i32
    %ne3A_525 = arith.constant 0 : i32
    %ne3A_526 = arith.cmpi ne, %rem3A_524, %ne3A_525 : i32
    %and3A_527 = arith.andi %ne3A_523, %ne3A_526 : i1
    %sub3A_528 = arith.constant 1 : i32
    %sub3A_529 = arith.subi %div3A_508, %sub3A_528 : i32
    %select_n3A_530 = arith.select %and3A_527, %sub3A_529, %div3A_508 : i32
    %mul3A_531 = arith.constant 6400 : i32
    %mul3A_532 = arith.muli %select_n3A_530, %mul3A_531 : i32
    %sub3A_533 = arith.subi %multiple_of3A_506, %mul3A_532 : i32
    %mul3A_534 = arith.constant 12800 : i32
    %mul3A_535 = arith.muli %select_n3A_530, %mul3A_534 : i32
    %add3A_536 = arith.addi %mul3A_535, %sub3A_533 : i32
    %multiple_of3A_537 = tpu.assume_multiple %add3A_536, 8 : i32
    %add3A_538 = arith.constant 6400 : i32
    %add3A_539 = arith.addi %multiple_of3A_537, %add3A_538 : i32
    %multiple_of3A_540 = tpu.assume_multiple %add3A_539, 8 : i32
    %dma_wait3A_541 = arith.constant 0 : i32
    %dma_wait3A_542 = arith.constant 0 : i32
    %dma_wait3A_543 = arith.constant 0 : i32
    %dma_wait3A_544 = tpu.memref_slice %arg18[%dma_wait3A_541, %dma_wait3A_542, %dma_wait3A_543] : memref<2x40x128xi32, #tpu.memory_space<vmem>> -> memref<1x40x128xi32, #tpu.memory_space<vmem>>
    %dma_wait3A_545 = tpu.memref_squeeze %dma_wait3A_544 : memref<1x40x128xi32, #tpu.memory_space<vmem>> -> memref<40x128xi32, #tpu.memory_space<vmem>>
    %dma_wait3A_546 = arith.constant 0 : i32
    %dma_wait3A_547 = tpu.memref_slice %arg3[%multiple_of3A_506, %dma_wait3A_546] : memref<160000x128xi32, #tpu.memory_space<hbm>> -> memref<40x128xi32, #tpu.memory_space<hbm>>
    %dma_wait3A_548 = arith.constant 0 : i32
    %dma_wait3A_549 = arith.constant 0 : i32
    %dma_wait3A_550 = tpu.memref_slice %arg18[%dma_wait3A_541, %dma_wait3A_548, %dma_wait3A_549] : memref<2x40x128xi32, #tpu.memory_space<vmem>> -> memref<1x40x128xi32, #tpu.memory_space<vmem>>
    %dma_wait3A_551 = tpu.memref_squeeze %dma_wait3A_550 : memref<1x40x128xi32, #tpu.memory_space<vmem>> -> memref<40x128xi32, #tpu.memory_space<vmem>>
    %dma_wait3A_552 = arith.constant 0 : i32
    %dma_wait3A_553 = tpu.memref_slice %arg3[%multiple_of3A_506, %dma_wait3A_552] : memref<160000x128xi32, #tpu.memory_space<hbm>> -> memref<40x128xi32, #tpu.memory_space<hbm>>
    tpu.wait_dma2 semaphore(%arg22 : memref<!tpu.dma_semaphore, #tpu.memory_space<semaphore_mem>>) src(%dma_wait3A_553 : memref<40x128xi32, #tpu.memory_space<hbm>>) dst(%dma_wait3A_551 : memref<40x128xi32, #tpu.memory_space<vmem>>)
    %scan3A_554 = arith.constant 0 : i32
    %scan3A_555 = arith.constant 0 : i32
    %scan3A_556 = arith.constant 40 : i32
    %scan3A_557 = arith.addi %scan3A_555, %scan3A_556 : i32
    %scan3A_558 = arith.constant 1 : i32
    scf.for %scan3A_570 = %scan3A_555 to %scan3A_557 step %scan3A_558  : i32 {
      %get3A = arith.constant 0 : i32
      %get3A_571 = arith.index_cast %get3A : i32 to index
      %get3A_572 = arith.index_cast %scan3A_570 : i32 to index
      %get3A_573 = arith.constant 0 : index
      %get3A_574 = tpu.vector_load %arg18[%get3A_571, %get3A_572, %get3A_573] {strides = array<i32>} : memref<2x40x128xi32, #tpu.memory_space<vmem>>, vector<1x1x16xi32>,
      %get3A_575 = vector.shape_cast %get3A_574 : vector<1x1x16xi32> to vector<16xi32>
      %shift_left3A = arith.constant 16 : i32
      %shift_left3A_576 = vector.broadcast %shift_left3A : i32 to vector<16xi32>
      %shift_left3A_577 = arith.shli %get3A_575, %shift_left3A_576 : vector<16xi32>
      %bitcast_convert_type3A = tpu.bitcast %shift_left3A_577 : vector<16xi32> -> vector<16xf32>
      %and3A_578 = arith.constant -65536 : i32
      %and3A_579 = vector.broadcast %and3A_578 : i32 to vector<16xi32>
      %and3A_580 = arith.andi %get3A_575, %and3A_579 : vector<16xi32>
      %bitcast_convert_type3A_581 = tpu.bitcast %and3A_580 : vector<16xi32> -> vector<16xf32>
      %add3A_582 = arith.constant 0 : i32
      %add3A_583 = arith.addi %add3A_582, %scan3A_570 : i32
      %get3A_584 = arith.constant 0 : i32
      %get3A_585 = arith.index_cast %get3A_584 : i32 to index
      %get3A_586 = arith.index_cast %add3A_583 : i32 to index
      %get3A_587 = arith.constant 0 : index
      %get3A_588 = tpu.vector_load %arg17[%get3A_585, %get3A_586, %get3A_587] {strides = array<i32>} : memref<2x80x128xf32, #tpu.memory_space<vmem>>, vector<1x1x16xf32>,
      %get3A_589 = vector.shape_cast %get3A_588 : vector<1x1x16xf32> to vector<16xf32>
      %mul3A_590 = arith.mulf %get3A_589, %bitcast_convert_type3A : vector<16xf32>
      %add3A_591 = arith.constant 0 : i32
      %add3A_592 = arith.addi %add3A_591, %scan3A_570 : i32
      %swap3A = arith.constant 0 : i32
      %swap3A_593 = arith.index_cast %swap3A : i32 to index
      %swap3A_594 = arith.index_cast %add3A_592 : i32 to index
      %swap3A_595 = arith.constant 0 : index
      %swap3A_596 = tpu.vector_load %arg17[%swap3A_593, %swap3A_594, %swap3A_595] {strides = array<i32>} : memref<2x80x128xf32, #tpu.memory_space<vmem>>, vector<1x1x16xf32>,
      %swap3A_597 = vector.shape_cast %swap3A_596 : vector<1x1x16xf32> to vector<16xf32>
      %swap3A_598 = vector.shape_cast %mul3A_590 : vector<16xf32> to vector<1x1x16xf32>
      tpu.vector_store %arg17[%swap3A_593, %swap3A_594, %swap3A_595], %swap3A_598 {strides = array<i32>} : memref<2x80x128xf32, #tpu.memory_space<vmem>>, vector<1x1x16xf32>,
      %add3A_599 = arith.constant 0 : i32
      %add3A_600 = arith.addi %add3A_599, %scan3A_570 : i32
      %get3A_601 = arith.constant 0 : i32
      %get3A_602 = arith.index_cast %get3A_601 : i32 to index
      %get3A_603 = arith.index_cast %add3A_600 : i32 to index
      %get3A_604 = arith.constant 16 : index
      %get3A_605 = tpu.vector_load %arg17[%get3A_602, %get3A_603, %get3A_604] {strides = array<i32>} : memref<2x80x128xf32, #tpu.memory_space<vmem>>, vector<1x1x16xf32>,
      %get3A_606 = vector.shape_cast %get3A_605 : vector<1x1x16xf32> to vector<16xf32>
      %mul3A_607 = arith.mulf %get3A_606, %bitcast_convert_type3A_581 : vector<16xf32>
      %add3A_608 = arith.constant 0 : i32
      %add3A_609 = arith.addi %add3A_608, %scan3A_570 : i32
      %swap3A_610 = arith.constant 0 : i32
      %swap3A_611 = arith.index_cast %swap3A_610 : i32 to index
      %swap3A_612 = arith.index_cast %add3A_609 : i32 to index
      %swap3A_613 = arith.constant 16 : index
      %swap3A_614 = tpu.vector_load %arg17[%swap3A_611, %swap3A_612, %swap3A_613] {strides = array<i32>} : memref<2x80x128xf32, #tpu.memory_space<vmem>>, vector<1x1x16xf32>,
      %swap3A_615 = vector.shape_cast %swap3A_614 : vector<1x1x16xf32> to vector<16xf32>
      %swap3A_616 = vector.shape_cast %mul3A_607 : vector<16xf32> to vector<1x1x16xf32>
      tpu.vector_store %arg17[%swap3A_611, %swap3A_612, %swap3A_613], %swap3A_616 {strides = array<i32>} : memref<2x80x128xf32, #tpu.memory_space<vmem>>, vector<1x1x16xf32>,
      %get3A_617 = arith.constant 0 : i32
      %get3A_618 = arith.index_cast %get3A_617 : i32 to index
      %get3A_619 = arith.index_cast %scan3A_570 : i32 to index
      %get3A_620 = arith.constant 16 : index
      %get3A_621 = tpu.vector_load %arg18[%get3A_618, %get3A_619, %get3A_620] {strides = array<i32>} : memref<2x40x128xi32, #tpu.memory_space<vmem>>, vector<1x1x16xi32>,
      %get3A_622 = vector.shape_cast %get3A_621 : vector<1x1x16xi32> to vector<16xi32>
      %shift_left3A_623 = arith.constant 16 : i32
      %shift_left3A_624 = vector.broadcast %shift_left3A_623 : i32 to vector<16xi32>
      %shift_left3A_625 = arith.shli %get3A_622, %shift_left3A_624 : vector<16xi32>
      %bitcast_convert_type3A_626 = tpu.bitcast %shift_left3A_625 : vector<16xi32> -> vector<16xf32>
      %and3A_627 = arith.constant -65536 : i32
      %and3A_628 = vector.broadcast %and3A_627 : i32 to vector<16xi32>
      %and3A_629 = arith.andi %get3A_622, %and3A_628 : vector<16xi32>
      %bitcast_convert_type3A_630 = tpu.bitcast %and3A_629 : vector<16xi32> -> vector<16xf32>
      %add3A_631 = arith.constant 0 : i32
      %add3A_632 = arith.addi %add3A_631, %scan3A_570 : i32
      %get3A_633 = arith.constant 0 : i32
      %get3A_634 = arith.index_cast %get3A_633 : i32 to index
      %get3A_635 = arith.index_cast %add3A_632 : i32 to index
      %get3A_636 = arith.constant 32 : index
      %get3A_637 = tpu.vector_load %arg17[%get3A_634, %get3A_635, %get3A_636] {strides = array<i32>} : memref<2x80x128xf32, #tpu.memory_space<vmem>>, vector<1x1x16xf32>,
      %get3A_638 = vector.shape_cast %get3A_637 : vector<1x1x16xf32> to vector<16xf32>
      %mul3A_639 = arith.mulf %get3A_638, %bitcast_convert_type3A_626 : vector<16xf32>
      %add3A_640 = arith.constant 0 : i32
      %add3A_641 = arith.addi %add3A_640, %scan3A_570 : i32
      %swap3A_642 = arith.constant 0 : i32
      %swap3A_643 = arith.index_cast %swap3A_642 : i32 to index
      %swap3A_644 = arith.index_cast %add3A_641 : i32 to index
      %swap3A_645 = arith.constant 32 : index
      %swap3A_646 = tpu.vector_load %arg17[%swap3A_643, %swap3A_644, %swap3A_645] {strides = array<i32>} : memref<2x80x128xf32, #tpu.memory_space<vmem>>, vector<1x1x16xf32>,
      %swap3A_647 = vector.shape_cast %swap3A_646 : vector<1x1x16xf32> to vector<16xf32>
      %swap3A_648 = vector.shape_cast %mul3A_639 : vector<16xf32> to vector<1x1x16xf32>
      tpu.vector_store %arg17[%swap3A_643, %swap3A_644, %swap3A_645], %swap3A_648 {strides = array<i32>} : memref<2x80x128xf32, #tpu.memory_space<vmem>>, vector<1x1x16xf32>,
      %add3A_649 = arith.constant 0 : i32
      %add3A_650 = arith.addi %add3A_649, %scan3A_570 : i32
      %get3A_651 = arith.constant 0 : i32
      %get3A_652 = arith.index_cast %get3A_651 : i32 to index
      %get3A_653 = arith.index_cast %add3A_650 : i32 to index
      %get3A_654 = arith.constant 48 : index
      %get3A_655 = tpu.vector_load %arg17[%get3A_652, %get3A_653, %get3A_654] {strides = array<i32>} : memref<2x80x128xf32, #tpu.memory_space<vmem>>, vector<1x1x16xf32>,
      %get3A_656 = vector.shape_cast %get3A_655 : vector<1x1x16xf32> to vector<16xf32>
      %mul3A_657 = arith.mulf %get3A_656, %bitcast_convert_type3A_630 : vector<16xf32>
      %add3A_658 = arith.constant 0 : i32
      %add3A_659 = arith.addi %add3A_658, %scan3A_570 : i32
      %swap3A_660 = arith.constant 0 : i32
      %swap3A_661 = arith.index_cast %swap3A_660 : i32 to index
      %swap3A_662 = arith.index_cast %add3A_659 : i32 to index
      %swap3A_663 = arith.constant 48 : index
      %swap3A_664 = tpu.vector_load %arg17[%swap3A_661, %swap3A_662, %swap3A_663] {strides = array<i32>} : memref<2x80x128xf32, #tpu.memory_space<vmem>>, vector<1x1x16xf32>,
      %swap3A_665 = vector.shape_cast %swap3A_664 : vector<1x1x16xf32> to vector<16xf32>
      %swap3A_666 = vector.shape_cast %mul3A_657 : vector<16xf32> to vector<1x1x16xf32>
      tpu.vector_store %arg17[%swap3A_661, %swap3A_662, %swap3A_663], %swap3A_666 {strides = array<i32>} : memref<2x80x128xf32, #tpu.memory_space<vmem>>, vector<1x1x16xf32>,
      %get3A_667 = arith.constant 0 : i32
      %get3A_668 = arith.index_cast %get3A_667 : i32 to index
      %get3A_669 = arith.index_cast %scan3A_570 : i32 to index
      %get3A_670 = arith.constant 32 : index
      %get3A_671 = tpu.vector_load %arg18[%get3A_668, %get3A_669, %get3A_670] {strides = array<i32>} : memref<2x40x128xi32, #tpu.memory_space<vmem>>, vector<1x1x16xi32>,
      %get3A_672 = vector.shape_cast %get3A_671 : vector<1x1x16xi32> to vector<16xi32>
      %shift_left3A_673 = arith.constant 16 : i32
      %shift_left3A_674 = vector.broadcast %shift_left3A_673 : i32 to vector<16xi32>
      %shift_left3A_675 = arith.shli %get3A_672, %shift_left3A_674 : vector<16xi32>
      %bitcast_convert_type3A_676 = tpu.bitcast %shift_left3A_675 : vector<16xi32> -> vector<16xf32>
      %and3A_677 = arith.constant -65536 : i32
      %and3A_678 = vector.broadcast %and3A_677 : i32 to vector<16xi32>
      %and3A_679 = arith.andi %get3A_672, %and3A_678 : vector<16xi32>
      %bitcast_convert_type3A_680 = tpu.bitcast %and3A_679 : vector<16xi32> -> vector<16xf32>
      %add3A_681 = arith.constant 0 : i32
      %add3A_682 = arith.addi %add3A_681, %scan3A_570 : i32
      %get3A_683 = arith.constant 0 : i32
      %get3A_684 = arith.index_cast %get3A_683 : i32 to index
      %get3A_685 = arith.index_cast %add3A_682 : i32 to index
      %get3A_686 = arith.constant 64 : index
      %get3A_687 = tpu.vector_load %arg17[%get3A_684, %get3A_685, %get3A_686] {strides = array<i32>} : memref<2x80x128xf32, #tpu.memory_space<vmem>>, vector<1x1x16xf32>,
      %get3A_688 = vector.shape_cast %get3A_687 : vector<1x1x16xf32> to vector<16xf32>
      %mul3A_689 = arith.mulf %get3A_688, %bitcast_convert_type3A_676 : vector<16xf32>
      %add3A_690 = arith.constant 0 : i32
      %add3A_691 = arith.addi %add3A_690, %scan3A_570 : i32
      %swap3A_692 = arith.constant 0 : i32
      %swap3A_693 = arith.index_cast %swap3A_692 : i32 to index
      %swap3A_694 = arith.index_cast %add3A_691 : i32 to index
      %swap3A_695 = arith.constant 64 : index
      %swap3A_696 = tpu.vector_load %arg17[%swap3A_693, %swap3A_694, %swap3A_695] {strides = array<i32>} : memref<2x80x128xf32, #tpu.memory_space<vmem>>, vector<1x1x16xf32>,
      %swap3A_697 = vector.shape_cast %swap3A_696 : vector<1x1x16xf32> to vector<16xf32>
      %swap3A_698 = vector.shape_cast %mul3A_689 : vector<16xf32> to vector<1x1x16xf32>
      tpu.vector_store %arg17[%swap3A_693, %swap3A_694, %swap3A_695], %swap3A_698 {strides = array<i32>} : memref<2x80x128xf32, #tpu.memory_space<vmem>>, vector<1x1x16xf32>,
      %add3A_699 = arith.constant 0 : i32
      %add3A_700 = arith.addi %add3A_699, %scan3A_570 : i32
      %get3A_701 = arith.constant 0 : i32
      %get3A_702 = arith.index_cast %get3A_701 : i32 to index
      %get3A_703 = arith.index_cast %add3A_700 : i32 to index
      %get3A_704 = arith.constant 80 : index
      %get3A_705 = tpu.vector_load %arg17[%get3A_702, %get3A_703, %get3A_704] {strides = array<i32>} : memref<2x80x128xf32, #tpu.memory_space<vmem>>, vector<1x1x16xf32>,
      %get3A_706 = vector.shape_cast %get3A_705 : vector<1x1x16xf32> to vector<16xf32>
      %mul3A_707 = arith.mulf %get3A_706, %bitcast_convert_type3A_680 : vector<16xf32>
      %add3A_708 = arith.constant 0 : i32
      %add3A_709 = arith.addi %add3A_708, %scan3A_570 : i32
      %swap3A_710 = arith.constant 0 : i32
      %swap3A_711 = arith.index_cast %swap3A_710 : i32 to index
      %swap3A_712 = arith.index_cast %add3A_709 : i32 to index
      %swap3A_713 = arith.constant 80 : index
      %swap3A_714 = tpu.vector_load %arg17[%swap3A_711, %swap3A_712, %swap3A_713] {strides = array<i32>} : memref<2x80x128xf32, #tpu.memory_space<vmem>>, vector<1x1x16xf32>,
      %swap3A_715 = vector.shape_cast %swap3A_714 : vector<1x1x16xf32> to vector<16xf32>
      %swap3A_716 = vector.shape_cast %mul3A_707 : vector<16xf32> to vector<1x1x16xf32>
      tpu.vector_store %arg17[%swap3A_711, %swap3A_712, %swap3A_713], %swap3A_716 {strides = array<i32>} : memref<2x80x128xf32, #tpu.memory_space<vmem>>, vector<1x1x16xf32>,
      %get3A_717 = arith.constant 0 : i32
      %get3A_718 = arith.index_cast %get3A_717 : i32 to index
      %get3A_719 = arith.index_cast %scan3A_570 : i32 to index
      %get3A_720 = arith.constant 48 : index
      %get3A_721 = tpu.vector_load %arg18[%get3A_718, %get3A_719, %get3A_720] {strides = array<i32>} : memref<2x40x128xi32, #tpu.memory_space<vmem>>, vector<1x1x16xi32>,
      %get3A_722 = vector.shape_cast %get3A_721 : vector<1x1x16xi32> to vector<16xi32>
      %shift_left3A_723 = arith.constant 16 : i32
      %shift_left3A_724 = vector.broadcast %shift_left3A_723 : i32 to vector<16xi32>
      %shift_left3A_725 = arith.shli %get3A_722, %shift_left3A_724 : vector<16xi32>
      %bitcast_convert_type3A_726 = tpu.bitcast %shift_left3A_725 : vector<16xi32> -> vector<16xf32>
      %and3A_727 = arith.constant -65536 : i32
      %and3A_728 = vector.broadcast %and3A_727 : i32 to vector<16xi32>
      %and3A_729 = arith.andi %get3A_722, %and3A_728 : vector<16xi32>
      %bitcast_convert_type3A_730 = tpu.bitcast %and3A_729 : vector<16xi32> -> vector<16xf32>
      %add3A_731 = arith.constant 0 : i32
      %add3A_732 = arith.addi %add3A_731, %scan3A_570 : i32
      %get3A_733 = arith.constant 0 : i32
      %get3A_734 = arith.index_cast %get3A_733 : i32 to index
      %get3A_735 = arith.index_cast %add3A_732 : i32 to index
      %get3A_736 = arith.constant 96 : index
      %get3A_737 = tpu.vector_load %arg17[%get3A_734, %get3A_735, %get3A_736] {strides = array<i32>} : memref<2x80x128xf32, #tpu.memory_space<vmem>>, vector<1x1x16xf32>,
      %get3A_738 = vector.shape_cast %get3A_737 : vector<1x1x16xf32> to vector<16xf32>
      %mul3A_739 = arith.mulf %get3A_738, %bitcast_convert_type3A_726 : vector<16xf32>
      %add3A_740 = arith.constant 0 : i32
      %add3A_741 = arith.addi %add3A_740, %scan3A_570 : i32
      %swap3A_742 = arith.constant 0 : i32
      %swap3A_743 = arith.index_cast %swap3A_742 : i32 to index
      %swap3A_744 = arith.index_cast %add3A_741 : i32 to index
      %swap3A_745 = arith.constant 96 : index
      %swap3A_746 = tpu.vector_load %arg17[%swap3A_743, %swap3A_744, %swap3A_745] {strides = array<i32>} : memref<2x80x128xf32, #tpu.memory_space<vmem>>, vector<1x1x16xf32>,
      %swap3A_747 = vector.shape_cast %swap3A_746 : vector<1x1x16xf32> to vector<16xf32>
      %swap3A_748 = vector.shape_cast %mul3A_739 : vector<16xf32> to vector<1x1x16xf32>
      tpu.vector_store %arg17[%swap3A_743, %swap3A_744, %swap3A_745], %swap3A_748 {strides = array<i32>} : memref<2x80x128xf32, #tpu.memory_space<vmem>>, vector<1x1x16xf32>,
      %add3A_749 = arith.constant 0 : i32
      %add3A_750 = arith.addi %add3A_749, %scan3A_570 : i32
      %get3A_751 = arith.constant 0 : i32
      %get3A_752 = arith.index_cast %get3A_751 : i32 to index
      %get3A_753 = arith.index_cast %add3A_750 : i32 to index
      %get3A_754 = arith.constant 112 : index
      %get3A_755 = tpu.vector_load %arg17[%get3A_752, %get3A_753, %get3A_754] {strides = array<i32>} : memref<2x80x128xf32, #tpu.memory_space<vmem>>, vector<1x1x16xf32>,
      %get3A_756 = vector.shape_cast %get3A_755 : vector<1x1x16xf32> to vector<16xf32>
      %mul3A_757 = arith.mulf %get3A_756, %bitcast_convert_type3A_730 : vector<16xf32>
      %add3A_758 = arith.constant 0 : i32
      %add3A_759 = arith.addi %add3A_758, %scan3A_570 : i32
      %swap3A_760 = arith.constant 0 : i32
      %swap3A_761 = arith.index_cast %swap3A_760 : i32 to index
      %swap3A_762 = arith.index_cast %add3A_759 : i32 to index
      %swap3A_763 = arith.constant 112 : index
      %swap3A_764 = tpu.vector_load %arg17[%swap3A_761, %swap3A_762, %swap3A_763] {strides = array<i32>} : memref<2x80x128xf32, #tpu.memory_space<vmem>>, vector<1x1x16xf32>,
      %swap3A_765 = vector.shape_cast %swap3A_764 : vector<1x1x16xf32> to vector<16xf32>
      %swap3A_766 = vector.shape_cast %mul3A_757 : vector<16xf32> to vector<1x1x16xf32>
      tpu.vector_store %arg17[%swap3A_761, %swap3A_762, %swap3A_763], %swap3A_766 {strides = array<i32>} : memref<2x80x128xf32, #tpu.memory_space<vmem>>, vector<1x1x16xf32>,
      %get3A_767 = arith.constant 0 : i32
      %get3A_768 = arith.index_cast %get3A_767 : i32 to index
      %get3A_769 = arith.index_cast %scan3A_570 : i32 to index
      %get3A_770 = arith.constant 64 : index
      %get3A_771 = tpu.vector_load %arg18[%get3A_768, %get3A_769, %get3A_770] {strides = array<i32>} : memref<2x40x128xi32, #tpu.memory_space<vmem>>, vector<1x1x16xi32>,
      %get3A_772 = vector.shape_cast %get3A_771 : vector<1x1x16xi32> to vector<16xi32>
      %shift_left3A_773 = arith.constant 16 : i32
      %shift_left3A_774 = vector.broadcast %shift_left3A_773 : i32 to vector<16xi32>
      %shift_left3A_775 = arith.shli %get3A_772, %shift_left3A_774 : vector<16xi32>
      %bitcast_convert_type3A_776 = tpu.bitcast %shift_left3A_775 : vector<16xi32> -> vector<16xf32>
      %and3A_777 = arith.constant -65536 : i32
      %and3A_778 = vector.broadcast %and3A_777 : i32 to vector<16xi32>
      %and3A_779 = arith.andi %get3A_772, %and3A_778 : vector<16xi32>
      %bitcast_convert_type3A_780 = tpu.bitcast %and3A_779 : vector<16xi32> -> vector<16xf32>
      %add3A_781 = arith.constant 40 : i32
      %add3A_782 = arith.addi %add3A_781, %scan3A_570 : i32
      %get3A_783 = arith.constant 0 : i32
      %get3A_784 = arith.index_cast %get3A_783 : i32 to index
      %get3A_785 = arith.index_cast %add3A_782 : i32 to index
      %get3A_786 = arith.constant 0 : index
      %get3A_787 = tpu.vector_load %arg17[%get3A_784, %get3A_785, %get3A_786] {strides = array<i32>} : memref<2x80x128xf32, #tpu.memory_space<vmem>>, vector<1x1x16xf32>,
      %get3A_788 = vector.shape_cast %get3A_787 : vector<1x1x16xf32> to vector<16xf32>
      %mul3A_789 = arith.mulf %get3A_788, %bitcast_convert_type3A_776 : vector<16xf32>
      %add3A_790 = arith.constant 40 : i32
      %add3A_791 = arith.addi %add3A_790, %scan3A_570 : i32
      %swap3A_792 = arith.constant 0 : i32
      %swap3A_793 = arith.index_cast %swap3A_792 : i32 to index
      %swap3A_794 = arith.index_cast %add3A_791 : i32 to index
      %swap3A_795 = arith.constant 0 : index
      %swap3A_796 = tpu.vector_load %arg17[%swap3A_793, %swap3A_794, %swap3A_795] {strides = array<i32>} : memref<2x80x128xf32, #tpu.memory_space<vmem>>, vector<1x1x16xf32>,
      %swap3A_797 = vector.shape_cast %swap3A_796 : vector<1x1x16xf32> to vector<16xf32>
      %swap3A_798 = vector.shape_cast %mul3A_789 : vector<16xf32> to vector<1x1x16xf32>
      tpu.vector_store %arg17[%swap3A_793, %swap3A_794, %swap3A_795], %swap3A_798 {strides = array<i32>} : memref<2x80x128xf32, #tpu.memory_space<vmem>>, vector<1x1x16xf32>,
      %add3A_799 = arith.constant 40 : i32
      %add3A_800 = arith.addi %add3A_799, %scan3A_570 : i32
      %get3A_801 = arith.constant 0 : i32
      %get3A_802 = arith.index_cast %get3A_801 : i32 to index
      %get3A_803 = arith.index_cast %add3A_800 : i32 to index
      %get3A_804 = arith.constant 16 : index
      %get3A_805 = tpu.vector_load %arg17[%get3A_802, %get3A_803, %get3A_804] {strides = array<i32>} : memref<2x80x128xf32, #tpu.memory_space<vmem>>, vector<1x1x16xf32>,
      %get3A_806 = vector.shape_cast %get3A_805 : vector<1x1x16xf32> to vector<16xf32>
      %mul3A_807 = arith.mulf %get3A_806, %bitcast_convert_type3A_780 : vector<16xf32>
      %add3A_808 = arith.constant 40 : i32
      %add3A_809 = arith.addi %add3A_808, %scan3A_570 : i32
      %swap3A_810 = arith.constant 0 : i32
      %swap3A_811 = arith.index_cast %swap3A_810 : i32 to index
      %swap3A_812 = arith.index_cast %add3A_809 : i32 to index
      %swap3A_813 = arith.constant 16 : index
      %swap3A_814 = tpu.vector_load %arg17[%swap3A_811, %swap3A_812, %swap3A_813] {strides = array<i32>} : memref<2x80x128xf32, #tpu.memory_space<vmem>>, vector<1x1x16xf32>,
      %swap3A_815 = vector.shape_cast %swap3A_814 : vector<1x1x16xf32> to vector<16xf32>
      %swap3A_816 = vector.shape_cast %mul3A_807 : vector<16xf32> to vector<1x1x16xf32>
      tpu.vector_store %arg17[%swap3A_811, %swap3A_812, %swap3A_813], %swap3A_816 {strides = array<i32>} : memref<2x80x128xf32, #tpu.memory_space<vmem>>, vector<1x1x16xf32>,
      %get3A_817 = arith.constant 0 : i32
      %get3A_818 = arith.index_cast %get3A_817 : i32 to index
      %get3A_819 = arith.index_cast %scan3A_570 : i32 to index
      %get3A_820 = arith.constant 80 : index
      %get3A_821 = tpu.vector_load %arg18[%get3A_818, %get3A_819, %get3A_820] {strides = array<i32>} : memref<2x40x128xi32, #tpu.memory_space<vmem>>, vector<1x1x16xi32>,
      %get3A_822 = vector.shape_cast %get3A_821 : vector<1x1x16xi32> to vector<16xi32>
      %shift_left3A_823 = arith.constant 16 : i32
      %shift_left3A_824 = vector.broadcast %shift_left3A_823 : i32 to vector<16xi32>
      %shift_left3A_825 = arith.shli %get3A_822, %shift_left3A_824 : vector<16xi32>
      %bitcast_convert_type3A_826 = tpu.bitcast %shift_left3A_825 : vector<16xi32> -> vector<16xf32>
      %and3A_827 = arith.constant -65536 : i32
      %and3A_828 = vector.broadcast %and3A_827 : i32 to vector<16xi32>
      %and3A_829 = arith.andi %get3A_822, %and3A_828 : vector<16xi32>
      %bitcast_convert_type3A_830 = tpu.bitcast %and3A_829 : vector<16xi32> -> vector<16xf32>
      %add3A_831 = arith.constant 40 : i32
      %add3A_832 = arith.addi %add3A_831, %scan3A_570 : i32
      %get3A_833 = arith.constant 0 : i32
      %get3A_834 = arith.index_cast %get3A_833 : i32 to index
      %get3A_835 = arith.index_cast %add3A_832 : i32 to index
      %get3A_836 = arith.constant 32 : index
      %get3A_837 = tpu.vector_load %arg17[%get3A_834, %get3A_835, %get3A_836] {strides = array<i32>} : memref<2x80x128xf32, #tpu.memory_space<vmem>>, vector<1x1x16xf32>,
      %get3A_838 = vector.shape_cast %get3A_837 : vector<1x1x16xf32> to vector<16xf32>
      %mul3A_839 = arith.mulf %get3A_838, %bitcast_convert_type3A_826 : vector<16xf32>
      %add3A_840 = arith.constant 40 : i32
      %add3A_841 = arith.addi %add3A_840, %scan3A_570 : i32
      %swap3A_842 = arith.constant 0 : i32
      %swap3A_843 = arith.index_cast %swap3A_842 : i32 to index
      %swap3A_844 = arith.index_cast %add3A_841 : i32 to index
      %swap3A_845 = arith.constant 32 : index
      %swap3A_846 = tpu.vector_load %arg17[%swap3A_843, %swap3A_844, %swap3A_845] {strides = array<i32>} : memref<2x80x128xf32, #tpu.memory_space<vmem>>, vector<1x1x16xf32>,
      %swap3A_847 = vector.shape_cast %swap3A_846 : vector<1x1x16xf32> to vector<16xf32>
      %swap3A_848 = vector.shape_cast %mul3A_839 : vector<16xf32> to vector<1x1x16xf32>
      tpu.vector_store %arg17[%swap3A_843, %swap3A_844, %swap3A_845], %swap3A_848 {strides = array<i32>} : memref<2x80x128xf32, #tpu.memory_space<vmem>>, vector<1x1x16xf32>,
      %add3A_849 = arith.constant 40 : i32
      %add3A_850 = arith.addi %add3A_849, %scan3A_570 : i32
      %get3A_851 = arith.constant 0 : i32
      %get3A_852 = arith.index_cast %get3A_851 : i32 to index
      %get3A_853 = arith.index_cast %add3A_850 : i32 to index
      %get3A_854 = arith.constant 48 : index
      %get3A_855 = tpu.vector_load %arg17[%get3A_852, %get3A_853, %get3A_854] {strides = array<i32>} : memref<2x80x128xf32, #tpu.memory_space<vmem>>, vector<1x1x16xf32>,
      %get3A_856 = vector.shape_cast %get3A_855 : vector<1x1x16xf32> to vector<16xf32>
      %mul3A_857 = arith.mulf %get3A_856, %bitcast_convert_type3A_830 : vector<16xf32>
      %add3A_858 = arith.constant 40 : i32
      %add3A_859 = arith.addi %add3A_858, %scan3A_570 : i32
      %swap3A_860 = arith.constant 0 : i32
      %swap3A_861 = arith.index_cast %swap3A_860 : i32 to index
      %swap3A_862 = arith.index_cast %add3A_859 : i32 to index
      %swap3A_863 = arith.constant 48 : index
      %swap3A_864 = tpu.vector_load %arg17[%swap3A_861, %swap3A_862, %swap3A_863] {strides = array<i32>} : memref<2x80x128xf32, #tpu.memory_space<vmem>>, vector<1x1x16xf32>,
      %swap3A_865 = vector.shape_cast %swap3A_864 : vector<1x1x16xf32> to vector<16xf32>
      %swap3A_866 = vector.shape_cast %mul3A_857 : vector<16xf32> to vector<1x1x16xf32>
      tpu.vector_store %arg17[%swap3A_861, %swap3A_862, %swap3A_863], %swap3A_866 {strides = array<i32>} : memref<2x80x128xf32, #tpu.memory_space<vmem>>, vector<1x1x16xf32>,
      %get3A_867 = arith.constant 0 : i32
      %get3A_868 = arith.index_cast %get3A_867 : i32 to index
      %get3A_869 = arith.index_cast %scan3A_570 : i32 to index
      %get3A_870 = arith.constant 96 : index
      %get3A_871 = tpu.vector_load %arg18[%get3A_868, %get3A_869, %get3A_870] {strides = array<i32>} : memref<2x40x128xi32, #tpu.memory_space<vmem>>, vector<1x1x16xi32>,
      %get3A_872 = vector.shape_cast %get3A_871 : vector<1x1x16xi32> to vector<16xi32>
      %shift_left3A_873 = arith.constant 16 : i32
      %shift_left3A_874 = vector.broadcast %shift_left3A_873 : i32 to vector<16xi32>
      %shift_left3A_875 = arith.shli %get3A_872, %shift_left3A_874 : vector<16xi32>
      %bitcast_convert_type3A_876 = tpu.bitcast %shift_left3A_875 : vector<16xi32> -> vector<16xf32>
      %and3A_877 = arith.constant -65536 : i32
      %and3A_878 = vector.broadcast %and3A_877 : i32 to vector<16xi32>
      %and3A_879 = arith.andi %get3A_872, %and3A_878 : vector<16xi32>
      %bitcast_convert_type3A_880 = tpu.bitcast %and3A_879 : vector<16xi32> -> vector<16xf32>
      %add3A_881 = arith.constant 40 : i32
      %add3A_882 = arith.addi %add3A_881, %scan3A_570 : i32
      %get3A_883 = arith.constant 0 : i32
      %get3A_884 = arith.index_cast %get3A_883 : i32 to index
      %get3A_885 = arith.index_cast %add3A_882 : i32 to index
      %get3A_886 = arith.constant 64 : index
      %get3A_887 = tpu.vector_load %arg17[%get3A_884, %get3A_885, %get3A_886] {strides = array<i32>} : memref<2x80x128xf32, #tpu.memory_space<vmem>>, vector<1x1x16xf32>,
      %get3A_888 = vector.shape_cast %get3A_887 : vector<1x1x16xf32> to vector<16xf32>
      %mul3A_889 = arith.mulf %get3A_888, %bitcast_convert_type3A_876 : vector<16xf32>
      %add3A_890 = arith.constant 40 : i32
      %add3A_891 = arith.addi %add3A_890, %scan3A_570 : i32
      %swap3A_892 = arith.constant 0 : i32
      %swap3A_893 = arith.index_cast %swap3A_892 : i32 to index
      %swap3A_894 = arith.index_cast %add3A_891 : i32 to index
      %swap3A_895 = arith.constant 64 : index
      %swap3A_896 = tpu.vector_load %arg17[%swap3A_893, %swap3A_894, %swap3A_895] {strides = array<i32>} : memref<2x80x128xf32, #tpu.memory_space<vmem>>, vector<1x1x16xf32>,
      %swap3A_897 = vector.shape_cast %swap3A_896 : vector<1x1x16xf32> to vector<16xf32>
      %swap3A_898 = vector.shape_cast %mul3A_889 : vector<16xf32> to vector<1x1x16xf32>
      tpu.vector_store %arg17[%swap3A_893, %swap3A_894, %swap3A_895], %swap3A_898 {strides = array<i32>} : memref<2x80x128xf32, #tpu.memory_space<vmem>>, vector<1x1x16xf32>,
      %add3A_899 = arith.constant 40 : i32
      %add3A_900 = arith.addi %add3A_899, %scan3A_570 : i32
      %get3A_901 = arith.constant 0 : i32
      %get3A_902 = arith.index_cast %get3A_901 : i32 to index
      %get3A_903 = arith.index_cast %add3A_900 : i32 to index
      %get3A_904 = arith.constant 80 : index
      %get3A_905 = tpu.vector_load %arg17[%get3A_902, %get3A_903, %get3A_904] {strides = array<i32>} : memref<2x80x128xf32, #tpu.memory_space<vmem>>, vector<1x1x16xf32>,
      %get3A_906 = vector.shape_cast %get3A_905 : vector<1x1x16xf32> to vector<16xf32>
      %mul3A_907 = arith.mulf %get3A_906, %bitcast_convert_type3A_880 : vector<16xf32>
      %add3A_908 = arith.constant 40 : i32
      %add3A_909 = arith.addi %add3A_908, %scan3A_570 : i32
      %swap3A_910 = arith.constant 0 : i32
      %swap3A_911 = arith.index_cast %swap3A_910 : i32 to index
      %swap3A_912 = arith.index_cast %add3A_909 : i32 to index
      %swap3A_913 = arith.constant 80 : index
      %swap3A_914 = tpu.vector_load %arg17[%swap3A_911, %swap3A_912, %swap3A_913] {strides = array<i32>} : memref<2x80x128xf32, #tpu.memory_space<vmem>>, vector<1x1x16xf32>,
      %swap3A_915 = vector.shape_cast %swap3A_914 : vector<1x1x16xf32> to vector<16xf32>
      %swap3A_916 = vector.shape_cast %mul3A_907 : vector<16xf32> to vector<1x1x16xf32>
      tpu.vector_store %arg17[%swap3A_911, %swap3A_912, %swap3A_913], %swap3A_916 {strides = array<i32>} : memref<2x80x128xf32, #tpu.memory_space<vmem>>, vector<1x1x16xf32>,
      %get3A_917 = arith.constant 0 : i32
      %get3A_918 = arith.index_cast %get3A_917 : i32 to index
      %get3A_919 = arith.index_cast %scan3A_570 : i32 to index
      %get3A_920 = arith.constant 112 : index
      %get3A_921 = tpu.vector_load %arg18[%get3A_918, %get3A_919, %get3A_920] {strides = array<i32>} : memref<2x40x128xi32, #tpu.memory_space<vmem>>, vector<1x1x16xi32>,
      %get3A_922 = vector.shape_cast %get3A_921 : vector<1x1x16xi32> to vector<16xi32>
      %shift_left3A_923 = arith.constant 16 : i32
      %shift_left3A_924 = vector.broadcast %shift_left3A_923 : i32 to vector<16xi32>
      %shift_left3A_925 = arith.shli %get3A_922, %shift_left3A_924 : vector<16xi32>
      %bitcast_convert_type3A_926 = tpu.bitcast %shift_left3A_925 : vector<16xi32> -> vector<16xf32>
      %and3A_927 = arith.constant -65536 : i32
      %and3A_928 = vector.broadcast %and3A_927 : i32 to vector<16xi32>
      %and3A_929 = arith.andi %get3A_922, %and3A_928 : vector<16xi32>
      %bitcast_convert_type3A_930 = tpu.bitcast %and3A_929 : vector<16xi32> -> vector<16xf32>
      %add3A_931 = arith.constant 40 : i32
      %add3A_932 = arith.addi %add3A_931, %scan3A_570 : i32
      %get3A_933 = arith.constant 0 : i32
      %get3A_934 = arith.index_cast %get3A_933 : i32 to index
      %get3A_935 = arith.index_cast %add3A_932 : i32 to index
      %get3A_936 = arith.constant 96 : index
      %get3A_937 = tpu.vector_load %arg17[%get3A_934, %get3A_935, %get3A_936] {strides = array<i32>} : memref<2x80x128xf32, #tpu.memory_space<vmem>>, vector<1x1x16xf32>,
      %get3A_938 = vector.shape_cast %get3A_937 : vector<1x1x16xf32> to vector<16xf32>
      %mul3A_939 = arith.mulf %get3A_938, %bitcast_convert_type3A_926 : vector<16xf32>
      %add3A_940 = arith.constant 40 : i32
      %add3A_941 = arith.addi %add3A_940, %scan3A_570 : i32
      %swap3A_942 = arith.constant 0 : i32
      %swap3A_943 = arith.index_cast %swap3A_942 : i32 to index
      %swap3A_944 = arith.index_cast %add3A_941 : i32 to index
      %swap3A_945 = arith.constant 96 : index
      %swap3A_946 = tpu.vector_load %arg17[%swap3A_943, %swap3A_944, %swap3A_945] {strides = array<i32>} : memref<2x80x128xf32, #tpu.memory_space<vmem>>, vector<1x1x16xf32>,
      %swap3A_947 = vector.shape_cast %swap3A_946 : vector<1x1x16xf32> to vector<16xf32>
      %swap3A_948 = vector.shape_cast %mul3A_939 : vector<16xf32> to vector<1x1x16xf32>
      tpu.vector_store %arg17[%swap3A_943, %swap3A_944, %swap3A_945], %swap3A_948 {strides = array<i32>} : memref<2x80x128xf32, #tpu.memory_space<vmem>>, vector<1x1x16xf32>,
      %add3A_949 = arith.constant 40 : i32
      %add3A_950 = arith.addi %add3A_949, %scan3A_570 : i32
      %get3A_951 = arith.constant 0 : i32
      %get3A_952 = arith.index_cast %get3A_951 : i32 to index
      %get3A_953 = arith.index_cast %add3A_950 : i32 to index
      %get3A_954 = arith.constant 112 : index
      %get3A_955 = tpu.vector_load %arg17[%get3A_952, %get3A_953, %get3A_954] {strides = array<i32>} : memref<2x80x128xf32, #tpu.memory_space<vmem>>, vector<1x1x16xf32>,
      %get3A_956 = vector.shape_cast %get3A_955 : vector<1x1x16xf32> to vector<16xf32>
      %mul3A_957 = arith.mulf %get3A_956, %bitcast_convert_type3A_930 : vector<16xf32>
      %add3A_958 = arith.constant 40 : i32
      %add3A_959 = arith.addi %add3A_958, %scan3A_570 : i32
      %swap3A_960 = arith.constant 0 : i32
      %swap3A_961 = arith.index_cast %swap3A_960 : i32 to index
      %swap3A_962 = arith.index_cast %add3A_959 : i32 to index
      %swap3A_963 = arith.constant 112 : index
      %swap3A_964 = tpu.vector_load %arg17[%swap3A_961, %swap3A_962, %swap3A_963] {strides = array<i32>} : memref<2x80x128xf32, #tpu.memory_space<vmem>>, vector<1x1x16xf32>,
      %swap3A_965 = vector.shape_cast %swap3A_964 : vector<1x1x16xf32> to vector<16xf32>
      %swap3A_966 = vector.shape_cast %mul3A_957 : vector<16xf32> to vector<1x1x16xf32>
      tpu.vector_store %arg17[%swap3A_961, %swap3A_962, %swap3A_963], %swap3A_966 {strides = array<i32>} : memref<2x80x128xf32, #tpu.memory_space<vmem>>, vector<1x1x16xf32>,
    }
    %scan3A_559 = arith.constant 40 : i32
    %run_scoped3A = arith.constant 0 : i32
    "tpu.region"() ({
      %run_scoped3A_570 = tpu.sem_alloc : memref<!tpu.dma_semaphore, #tpu.memory_space<semaphore_mem>>
      %dma_start3A_571 = arith.constant 0 : i32
      %dma_start3A_572 = arith.constant 0 : i32
      %dma_start3A_573 = tpu.memref_slice %arg17[%run_scoped3A, %dma_start3A_571, %dma_start3A_572] : memref<2x80x128xf32, #tpu.memory_space<vmem>> -> memref<1x80x128xf32, #tpu.memory_space<vmem>>
      %dma_start3A_574 = tpu.memref_squeeze %dma_start3A_573 : memref<1x80x128xf32, #tpu.memory_space<vmem>> -> memref<80x128xf32, #tpu.memory_space<vmem>>
      %dma_start3A_575 = arith.constant 0 : i32
      %dma_start3A_576 = arith.constant 0 : i32
      %dma_start3A_577 = tpu.memref_slice %arg19[%dma_start3A_575, %dma_start3A_576] : memref<10240x128xf32, #tpu.memory_space<vmem_shared>> -> memref<10240x128xf32, #tpu.memory_space<vmem_shared>>
      tpu.enqueue_indirect_dma source(%dma_start3A_574 : memref<80x128xf32, #tpu.memory_space<vmem>>) target(%dma_start3A_577 : memref<10240x128xf32, #tpu.memory_space<vmem_shared>>) offsets(%arg13 : memref<80xi32, #tpu.memory_space<vmem>>) semaphore(%run_scoped3A_570 : memref<!tpu.dma_semaphore, #tpu.memory_space<semaphore_mem>>) {add = true}
      %dma_wait3A_578 = arith.constant 0 : i32
      %dma_wait3A_579 = arith.constant 0 : i32
      %dma_wait3A_580 = tpu.memref_slice %arg17[%run_scoped3A, %dma_wait3A_578, %dma_wait3A_579] : memref<2x80x128xf32, #tpu.memory_space<vmem>> -> memref<1x80x128xf32, #tpu.memory_space<vmem>>
      %dma_wait3A_581 = tpu.memref_squeeze %dma_wait3A_580 : memref<1x80x128xf32, #tpu.memory_space<vmem>> -> memref<80x128xf32, #tpu.memory_space<vmem>>
      %dma_wait3A_582 = arith.constant 0 : i32
      %dma_wait3A_583 = arith.constant 0 : i32
      %dma_wait3A_584 = tpu.memref_slice %arg19[%dma_wait3A_582, %dma_wait3A_583] : memref<10240x128xf32, #tpu.memory_space<vmem_shared>> -> memref<10240x128xf32, #tpu.memory_space<vmem_shared>>
      tpu.wait_indirect_dma semaphore(%run_scoped3A_570 : memref<!tpu.dma_semaphore, #tpu.memory_space<semaphore_mem>>) src(%dma_wait3A_581 : memref<80x128xf32, #tpu.memory_space<vmem>>) dst(%dma_wait3A_584 : memref<10240x128xf32, #tpu.memory_space<vmem_shared>>)
      tpu.yield
    }) : () -> ()
    %barrier3A_560 = arith.constant 0 : index
    tpu.barrier barrier_id(%barrier3A_560)
    %mul3A_561 = arith.constant 640 : i32
    %mul3A_562 = arith.muli %arg1, %mul3A_561 : i32
    %eq3A = arith.constant 0 : i32
    %eq3A_563 = arith.cmpi eq, %arg0, %eq3A : i32
    %convert_element_type3A = arith.extui %eq3A_563 : i1 to i32
    %cond3A = arith.constant 0 : i32
    %cond3A_564 = arith.cmpi ne, %convert_element_type3A, %cond3A : i32
    scf.if %cond3A_564 {
      "tpu.region"() ({
        %run_scoped3A_570 = tpu.sem_alloc : memref<!tpu.dma_semaphore, #tpu.memory_space<semaphore_mem>>
        %dma_start3A_571 = arith.constant 0 : i32
        %dma_start3A_572 = tpu.memref_slice %arg7[%mul3A_562, %dma_start3A_571] : memref<10240x128xf32, #tpu.memory_space<hbm>> -> memref<640x128xf32, #tpu.memory_space<hbm>>
        %dma_start3A_573 = arith.constant 0 : i32
        %dma_start3A_574 = tpu.memref_slice %arg19[%mul3A_562, %dma_start3A_573] : memref<10240x128xf32, #tpu.memory_space<vmem_shared>> -> memref<640x128xf32, #tpu.memory_space<vmem_shared>>
        tpu.enqueue_dma source(%dma_start3A_574 : memref<640x128xf32, #tpu.memory_space<vmem_shared>>) target(%dma_start3A_572 : memref<640x128xf32, #tpu.memory_space<hbm>>) target_semaphore(%run_scoped3A_570 : memref<!tpu.dma_semaphore, #tpu.memory_space<semaphore_mem>>)
        %dma_wait3A_575 = arith.constant 0 : i32
        %dma_wait3A_576 = tpu.memref_slice %arg7[%mul3A_562, %dma_wait3A_575] : memref<10240x128xf32, #tpu.memory_space<hbm>> -> memref<640x128xf32, #tpu.memory_space<hbm>>
        %dma_wait3A_577 = arith.constant 0 : i32
        %dma_wait3A_578 = tpu.memref_slice %arg19[%mul3A_562, %dma_wait3A_577] : memref<10240x128xf32, #tpu.memory_space<vmem_shared>> -> memref<640x128xf32, #tpu.memory_space<vmem_shared>>
        tpu.wait_dma2 semaphore(%run_scoped3A_570 : memref<!tpu.dma_semaphore, #tpu.memory_space<semaphore_mem>>) src(%dma_wait3A_578 : memref<640x128xf32, #tpu.memory_space<vmem_shared>>) dst(%dma_wait3A_576 : memref<640x128xf32, #tpu.memory_space<hbm>>)
        tpu.yield
      }) : () -> ()
    } else {
    }
    %eq3A_565 = arith.constant 1 : i32
    %eq3A_566 = arith.cmpi eq, %arg0, %eq3A_565 : i32
    %convert_element_type3A_567 = arith.extui %eq3A_566 : i1 to i32
    %cond3A_568 = arith.constant 0 : i32
    %cond3A_569 = arith.cmpi ne, %convert_element_type3A_567, %cond3A_568 : i32
    scf.if %cond3A_569 {
      "tpu.region"() ({
        %run_scoped3A_570 = tpu.sem_alloc : memref<!tpu.dma_semaphore, #tpu.memory_space<semaphore_mem>>
        %dma_start3A_571 = arith.constant 0 : i32
        %dma_start3A_572 = tpu.memref_slice %arg8[%mul3A_562, %dma_start3A_571] : memref<10240x128xf32, #tpu.memory_space<hbm>> -> memref<640x128xf32, #tpu.memory_space<hbm>>
        %dma_start3A_573 = arith.constant 0 : i32
        %dma_start3A_574 = tpu.memref_slice %arg19[%mul3A_562, %dma_start3A_573] : memref<10240x128xf32, #tpu.memory_space<vmem_shared>> -> memref<640x128xf32, #tpu.memory_space<vmem_shared>>
        tpu.enqueue_dma source(%dma_start3A_574 : memref<640x128xf32, #tpu.memory_space<vmem_shared>>) target(%dma_start3A_572 : memref<640x128xf32, #tpu.memory_space<hbm>>) target_semaphore(%run_scoped3A_570 : memref<!tpu.dma_semaphore, #tpu.memory_space<semaphore_mem>>)
        %dma_wait3A_575 = arith.constant 0 : i32
        %dma_wait3A_576 = tpu.memref_slice %arg8[%mul3A_562, %dma_wait3A_575] : memref<10240x128xf32, #tpu.memory_space<hbm>> -> memref<640x128xf32, #tpu.memory_space<hbm>>
        %dma_wait3A_577 = arith.constant 0 : i32
        %dma_wait3A_578 = tpu.memref_slice %arg19[%mul3A_562, %dma_wait3A_577] : memref<10240x128xf32, #tpu.memory_space<vmem_shared>> -> memref<640x128xf32, #tpu.memory_space<vmem_shared>>
        tpu.wait_dma2 semaphore(%run_scoped3A_570 : memref<!tpu.dma_semaphore, #tpu.memory_space<semaphore_mem>>) src(%dma_wait3A_578 : memref<640x128xf32, #tpu.memory_space<vmem_shared>>) dst(%dma_wait3A_576 : memref<640x128xf32, #tpu.memory_space<hbm>>)
        tpu.yield
      }) : () -> ()
    } else {
    }
    return
  }
}

module attributes {stable_mosaic.version = 14 : i64} {
  func.func @_node_proj_body(%arg0: i32, %arg1: memref<2000x128xf32, #tpu.memory_space<vmem>>, %arg2: memref<128x128xf32, #tpu.memory_space<vmem>>, %arg3: memref<2000x128xf32, #tpu.memory_space<vmem>>) attributes {dimension_semantics = [#tpu.dimension_semantics<arbitrary>], iteration_bounds = array<i64: 5>, scalar_prefetch = 0 : i64, scratch_operands = 0 : i64, tpu.core_type = #tpu.core_type<tc>, window_params = [{transform_indices = @transform_0, window_bounds = array<i64: 2000, 128>}, {pipeline_mode = #tpu.pipeline_mode<synchronous>, transform_indices = @transform_1, window_bounds = array<i64: 128, 128>}, {transform_indices = @transform_2, window_bounds = array<i64: 2000, 128>}]} {
    %get3A = arith.constant 0 : index
    %get3A_0 = arith.constant 0 : index
    %get3A_1 = vector.load %arg1[%get3A, %get3A_0] : memref<2000x128xf32, #tpu.memory_space<vmem>>, vector<2000x128xf32>
    %get3A_2 = arith.constant 0 : index
    %get3A_3 = arith.constant 0 : index
    %get3A_4 = vector.load %arg2[%get3A_2, %get3A_3] : memref<128x128xf32, #tpu.memory_space<vmem>>, vector<128x128xf32>
    %dot_general3A = arith.constant dense<0.000000e+00> : vector<2000x128xf32>
    %dot_general3A_5 = tpu.matmul %get3A_1, %get3A_4, %dot_general3A {dimension_numbers = #tpu.dot_dimension_numbers<[1], [0], [0], [1], [0, 0, 1, 1], [], []>, transpose_lhs_hint = false} : vector<2000x128xf32>, vector<128x128xf32>, vector<2000x128xf32> -> vector<2000x128xf32>
    %swap3A = arith.constant 0 : index
    %swap3A_6 = arith.constant 0 : index
    %swap3A_7 = vector.load %arg3[%swap3A, %swap3A_6] : memref<2000x128xf32, #tpu.memory_space<vmem>>, vector<2000x128xf32>
    tpu.vector_store %arg3[%swap3A, %swap3A_6], %dot_general3A_5 {strides = array<i32>} : memref<2000x128xf32, #tpu.memory_space<vmem>>, vector<2000x128xf32>,
    return
  }
  func.func @transform_0(%arg0: i32) -> (i32, i32) {
    %c0_i32 = arith.constant 0 : i32
    %c0_i32_0 = arith.constant 0 : i32
    return %arg0, %c0_i32 : i32, i32
  }
  func.func @transform_1(%arg0: i32) -> (i32, i32) {
    %c0_i32 = arith.constant 0 : i32
    %c0_i32_0 = arith.constant 0 : i32
    %c0_i32_1 = arith.constant 0 : i32
    return %c0_i32, %c0_i32_0 : i32, i32
  }
  func.func @transform_2(%arg0: i32) -> (i32, i32) {
    %c0_i32 = arith.constant 0 : i32
    %c0_i32_0 = arith.constant 0 : i32
    return %arg0, %c0_i32 : i32, i32
  }
}

module attributes {stable_mosaic.version = 14 : i64} {
  func.func @_edge_proj_body(%arg0: i32, %arg1: memref<16x12800xf32, #tpu.memory_space<vmem>>, %arg2: memref<16x128xf32, #tpu.memory_space<vmem>>, %arg3: memref<1x128xf32, #tpu.memory_space<vmem>>, %arg4: memref<128x128xf32, #tpu.memory_space<vmem>>, %arg5: memref<1x128xf32, #tpu.memory_space<vmem>>, %arg6: memref<6400x128xi32, #tpu.memory_space<vmem>>) attributes {dimension_semantics = [#tpu.dimension_semantics<arbitrary>], iteration_bounds = array<i64: 25>, scalar_prefetch = 0 : i64, scratch_operands = 0 : i64, tpu.core_type = #tpu.core_type<tc>, window_params = [{transform_indices = @transform_0, window_bounds = array<i64: 16, 12800>}, {pipeline_mode = #tpu.pipeline_mode<synchronous>, transform_indices = @transform_1, window_bounds = array<i64: 16, 128>}, {pipeline_mode = #tpu.pipeline_mode<synchronous>, transform_indices = @transform_2, window_bounds = array<i64: 1, 128>}, {pipeline_mode = #tpu.pipeline_mode<synchronous>, transform_indices = @transform_3, window_bounds = array<i64: 128, 128>}, {pipeline_mode = #tpu.pipeline_mode<synchronous>, transform_indices = @transform_4, window_bounds = array<i64: 1, 128>}, {transform_indices = @transform_5, window_bounds = array<i64: 6400, 128>}]} {
    %get3A = arith.constant 0 : index
    %get3A_0 = arith.constant 0 : index
    %get3A_1 = vector.load %arg1[%get3A, %get3A_0] : memref<16x12800xf32, #tpu.memory_space<vmem>>, vector<16x12800xf32>
    %get3A_2 = arith.constant 0 : index
    %get3A_3 = arith.constant 0 : index
    %get3A_4 = vector.load %arg2[%get3A_2, %get3A_3] : memref<16x128xf32, #tpu.memory_space<vmem>>, vector<16x128xf32>
    %dot_general3A = arith.constant dense<0.000000e+00> : vector<12800x128xf32>
    %dot_general3A_5 = tpu.matmul %get3A_1, %get3A_4, %dot_general3A {dimension_numbers = #tpu.dot_dimension_numbers<[0], [0], [1], [1], [0, 1, 1, 1], [], []>, transpose_lhs_hint = false} : vector<16x12800xf32>, vector<16x128xf32>, vector<12800x128xf32> -> vector<12800x128xf32>
    %get3A_6 = arith.constant 0 : index
    %get3A_7 = arith.constant 0 : index
    %get3A_8 = vector.load %arg3[%get3A_6, %get3A_7] : memref<1x128xf32, #tpu.memory_space<vmem>>, vector<1x128xf32>
    %add3A = vector.broadcast %get3A_8 : vector<1x128xf32> to vector<12800x128xf32>
    %add3A_9 = arith.addf %dot_general3A_5, %add3A : vector<12800x128xf32>
    %jit3A = arith.constant 0.00999999977 : f32
    %ge3A = arith.constant 0.000000e+00 : f32
    %ge3A_10 = vector.broadcast %ge3A : f32 to vector<12800x128xf32>
    %ge3A_11 = arith.cmpf oge, %add3A_9, %ge3A_10 : vector<12800x128xf32>
    %mul3A = vector.broadcast %jit3A : f32 to vector<12800x128xf32>
    %mul3A_12 = arith.mulf %mul3A, %add3A_9 : vector<12800x128xf32>
    %select_n3A = arith.select %ge3A_11, %add3A_9, %mul3A_12 : vector<12800x128xi1>, vector<12800x128xf32>
    %get3A_13 = arith.constant 0 : index
    %get3A_14 = arith.constant 0 : index
    %get3A_15 = vector.load %arg4[%get3A_13, %get3A_14] : memref<128x128xf32, #tpu.memory_space<vmem>>, vector<128x128xf32>
    %dot_general3A_16 = arith.constant dense<0.000000e+00> : vector<12800x128xf32>
    %dot_general3A_17 = tpu.matmul %select_n3A, %get3A_15, %dot_general3A_16 {dimension_numbers = #tpu.dot_dimension_numbers<[1], [0], [0], [1], [0, 0, 1, 1], [], []>, transpose_lhs_hint = false} : vector<12800x128xf32>, vector<128x128xf32>, vector<12800x128xf32> -> vector<12800x128xf32>
    %get3A_18 = arith.constant 0 : index
    %get3A_19 = arith.constant 0 : index
    %get3A_20 = vector.load %arg5[%get3A_18, %get3A_19] : memref<1x128xf32, #tpu.memory_space<vmem>>, vector<1x128xf32>
    %add3A_21 = vector.broadcast %get3A_20 : vector<1x128xf32> to vector<12800x128xf32>
    %add3A_22 = arith.addf %dot_general3A_17, %add3A_21 : vector<12800x128xf32>
    %jit3A_23 = arith.constant 0.00999999977 : f32
    %ge3A_24 = arith.constant 0.000000e+00 : f32
    %ge3A_25 = vector.broadcast %ge3A_24 : f32 to vector<12800x128xf32>
    %ge3A_26 = arith.cmpf oge, %add3A_22, %ge3A_25 : vector<12800x128xf32>
    %mul3A_27 = vector.broadcast %jit3A_23 : f32 to vector<12800x128xf32>
    %mul3A_28 = arith.mulf %mul3A_27, %add3A_22 : vector<12800x128xf32>
    %select_n3A_29 = arith.select %ge3A_26, %add3A_22, %mul3A_28 : vector<12800x128xi1>, vector<12800x128xf32>
    %slice3A = vector.extract_strided_slice %select_n3A_29 {offsets = [0, 0], sizes = [6400, 128], strides = [1, 1]} : vector<12800x128xf32> to vector<6400x128xf32>
    %bitcast_convert_type3A = tpu.bitcast %slice3A : vector<6400x128xf32> -> vector<6400x128xi32>
    %add3A_30 = arith.constant 32768 : i32
    %add3A_31 = vector.broadcast %add3A_30 : i32 to vector<6400x128xi32>
    %add3A_32 = arith.addi %bitcast_convert_type3A, %add3A_31 : vector<6400x128xi32>
    %shift_right_logical3A = arith.constant 16 : i32
    %shift_right_logical3A_33 = vector.broadcast %shift_right_logical3A : i32 to vector<6400x128xi32>
    %shift_right_logical3A_34 = arith.shrui %add3A_32, %shift_right_logical3A_33 : vector<6400x128xi32>
    %slice3A_35 = vector.extract_strided_slice %shift_right_logical3A_34 {offsets = [0, 0], sizes = [6400, 64], strides = [1, 1]} : vector<6400x128xi32> to vector<6400x64xi32>
    %slice3A_36 = vector.extract_strided_slice %shift_right_logical3A_34 {offsets = [0, 64], sizes = [6400, 64], strides = [1, 1]} : vector<6400x128xi32> to vector<6400x64xi32>
    %shift_left3A = arith.constant 16 : i32
    %shift_left3A_37 = vector.broadcast %shift_left3A : i32 to vector<6400x64xi32>
    %shift_left3A_38 = arith.shli %slice3A_36, %shift_left3A_37 : vector<6400x64xi32>
    %or3A = arith.ori %slice3A_35, %shift_left3A_38 : vector<6400x64xi32>
    %swap3A = arith.constant 0 : index
    %swap3A_39 = arith.constant 0 : index
    %swap3A_40 = vector.load %arg6[%swap3A, %swap3A_39] : memref<6400x128xi32, #tpu.memory_space<vmem>>, vector<6400x64xi32>
    tpu.vector_store %arg6[%swap3A, %swap3A_39], %or3A {strides = array<i32>} : memref<6400x128xi32, #tpu.memory_space<vmem>>, vector<6400x64xi32>,
    %slice3A_41 = vector.extract_strided_slice %select_n3A_29 {offsets = [6400, 0], sizes = [6400, 128], strides = [1, 1]} : vector<12800x128xf32> to vector<6400x128xf32>
    %bitcast_convert_type3A_42 = tpu.bitcast %slice3A_41 : vector<6400x128xf32> -> vector<6400x128xi32>
    %add3A_43 = arith.constant 32768 : i32
    %add3A_44 = vector.broadcast %add3A_43 : i32 to vector<6400x128xi32>
    %add3A_45 = arith.addi %bitcast_convert_type3A_42, %add3A_44 : vector<6400x128xi32>
    %shift_right_logical3A_46 = arith.constant 16 : i32
    %shift_right_logical3A_47 = vector.broadcast %shift_right_logical3A_46 : i32 to vector<6400x128xi32>
    %shift_right_logical3A_48 = arith.shrui %add3A_45, %shift_right_logical3A_47 : vector<6400x128xi32>
    %slice3A_49 = vector.extract_strided_slice %shift_right_logical3A_48 {offsets = [0, 0], sizes = [6400, 64], strides = [1, 1]} : vector<6400x128xi32> to vector<6400x64xi32>
    %slice3A_50 = vector.extract_strided_slice %shift_right_logical3A_48 {offsets = [0, 64], sizes = [6400, 64], strides = [1, 1]} : vector<6400x128xi32> to vector<6400x64xi32>
    %shift_left3A_51 = arith.constant 16 : i32
    %shift_left3A_52 = vector.broadcast %shift_left3A_51 : i32 to vector<6400x64xi32>
    %shift_left3A_53 = arith.shli %slice3A_50, %shift_left3A_52 : vector<6400x64xi32>
    %or3A_54 = arith.ori %slice3A_49, %shift_left3A_53 : vector<6400x64xi32>
    %swap3A_55 = arith.constant 0 : index
    %swap3A_56 = arith.constant 64 : index
    %swap3A_57 = vector.load %arg6[%swap3A_55, %swap3A_56] : memref<6400x128xi32, #tpu.memory_space<vmem>>, vector<6400x64xi32>
    tpu.vector_store %arg6[%swap3A_55, %swap3A_56], %or3A_54 {strides = array<i32>} : memref<6400x128xi32, #tpu.memory_space<vmem>>, vector<6400x64xi32>,
    return
  }
  func.func @transform_0(%arg0: i32) -> (i32, i32) {
    %c0_i32 = arith.constant 0 : i32
    %c0_i32_0 = arith.constant 0 : i32
    return %c0_i32, %arg0 : i32, i32
  }
  func.func @transform_1(%arg0: i32) -> (i32, i32) {
    %c0_i32 = arith.constant 0 : i32
    %c0_i32_0 = arith.constant 0 : i32
    %c0_i32_1 = arith.constant 0 : i32
    return %c0_i32, %c0_i32_0 : i32, i32
  }
  func.func @transform_2(%arg0: i32) -> (i32, i32) {
    %c0_i32 = arith.constant 0 : i32
    %c0_i32_0 = arith.constant 0 : i32
    %c0_i32_1 = arith.constant 0 : i32
    return %c0_i32, %c0_i32_0 : i32, i32
  }
  func.func @transform_3(%arg0: i32) -> (i32, i32) {
    %c0_i32 = arith.constant 0 : i32
    %c0_i32_0 = arith.constant 0 : i32
    %c0_i32_1 = arith.constant 0 : i32
    return %c0_i32, %c0_i32_0 : i32, i32
  }
  func.func @transform_4(%arg0: i32) -> (i32, i32) {
    %c0_i32 = arith.constant 0 : i32
    %c0_i32_0 = arith.constant 0 : i32
    %c0_i32_1 = arith.constant 0 : i32
    return %c0_i32, %c0_i32_0 : i32, i32
  }
  func.func @transform_5(%arg0: i32) -> (i32, i32) {
    %c0_i32 = arith.constant 0 : i32
    %c0_i32_0 = arith.constant 0 : i32
    return %arg0, %c0_i32 : i32, i32
  }
}

module attributes {stable_mosaic.version = 14 : i64} {
  func.func @_combine_body(%arg0: i32, %arg1: memref<2000x128xf32, #tpu.memory_space<vmem>>, %arg2: memref<2000x128xf32, #tpu.memory_space<vmem>>, %arg3: memref<2000x128xf32, #tpu.memory_space<vmem>>) attributes {dimension_semantics = [#tpu.dimension_semantics<arbitrary>], iteration_bounds = array<i64: 5>, scalar_prefetch = 0 : i64, scratch_operands = 0 : i64, tpu.core_type = #tpu.core_type<tc>, window_params = [{transform_indices = @transform_0, window_bounds = array<i64: 2000, 128>}, {transform_indices = @transform_1, window_bounds = array<i64: 2000, 128>}, {transform_indices = @transform_2, window_bounds = array<i64: 2000, 128>}]} {
    %get3A = arith.constant 0 : index
    %get3A_0 = arith.constant 0 : index
    %get3A_1 = vector.load %arg1[%get3A, %get3A_0] : memref<2000x128xf32, #tpu.memory_space<vmem>>, vector<2000x128xf32>
    %get3A_2 = arith.constant 0 : index
    %get3A_3 = arith.constant 0 : index
    %get3A_4 = vector.load %arg2[%get3A_2, %get3A_3] : memref<2000x128xf32, #tpu.memory_space<vmem>>, vector<2000x128xf32>
    %add3A = arith.addf %get3A_1, %get3A_4 : vector<2000x128xf32>
    %swap3A = arith.constant 0 : index
    %swap3A_5 = arith.constant 0 : index
    %swap3A_6 = vector.load %arg3[%swap3A, %swap3A_5] : memref<2000x128xf32, #tpu.memory_space<vmem>>, vector<2000x128xf32>
    tpu.vector_store %arg3[%swap3A, %swap3A_5], %add3A {strides = array<i32>} : memref<2000x128xf32, #tpu.memory_space<vmem>>, vector<2000x128xf32>,
    return
  }
  func.func @transform_0(%arg0: i32) -> (i32, i32) {
    %c0_i32 = arith.constant 0 : i32
    %c0_i32_0 = arith.constant 0 : i32
    return %arg0, %c0_i32 : i32, i32
  }
  func.func @transform_1(%arg0: i32) -> (i32, i32) {
    %c0_i32 = arith.constant 0 : i32
    %c0_i32_0 = arith.constant 0 : i32
    return %arg0, %c0_i32 : i32, i32
  }
  func.func @transform_2(%arg0: i32) -> (i32, i32) {
    %c0_i32 = arith.constant 0 : i32
    %c0_i32_0 = arith.constant 0 : i32
    return %arg0, %c0_i32 : i32, i32
  }
}

</mosaic_0001>

<sc_bundles>
// kernel: kernel.6.cloned.1.call-start
scs
__scs_entry_jumppad:
0x0: {  	(pc) =	sbr.rel $0x88, $3  }
0x1: {  	(tag) =	ssettag $0x0;
	lr =	simm.s32 $0x1  }
0x2: {  	[smem:$0x3F98] =	sst lr;
	_ =	strace $0xD0000000  }
0x3: {  	_ = 	snop  }
0x4: {  	_ = 	snop  }
0x5: {  	_ = 	snop  }
0x6: {  	_ = 	snop  }
0x7: {  	_ = 	snop  }
__scs_overlays_trampoline_lowered:
0x8: {  	[smem:$0x3FA7] =	sst s0  }
0x9: {  	[smem:$0x3FA8] =	sst s1  }
0xa: {  	[smem:$0x3FA9] =	sst s2  }
0xb: {  	[smem:$0x3FAA] =	sst s3  }
0xc: {  	[smem:$0x3FAB] =	sst s4  }
0xd: {  	[smem:$0x3FAC] =	sst s5  }
0xe: {  	[smem:$0x3FAD] =	sst s6  }
0xf: {  	[smem:$0x3FAE] =	sst s7  }
0x10: {  	[smem:$0x3FAF] =	sst s8  }
0x11: {  	[smem:$0x3FB0] =	sst s9;
	s0 =	simm.s32 @!p0 $0x0  }
0x12: {  	s1 =	sld [smem:$0x3F96];
	s0 =	simm.s32 @p0 $0x1  }
0x13: {  	[smem:$0x3FB1] =	sst s0;
	s0 =	simm.s32 @!p1 $0x0  }
0x14: {  	s2 =	sld [smem:$0x3F95];
	s0 =	simm.s32 @p1 $0x1  }
0x15: {  	[smem:$0x3FB2] =	sst s0;
	s0 =	simm.s32 @!p2 $0x0  }
0x16: {  	s3 =	sld [smem:$0x3FDB];
	s0 =	simm.s32 @p2 $0x1  }
0x17: {  	s4 =	simm.s32 $0x1BF5;
	[smem:$0x3FB4] =	sst s0  }
0x18: {  	s0 =	sld [smem:$0x3F97];
	_ =	swait.ge [sflag:s4], $0x0  }
0x19: {  	s7 =	sld [smem:$0x3F98]  }
0x1a: {  	s8 =	sadd.s32 $0xFFFFE003, lr  }
0x1b: {  	s9 =	sadd.s32 $0xFFFFFEF7, lr;
	s5 =	simm.s32 $0xFFFFFFFF;
	p2 =	slt.u32 s8, $0xFFFFF086  }
0x1c: {  	p1 =	slt.u32 s9, $0xF7A;
	s5 =	simm.s32 @!p2 $0x0  }
0x1d: {  	s5 =	simm.s32 @p1 $0x1;
	p0 =	seq.s32 s7, s2  }
0x1e: {  	s7 =	smul.u32 @!p0 $0xF7A, s2;
	p2 =	seq.s32 @!p0 s5, $0x0  }
0x1f: {  	s9 =	smul.u32 $0xF7A, s1;
	s8 =	simm.s32 @!p0 $0x1BF5;
	p2 =	por !p2, p0  }
0x20: {  	[sflag:s8] =	ssyncset.s32 @!p0 $0xFFFFF086;
	s6 =	sadd.s32 @!p0 s3, s7;
	s7 =	simm.s32 @!p0 $0x108  }
0x21: {  	s3 =	sadd.s32 s3, s9;
	s6 =	sadd.s32 @!p0 $0x88, s6;
	s7 =	simm.s32 @p2 $0x1082  }
0x22: {  	[simem:s7], [sflag:s8] =	dma.local @!p0 [hbm:s6], $0xF7A  }
0x23: {  	s9 =	sor.u32 $0xD0000000, s2;
	s6 =	simm.s32 $0x108;
	_ =	swait.ge @!p0 [sflag:s8], $0x0  }
0x24: {  	s3 =	sadd.s32 $0x88, s3;
	s6 =	simm.s32 @!p1 $0x1082;
	[sflag:s4] =	ssyncset.s32 $0xFFFFF086  }
0x25: {  	[simem:s6], [sflag:s4] =	dma.local [hbm:s3], $0xF7A  }
0x26: {  	[smem:$0x3F98] =	sst s1;
	(tag) =	ssettag s2;
	_ =	strace s9  }
0x27: {  	s1 =	sld [smem:$0x3FA8]  }
0x28: {  	s2 =	sld [smem:$0x3FA9]  }
0x29: {  	s4 =	sld [smem:$0x3FAB]  }
0x2a: {  	p0 =	seq.s32 s5, $0x0;
	s5 =	sld [smem:$0x3FAC]  }
0x2b: {  	s6 =	sld [smem:$0x3FAD]  }
0x2c: {  	s7 =	sld [smem:$0x3FAE]  }
0x2d: {  	s3 =	simm.s32 $0x108;
	s8 =	sld [smem:$0x3FAF]  }
0x2e: {  	s3 =	simm.s32 @!p0 $0x1082;
	s9 =	sld [smem:$0x3FB0]  }
0x2f: {  	lr =	sadd.s32 s0, s3;
	s0 =	sld [smem:$0x3FA7]  }
0x30: {  	s3 =	sld [smem:$0x3FAA]  }
0x31: {  	[smem:$0x3FB3] =	sst s10  }
0x32: {  	s10 =	sld [smem:$0x3FB1];
	_ =	sdelay $0x3  }
0x33: {  	p0 =	seq.s32 s10, $0x1;
	s10 =	sld [smem:$0x3FB3];
	_ =	sdelay $0x3  }
0x34: {  	[smem:$0x3FB3] =	sst s10  }
0x35: {  	s10 =	sld [smem:$0x3FB2];
	_ =	sdelay $0x3  }
0x36: {  	p1 =	seq.s32 s10, $0x1;
	s10 =	sld [smem:$0x3FB3];
	_ =	sdelay $0x3  }
0x37: {  	[smem:$0x3FB3] =	sst s10  }
0x38: {  	s10 =	sld [smem:$0x3FB4]  }
0x39: {  	_ = 	snop;
	(pc) =	sbr.ind lr, $3  }
0x3a: {  	_ = 	snop  }
0x3b: {  	_ = 	snop  }
0x3c: {  	p2 =	seq.s32 s10, $0x1;
	s10 =	sld [smem:$0x3FB3]  }
0x3d: {  	_ =	shalt  }
0x3e: {  	_ =	shalt  }
0x3f: {  	_ =	shalt  }
0x40: {  	_ =	shalt  }
0x41: {  	_ =	shalt  }
0x42: {  	_ =	shalt  }
0x43: {  	_ =	shalt  }
0x44: {  	_ =	shalt  }
0x45: {  	_ =	shalt  }
0x46: {  	_ =	shalt  }
0x47: {  	_ =	shalt  }
0x48: {  	_ =	shalt  }
0x49: {  	_ =	shalt  }
0x4a: {  	_ =	shalt  }
0x4b: {  	_ =	shalt  }
0x4c: {  	_ =	shalt  }
0x4d: {  	_ =	shalt  }
0x4e: {  	_ =	shalt  }
0x4f: {  	_ =	shalt  }
0x50: {  	_ =	shalt  }
0x51: {  	_ =	shalt  }
0x52: {  	_ =	shalt  }
0x53: {  	_ =	shalt  }
0x54: {  	_ =	shalt  }
0x55: {  	_ =	shalt  }
0x56: {  	_ =	shalt  }
0x57: {  	_ =	shalt  }
0x58: {  	_ =	shalt  }
0x59: {  	_ =	shalt  }
0x5a: {  	_ =	shalt  }
0x5b: {  	_ =	shalt  }
0x5c: {  	_ =	shalt  }
0x5d: {  	_ =	shalt  }
0x5e: {  	_ =	shalt  }
0x5f: {  	_ =	shalt  }
0x60: {  	_ =	shalt  }
0x61: {  	_ =	shalt  }
0x62: {  	_ =	shalt  }
0x63: {  	_ =	shalt  }
0x64: {  	_ =	shalt  }
0x65: {  	_ =	shalt  }
0x66: {  	_ =	shalt  }
0x67: {  	_ =	shalt  }
0x68: {  	_ =	shalt  }
0x69: {  	_ =	shalt  }
0x6a: {  	_ =	shalt  }
0x6b: {  	_ =	shalt  }
0x6c: {  	_ =	shalt  }
0x6d: {  	_ =	shalt  }
0x6e: {  	_ =	shalt  }
0x6f: {  	_ =	shalt  }
0x70: {  	_ =	shalt  }
0x71: {  	_ =	shalt  }
0x72: {  	_ =	shalt  }
0x73: {  	_ =	shalt  }
0x74: {  	_ =	shalt  }
0x75: {  	_ =	shalt  }
0x76: {  	_ =	shalt  }
0x77: {  	_ =	shalt  }
0x78: {  	_ =	shalt  }
0x79: {  	_ =	shalt  }
0x7a: {  	_ =	shalt  }
0x7b: {  	_ =	shalt  }
0x7c: {  	_ =	shalt  }
0x7d: {  	_ =	shalt  }
0x7e: {  	_ =	shalt  }
0x7f: {  	_ =	shalt  }
0x80: {  	_ =	shalt  }
0x81: {  	_ =	shalt  }
0x82: {  	_ =	shalt  }
0x83: {  	_ =	shalt  }
0x84: {  	_ =	shalt  }
0x85: {  	_ =	shalt  }
0x86: {  	_ =	shalt  }
0x87: {  	_ =	shalt  }
.Lfunc_end0:
.L_simem_size_0:
called_computation_lowered:
.L_overlay_start_0:
0x88: {  	s2 =	sld [smem:$0x3FD9]  }
0x89: {  	s3 =	sld [smem:$0x3FFE];
	_ =	sdelay $0x1  }
0x8a: {  	s1 =	srdreg.scid  }
0x8b: {  	s0 =	sand.u32 $0x1, s1  }
0x8c: {  	s17 =	sshll.u32 s0, $0xA;
	s2 =	sadd.s32 s3, s2  }
0x8d: {  	s2 =	sadd.s32 s2, s17  }
0x8e: {  	[smem:$0x3FBF] =	sst s2  }
0x8f: {  	_ = 	snop  }
0x90: {  	s2 =	sld [smem:$0x3FC7]  }
0x91: {  	s18 =	sld [smem:$0x3FC6]  }
0x92: {  	s4 =	sld [smem:$0x3FD0];
	(tm) =	ssettm $0x1  }
0x93: {  	s5 =	sld [smem:$0x3FFB];
	_ =	sdelay $0x3  }
0x94: {  	_ =	strace s5  }
0x95: {  	s5 =	sld [smem:$0x3FFC];
	_ =	sdelay $0x3  }
0x96: {  	_ =	strace s5  }
0x97: {  	s5 =	sld [smem:$0x3FFD];
	_ =	sdelay $0x3  }
0x98: {  	_ =	strace s5  }
0x99: {  	_ =	strace $0x8FFFFFFF  }
0x9a: {  	s19 =	sld [smem:$0x3FDB];
	_ =	sdelay $0x1  }
0x9b: {  	s6 =	simm.s32 $_scs_section_size  }
0x9c: {  	s7 =	simm.s32 $_size__tile_overlayer_lowered;
	s8 =	simm.s32 $_tile_overlayer_lowered  }
0x9d: {  	s22 =	simm.s32 $0x1BFF;
	s21 =	sshll.u32 s8, $0x1;
	s5 =	sadd.s32 s6, s19  }
0x9e: {  	s9 =	simm.s32 $0x0;
	s20 =	sshll.u32 s7, $0x1;
	s7 =	sadd.s32 s21, s5  }
0x9f: {  	[timem:s9], [sflag:s22] =	dma.local [hbm:s7], s20  }
0xa0: {  	_ =	swait.ge [sflag:s22], s20  }
0xa1: {  	s6 =	ssub.s32 $0x0, s20;
	[sflag:s22] =	ssyncset.done $0x0  }
0xa2: {  	[sflag:s22] =	ssyncadd.s32 s6;
	_ =	sdelay $0x1  }
0xa3: {  	s23 =	simm.s32 $0x1B8B  }
0xa4: {  	_ =	swait.ge [sflag:s23], $0x1  }
0xa5: {  	[sflag:s23] =	ssyncset.done $0x0  }
0xa6: {  	s25 =	simm.s32 $0x1B8E;
	s24 =	sld [smem:$0x3FFE];
	[sflag:s23] =	ssyncadd.s32 $0xFFFFFFFF  }
0xa7: {  	s26 =	simm.s32 $execute0_lowered;
	[smem:$0x3FD2] =	sst s25  }
0xa8: {  	s7 =	sshll.u32 s26, $0x1;
	_ =	strace $0x80000046;
	[dreg:$0x1] =	wrdreg $0xFFFFFFFF  }
0xa9: {  	s28 =	simm.s32 $_size_execute0_lowered;
	s5 =	sadd.s32 s5, s7;
	[dreg:$0x0] =	wrdreg $0x0  }
0xaa: {  	s7 =	sshll.u32 s28, $0x1;
	[dreg:$0x2] =	wrdreg s5  }
0xab: {  	[dreg:$0x3] =	wrdreg s7  }
0xac: {  	[dreg:$0x4] =	wrdreg $0xC0  }
0xad: {  	_ =	task [dreg:s9], $0x5FFFF  }
0xae: {  	[dreg:$0x1] =	wrdreg $0xFFFFFFFF  }
0xaf: {  	[dreg:$0x0] =	wrdreg $0x60  }
0xb0: {  	[dreg:$0x2] =	wrdreg s4  }
0xb1: {  	[dreg:$0x3] =	wrdreg s24  }
0xb2: {  	[dreg:$0x4] =	wrdreg s18  }
0xb3: {  	[dreg:$0x5] =	wrdreg s2  }
0xb4: {  	[dreg:$0x6] =	wrdreg $0x7C000  }
0xb5: {  	[dreg:$0x7] =	wrdreg $0x9  }
0xb6: {  	_ =	task.clear_ibuf [dreg:s9], $0x8FFFF;
	_ =	strace $0x90000046  }
0xb7: {  	s29 =	simm.s32 $0x9;
	_ =	strace $0x80000048  }
0xb8: {  	_ =	swait.ge [sflag:s29], $0x1  }
0xb9: {  	[sflag:s29] =	ssyncadd.s32 $0xFFFFFFFF  }
0xba: {  	_ =	strace $0x90000048  }
0xbb: {  	_ =	sfence  }
0xbc: {  	s30 =	sld [smem:$0x0];
	_ =	sdelay $0x2  }
0xbd: {  	s31 =	sshll.u32 s1, $0xD;
	s1 =	sshrl.u32 s1, $0x2  }
0xbe: {  	s3 =	sand.u32 $0x4000, s31;
	s1 =	sadd.s32 s1, s30  }
0xbf: {  	s0 =	sor.u32 s3, s0;
	s1 =	sshll.u32 s1, $0x11  }
0xc0: {  	s0 =	sor.u32 s1, s0  }
0xc1: {  	s0 =	sadd.s32 $0x8F2B, s0  }
0xc2: {  	[sflag:s0] =	ssyncadd.remote.s32 $0x1  }
0xc3: {  	_ =	sfence.sel $0xFFFF  }
0xc4: {  	[dreg:$0x0] =	wrdreg $0xFFFFFFFF;
	(pc) =	sbr.abs _section_cstart, $3  }
0xc5: {  	[dreg:$0x1] =	wrdreg $0xFFFFFFFF  }
0xc6: {  	_ =	task.clear_ibuf [dreg:s9], $0x2FFFF;
	_ =	strace $0x9FFFFFFF  }
0xc7: {  	(tm) =	ssettm $0x7FFFFFFF  }
tec
execute0_lowered:
.L_overlay_start_1:
0x0: {  	(tag) =	ssettag $0x1  }
0x1: {  	s1 =	rddreg [dreg:$0x0]  }
0x2: {  	s3 =	rddreg [dreg:$0x1]  }
0x3: {  	s2 =	rddreg [dreg:$0x2]  }
0x4: {  	s0 =	srdreg.scid;
	s4 =	rddreg [dreg:$0x3]  }
0x5: {  	s16 =	stileid.u32;
	s5 =	rddreg [dreg:$0x4];
	s7 =	simm.s32 $0x0  }
0x6: {  	s29 =	simm.s32 $0x5;
	s30 =	simm.s32 $0x50;
	s31 =	simm.s32 $0x400  }
0x7: {  	s28 =	simm.s32 $0x3;
	s9 =	sand.u32 $0x1, s0;
	s22 =	sshll.u32 s16, $0x1  }
0x8: {  	[smem:$0x7FF] =	sst s7;
	s11 =	smul.u32 $0x50000, s16;
	s8 =	sadd.s32 $0x1A00, s3  }
0x9: {  	s14 =	sadd.s32 $0x272A00, s3;
	s23 =	sshll.u32 s16, $0x6;
	s16 =	smul.u32 $0x2800, s16  }
0xa: {  	s0 =	sor.u32 s9, s22;
	_ =	strace $0x80000047;
	s12 =	ssub.s32 $0x2, s9  }
0xb: {  	[dreg:$0x6] =	wrdreg s14;
	s17 =	sadd.s32 $0x1C09, s23;
	p0 =	seq.s32 s9, $0x1  }
0xc: {  	s9 =	simm.s32 $0x29D200;
	s6 =	smul.u32 $0x1388, s0;
	s13 =	sshrl.u32 s12, $0x1  }
0xd: {  	s11 =	sshra.s32 s11, $0x2;
	s9 =	simm.s32 @!p0 $0x275200;
	s0 =	smul.u32 $0x13880, s0  }
0xe: {  	[dreg:$0x8] =	wrdreg s17;
	s12 =	ssub.s32 s12, s13;
	s11 =	sadd.s32 s11, s5  }
0xf: {  	s3 =	sadd.s32 s9, s3;
	s10 =	smulhi.u32 $0x51EB851F, s6;
	[dreg:$0x7] =	wrdreg s11  }
0x10: {  	s13 =	sadd.s32 $0x28, s6;
	s18 =	sadd.s32 $0x50, s6;
	s20 =	sadd.s32 $0x78, s6  }
0x11: {  	s3 =	sadd.s32 s3, s16;
	s22 =	smulhi.u32 $0x51EB851F, s20;
	s10 =	sshrl.u32 s10, $0xB  }
0x12: {  	s0 =	sadd.s32 s8, s0;
	[dreg:$0xf] =	wrdreg s3;
	s10 =	smul.u32 $0x1900, s10  }
0x13: {  	s15 =	smulhi.u32 $0x51EB851F, s13;
	[dreg:$0xd] =	wrdreg s18;
	s3 =	sshrl.u32 s22, $0xB  }
0x14: {  	[dreg:$0xe] =	wrdreg s20;
	s3 =	smul.u32 $0x1900, s3;
	s10 =	sadd.s32 s6, s10  }
0x15: {  	[dreg:$0x1c] =	wrdreg s0;
	s0 =	simm.s32 $0x6;
	s24 =	sadd.s32 $0x1900, s10  }
0x16: {  	s10 =	sshrl.u32 s10, $0x3;
	s3 =	sadd.s32 s20, s3;
	s26 =	sshrl.u32 s24, $0x3  }
0x17: {  	s25 =	sadd.s32 s2, s10;
	s10 =	sadd.s32 s4, s10;
	s14 =	sadd.s32 s2, s26  }
0x18: {  	[dreg:$0xa] =	wrdreg s14;
	s14 =	sshrl.u32 s15, $0xB;
	s15 =	smulhi.u32 $0x51EB851F, s18  }
0x19: {  	s16 =	sadd.s32 $0x1900, s3;
	[dreg:$0xb] =	wrdreg s10;
	s10 =	smul.u32 $0x1900, s14  }
0x1a: {  	s3 =	sshrl.u32 s3, $0x3;
	[dreg:$0x9] =	wrdreg s25;
	s11 =	sadd.s32 s4, s26  }
0x1b: {  	[dreg:$0xc] =	wrdreg s11;
	s21 =	sshrl.u32 s15, $0xB;
	s10 =	sadd.s32 s13, s10  }
0x1c: {  	s9 =	smul.u32 $0x1900, s21;
	s21 =	sshll.u32 s13, $0x4;
	s19 =	sadd.s32 $0x1900, s10  }
0x1d: {  	s10 =	sshrl.u32 s10, $0x3;
	s22 =	sadd.s32 s8, s21;
	s21 =	simm.s32 $0x8  }
0x1e: {  	s23 =	sshrl.u32 s19, $0x3;
	s24 =	sadd.s32 s2, s10;
	[dreg:$0x1d] =	wrdreg s22  }
0x1f: {  	s10 =	sadd.s32 s4, s10;
	s9 =	sadd.s32 s18, s9;
	[dreg:$0x10] =	wrdreg s24  }
0x20: {  	s18 =	sadd.s32 s2, s3;
	s3 =	sadd.s32 s4, s3;
	[dreg:$0x11] =	wrdreg s10  }
0x21: {  	s25 =	sadd.s32 s2, s23;
	s26 =	sadd.s32 s4, s23;
	[dreg:$0x18] =	wrdreg s18  }
0x22: {  	s11 =	sadd.s32 $0x1900, s9;
	s9 =	sshrl.u32 s9, $0x3;
	[dreg:$0x19] =	wrdreg s3  }
0x23: {  	s23 =	smax.u32 s12, $0x1;
	s24 =	sadd.s32 $0xA0, s6;
	[dreg:$0x12] =	wrdreg s25  }
0x24: {  	s18 =	simm.s32 $0x200;
	s3 =	simm.s32 $0x5400;
	[dreg:$0x13] =	wrdreg s26  }
0x25: {  	s12 =	simm.s32 $0x0;
	s10 =	sshrl.u32 s11, $0x3;
	[dreg:$0x1e] =	wrdreg s23  }
0x26: {  	s14 =	sadd.s32 s2, s9;
	s9 =	sadd.s32 s4, s9;
	[dreg:$0x1f] =	wrdreg s24  }
0x27: {  	s25 =	sadd.s32 $0xF0, s6;
	s26 =	sadd.s32 $0x118, s6;
	[dreg:$0x14] =	wrdreg s14  }
0x28: {  	s24 =	simm.s32 $0x380;
	s11 =	simm.s32 $0x6800;
	[dreg:$0x15] =	wrdreg s9  }
0x29: {  	s15 =	sadd.s32 s2, s10;
	s10 =	sadd.s32 s4, s10;
	[smem:$0x7FC] =	sst s25  }
0x2a: {  	s9 =	sshrl.u32 s16, $0x3;
	[smem:$0x7FD] =	sst s26;
	s14 =	simm.s32 $0x9  }
0x2b: {  	s26 =	simm.s32 $0x180;
	s25 =	simm.s32 $0x1;
	[dreg:$0x16] =	wrdreg s15  }
0x2c: {  	[dreg:$0x17] =	wrdreg s10;
	s19 =	sadd.s32 s2, s9;
	s20 =	sadd.s32 s4, s9  }
0x2d: {  	s9 =	simm.s32 $0x2C00;
	s15 =	simm.s32 $0x7;
	[dreg:$0x1a] =	wrdreg s19  }
0x2e: {  	[dreg:$0x1b] =	wrdreg s20;
	s19 =	simm.s32 $0x2;
	s20 =	simm.s32 $0x4  }
.LBB2_1:
0x2f: {  	[smem:$0x7FA] =	sst s12  }
0x30: {  	s10 =	rddreg [dreg:$0x7]  }
0x31: {  	s13 =	rddreg [dreg:$0x6];
	s10 =	sshrl.u32 s10, $0x3  }
0x32: {  	[smem:$0x7FB] =	sst s10  }
0x33: {  	[spmem:s10], [sflag:s17] =	dma.local [hbm:s13], $0x2800  }
0x34: {  	_ =	swait.ge [sflag:s14], $0x2800  }
0x35: {  	[sflag:s14] =	ssyncset.done $0x0  }
0x36: {  	s16 =	rddreg [dreg:$0x9];
	[sflag:s14] =	ssyncadd.s32 $0xFFFFD800  }
0x37: {  	[tilespmem:s7], [sflag:$0x5] =	stream.linear.gather [hbm4b:s16+s7], $0x28, $0x38;
	[tilespmem:$0x1BC00] =	vst v63  }
0x38: {  	s22 =	simm.s32 $0x28;
	s17 =	rddreg [dreg:$0xa]  }
0x39: {  	[tilespmem:s22], [sflag:$0x5] =	stream.linear.gather [hbm4b:s17+s7], $0x28, $0x38;
	[tilespmem:$0x1BC00] =	vst v63  }
0x3a: {  	s23 =	rddreg [dreg:$0xb]  }
0x3b: {  	[tilespmem:s18], [sflag:$0x5] =	stream.linear.gather [hbm4b:s23+s7], $0x28, $0x38;
	[tilespmem:$0x1BC00] =	vst v63  }
0x3c: {  	s13 =	simm.s32 $0x228;
	s12 =	rddreg [dreg:$0xc]  }
0x3d: {  	[tilespmem:s13], [sflag:$0x5] =	stream.linear.gather [hbm4b:s12+s7], $0x28, $0x38;
	[tilespmem:$0x1BC00] =	vst v63  }
0x3e: {  	s16 =	rddreg [dreg:$0x10];
	s12 =	simm.s32 $0x80  }
0x3f: {  	[tilespmem:s12], [sflag:$0x6] =	stream.linear.gather [hbm4b:s16+s7], $0x28, $0x38;
	[tilespmem:$0x1BC00] =	vst v63  }
0x40: {  	s17 =	rddreg [dreg:$0x12];
	s13 =	simm.s32 $0xA8  }
0x41: {  	[tilespmem:s13], [sflag:$0x6] =	stream.linear.gather [hbm4b:s17+s7], $0x28, $0x38;
	[tilespmem:$0x1BC00] =	vst v63  }
0x42: {  	s22 =	rddreg [dreg:$0x11];
	s23 =	simm.s32 $0x280  }
0x43: {  	[tilespmem:s23], [sflag:$0x6] =	stream.linear.gather [hbm4b:s22+s7], $0x28, $0x38;
	[tilespmem:$0x1BC00] =	vst v63  }
0x44: {  	s16 =	rddreg [dreg:$0x13];
	s17 =	simm.s32 $0x2A8  }
0x45: {  	[tilespmem:s17], [sflag:$0x6] =	stream.linear.gather [hbm4b:s16+s7], $0x28, $0x38;
	[tilespmem:$0x1BC00] =	vst v63  }
0x46: {  	s22 =	rddreg [dreg:$0x14];
	s23 =	simm.s32 $0x100  }
0x47: {  	[tilespmem:s23], [sflag:$0x7] =	stream.linear.gather [hbm4b:s22+s7], $0x28, $0x38;
	[tilespmem:$0x1BC00] =	vst v63  }
0x48: {  	s16 =	rddreg [dreg:$0x16];
	s17 =	simm.s32 $0x128  }
0x49: {  	[tilespmem:s17], [sflag:$0x7] =	stream.linear.gather [hbm4b:s16+s7], $0x28, $0x38;
	[tilespmem:$0x1BC00] =	vst v63  }
0x4a: {  	s22 =	rddreg [dreg:$0x15];
	s23 =	simm.s32 $0x300  }
0x4b: {  	[tilespmem:s23], [sflag:$0x7] =	stream.linear.gather [hbm4b:s22+s7], $0x28, $0x38;
	[tilespmem:$0x1BC00] =	vst v63  }
0x4c: {  	s13 =	rddreg [dreg:$0x17];
	s16 =	simm.s32 $0x328  }
0x4d: {  	[tilespmem:s16], [sflag:$0x7] =	stream.linear.gather [hbm4b:s13+s7], $0x28, $0x38;
	[tilespmem:$0x1BC00] =	vst v63  }
0x4e: {  	s17 =	rddreg [dreg:$0x18]  }
0x4f: {  	[tilespmem:s26], [sflag:$0x8] =	stream.linear.gather [hbm4b:s17+s7], $0x28, $0x38;
	[tilespmem:$0x1BC00] =	vst v63  }
0x50: {  	s22 =	rddreg [dreg:$0x1a];
	s23 =	simm.s32 $0x1A8  }
0x51: {  	[tilespmem:s23], [sflag:$0x8] =	stream.linear.gather [hbm4b:s22+s7], $0x28, $0x38;
	[tilespmem:$0x1BC00] =	vst v63  }
0x52: {  	s16 =	rddreg [dreg:$0x19]  }
0x53: {  	[tilespmem:s24], [sflag:$0x8] =	stream.linear.gather [hbm4b:s16+s7], $0x28, $0x38;
	[tilespmem:$0x1BC00] =	vst v63  }
0x54: {  	s17 =	rddreg [dreg:$0x1b];
	s22 =	simm.s32 $0x3A8  }
0x55: {  	[tilespmem:s22], [sflag:$0x8] =	stream.linear.gather [hbm4b:s17+s7], $0x28, $0x38;
	[tilespmem:$0x1BC00] =	vst v63  }
0x56: {  	_ =	swait.ge [sflag:s29], $0x28  }
0x57: {  	[sflag:s29] =	ssyncset.done $0x0  }
0x58: {  	[sflag:s29] =	ssyncadd.s32 $0xFFFFFFD8  }
0x59: {  	_ =	swait.ge [sflag:s29], $0x28  }
0x5a: {  	[sflag:s29] =	ssyncset.done $0x0  }
0x5b: {  	[sflag:s29] =	ssyncadd.s32 $0xFFFFFFD8  }
0x5c: {  	_ =	swait.ge [sflag:s29], $0x28  }
0x5d: {  	[sflag:s29] =	ssyncset.done $0x0  }
0x5e: {  	[sflag:s29] =	ssyncadd.s32 $0xFFFFFFD8  }
0x5f: {  	_ =	swait.ge [sflag:s29], $0x28  }
0x60: {  	[sflag:s29] =	ssyncset.done $0x0  }
0x61: {  	[sflag:s29] =	ssyncadd.s32 $0xFFFFFFD8  }
0x62: {  	[tilespmem:s31], [sflag:$0x1] =	stream.indirect.gather [hbm4b:s1+s30], $0x80, s7, s30, $0xb8;
	[tilespmem:$0x1BC00] =	vst v63  }
0x63: {  	s23 =	rddreg [dreg:$0x1c]  }
0x64: {  	[tilespmem:s3], [sflag:$0x3] =	stream.linear.gather [hbm4b:s23+s7], $0x1400, $0x38;
	[tilespmem:$0x1BC00] =	vst v63  }
0x65: {  	_ =	swait.ge [sflag:s0], $0x28  }
0x66: {  	[sflag:s0] =	ssyncset.done $0x0  }
0x67: {  	[sflag:s0] =	ssyncadd.s32 $0xFFFFFFD8  }
0x68: {  	_ =	swait.ge [sflag:s0], $0x28  }
0x69: {  	[sflag:s0] =	ssyncset.done $0x0  }
0x6a: {  	[sflag:s0] =	ssyncadd.s32 $0xFFFFFFD8  }
0x6b: {  	_ =	swait.ge [sflag:s0], $0x28  }
0x6c: {  	[sflag:s0] =	ssyncset.done $0x0  }
0x6d: {  	[sflag:s0] =	ssyncadd.s32 $0xFFFFFFD8  }
0x6e: {  	_ =	swait.ge [sflag:s0], $0x28  }
0x6f: {  	[sflag:s0] =	ssyncset.done $0x0  }
0x70: {  	[sflag:s0] =	ssyncadd.s32 $0xFFFFFFD8  }
0x71: {  	[tilespmem:s9], [sflag:$0x2] =	stream.indirect.gather [hbm4b:s1+s30], $0x80, s12, s30, $0xb8;
	[tilespmem:$0x1BC00] =	vst v63  }
0x72: {  	s24 =	rddreg [dreg:$0x1d]  }
0x73: {  	[tilespmem:s11], [sflag:$0x4] =	stream.linear.gather [hbm4b:s24+s7], $0x1400, $0x38;
	[tilespmem:$0x1BC00] =	vst v63  }
0x74: {  	s22 =	simm.s32 $0x0;
	[bflag:$0x0] =	sbarrier.arrive $0xFFFF  }
.LBB2_2:
0x75: {  	_ =	swait.ge [sflag:s25], $0x2800  }
0x76: {  	[sflag:s25] =	ssyncset.done $0x0  }
0x77: {  	[sflag:s25] =	ssyncadd.s32 $0xFFFFD800  }
0x78: {  	_ =	swait.ge [sflag:s28], $0x1400  }
0x79: {  	[sflag:s28] =	ssyncset.done $0x0  }
0x7a: {  	s13 =	simm.s32 $0x0;
	[sflag:s28] =	ssyncadd.s32 $0xFFFFEC00  }
0x7b: {  	v3 =	vld [tilespmem:s13+$0x5400]  }
0x7c: {  	v4 =	vld [tilespmem:s13+$0x5410]  }
0x7d: {  	v5 =	vld [tilespmem:s13+$0x5420]  }
0x7e: {  	v7 =	vld [tilespmem:s13+$0x5430]  }
0x7f: {  	v8 =	vld [tilespmem:s13+$0x5440]  }
0x80: {  	v2 =	vld [tilespmem:s13+$0x5450]  }
0x81: {  	v6 =	vld [tilespmem:s13+$0x400]  }
0x82: {  	v9 =	vld [tilespmem:s13+$0x410]  }
0x83: {  	v1 =	vld [tilespmem:s13+$0x5460]  }
0x84: {  	v10 =	vld [tilespmem:s13+$0x420]  }
0x85: {  	v11 =	vld [tilespmem:s13+$0x430];
	v12 =	vshll.u32 v3, $0x10  }
0x86: {  	v13 =	vld [tilespmem:s13+$0x440];
	v3 =	vand.u32 $0xFFFF0000, v3;
	v6 =	vmul.f32 v12, v6  }
0x87: {  	v0 =	vld [tilespmem:s13+$0x5470];
	v3 =	vmul.f32 v3, v9  }
0x88: {  	v63 =	vld [tilespmem:s13+$0x450];
	[tilespmem:s13+$0x400] =	vst v6;
	v6 =	vshll.u32 v4, $0x10  }
0x89: {  	v14 =	vld [tilespmem:s13+$0x460];
	[tilespmem:s13+$0x410] =	vst v3;
	v3 =	vand.u32 $0xFFFF0000, v4;
	v6 =	vmul.f32 v6, v10  }
0x8a: {  	v9 =	vld [tilespmem:s13+$0x470];
	v4 =	vshll.u32 v5, $0x10;
	v3 =	vmul.f32 v3, v11  }
0x8b: {  	v15 =	vld [tilespmem:s13+$0x1800];
	v10 =	vmul.f32 v4, v13;
	[tilespmem:s13+$0x420] =	vst v6  }
0x8c: {  	v6 =	vld [tilespmem:s13+$0x1810];
	[tilespmem:s13+$0x430] =	vst v3;
	v3 =	vand.u32 $0xFFFF0000, v5  }
0x8d: {  	v4 =	vld [tilespmem:s13+$0x1820];
	[tilespmem:s13+$0x440] =	vst v10;
	v10 =	vshll.u32 v7, $0x10;
	v3 =	vmul.f32 v3, v63  }
0x8e: {  	v5 =	vld [tilespmem:s13+$0x1830];
	v7 =	vand.u32 $0xFFFF0000, v7;
	v10 =	vmul.f32 v10, v14  }
0x8f: {  	v11 =	vshll.u32 v8, $0x10;
	v9 =	vmul.f32 v7, v9;
	[tilespmem:s13+$0x450] =	vst v3;
	v3 =	vld [tilespmem:s13+$0x1840]  }
0x90: {  	s16 =	simm.s32 $0x200;
	v7 =	vld [tilespmem:s13+$0x1850];
	[tilespmem:s13+$0x460] =	vst v10;
	v10 =	vand.u32 $0xFFFF0000, v8;
	v8 =	vmul.f32 v11, v15  }
.LBB2_3:
0x91: {  	p0 =	sne.s32 s16, $0x4E00;
	[tilespmem:s13+$0x470] =	vst v9;
	v6 =	vmul.f32 v10, v6;
	v9 =	vshll.u32 v2, $0x10;
	v10 =	vld [tilespmem:s13+$0x1860]  }
0x92: {  	s10 =	sshra.s32 s16, $0x2;
	v2 =	vand.u32 $0xFFFF0000, v2;
	[tilespmem:s13+$0x1800] =	vst v8;
	v4 =	vmul.f32 v9, v4;
	v8 =	vld [tilespmem:s13+$0x1870]  }
0x93: {  	v9 =	vld [tilespmem:s10+$0x5400];
	[tilespmem:s13+$0x1810] =	vst v6;
	v2 =	vmul.f32 v2, v5;
	v5 =	vshll.u32 v1, $0x10  }
0x94: {  	v1 =	vand.u32 $0xFFFF0000, v1;
	v6 =	vld [tilespmem:s10+$0x5410];
	[tilespmem:s13+$0x1820] =	vst v4;
	v3 =	vmul.f32 v5, v3  }
0x95: {  	v4 =	vld [tilespmem:s10+$0x5420];
	[tilespmem:s13+$0x1830] =	vst v2;
	v1 =	vmul.f32 v1, v7;
	v2 =	vshll.u32 v0, $0x10  }
0x96: {  	v0 =	vand.u32 $0xFFFF0000, v0;
	v5 =	vld [tilespmem:s10+$0x5430];
	[tilespmem:s13+$0x1840] =	vst v3;
	v3 =	vmul.f32 v2, v10  }
0x97: {  	v7 =	vld [tilespmem:s10+$0x5440];
	[tilespmem:s13+$0x1850] =	vst v1;
	v0 =	vmul.f32 v0, v8  }
0x98: {  	v2 =	vld [tilespmem:s10+$0x5450];
	[tilespmem:s13+$0x1860] =	vst v3  }
0x99: {  	v1 =	vld [tilespmem:s10+$0x5460];
	[tilespmem:s13+$0x1870] =	vst v0;
	s13 =	smov.u32 s10  }
0x9a: {  	v0 =	vld [tilespmem:s13+$0x5470]  }
0x9b: {  	v3 =	vld [tilespmem:s13+$0x400]  }
0x9c: {  	v8 =	vld [tilespmem:s13+$0x410]  }
0x9d: {  	v10 =	vld [tilespmem:s13+$0x420]  }
0x9e: {  	v11 =	vld [tilespmem:s13+$0x430]  }
0x9f: {  	v12 =	vshll.u32 v9, $0x10;
	v13 =	vld [tilespmem:s13+$0x440]  }
0xa0: {  	v9 =	vand.u32 $0xFFFF0000, v9;
	v3 =	vmul.f32 v12, v3;
	v12 =	vld [tilespmem:s13+$0x450]  }
0xa1: {  	v8 =	vmul.f32 v9, v8;
	v9 =	vshll.u32 v6, $0x10;
	v14 =	vld [tilespmem:s13+$0x460]  }
0xa2: {  	[tilespmem:s13+$0x400] =	vst v3;
	v3 =	vand.u32 $0xFFFF0000, v6;
	v6 =	vmul.f32 v9, v10;
	v9 =	vld [tilespmem:s13+$0x470]  }
0xa3: {  	[tilespmem:s13+$0x410] =	vst v8;
	v3 =	vmul.f32 v3, v11;
	v8 =	vshll.u32 v4, $0x10;
	v11 =	vld [tilespmem:s13+$0x1800]  }
.Ltmp0:
0xa4: {  	v4 =	vand.u32 $0xFFFF0000, v4;
	[tilespmem:s13+$0x420] =	vst v6;
	v8 =	vmul.f32 v8, v13;
	v6 =	vld [tilespmem:s13+$0x1810];
	(pc) =	sbr.rel @p0 .LBB2_3-.Ltmp0, $4  }
0xa5: {  	v10 =	vshll.u32 v5, $0x10;
	[tilespmem:s13+$0x430] =	vst v3;
	v3 =	vmul.f32 v4, v12;
	v4 =	vld [tilespmem:s13+$0x1820]  }
0xa6: {  	[tilespmem:s13+$0x440] =	vst v8;
	v8 =	vand.u32 $0xFFFF0000, v5;
	v10 =	vmul.f32 v10, v14;
	v5 =	vld [tilespmem:s13+$0x1830]  }
0xa7: {  	[tilespmem:s13+$0x450] =	vst v3;
	v9 =	vmul.f32 v8, v9;
	v8 =	vshll.u32 v7, $0x10;
	v3 =	vld [tilespmem:s13+$0x1840]  }
0xa8: {  	s16 =	sadd.s32 $0x200, s16;
	[tilespmem:s13+$0x460] =	vst v10;
	v10 =	vand.u32 $0xFFFF0000, v7;
	v8 =	vmul.f32 v8, v11;
	v7 =	vld [tilespmem:s13+$0x1850]  }
0xa9: {  	[tilespmem:s13+$0x470] =	vst v9;
	v9 =	vld [tilespmem:s13+$0x1860];
	v6 =	vmul.f32 v10, v6;
	v10 =	vshll.u32 v2, $0x10  }
0xaa: {  	v2 =	vand.u32 $0xFFFF0000, v2;
	[tilespmem:s13+$0x1800] =	vst v8;
	v4 =	vmul.f32 v10, v4;
	v8 =	vld [tilespmem:s13+$0x1870]  }
0xab: {  	[tilespmem:s13+$0x1810] =	vst v6;
	v2 =	vmul.f32 v2, v5;
	v5 =	vshll.u32 v1, $0x10  }
0xac: {  	v1 =	vand.u32 $0xFFFF0000, v1;
	[tilespmem:s13+$0x1820] =	vst v4;
	v3 =	vmul.f32 v5, v3  }
0xad: {  	[tilespmem:s13+$0x1830] =	vst v2;
	v1 =	vmul.f32 v1, v7;
	v2 =	vshll.u32 v0, $0x10  }
0xae: {  	v0 =	vand.u32 $0xFFFF0000, v0;
	[tilespmem:s13+$0x1840] =	vst v3;
	v2 =	vmul.f32 v2, v9  }
0xaf: {  	[tilespmem:s13+$0x1850] =	vst v1;
	v0 =	vmul.f32 v0, v8  }
0xb0: {  	[tilespmem:s13+$0x1860] =	vst v2  }
0xb1: {  	[tilespmem:s13+$0x1870] =	vst v0  }
0xb2: {  	[spmem:s5] =	stream.indirect.scatter.add.f32 [tilespmem:s31], [sflag:$0x9], $0x80, s18, s30, $0xb8;
	[tilespmem:$0x1BC00] =	vst v63  }
0xb3: {  	_ =	swait.ge [sflag:s14], $0x2800  }
0xb4: {  	[sflag:s14] =	ssyncset.done $0x0  }
0xb5: {  	[sflag:s14] =	ssyncadd.s32 $0xFFFFD800  }
0xb6: {  	_ =	swait.ge [sflag:s15], $0x28  }
0xb7: {  	[sflag:s15] =	ssyncset.done $0x0  }
0xb8: {  	[sflag:s15] =	ssyncadd.s32 $0xFFFFFFD8  }
0xb9: {  	_ =	swait.ge [sflag:s15], $0x28  }
0xba: {  	[sflag:s15] =	ssyncset.done $0x0  }
0xbb: {  	[sflag:s15] =	ssyncadd.s32 $0xFFFFFFD8  }
0xbc: {  	_ =	swait.ge [sflag:s15], $0x28  }
0xbd: {  	[sflag:s15] =	ssyncset.done $0x0  }
0xbe: {  	[sflag:s15] =	ssyncadd.s32 $0xFFFFFFD8  }
0xbf: {  	s23 =	smul.u32 $0xA0, s22;
	_ =	swait.ge [sflag:s15], $0x28  }
0xc0: {  	[sflag:s15] =	ssyncset.done $0x0;
	s17 =	rddreg [dreg:$0x1f]  }
0xc1: {  	s10 =	simm.s32 $0x100;
	[sflag:s15] =	ssyncadd.s32 $0xFFFFFFD8;
	s13 =	sadd.s32 s23, s17  }
0xc2: {  	[tilespmem:s31], [sflag:$0x1] =	stream.indirect.gather [hbm4b:s1+s30], $0x80, s10, s30, $0xb8;
	[tilespmem:$0x1BC00] =	vst v63  }
0xc3: {  	s12 =	rddreg [dreg:$0xd];
	s10 =	smulhi.u32 $0x51EB851F, s13  }
0xc4: {  	s16 =	sadd.s32 s12, s23  }
0xc5: {  	s16 =	sshll.u32 s16, $0x4;
	s10 =	sshrl.u32 s10, $0xB  }
0xc6: {  	s17 =	simm.s32 $0x0;
	s16 =	sadd.s32 s8, s16;
	s10 =	smul.u32 $0x1900, s10  }
0xc7: {  	[tilespmem:s3], [sflag:$0x3] =	stream.linear.gather [hbm4b:s16+s17], $0x1400, $0x38;
	[tilespmem:$0x1BC00] =	vst v63  }
0xc8: {  	s10 =	sadd.s32 s13, s10  }
0xc9: {  	s16 =	sshrl.u32 s10, $0x3;
	s10 =	sadd.s32 $0x1900, s10  }
0xca: {  	s24 =	sadd.s32 s2, s16;
	s10 =	sshrl.u32 s10, $0x3  }
0xcb: {  	[tilespmem:s17], [sflag:$0x5] =	stream.linear.gather [hbm4b:s24+s17], $0x28, $0x38;
	[tilespmem:$0x1BC00] =	vst v63  }
0xcc: {  	s12 =	sadd.s32 s2, s10;
	s24 =	simm.s32 $0x28  }
0xcd: {  	[tilespmem:s24], [sflag:$0x5] =	stream.linear.gather [hbm4b:s12+s17], $0x28, $0x38;
	[tilespmem:$0x1BC00] =	vst v63  }
0xce: {  	s16 =	sadd.s32 s4, s16  }
0xcf: {  	[tilespmem:s18], [sflag:$0x5] =	stream.linear.gather [hbm4b:s16+s17], $0x28, $0x38;
	[tilespmem:$0x1BC00] =	vst v63  }
0xd0: {  	s10 =	sadd.s32 s4, s10;
	s24 =	simm.s32 $0x228  }
0xd1: {  	[tilespmem:s24], [sflag:$0x5] =	stream.linear.gather [hbm4b:s10+s17], $0x28, $0x38;
	[tilespmem:$0x1BC00] =	vst v63  }
0xd2: {  	_ =	swait.ge [sflag:s19], $0x2800  }
0xd3: {  	[sflag:s19] =	ssyncset.done $0x0  }
0xd4: {  	[sflag:s19] =	ssyncadd.s32 $0xFFFFD800  }
0xd5: {  	_ =	swait.ge [sflag:s20], $0x1400  }
0xd6: {  	[sflag:s20] =	ssyncset.done $0x0  }
0xd7: {  	s16 =	simm.s32 $0x0;
	[sflag:s20] =	ssyncadd.s32 $0xFFFFEC00  }
0xd8: {  	v3 =	vld [tilespmem:s16+$0x6800]  }
0xd9: {  	v4 =	vld [tilespmem:s16+$0x6810]  }
0xda: {  	v5 =	vld [tilespmem:s16+$0x6820]  }
0xdb: {  	v7 =	vld [tilespmem:s16+$0x6830]  }
0xdc: {  	v8 =	vld [tilespmem:s16+$0x6840]  }
0xdd: {  	v2 =	vld [tilespmem:s16+$0x6850]  }
0xde: {  	v6 =	vld [tilespmem:s16+$0x2C00]  }
0xdf: {  	v9 =	vld [tilespmem:s16+$0x2C10]  }
0xe0: {  	v1 =	vld [tilespmem:s16+$0x6860]  }
0xe1: {  	v10 =	vld [tilespmem:s16+$0x2C20]  }
0xe2: {  	v11 =	vld [tilespmem:s16+$0x2C30];
	v12 =	vshll.u32 v3, $0x10  }
0xe3: {  	v13 =	vld [tilespmem:s16+$0x2C40];
	v3 =	vand.u32 $0xFFFF0000, v3;
	v6 =	vmul.f32 v12, v6  }
0xe4: {  	v0 =	vld [tilespmem:s16+$0x6870];
	v3 =	vmul.f32 v3, v9  }
0xe5: {  	v63 =	vld [tilespmem:s16+$0x2C50];
	[tilespmem:s16+$0x2C00] =	vst v6;
	v6 =	vshll.u32 v4, $0x10  }
0xe6: {  	v14 =	vld [tilespmem:s16+$0x2C60];
	[tilespmem:s16+$0x2C10] =	vst v3;
	v3 =	vand.u32 $0xFFFF0000, v4;
	v6 =	vmul.f32 v6, v10  }
0xe7: {  	v9 =	vld [tilespmem:s16+$0x2C70];
	v4 =	vshll.u32 v5, $0x10;
	v3 =	vmul.f32 v3, v11  }
0xe8: {  	v15 =	vld [tilespmem:s16+$0x4000];
	v10 =	vmul.f32 v4, v13;
	[tilespmem:s16+$0x2C20] =	vst v6  }
0xe9: {  	v6 =	vld [tilespmem:s16+$0x4010];
	[tilespmem:s16+$0x2C30] =	vst v3;
	v3 =	vand.u32 $0xFFFF0000, v5  }
0xea: {  	v4 =	vld [tilespmem:s16+$0x4020];
	[tilespmem:s16+$0x2C40] =	vst v10;
	v10 =	vshll.u32 v7, $0x10;
	v3 =	vmul.f32 v3, v63  }
0xeb: {  	v5 =	vld [tilespmem:s16+$0x4030];
	v7 =	vand.u32 $0xFFFF0000, v7;
	v10 =	vmul.f32 v10, v14  }
0xec: {  	v11 =	vshll.u32 v8, $0x10;
	v9 =	vmul.f32 v7, v9;
	[tilespmem:s16+$0x2C50] =	vst v3;
	v3 =	vld [tilespmem:s16+$0x4040]  }
0xed: {  	s17 =	simm.s32 $0x200;
	v7 =	vld [tilespmem:s16+$0x4050];
	[tilespmem:s16+$0x2C60] =	vst v10;
	v10 =	vand.u32 $0xFFFF0000, v8;
	v8 =	vmul.f32 v11, v15  }
.LBB2_5:
0xee: {  	p0 =	sne.s32 s17, $0x4E00;
	[tilespmem:s16+$0x2C70] =	vst v9;
	v6 =	vmul.f32 v10, v6;
	v9 =	vshll.u32 v2, $0x10;
	v10 =	vld [tilespmem:s16+$0x4060]  }
0xef: {  	s10 =	sshra.s32 s17, $0x2;
	v2 =	vand.u32 $0xFFFF0000, v2;
	[tilespmem:s16+$0x4000] =	vst v8;
	v4 =	vmul.f32 v9, v4;
	v8 =	vld [tilespmem:s16+$0x4070]  }
0xf0: {  	v9 =	vld [tilespmem:s10+$0x6800];
	[tilespmem:s16+$0x4010] =	vst v6;
	v2 =	vmul.f32 v2, v5;
	v5 =	vshll.u32 v1, $0x10  }
0xf1: {  	v1 =	vand.u32 $0xFFFF0000, v1;
	v6 =	vld [tilespmem:s10+$0x6810];
	[tilespmem:s16+$0x4020] =	vst v4;
	v3 =	vmul.f32 v5, v3  }
0xf2: {  	v4 =	vld [tilespmem:s10+$0x6820];
	[tilespmem:s16+$0x4030] =	vst v2;
	v1 =	vmul.f32 v1, v7;
	v2 =	vshll.u32 v0, $0x10  }
0xf3: {  	v0 =	vand.u32 $0xFFFF0000, v0;
	v5 =	vld [tilespmem:s10+$0x6830];
	[tilespmem:s16+$0x4040] =	vst v3;
	v3 =	vmul.f32 v2, v10  }
0xf4: {  	v7 =	vld [tilespmem:s10+$0x6840];
	[tilespmem:s16+$0x4050] =	vst v1;
	v0 =	vmul.f32 v0, v8  }
0xf5: {  	v2 =	vld [tilespmem:s10+$0x6850];
	[tilespmem:s16+$0x4060] =	vst v3  }
0xf6: {  	v1 =	vld [tilespmem:s10+$0x6860];
	[tilespmem:s16+$0x4070] =	vst v0;
	s16 =	smov.u32 s10  }
0xf7: {  	v0 =	vld [tilespmem:s16+$0x6870]  }
0xf8: {  	v3 =	vld [tilespmem:s16+$0x2C00]  }
0xf9: {  	v8 =	vld [tilespmem:s16+$0x2C10]  }
0xfa: {  	v10 =	vld [tilespmem:s16+$0x2C20]  }
0xfb: {  	v11 =	vld [tilespmem:s16+$0x2C30]  }
0xfc: {  	v12 =	vshll.u32 v9, $0x10;
	v13 =	vld [tilespmem:s16+$0x2C40]  }
0xfd: {  	v9 =	vand.u32 $0xFFFF0000, v9;
	v3 =	vmul.f32 v12, v3;
	v12 =	vld [tilespmem:s16+$0x2C50]  }
0xfe: {  	v8 =	vmul.f32 v9, v8;
	v9 =	vshll.u32 v6, $0x10;
	v14 =	vld [tilespmem:s16+$0x2C60]  }
0xff: {  	[tilespmem:s16+$0x2C00] =	vst v3;
	v3 =	vand.u32 $0xFFFF0000, v6;
	v6 =	vmul.f32 v9, v10;
	v9 =	vld [tilespmem:s16+$0x2C70]  }
0x100: {  	[tilespmem:s16+$0x2C10] =	vst v8;
	v3 =	vmul.f32 v3, v11;
	v8 =	vshll.u32 v4, $0x10;
	v11 =	vld [tilespmem:s16+$0x4000]  }
.Ltmp1:
0x101: {  	v4 =	vand.u32 $0xFFFF0000, v4;
	[tilespmem:s16+$0x2C20] =	vst v6;
	v8 =	vmul.f32 v8, v13;
	v6 =	vld [tilespmem:s16+$0x4010];
	(pc) =	sbr.rel @p0 .LBB2_5-.Ltmp1, $4  }
0x102: {  	v10 =	vshll.u32 v5, $0x10;
	[tilespmem:s16+$0x2C30] =	vst v3;
	v3 =	vmul.f32 v4, v12;
	v4 =	vld [tilespmem:s16+$0x4020]  }
0x103: {  	[tilespmem:s16+$0x2C40] =	vst v8;
	v8 =	vand.u32 $0xFFFF0000, v5;
	v10 =	vmul.f32 v10, v14;
	v5 =	vld [tilespmem:s16+$0x4030]  }
0x104: {  	[tilespmem:s16+$0x2C50] =	vst v3;
	v9 =	vmul.f32 v8, v9;
	v8 =	vshll.u32 v7, $0x10;
	v3 =	vld [tilespmem:s16+$0x4040]  }
0x105: {  	s17 =	sadd.s32 $0x200, s17;
	[tilespmem:s16+$0x2C60] =	vst v10;
	v10 =	vand.u32 $0xFFFF0000, v7;
	v8 =	vmul.f32 v8, v11;
	v7 =	vld [tilespmem:s16+$0x4050]  }
0x106: {  	[tilespmem:s16+$0x2C70] =	vst v9;
	v9 =	vld [tilespmem:s16+$0x4060];
	v6 =	vmul.f32 v10, v6;
	v10 =	vshll.u32 v2, $0x10  }
0x107: {  	v2 =	vand.u32 $0xFFFF0000, v2;
	[tilespmem:s16+$0x4000] =	vst v8;
	v4 =	vmul.f32 v10, v4;
	v8 =	vld [tilespmem:s16+$0x4070]  }
0x108: {  	[tilespmem:s16+$0x4010] =	vst v6;
	v2 =	vmul.f32 v2, v5;
	v5 =	vshll.u32 v1, $0x10  }
0x109: {  	v1 =	vand.u32 $0xFFFF0000, v1;
	[tilespmem:s16+$0x4020] =	vst v4;
	v3 =	vmul.f32 v5, v3  }
0x10a: {  	[tilespmem:s16+$0x4030] =	vst v2;
	v1 =	vmul.f32 v1, v7;
	v2 =	vshll.u32 v0, $0x10  }
0x10b: {  	v0 =	vand.u32 $0xFFFF0000, v0;
	[tilespmem:s16+$0x4040] =	vst v3;
	v2 =	vmul.f32 v2, v9  }
0x10c: {  	[tilespmem:s16+$0x4050] =	vst v1;
	v0 =	vmul.f32 v0, v8  }
0x10d: {  	[tilespmem:s16+$0x4060] =	vst v2  }
0x10e: {  	s10 =	simm.s32 $0x280;
	[tilespmem:s16+$0x4070] =	vst v0  }
0x10f: {  	[spmem:s5] =	stream.indirect.scatter.add.f32 [tilespmem:s9], [sflag:$0x9], $0x80, s10, s30, $0xb8;
	[tilespmem:$0x1BC00] =	vst v63  }
0x110: {  	_ =	swait.ge [sflag:s14], $0x2800  }
0x111: {  	[sflag:s14] =	ssyncset.done $0x0  }
0x112: {  	[sflag:s14] =	ssyncadd.s32 $0xFFFFD800  }
0x113: {  	_ =	swait.ge [sflag:s21], $0x28  }
0x114: {  	[sflag:s21] =	ssyncset.done $0x0  }
0x115: {  	[sflag:s21] =	ssyncadd.s32 $0xFFFFFFD8  }
0x116: {  	s24 =	sshll.u32 s22, $0x2;
	_ =	swait.ge [sflag:s21], $0x28  }
0x117: {  	p0 =	seq.s32 s22, $0x1E;
	s16 =	sadd.s32 $0x5, s24;
	[sflag:s21] =	ssyncset.done $0x0  }
0x118: {  	s10 =	smul.u32 @!p0 $0x28, s16;
	[sflag:s21] =	ssyncadd.s32 $0xFFFFFFD8  }
0x119: {  	_ =	swait.ge [sflag:s21], $0x28  }
0x11a: {  	s10 =	sadd.s32 @!p0 s6, s10;
	[sflag:s21] =	ssyncset.done $0x0  }
0x11b: {  	s12 =	smulhi.u32 @!p0 $0x51EB851F, s10;
	[sflag:s21] =	ssyncadd.s32 $0xFFFFFFD8  }
0x11c: {  	_ =	swait.ge [sflag:s21], $0x28  }
0x11d: {  	s12 =	sshrl.u32 @!p0 s12, $0xB;
	[sflag:s21] =	ssyncset.done $0x0;
	s17 =	rddreg [dreg:$0xe]  }
0x11e: {  	s12 =	smul.u32 @!p0 $0x1900, s12;
	[sflag:s21] =	ssyncadd.s32 $0xFFFFFFD8;
	s17 =	sadd.s32 s17, s23  }
0x11f: {  	[tilespmem:s9], [sflag:$0x2] =	stream.indirect.gather [hbm4b:s1+s30], $0x80, s26, s30, $0xb8;
	[tilespmem:$0x1BC00] =	vst v63  }
0x120: {  	s24 =	simm.s32 @!p0 $0x0;
	s10 =	sadd.s32 @!p0 s10, s12;
	s17 =	sshll.u32 s17, $0x4  }
0x121: {  	s12 =	sadd.s32 @!p0 $0x1900, s10;
	s10 =	sshrl.u32 @!p0 s10, $0x3;
	s17 =	sadd.s32 s8, s17  }
0x122: {  	[tilespmem:s11], [sflag:$0x4] =	stream.linear.gather [hbm4b:s17+s7], $0x1400, $0x38;
	[tilespmem:$0x1BC00] =	vst v63  }
0x123: {  	s12 =	sshrl.u32 @!p0 s12, $0x3;
	s26 =	simm.s32 @!p0 $0x80;
	s17 =	sadd.s32 @!p0 s2, s10  }
0x124: {  	[tilespmem:s26], [sflag:$0x6] =	stream.linear.gather @!p0 [hbm4b:s17+s24], $0x28, $0x38;
	[tilespmem:$0x1BC00] =	vst v63  }
0x125: {  	s17 =	sadd.s32 @!p0 s2, s12;
	s26 =	simm.s32 @!p0 $0xA8  }
0x126: {  	[tilespmem:s26], [sflag:$0x6] =	stream.linear.gather @!p0 [hbm4b:s17+s24], $0x28, $0x38;
	[tilespmem:$0x1BC00] =	vst v63  }
0x127: {  	s10 =	sadd.s32 @!p0 s4, s10;
	s17 =	simm.s32 @!p0 $0x280  }
0x128: {  	[tilespmem:s17], [sflag:$0x6] =	stream.linear.gather @!p0 [hbm4b:s10+s24], $0x28, $0x38;
	[tilespmem:$0x1BC00] =	vst v63  }
0x129: {  	s10 =	sadd.s32 @!p0 s4, s12;
	s12 =	simm.s32 @!p0 $0x2A8  }
0x12a: {  	[tilespmem:s12], [sflag:$0x6] =	stream.linear.gather @!p0 [hbm4b:s10+s24], $0x28, $0x38;
	[tilespmem:$0x1BC00] =	vst v63  }
0x12b: {  	_ =	swait.ge [sflag:s25], $0x2800  }
0x12c: {  	[sflag:s25] =	ssyncset.done $0x0  }
0x12d: {  	[sflag:s25] =	ssyncadd.s32 $0xFFFFD800  }
0x12e: {  	_ =	swait.ge [sflag:s28], $0x1400  }
0x12f: {  	[sflag:s28] =	ssyncset.done $0x0  }
0x130: {  	s17 =	simm.s32 $0x0;
	[sflag:s28] =	ssyncadd.s32 $0xFFFFEC00  }
0x131: {  	v3 =	vld [tilespmem:s17+$0x5400]  }
0x132: {  	v4 =	vld [tilespmem:s17+$0x5410]  }
0x133: {  	v5 =	vld [tilespmem:s17+$0x5420]  }
0x134: {  	v7 =	vld [tilespmem:s17+$0x5430]  }
0x135: {  	v8 =	vld [tilespmem:s17+$0x5440]  }
0x136: {  	v2 =	vld [tilespmem:s17+$0x5450]  }
0x137: {  	v6 =	vld [tilespmem:s17+$0x400]  }
0x138: {  	v9 =	vld [tilespmem:s17+$0x410]  }
0x139: {  	v1 =	vld [tilespmem:s17+$0x5460]  }
0x13a: {  	v10 =	vld [tilespmem:s17+$0x420]  }
0x13b: {  	v11 =	vld [tilespmem:s17+$0x430];
	v12 =	vshll.u32 v3, $0x10  }
0x13c: {  	v13 =	vld [tilespmem:s17+$0x440];
	v3 =	vand.u32 $0xFFFF0000, v3;
	v6 =	vmul.f32 v12, v6  }
0x13d: {  	v0 =	vld [tilespmem:s17+$0x5470];
	v3 =	vmul.f32 v3, v9  }
0x13e: {  	v63 =	vld [tilespmem:s17+$0x450];
	[tilespmem:s17+$0x400] =	vst v6;
	v6 =	vshll.u32 v4, $0x10  }
0x13f: {  	v14 =	vld [tilespmem:s17+$0x460];
	[tilespmem:s17+$0x410] =	vst v3;
	v3 =	vand.u32 $0xFFFF0000, v4;
	v6 =	vmul.f32 v6, v10  }
0x140: {  	v9 =	vld [tilespmem:s17+$0x470];
	v4 =	vshll.u32 v5, $0x10;
	v3 =	vmul.f32 v3, v11  }
0x141: {  	v15 =	vld [tilespmem:s17+$0x1800];
	v10 =	vmul.f32 v4, v13;
	[tilespmem:s17+$0x420] =	vst v6  }
0x142: {  	v6 =	vld [tilespmem:s17+$0x1810];
	[tilespmem:s17+$0x430] =	vst v3;
	v3 =	vand.u32 $0xFFFF0000, v5  }
0x143: {  	v4 =	vld [tilespmem:s17+$0x1820];
	[tilespmem:s17+$0x440] =	vst v10;
	v10 =	vshll.u32 v7, $0x10;
	v3 =	vmul.f32 v3, v63  }
0x144: {  	v5 =	vld [tilespmem:s17+$0x1830];
	v7 =	vand.u32 $0xFFFF0000, v7;
	v10 =	vmul.f32 v10, v14  }
0x145: {  	v11 =	vshll.u32 v8, $0x10;
	v9 =	vmul.f32 v7, v9;
	[tilespmem:s17+$0x450] =	vst v3;
	v3 =	vld [tilespmem:s17+$0x1840]  }
0x146: {  	s10 =	simm.s32 $0x200;
	v7 =	vld [tilespmem:s17+$0x1850];
	[tilespmem:s17+$0x460] =	vst v10;
	v10 =	vand.u32 $0xFFFF0000, v8;
	v8 =	vmul.f32 v11, v15  }
.LBB2_7:
0x147: {  	p1 =	sne.s32 s10, $0x4E00;
	[tilespmem:s17+$0x470] =	vst v9;
	v6 =	vmul.f32 v10, v6;
	v9 =	vshll.u32 v2, $0x10;
	v10 =	vld [tilespmem:s17+$0x1860]  }
0x148: {  	s12 =	sshra.s32 s10, $0x2;
	v2 =	vand.u32 $0xFFFF0000, v2;
	[tilespmem:s17+$0x1800] =	vst v8;
	v4 =	vmul.f32 v9, v4;
	v8 =	vld [tilespmem:s17+$0x1870]  }
0x149: {  	v9 =	vld [tilespmem:s12+$0x5400];
	[tilespmem:s17+$0x1810] =	vst v6;
	v2 =	vmul.f32 v2, v5;
	v5 =	vshll.u32 v1, $0x10  }
0x14a: {  	v1 =	vand.u32 $0xFFFF0000, v1;
	v6 =	vld [tilespmem:s12+$0x5410];
	[tilespmem:s17+$0x1820] =	vst v4;
	v3 =	vmul.f32 v5, v3  }
0x14b: {  	v4 =	vld [tilespmem:s12+$0x5420];
	[tilespmem:s17+$0x1830] =	vst v2;
	v1 =	vmul.f32 v1, v7;
	v2 =	vshll.u32 v0, $0x10  }
0x14c: {  	v0 =	vand.u32 $0xFFFF0000, v0;
	v5 =	vld [tilespmem:s12+$0x5430];
	[tilespmem:s17+$0x1840] =	vst v3;
	v3 =	vmul.f32 v2, v10  }
0x14d: {  	v7 =	vld [tilespmem:s12+$0x5440];
	[tilespmem:s17+$0x1850] =	vst v1;
	v0 =	vmul.f32 v0, v8  }
0x14e: {  	v2 =	vld [tilespmem:s12+$0x5450];
	[tilespmem:s17+$0x1860] =	vst v3  }
0x14f: {  	v1 =	vld [tilespmem:s12+$0x5460];
	[tilespmem:s17+$0x1870] =	vst v0;
	s17 =	smov.u32 s12  }
0x150: {  	v0 =	vld [tilespmem:s17+$0x5470]  }
0x151: {  	v3 =	vld [tilespmem:s17+$0x400]  }
0x152: {  	v8 =	vld [tilespmem:s17+$0x410]  }
0x153: {  	v10 =	vld [tilespmem:s17+$0x420]  }
0x154: {  	v11 =	vld [tilespmem:s17+$0x430]  }
0x155: {  	v12 =	vshll.u32 v9, $0x10;
	v13 =	vld [tilespmem:s17+$0x440]  }
0x156: {  	v9 =	vand.u32 $0xFFFF0000, v9;
	v3 =	vmul.f32 v12, v3;
	v12 =	vld [tilespmem:s17+$0x450]  }
0x157: {  	v8 =	vmul.f32 v9, v8;
	v9 =	vshll.u32 v6, $0x10;
	v14 =	vld [tilespmem:s17+$0x460]  }
0x158: {  	[tilespmem:s17+$0x400] =	vst v3;
	v3 =	vand.u32 $0xFFFF0000, v6;
	v6 =	vmul.f32 v9, v10;
	v9 =	vld [tilespmem:s17+$0x470]  }
0x159: {  	[tilespmem:s17+$0x410] =	vst v8;
	v3 =	vmul.f32 v3, v11;
	v8 =	vshll.u32 v4, $0x10;
	v11 =	vld [tilespmem:s17+$0x1800]  }
.Ltmp2:
0x15a: {  	v4 =	vand.u32 $0xFFFF0000, v4;
	[tilespmem:s17+$0x420] =	vst v6;
	v8 =	vmul.f32 v8, v13;
	v6 =	vld [tilespmem:s17+$0x1810];
	(pc) =	sbr.rel @p1 .LBB2_7-.Ltmp2, $4  }
0x15b: {  	v10 =	vshll.u32 v5, $0x10;
	[tilespmem:s17+$0x430] =	vst v3;
	v3 =	vmul.f32 v4, v12;
	v4 =	vld [tilespmem:s17+$0x1820]  }
0x15c: {  	[tilespmem:s17+$0x440] =	vst v8;
	v8 =	vand.u32 $0xFFFF0000, v5;
	v10 =	vmul.f32 v10, v14;
	v5 =	vld [tilespmem:s17+$0x1830]  }
0x15d: {  	[tilespmem:s17+$0x450] =	vst v3;
	v9 =	vmul.f32 v8, v9;
	v8 =	vshll.u32 v7, $0x10;
	v3 =	vld [tilespmem:s17+$0x1840]  }
0x15e: {  	s10 =	sadd.s32 $0x200, s10;
	[tilespmem:s17+$0x460] =	vst v10;
	v10 =	vand.u32 $0xFFFF0000, v7;
	v8 =	vmul.f32 v8, v11;
	v7 =	vld [tilespmem:s17+$0x1850]  }
0x15f: {  	[tilespmem:s17+$0x470] =	vst v9;
	v9 =	vld [tilespmem:s17+$0x1860];
	v6 =	vmul.f32 v10, v6;
	v10 =	vshll.u32 v2, $0x10  }
0x160: {  	v2 =	vand.u32 $0xFFFF0000, v2;
	[tilespmem:s17+$0x1800] =	vst v8;
	v4 =	vmul.f32 v10, v4;
	v8 =	vld [tilespmem:s17+$0x1870]  }
0x161: {  	[tilespmem:s17+$0x1810] =	vst v6;
	v2 =	vmul.f32 v2, v5;
	v5 =	vshll.u32 v1, $0x10  }
0x162: {  	v1 =	vand.u32 $0xFFFF0000, v1;
	[tilespmem:s17+$0x1820] =	vst v4;
	v3 =	vmul.f32 v5, v3  }
0x163: {  	[tilespmem:s17+$0x1830] =	vst v2;
	v1 =	vmul.f32 v1, v7;
	v2 =	vshll.u32 v0, $0x10  }
0x164: {  	v0 =	vand.u32 $0xFFFF0000, v0;
	[tilespmem:s17+$0x1840] =	vst v3;
	v2 =	vmul.f32 v2, v9  }
0x165: {  	[tilespmem:s17+$0x1850] =	vst v1;
	v0 =	vmul.f32 v0, v8  }
0x166: {  	[tilespmem:s17+$0x1860] =	vst v2  }
0x167: {  	s10 =	simm.s32 $0x300;
	[tilespmem:s17+$0x1870] =	vst v0  }
0x168: {  	[spmem:s5] =	stream.indirect.scatter.add.f32 [tilespmem:s31], [sflag:$0x9], $0x80, s10, s30, $0xb8;
	[tilespmem:$0x1BC00] =	vst v63  }
0x169: {  	_ =	swait.ge [sflag:s14], $0x2800  }
0x16a: {  	[sflag:s14] =	ssyncset.done $0x0  }
0x16b: {  	[sflag:s14] =	ssyncadd.s32 $0xFFFFD800  }
0x16c: {  	_ =	swait.ge [sflag:s29], $0x28  }
0x16d: {  	[sflag:s29] =	ssyncset.done $0x0  }
0x16e: {  	[sflag:s29] =	ssyncadd.s32 $0xFFFFFFD8  }
0x16f: {  	_ =	swait.ge [sflag:s29], $0x28  }
0x170: {  	[sflag:s29] =	ssyncset.done $0x0  }
0x171: {  	[sflag:s29] =	ssyncadd.s32 $0xFFFFFFD8  }
0x172: {  	_ =	swait.ge [sflag:s29], $0x28  }
0x173: {  	[sflag:s29] =	ssyncset.done $0x0  }
0x174: {  	[sflag:s29] =	ssyncadd.s32 $0xFFFFFFD8  }
0x175: {  	_ =	swait.ge [sflag:s29], $0x28  }
0x176: {  	s10 =	sld [smem:$0x7FC];
	_ =	sdelay $0x2  }
0x177: {  	[sflag:s29] =	ssyncset.done $0x0;
	s10 =	sadd.s32 @!p0 s23, s10  }
0x178: {  	[sflag:s29] =	ssyncadd.s32 $0xFFFFFFD8;
	s12 =	smulhi.u32 @!p0 $0x51EB851F, s10  }
0x179: {  	[tilespmem:s31], [sflag:$0x1] =	stream.indirect.gather [hbm4b:s1+s30], $0x80, s7, s30, $0xb8;
	[tilespmem:$0x1BC00] =	vst v63  }
0x17a: {  	s13 =	sshll.u32 s13, $0x4;
	s12 =	sshrl.u32 @!p0 s12, $0xB  }
0x17b: {  	s13 =	sadd.s32 s8, s13;
	s12 =	smul.u32 @!p0 $0x1900, s12  }
0x17c: {  	[tilespmem:s3], [sflag:$0x3] =	stream.linear.gather [hbm4b:s13+s7], $0x1400, $0x38;
	[tilespmem:$0x1BC00] =	vst v63  }
0x17d: {  	s10 =	sadd.s32 @!p0 s10, s12  }
0x17e: {  	s24 =	simm.s32 @!p0 $0x100;
	s12 =	sadd.s32 @!p0 $0x1900, s10;
	s10 =	sshrl.u32 @!p0 s10, $0x3  }
0x17f: {  	s17 =	simm.s32 @!p0 $0x0;
	s13 =	sadd.s32 @!p0 s2, s10;
	s12 =	sshrl.u32 @!p0 s12, $0x3  }
0x180: {  	[tilespmem:s24], [sflag:$0x7] =	stream.linear.gather @!p0 [hbm4b:s13+s17], $0x28, $0x38;
	[tilespmem:$0x1BC00] =	vst v63  }
0x181: {  	s13 =	sadd.s32 @!p0 s2, s12;
	s24 =	simm.s32 @!p0 $0x128  }
0x182: {  	[tilespmem:s24], [sflag:$0x7] =	stream.linear.gather @!p0 [hbm4b:s13+s17], $0x28, $0x38;
	[tilespmem:$0x1BC00] =	vst v63  }
0x183: {  	s10 =	sadd.s32 @!p0 s4, s10;
	s13 =	simm.s32 @!p0 $0x300  }
0x184: {  	[tilespmem:s13], [sflag:$0x7] =	stream.linear.gather @!p0 [hbm4b:s10+s17], $0x28, $0x38;
	[tilespmem:$0x1BC00] =	vst v63  }
0x185: {  	s10 =	sadd.s32 @!p0 s4, s12;
	s12 =	simm.s32 @!p0 $0x328  }
0x186: {  	[tilespmem:s12], [sflag:$0x7] =	stream.linear.gather @!p0 [hbm4b:s10+s17], $0x28, $0x38;
	[tilespmem:$0x1BC00] =	vst v63  }
0x187: {  	_ =	swait.ge [sflag:s19], $0x2800  }
0x188: {  	[sflag:s19] =	ssyncset.done $0x0  }
0x189: {  	[sflag:s19] =	ssyncadd.s32 $0xFFFFD800  }
0x18a: {  	_ =	swait.ge [sflag:s20], $0x1400  }
0x18b: {  	[sflag:s20] =	ssyncset.done $0x0  }
0x18c: {  	s13 =	simm.s32 $0x0;
	[sflag:s20] =	ssyncadd.s32 $0xFFFFEC00  }
0x18d: {  	v3 =	vld [tilespmem:s13+$0x6800]  }
0x18e: {  	v4 =	vld [tilespmem:s13+$0x6810]  }
0x18f: {  	v5 =	vld [tilespmem:s13+$0x6820]  }
0x190: {  	v7 =	vld [tilespmem:s13+$0x6830]  }
0x191: {  	v8 =	vld [tilespmem:s13+$0x6840]  }
0x192: {  	v2 =	vld [tilespmem:s13+$0x6850]  }
0x193: {  	v6 =	vld [tilespmem:s13+$0x2C00]  }
0x194: {  	v9 =	vld [tilespmem:s13+$0x2C10]  }
0x195: {  	v1 =	vld [tilespmem:s13+$0x6860]  }
0x196: {  	v10 =	vld [tilespmem:s13+$0x2C20]  }
0x197: {  	v11 =	vld [tilespmem:s13+$0x2C30];
	v12 =	vshll.u32 v3, $0x10  }
0x198: {  	v13 =	vld [tilespmem:s13+$0x2C40];
	v3 =	vand.u32 $0xFFFF0000, v3;
	v6 =	vmul.f32 v12, v6  }
0x199: {  	v0 =	vld [tilespmem:s13+$0x6870];
	v3 =	vmul.f32 v3, v9  }
0x19a: {  	v63 =	vld [tilespmem:s13+$0x2C50];
	[tilespmem:s13+$0x2C00] =	vst v6;
	v6 =	vshll.u32 v4, $0x10  }
0x19b: {  	v14 =	vld [tilespmem:s13+$0x2C60];
	[tilespmem:s13+$0x2C10] =	vst v3;
	v3 =	vand.u32 $0xFFFF0000, v4;
	v6 =	vmul.f32 v6, v10  }
0x19c: {  	v9 =	vld [tilespmem:s13+$0x2C70];
	v4 =	vshll.u32 v5, $0x10;
	v3 =	vmul.f32 v3, v11  }
0x19d: {  	v15 =	vld [tilespmem:s13+$0x4000];
	v10 =	vmul.f32 v4, v13;
	[tilespmem:s13+$0x2C20] =	vst v6  }
0x19e: {  	v6 =	vld [tilespmem:s13+$0x4010];
	[tilespmem:s13+$0x2C30] =	vst v3;
	v3 =	vand.u32 $0xFFFF0000, v5  }
0x19f: {  	v4 =	vld [tilespmem:s13+$0x4020];
	[tilespmem:s13+$0x2C40] =	vst v10;
	v10 =	vshll.u32 v7, $0x10;
	v3 =	vmul.f32 v3, v63  }
0x1a0: {  	v5 =	vld [tilespmem:s13+$0x4030];
	v7 =	vand.u32 $0xFFFF0000, v7;
	v10 =	vmul.f32 v10, v14  }
0x1a1: {  	v11 =	vshll.u32 v8, $0x10;
	v9 =	vmul.f32 v7, v9;
	[tilespmem:s13+$0x2C50] =	vst v3;
	v3 =	vld [tilespmem:s13+$0x4040]  }
0x1a2: {  	s10 =	simm.s32 $0x200;
	v7 =	vld [tilespmem:s13+$0x4050];
	[tilespmem:s13+$0x2C60] =	vst v10;
	v10 =	vand.u32 $0xFFFF0000, v8;
	v8 =	vmul.f32 v11, v15  }
.LBB2_9:
0x1a3: {  	p1 =	sne.s32 s10, $0x4E00;
	[tilespmem:s13+$0x2C70] =	vst v9;
	v6 =	vmul.f32 v10, v6;
	v9 =	vshll.u32 v2, $0x10;
	v10 =	vld [tilespmem:s13+$0x4060]  }
0x1a4: {  	s12 =	sshra.s32 s10, $0x2;
	v2 =	vand.u32 $0xFFFF0000, v2;
	[tilespmem:s13+$0x4000] =	vst v8;
	v4 =	vmul.f32 v9, v4;
	v8 =	vld [tilespmem:s13+$0x4070]  }
0x1a5: {  	v9 =	vld [tilespmem:s12+$0x6800];
	[tilespmem:s13+$0x4010] =	vst v6;
	v2 =	vmul.f32 v2, v5;
	v5 =	vshll.u32 v1, $0x10  }
0x1a6: {  	v1 =	vand.u32 $0xFFFF0000, v1;
	v6 =	vld [tilespmem:s12+$0x6810];
	[tilespmem:s13+$0x4020] =	vst v4;
	v3 =	vmul.f32 v5, v3  }
0x1a7: {  	v4 =	vld [tilespmem:s12+$0x6820];
	[tilespmem:s13+$0x4030] =	vst v2;
	v1 =	vmul.f32 v1, v7;
	v2 =	vshll.u32 v0, $0x10  }
0x1a8: {  	v0 =	vand.u32 $0xFFFF0000, v0;
	v5 =	vld [tilespmem:s12+$0x6830];
	[tilespmem:s13+$0x4040] =	vst v3;
	v3 =	vmul.f32 v2, v10  }
0x1a9: {  	v7 =	vld [tilespmem:s12+$0x6840];
	[tilespmem:s13+$0x4050] =	vst v1;
	v0 =	vmul.f32 v0, v8  }
0x1aa: {  	v2 =	vld [tilespmem:s12+$0x6850];
	[tilespmem:s13+$0x4060] =	vst v3  }
0x1ab: {  	v1 =	vld [tilespmem:s12+$0x6860];
	[tilespmem:s13+$0x4070] =	vst v0;
	s13 =	smov.u32 s12  }
0x1ac: {  	v0 =	vld [tilespmem:s13+$0x6870]  }
0x1ad: {  	v3 =	vld [tilespmem:s13+$0x2C00]  }
0x1ae: {  	v8 =	vld [tilespmem:s13+$0x2C10]  }
0x1af: {  	v10 =	vld [tilespmem:s13+$0x2C20]  }
0x1b0: {  	v11 =	vld [tilespmem:s13+$0x2C30]  }
0x1b1: {  	v12 =	vshll.u32 v9, $0x10;
	v13 =	vld [tilespmem:s13+$0x2C40]  }
0x1b2: {  	v9 =	vand.u32 $0xFFFF0000, v9;
	v3 =	vmul.f32 v12, v3;
	v12 =	vld [tilespmem:s13+$0x2C50]  }
0x1b3: {  	v8 =	vmul.f32 v9, v8;
	v9 =	vshll.u32 v6, $0x10;
	v14 =	vld [tilespmem:s13+$0x2C60]  }
0x1b4: {  	[tilespmem:s13+$0x2C00] =	vst v3;
	v3 =	vand.u32 $0xFFFF0000, v6;
	v6 =	vmul.f32 v9, v10;
	v9 =	vld [tilespmem:s13+$0x2C70]  }
0x1b5: {  	[tilespmem:s13+$0x2C10] =	vst v8;
	v3 =	vmul.f32 v3, v11;
	v8 =	vshll.u32 v4, $0x10;
	v11 =	vld [tilespmem:s13+$0x4000]  }
.Ltmp3:
0x1b6: {  	v4 =	vand.u32 $0xFFFF0000, v4;
	[tilespmem:s13+$0x2C20] =	vst v6;
	v8 =	vmul.f32 v8, v13;
	v6 =	vld [tilespmem:s13+$0x4010];
	(pc) =	sbr.rel @p1 .LBB2_9-.Ltmp3, $4  }
0x1b7: {  	v10 =	vshll.u32 v5, $0x10;
	[tilespmem:s13+$0x2C30] =	vst v3;
	v3 =	vmul.f32 v4, v12;
	v4 =	vld [tilespmem:s13+$0x4020]  }
0x1b8: {  	[tilespmem:s13+$0x2C40] =	vst v8;
	v8 =	vand.u32 $0xFFFF0000, v5;
	v10 =	vmul.f32 v10, v14;
	v5 =	vld [tilespmem:s13+$0x4030]  }
0x1b9: {  	[tilespmem:s13+$0x2C50] =	vst v3;
	v9 =	vmul.f32 v8, v9;
	v8 =	vshll.u32 v7, $0x10;
	v3 =	vld [tilespmem:s13+$0x4040]  }
0x1ba: {  	s10 =	sadd.s32 $0x200, s10;
	[tilespmem:s13+$0x2C60] =	vst v10;
	v10 =	vand.u32 $0xFFFF0000, v7;
	v8 =	vmul.f32 v8, v11;
	v7 =	vld [tilespmem:s13+$0x4050]  }
0x1bb: {  	[tilespmem:s13+$0x2C70] =	vst v9;
	v56 =	vld [tilespmem:s13+$0x4060];
	v6 =	vmul.f32 v10, v6;
	v57 =	vshll.u32 v2, $0x10  }
0x1bc: {  	v58 =	vand.u32 $0xFFFF0000, v2;
	v59 =	vld [tilespmem:s13+$0x4070];
	[tilespmem:s13+$0x4000] =	vst v8;
	v4 =	vmul.f32 v57, v4  }
0x1bd: {  	v60 =	vshll.u32 v1, $0x10;
	[tilespmem:s13+$0x4010] =	vst v6;
	v2 =	vmul.f32 v58, v5  }
0x1be: {  	v61 =	vand.u32 $0xFFFF0000, v1;
	[tilespmem:s13+$0x4020] =	vst v4;
	v3 =	vmul.f32 v60, v3  }
0x1bf: {  	v62 =	vshll.u32 v0, $0x10;
	[tilespmem:s13+$0x4030] =	vst v2;
	v1 =	vmul.f32 v61, v7  }
0x1c0: {  	v63 =	vand.u32 $0xFFFF0000, v0;
	[tilespmem:s13+$0x4040] =	vst v3;
	v2 =	vmul.f32 v62, v56  }
0x1c1: {  	v0 =	vmul.f32 v63, v59;
	[tilespmem:s13+$0x4050] =	vst v1  }
0x1c2: {  	[tilespmem:s13+$0x4060] =	vst v2  }
.Ltmp4:
0x1c3: {  	s24 =	simm.s32 $0x380;
	[tilespmem:s13+$0x4070] =	vst v0;
	(pc) =	sbr.rel @p0 .LBB2_12-.Ltmp4, $4  }
0x1c4: {  	[spmem:s5] =	stream.indirect.scatter.add.f32 [tilespmem:s9], [sflag:$0x9], $0x80, s24, s30, $0xb8;
	[tilespmem:$0x1BC00] =	vst v63  }
0x1c5: {  	_ =	swait.ge [sflag:s14], $0x2800  }
0x1c6: {  	[sflag:s14] =	ssyncset.done $0x0  }
0x1c7: {  	s26 =	simm.s32 $0x180;
	[sflag:s14] =	ssyncadd.s32 $0xFFFFD800  }
0x1c8: {  	_ =	swait.ge [sflag:s0], $0x28  }
0x1c9: {  	[sflag:s0] =	ssyncset.done $0x0  }
0x1ca: {  	[sflag:s0] =	ssyncadd.s32 $0xFFFFFFD8  }
0x1cb: {  	_ =	swait.ge [sflag:s0], $0x28  }
0x1cc: {  	[sflag:s0] =	ssyncset.done $0x0  }
0x1cd: {  	[sflag:s0] =	ssyncadd.s32 $0xFFFFFFD8  }
0x1ce: {  	_ =	swait.ge [sflag:s0], $0x28  }
0x1cf: {  	[sflag:s0] =	ssyncset.done $0x0  }
0x1d0: {  	[sflag:s0] =	ssyncadd.s32 $0xFFFFFFD8  }
0x1d1: {  	_ =	swait.ge [sflag:s0], $0x28  }
0x1d2: {  	[sflag:s0] =	ssyncset.done $0x0;
	s12 =	sld [smem:$0x7FD]  }
0x1d3: {  	s10 =	simm.s32 $0x80;
	[sflag:s0] =	ssyncadd.s32 $0xFFFFFFD8  }
0x1d4: {  	[tilespmem:s9], [sflag:$0x2] =	stream.indirect.gather [hbm4b:s1+s30], $0x80, s10, s30, $0xb8;
	[tilespmem:$0x1BC00] =	vst v63  }
0x1d5: {  	s17 =	smul.u32 $0x28, s16;
	s12 =	sadd.s32 s23, s12  }
0x1d6: {  	s13 =	smulhi.u32 $0x51EB851F, s12  }
0x1d7: {  	s10 =	sadd.s32 s6, s17  }
0x1d8: {  	s10 =	sshll.u32 s10, $0x4;
	s13 =	sshrl.u32 s13, $0xB  }
0x1d9: {  	s10 =	sadd.s32 s8, s10;
	s13 =	smul.u32 $0x1900, s13  }
0x1da: {  	[tilespmem:s11], [sflag:$0x4] =	stream.linear.gather [hbm4b:s10+s7], $0x1400, $0x38;
	[tilespmem:$0x1BC00] =	vst v63  }
0x1db: {  	s13 =	sadd.s32 s12, s13  }
0x1dc: {  	s12 =	sshrl.u32 s13, $0x3;
	s10 =	sadd.s32 $0x1900, s13  }
0x1dd: {  	s16 =	sadd.s32 s2, s12;
	s10 =	sshrl.u32 s10, $0x3  }
0x1de: {  	[tilespmem:s26], [sflag:$0x8] =	stream.linear.gather [hbm4b:s16+s7], $0x28, $0x38;
	[tilespmem:$0x1BC00] =	vst v63  }
0x1df: {  	s23 =	simm.s32 $0x1A8;
	s17 =	sadd.s32 s2, s10  }
0x1e0: {  	[tilespmem:s23], [sflag:$0x8] =	stream.linear.gather [hbm4b:s17+s7], $0x28, $0x38;
	[tilespmem:$0x1BC00] =	vst v63  }
.Ltmp5:
0x1e1: {  	_ = 	snop;
	(pc) =	sbr.rel .LBB2_2-.Ltmp5, $4  }
0x1e2: {  	s12 =	sadd.s32 s4, s12  }
0x1e3: {  	[tilespmem:s24], [sflag:$0x8] =	stream.linear.gather [hbm4b:s12+s7], $0x28, $0x38;
	[tilespmem:$0x1BC00] =	vst v63  }
0x1e4: {  	s22 =	sadd.s32 $0x1, s22;
	s10 =	sadd.s32 s4, s10;
	s24 =	simm.s32 $0x3A8  }
0x1e5: {  	[tilespmem:s24], [sflag:$0x8] =	stream.linear.gather [hbm4b:s10+s7], $0x28, $0x38;
	[tilespmem:$0x1BC00] =	vst v63  }
.LBB2_12:
0x1e6: {  	_ =	swait.ge [sflag:s25], $0x2800  }
0x1e7: {  	[sflag:s25] =	ssyncset.done $0x0  }
0x1e8: {  	[sflag:s25] =	ssyncadd.s32 $0xFFFFD800  }
0x1e9: {  	_ =	swait.ge [sflag:s28], $0x1400  }
0x1ea: {  	[sflag:s28] =	ssyncset.done $0x0  }
0x1eb: {  	s13 =	simm.s32 $0x0;
	[sflag:s28] =	ssyncadd.s32 $0xFFFFEC00  }
0x1ec: {  	v3 =	vld [tilespmem:s13+$0x5400]  }
0x1ed: {  	v4 =	vld [tilespmem:s13+$0x5410]  }
0x1ee: {  	v5 =	vld [tilespmem:s13+$0x5420]  }
0x1ef: {  	v7 =	vld [tilespmem:s13+$0x5430]  }
0x1f0: {  	v8 =	vld [tilespmem:s13+$0x5440]  }
0x1f1: {  	v2 =	vld [tilespmem:s13+$0x5450]  }
0x1f2: {  	v6 =	vld [tilespmem:s13+$0x400]  }
0x1f3: {  	v9 =	vld [tilespmem:s13+$0x410]  }
0x1f4: {  	v1 =	vld [tilespmem:s13+$0x5460]  }
0x1f5: {  	v10 =	vld [tilespmem:s13+$0x420]  }
0x1f6: {  	v11 =	vld [tilespmem:s13+$0x430];
	v12 =	vshll.u32 v3, $0x10  }
0x1f7: {  	v13 =	vld [tilespmem:s13+$0x440];
	v3 =	vand.u32 $0xFFFF0000, v3;
	v6 =	vmul.f32 v12, v6  }
0x1f8: {  	v0 =	vld [tilespmem:s13+$0x5470];
	v3 =	vmul.f32 v3, v9  }
0x1f9: {  	v63 =	vld [tilespmem:s13+$0x450];
	[tilespmem:s13+$0x400] =	vst v6;
	v6 =	vshll.u32 v4, $0x10  }
0x1fa: {  	v14 =	vld [tilespmem:s13+$0x460];
	[tilespmem:s13+$0x410] =	vst v3;
	v3 =	vand.u32 $0xFFFF0000, v4;
	v6 =	vmul.f32 v6, v10  }
0x1fb: {  	v9 =	vld [tilespmem:s13+$0x470];
	v4 =	vshll.u32 v5, $0x10;
	v3 =	vmul.f32 v3, v11  }
0x1fc: {  	v15 =	vld [tilespmem:s13+$0x1800];
	v10 =	vmul.f32 v4, v13;
	[tilespmem:s13+$0x420] =	vst v6  }
0x1fd: {  	v6 =	vld [tilespmem:s13+$0x1810];
	[tilespmem:s13+$0x430] =	vst v3;
	v3 =	vand.u32 $0xFFFF0000, v5  }
0x1fe: {  	v4 =	vld [tilespmem:s13+$0x1820];
	[tilespmem:s13+$0x440] =	vst v10;
	v10 =	vshll.u32 v7, $0x10;
	v3 =	vmul.f32 v3, v63  }
0x1ff: {  	v5 =	vld [tilespmem:s13+$0x1830];
	v7 =	vand.u32 $0xFFFF0000, v7;
	v10 =	vmul.f32 v10, v14  }
0x200: {  	v11 =	vshll.u32 v8, $0x10;
	v9 =	vmul.f32 v7, v9;
	[tilespmem:s13+$0x450] =	vst v3;
	v3 =	vld [tilespmem:s13+$0x1840]  }
0x201: {  	s10 =	simm.s32 $0x200;
	v7 =	vld [tilespmem:s13+$0x1850];
	[tilespmem:s13+$0x460] =	vst v10;
	v10 =	vand.u32 $0xFFFF0000, v8;
	v8 =	vmul.f32 v11, v15  }
.LBB2_13:
0x202: {  	p0 =	sne.s32 s10, $0x4E00;
	[tilespmem:s13+$0x470] =	vst v9;
	v6 =	vmul.f32 v10, v6;
	v9 =	vshll.u32 v2, $0x10;
	v10 =	vld [tilespmem:s13+$0x1860]  }
0x203: {  	s12 =	sshra.s32 s10, $0x2;
	v2 =	vand.u32 $0xFFFF0000, v2;
	[tilespmem:s13+$0x1800] =	vst v8;
	v4 =	vmul.f32 v9, v4;
	v8 =	vld [tilespmem:s13+$0x1870]  }
0x204: {  	v9 =	vld [tilespmem:s12+$0x5400];
	[tilespmem:s13+$0x1810] =	vst v6;
	v2 =	vmul.f32 v2, v5;
	v5 =	vshll.u32 v1, $0x10  }
0x205: {  	v1 =	vand.u32 $0xFFFF0000, v1;
	v6 =	vld [tilespmem:s12+$0x5410];
	[tilespmem:s13+$0x1820] =	vst v4;
	v3 =	vmul.f32 v5, v3  }
0x206: {  	v4 =	vld [tilespmem:s12+$0x5420];
	[tilespmem:s13+$0x1830] =	vst v2;
	v1 =	vmul.f32 v1, v7;
	v2 =	vshll.u32 v0, $0x10  }
0x207: {  	v0 =	vand.u32 $0xFFFF0000, v0;
	v5 =	vld [tilespmem:s12+$0x5430];
	[tilespmem:s13+$0x1840] =	vst v3;
	v3 =	vmul.f32 v2, v10  }
0x208: {  	v7 =	vld [tilespmem:s12+$0x5440];
	[tilespmem:s13+$0x1850] =	vst v1;
	v0 =	vmul.f32 v0, v8  }
0x209: {  	v2 =	vld [tilespmem:s12+$0x5450];
	[tilespmem:s13+$0x1860] =	vst v3  }
0x20a: {  	v1 =	vld [tilespmem:s12+$0x5460];
	[tilespmem:s13+$0x1870] =	vst v0;
	s13 =	smov.u32 s12  }
0x20b: {  	v0 =	vld [tilespmem:s13+$0x5470]  }
0x20c: {  	v3 =	vld [tilespmem:s13+$0x400]  }
0x20d: {  	v8 =	vld [tilespmem:s13+$0x410]  }
0x20e: {  	v10 =	vld [tilespmem:s13+$0x420]  }
0x20f: {  	v11 =	vld [tilespmem:s13+$0x430]  }
0x210: {  	v12 =	vshll.u32 v9, $0x10;
	v13 =	vld [tilespmem:s13+$0x440]  }
0x211: {  	v9 =	vand.u32 $0xFFFF0000, v9;
	v3 =	vmul.f32 v12, v3;
	v12 =	vld [tilespmem:s13+$0x450]  }
0x212: {  	v8 =	vmul.f32 v9, v8;
	v9 =	vshll.u32 v6, $0x10;
	v14 =	vld [tilespmem:s13+$0x460]  }
0x213: {  	[tilespmem:s13+$0x400] =	vst v3;
	v3 =	vand.u32 $0xFFFF0000, v6;
	v6 =	vmul.f32 v9, v10;
	v9 =	vld [tilespmem:s13+$0x470]  }
0x214: {  	[tilespmem:s13+$0x410] =	vst v8;
	v3 =	vmul.f32 v3, v11;
	v8 =	vshll.u32 v4, $0x10;
	v11 =	vld [tilespmem:s13+$0x1800]  }
.Ltmp6:
0x215: {  	v4 =	vand.u32 $0xFFFF0000, v4;
	[tilespmem:s13+$0x420] =	vst v6;
	v8 =	vmul.f32 v8, v13;
	v6 =	vld [tilespmem:s13+$0x1810];
	(pc) =	sbr.rel @p0 .LBB2_13-.Ltmp6, $4  }
0x216: {  	v10 =	vshll.u32 v5, $0x10;
	[tilespmem:s13+$0x430] =	vst v3;
	v3 =	vmul.f32 v4, v12;
	v4 =	vld [tilespmem:s13+$0x1820]  }
0x217: {  	[tilespmem:s13+$0x440] =	vst v8;
	v8 =	vand.u32 $0xFFFF0000, v5;
	v10 =	vmul.f32 v10, v14;
	v5 =	vld [tilespmem:s13+$0x1830]  }
0x218: {  	[tilespmem:s13+$0x450] =	vst v3;
	v9 =	vmul.f32 v8, v9;
	v8 =	vshll.u32 v7, $0x10;
	v3 =	vld [tilespmem:s13+$0x1840]  }
0x219: {  	s10 =	sadd.s32 $0x200, s10;
	[tilespmem:s13+$0x460] =	vst v10;
	v10 =	vand.u32 $0xFFFF0000, v7;
	v8 =	vmul.f32 v8, v11;
	v7 =	vld [tilespmem:s13+$0x1850]  }
0x21a: {  	[tilespmem:s13+$0x470] =	vst v9;
	v56 =	vld [tilespmem:s13+$0x1860];
	v6 =	vmul.f32 v10, v6;
	v57 =	vshll.u32 v2, $0x10  }
0x21b: {  	v58 =	vand.u32 $0xFFFF0000, v2;
	v59 =	vld [tilespmem:s13+$0x1870];
	[tilespmem:s13+$0x1800] =	vst v8;
	v4 =	vmul.f32 v57, v4  }
0x21c: {  	v60 =	vshll.u32 v1, $0x10;
	[tilespmem:s13+$0x1810] =	vst v6;
	v2 =	vmul.f32 v58, v5  }
0x21d: {  	v61 =	vand.u32 $0xFFFF0000, v1;
	[tilespmem:s13+$0x1820] =	vst v4;
	v3 =	vmul.f32 v60, v3  }
0x21e: {  	v62 =	vshll.u32 v0, $0x10;
	[tilespmem:s13+$0x1830] =	vst v2;
	v1 =	vmul.f32 v61, v7  }
0x21f: {  	v63 =	vand.u32 $0xFFFF0000, v0;
	[tilespmem:s13+$0x1840] =	vst v3;
	v2 =	vmul.f32 v62, v56  }
0x220: {  	v0 =	vmul.f32 v63, v59;
	[tilespmem:s13+$0x1850] =	vst v1  }
0x221: {  	[tilespmem:s13+$0x1860] =	vst v2  }
0x222: {  	[tilespmem:s13+$0x1870] =	vst v0  }
0x223: {  	[spmem:s5] =	stream.indirect.scatter.add.f32 [tilespmem:s31], [sflag:$0x9], $0x80, s18, s30, $0xb8;
	[tilespmem:$0x1BC00] =	vst v63  }
0x224: {  	_ =	swait.ge [sflag:s14], $0x2800  }
0x225: {  	[sflag:s14] =	ssyncset.done $0x0  }
0x226: {  	[sflag:s14] =	ssyncadd.s32 $0xFFFFD800  }
0x227: {  	[bflag:$0x0] =	sbarrier.arrive $0xFFFF  }
0x228: {  	s12 =	sld [smem:$0x7FB]  }
0x229: {  	s17 =	rddreg [dreg:$0x8]  }
0x22a: {  	s10 =	rddreg [dreg:$0xf]  }
0x22b: {  	[hbm:s10], [sflag:s17] =	dma.local [spmem:s12], $0x2800  }
0x22c: {  	_ =	swait.ge [sflag:s14], $0x2800  }
0x22d: {  	s22 =	sld [smem:$0x7FA];
	_ =	sdelay $0x2  }
0x22e: {  	s23 =	rddreg [dreg:$0x1e];
	s12 =	sadd.s32 $0x1, s22  }
0x22f: {  	p0 =	sne.s32 s12, s23  }
.Ltmp7:
0x230: {  	_ = 	snop;
	(pc) =	sbr.rel @p0 .LBB2_1-.Ltmp7, $3  }
0x231: {  	_ =	sdelay $0x1  }
0x232: {  	[sflag:s14] =	ssyncset.done $0x0  }
0x233: {  	[sflag:s14] =	ssyncadd.s32 $0xFFFFD800  }
0x234: {  	_ =	sfence.sel $0x180000  }
0x235: {  	[bflag:$0x0] =	sbarrier.arrive $0xFFFF  }
0x236: {  	_ =	strace $0x90000047  }
0x237: {  	s0 =	stileid.u32;
	[bflag:$0x2] =	sbarrier.arrive $0xFFFF  }
0x238: {  	p0 =	sne.s32 s0, $0x0;
	s0 =	rddreg [dreg:$0x5]  }
0x239: {  	s0 =	sadd.s32 @!p0 $0x100000, s0  }
0x23a: {  	[sflag:s0] =	ssyncadd.tile.s32 @!p0 $0x1;
	_ =	shalt  }
.Lfunc_end2:
_tile_overlayer_lowered:
.L_overlay_start_2:
0x23b: {  	(tag) =	ssettag $0x2  }
0x23c: {  	s0 =	rddreg [dreg:$0x0];
	s2 =	stileid.u32  }
0x23d: {  	s1 =	rddreg [dreg:$0x1];
	p0 =	sne.s32 s2, $0x0  }
0x23e: {  	s3 =	rddreg [dreg:$0x2];
	[bflag:$0x3] =	sbarrier.arrive $0xFFFF;
	s2 =	simm.s32 @!p0 $0x1C09  }
0x23f: {  	[timem:s3], [sflag:s2] =	dma.local @!p0 [hbm:s0], s1  }
0x240: {  	s0 =	simm.s32 @!p0 $0x9  }
0x241: {  	_ =	swait.ge @!p0 [sflag:s0], s1  }
0x242: {  	s1 =	ssub.s32 @!p0 $0x0, s1;
	[sflag:s0] =	ssyncset.done @!p0 $0x0  }
0x243: {  	[sflag:s0] =	ssyncadd.s32 @!p0 s1  }
0x244: {  	[bflag:$0x3] =	sbarrier.arrive $0xFFFF  }
0x245: {  	_ =	shalt  }

</sc_bundles>
